<compile_context>
chip_gen: v7x
topology: tpu7x:2x2x1
jax: 0.10.2.dev20260603
libtpu: 0.0.44.dev20260713+nightly
codegen_flags: <defaults>
</compile_context>

<pallas_src>
import functools

import jax
import jax.numpy as jnp
from jax import lax
from jax.experimental import pallas as pl
from jax.experimental.pallas import tpu as pltpu
from jax.experimental.pallas import tpu_sc as plsc

N = 10000
R = 8
D = 128
L = 3
E = 320000
Q = 1024
A = 3
V = 4
G = 256

NW = 32
CH = 128
CPT = 80
EPAD = NW * CPT * CH
NPAD = N + 112
RPT = NPAD // 16

BN = 2000
NB = N // BN

@functools.lru_cache(maxsize=None)
def _sc_mesh():
    return plsc.VectorSubcoreMesh(core_axis_name="c", subcore_axis_name="s")


def _mm9_body(h_ref, w_ref, o_ref):
    o_ref[0] = jnp.dot(h_ref[...], w_ref[0], preferred_element_type=jnp.float32)


def _mm9(h, wcat):
    return pl.pallas_call(
        _mm9_body,
        grid=(NB, 9),
        in_specs=[
            pl.BlockSpec((BN, D), lambda j, r: (j, 0)),
            pl.BlockSpec((1, D, D), lambda j, r: (r, 0, 0)),
        ],
        out_specs=pl.BlockSpec((1, BN, D), lambda j, r: (r, j, 0)),
        out_shape=jax.ShapeDtypeStruct((9, N, D), jnp.float32),
    )(h, wcat)


def _mm9f_body(p_ref, t9p_ref, w_ref, o_ref, h_ref):
    @pl.when(pl.program_id(1) == 0)
    def _():
        h_ref[...] = jnp.maximum(p_ref[0] + p_ref[1] + t9p_ref[0], 0.0)

    o_ref[0] = jnp.dot(h_ref[...], w_ref[0], preferred_element_type=jnp.float32)


def _mm9_fused(parts, t9p, wcat):
    return pl.pallas_call(
        _mm9f_body,
        grid=(NB, 9),
        in_specs=[
            pl.BlockSpec((2, BN, D), lambda j, r: (0, j, 0)),
            pl.BlockSpec((1, BN, D), lambda j, r: (8, j, 0)),
            pl.BlockSpec((1, D, D), lambda j, r: (r, 0, 0)),
        ],
        out_specs=pl.BlockSpec((1, BN, D), lambda j, r: (r, j, 0)),
        out_shape=jax.ShapeDtypeStruct((9, N, D), jnp.float32),
        scratch_shapes=[pltpu.VMEM((BN, D), jnp.float32)],
    )(parts, t9p, wcat)


EB = EPAD // 20


def _pidx_body(ei_ref, et_ref, o_ref):
    e = pl.program_id(0) * EB + lax.broadcasted_iota(jnp.int32, (1, EB), 1)
    real = (et_ref[...] * N + ei_ref[0:1, :]) * 16384 + ei_ref[1:2, :]
    ar = e - E
    pad = (ar * 10) * 16384 + (N + (ar & 63))
    o_ref[...] = jnp.where(e < E, real, pad)


def _pidx_kernel(edge_index, edge_type):
    return pl.pallas_call(
        _pidx_body,
        grid=(EPAD // EB,),
        in_specs=[
            pl.BlockSpec((2, EB), lambda i: (0, i)),
            pl.BlockSpec((1, EB), lambda i: (0, i)),
        ],
        out_specs=pl.BlockSpec((1, EB), lambda i: (0, i)),
        out_shape=jax.ShapeDtypeStruct((1, EPAD), jnp.int32),
    )(edge_index, edge_type)


@functools.lru_cache(maxsize=None)
def _sc_scatter_kernel():
    @functools.partial(
        pl.kernel,
        out_type=jax.ShapeDtypeStruct((2, NPAD, D), jnp.float32),
        mesh=_sc_mesh(),
        scratch_types=[
            pltpu.VMEM((CPT * CH,), jnp.int32),
            pltpu.VMEM((CH,), jnp.int32),
            pltpu.VMEM((CH,), jnp.int32),
            pltpu.VMEM((CH,), jnp.int32),
            pltpu.VMEM((CH,), jnp.int32),
            pltpu.VMEM((CH, D), jnp.float32),
            pltpu.VMEM((CH, D), jnp.float32),
            pltpu.VMEM_SHARED((NPAD, D), jnp.float32),
            pltpu.SemaphoreType.DMA,
            pltpu.SemaphoreType.DMA,
        ],
    )
    def body_fn(t_hbm, pidx_hbm, zeros_hbm, out_hbm,
                pk_v, gi0, gi1, di0, di1, rows0, rows1, agg_sh, sem0, sem1):
        c = lax.axis_index("c")
        s = lax.axis_index("s")
        wid = s * 2 + c
        gis = (gi0, gi1)
        dis = (di0, di1)
        rows = (rows0, rows1)
        sems = (sem0, sem1)

        def unpack(i, slot):
            base = pl.multiple_of(i * CH, CH)
            for k in range(CH // 16):
                v = pk_v[pl.ds(base + k * 16, 16)]
                gis[slot][pl.ds(k * 16, 16)] = lax.shift_right_logical(v, 14)
                dis[slot][pl.ds(k * 16, 16)] = lax.bitwise_and(v, 0x3FFF)

        poff = pl.multiple_of(wid * (CPT * CH), CH)
        pltpu.sync_copy(pidx_hbm.at[0, pl.ds(poff, CPT * CH)], pk_v)
        pltpu.sync_copy(zeros_hbm.at[pl.ds(s * RPT, RPT)],
                        agg_sh.at[pl.ds(s * RPT, RPT)])
        plsc.subcore_barrier()

        H = CH // 2

        def issue(slot):
            g, r, sm = gis[slot], rows[slot], sems[slot]
            pltpu.async_copy(t_hbm.at[g.at[pl.ds(0, H)]], r.at[pl.ds(0, H)],
                             sm)
            pltpu.async_copy(t_hbm.at[g.at[pl.ds(H, H)]], r.at[pl.ds(H, H)],
                             sm)

        def drain(slot):
            g, r, sm = gis[slot], rows[slot], sems[slot]
            pltpu.make_async_copy(t_hbm.at[g.at[pl.ds(0, H)]],
                                  r.at[pl.ds(0, H)], sm).wait()
            pltpu.make_async_copy(t_hbm.at[g.at[pl.ds(H, H)]],
                                  r.at[pl.ds(H, H)], sm).wait()

        unpack(0, 0)
        issue(0)
        unpack(1, 1)
        issue(1)

        def half(i, slot):
            drain(slot)
            pltpu.sync_copy(rows[slot], agg_sh.at[dis[slot]], add=True)
            unpack(i + 2, slot)
            issue(slot)

        def body(j, carry):
            half(2 * j, 0)
            half(2 * j + 1, 1)
            return carry

        lax.fori_loop(0, CPT // 2 - 1, body, 0)
        drain(0)
        pltpu.sync_copy(rows0, agg_sh.at[di0], add=True)
        drain(1)
        pltpu.sync_copy(rows1, agg_sh.at[di1], add=True)

        plsc.subcore_barrier()
        pltpu.sync_copy(agg_sh.at[pl.ds(s * RPT, RPT)],
                        out_hbm.at[c, pl.ds(s * RPT, RPT)])

    return body_fn


def _sc_scatter(t_flat, pidx, zeros_rows):
    return _sc_scatter_kernel()(t_flat, pidx, zeros_rows)


QPT = (Q * A) // NW


@functools.lru_cache(maxsize=None)
def _sc_gather_kernel():
    @functools.partial(
        pl.kernel,
        out_type=jax.ShapeDtypeStruct((Q * A, D), jnp.float32),
        mesh=_sc_mesh(),
        scratch_types=[
            pltpu.VMEM((QPT,), jnp.int32),
            pltpu.VMEM((QPT,), jnp.int32),
            pltpu.VMEM((QPT, D), jnp.float32),
            pltpu.VMEM((QPT, D), jnp.float32),
            pltpu.VMEM((QPT, D), jnp.float32),
            pltpu.SemaphoreType.DMA,
        ],
    )
    def body_fn(parts_hbm, t9_hbm, qidx_hbm, out_hbm, idx_v, idx2_v,
                r0, r1, r2, sem):
        wid = lax.axis_index("s") * 2 + lax.axis_index("c")
        base = wid * QPT
        pltpu.sync_copy(qidx_hbm.at[pl.ds(base, QPT)], idx_v)
        cp0 = pltpu.async_copy(parts_hbm.at[0].at[idx_v], r0, sem)
        cp1 = pltpu.async_copy(parts_hbm.at[1].at[idx_v], r1, sem)
        for k in range(QPT // 16):
            idx2_v[pl.ds(k * 16, 16)] = idx_v[pl.ds(k * 16, 16)] + 8 * N
        cp2 = pltpu.async_copy(t9_hbm.at[idx2_v], r2, sem)
        cp0.wait()
        cp1.wait()
        cp2.wait()
        def add_row(q, carry):
            for k in range(D // 16):
                sl = pl.ds(k * 16, 16)
                r0[q, sl] = r0[q, sl] + r1[q, sl] + r2[q, sl]
            return carry

        lax.fori_loop(0, QPT, add_row, 0)
        pltpu.sync_copy(r0, out_hbm.at[pl.ds(base, QPT)])

    return body_fn


def _sc_gather(parts, t9_flat, qidx):
    return _sc_gather_kernel()(parts, t9_flat, qidx)


def _mpqe_body(rows_ref, vid_ref, qg_ref, vemb_ref, wmsg_ref, wself_ref, o_ref):
    oh_v = (lax.broadcasted_iota(jnp.int32, (Q, V), 1) == vid_ref[...]
            ).astype(jnp.float32)
    var_part = jnp.dot(oh_v, vemb_ref[...], preferred_element_type=jnp.float32)
    xs = [rows_ref[pl.ds(a * Q, Q), :] + var_part for a in range(A)]
    for l in range(L):
        wm = wmsg_ref[l]
        ws = wself_ref[l]
        m = jnp.dot((xs[0] + xs[1] + xs[2]) * (1.0 / A), wm,
                    preferred_element_type=jnp.float32)
        xs = [jnp.maximum(jnp.dot(x, ws, preferred_element_type=jnp.float32)
                          + m, 0.0) for x in xs]
    nr = xs[0] + xs[1] + xs[2]
    oh_g = (lax.broadcasted_iota(jnp.int32, (G, Q), 0) == qg_ref[...]
            ).astype(jnp.float32)
    o_ref[...] = jnp.dot(oh_g, nr, preferred_element_type=jnp.float32)


def _mpqe(rows, vid, qg, vemb, wmsg, wself):
    return pl.pallas_call(
        _mpqe_body,
        out_shape=jax.ShapeDtypeStruct((G, D), jnp.float32),
    )(rows, vid, qg, vemb, wmsg, wself)


def kernel(edge_index, edge_type, queries, var_ids, q_graphs, emb, W_rgcn,
           W_self, var_emb, W_q_msg, W_q_self):
    pidx = _pidx_kernel(edge_index.astype(jnp.int32),
                        edge_type.astype(jnp.int32).reshape(1, E))
    zeros_rows = jnp.zeros((NPAD, D), jnp.float32)
    wcat = jnp.concatenate([W_rgcn, W_self[:, None]], axis=1)

    t9 = _mm9(emb, wcat[0])
    for l in range(L):
        parts = _sc_scatter(t9.reshape(9 * N, D), pidx, zeros_rows)
        if l < L - 1:
            t9 = _mm9_fused(parts, t9, wcat[l + 1])

    qidx = queries.T.astype(jnp.int32).reshape(Q * A)
    rows = _sc_gather(parts, t9.reshape(9 * N, D), qidx)
    return _mpqe(rows, var_ids.astype(jnp.int32).reshape(Q, 1),
                 q_graphs.astype(jnp.int32).reshape(1, Q), var_emb,
                 W_q_msg, W_q_self)

# --- scband reference (transcript-rebuilt; emitter-appended) ---
"""Pipeline reference for scband-ruud-model-39668317946547 (READ-ONLY COPY).

The authoritative reference and input builder live on the scoring server;
editing this copy changes nothing except your own understanding.
"""

import jax, jax.numpy as jnp
import numpy as np

NUM_NODES = 10000
NUM_RELATIONS = 8
EMB_DIM = 128
NUM_LAYERS = 3
NUM_EDGES = 320000
NUM_QUERIES = 1024
NUM_ANCHORS = 3
NUM_VAR_TYPES = 4
NUM_QGRAPHS = 256

def setup_inputs(seed: int = 0) -> dict:
    key = jax.random.key(seed)
    ks = jax.random.split(key, 12)
    edge_index = jax.random.randint(ks[0], (2, NUM_EDGES), 0, NUM_NODES, dtype=jnp.int64 if jax.config.jax_enable_x64 else jnp.int32)
    edge_type = jax.random.randint(ks[1], (NUM_EDGES,), 0, NUM_RELATIONS)
    queries = jax.random.randint(ks[2], (NUM_QUERIES, NUM_ANCHORS), 0, NUM_NODES)
    var_ids = jax.random.randint(ks[3], (NUM_QUERIES,), 0, NUM_VAR_TYPES)
    q_graphs = jnp.sort(jax.random.randint(ks[4], (NUM_QUERIES,), 0, NUM_QGRAPHS))
    # learned parameters
    emb = jax.random.normal(ks[5], (NUM_NODES, EMB_DIM), dtype=jnp.float32) * 0.02
    W_rgcn = jax.random.normal(ks[6], (NUM_LAYERS, NUM_RELATIONS, EMB_DIM, EMB_DIM), dtype=jnp.float32) * (1.0 / np.sqrt(EMB_DIM))
    W_self = jax.random.normal(ks[7], (NUM_LAYERS, EMB_DIM, EMB_DIM), dtype=jnp.float32) * (1.0 / np.sqrt(EMB_DIM))
    var_emb = jax.random.normal(ks[8], (NUM_VAR_TYPES, EMB_DIM), dtype=jnp.float32) * 0.02
    W_q_msg = jax.random.normal(ks[9], (NUM_LAYERS, EMB_DIM, EMB_DIM), dtype=jnp.float32) * (1.0 / np.sqrt(EMB_DIM))
    W_q_self = jax.random.normal(ks[10], (NUM_LAYERS, EMB_DIM, EMB_DIM), dtype=jnp.float32) * (1.0 / np.sqrt(EMB_DIM))
    return {"edge_index": edge_index, "edge_type": edge_type, "queries": queries,
            "var_ids": var_ids, "q_graphs": q_graphs, "emb": emb, "W_rgcn": W_rgcn,
            "W_self": W_self, "var_emb": var_emb, "W_q_msg": W_q_msg, "W_q_self": W_q_self}

def reference(edge_index, edge_type, queries, var_ids, q_graphs, emb, W_rgcn, W_self, var_emb, W_q_msg, W_q_self):
    src = edge_index[0]
    dst = edge_index[1]
    # ---- node_RGCN: relational message passing over the full KG ----
    h = emb
    for l in range(NUM_LAYERS):
        # transform every node under every relation, then gather per-edge
        t = jnp.einsum('nd,rde->rne', h, W_rgcn[l])          # [R, N, d]
        msg = t[edge_type, src]                               # gather -> [E, d]
        agg = jax.ops.segment_sum(msg, dst, num_segments=NUM_NODES)  # scatter-add
        h = agg + h @ W_self[l]
        if l < NUM_LAYERS - 1:
            h = jax.nn.relu(h)
    # ---- MPQE: gather anchor embeddings, message passing on query graph ----
    anchor_emb = h[queries]                                   # [Q, A, d] gather
    x = anchor_emb + var_emb[var_ids][:, None, :]             # variable-type embedding
    for l in range(NUM_LAYERS):
        m = jnp.mean(x @ W_q_msg[l], axis=1, keepdims=True)   # intra-query message
        x = jax.nn.relu(x @ W_q_self[l] + m)
    node_repr = jnp.sum(x, axis=1)                            # [Q, d]
    # readout='mp', scatter_op='add' -> segment-sum readout over query graphs
    query_embedding = jax.ops.segment_sum(node_repr, q_graphs, num_segments=NUM_QGRAPHS)
    return query_embedding

if __name__ == "__main__":
    import jax
    _d = setup_inputs()
    print(jax.jit(kernel)(*tuple(_d.values())))

</pallas_src>

<mosaic_0001>
#map = affine_map<(d0, d1) -> (0, 0)>
#map1 = affine_map<(d0, d1) -> (0, 0, 0)>
module attributes {stable_mosaic.version = 14 : i64} {
  func.func @body_fn(%arg0: i32, %arg1: i32, %arg2: memref<90000x128xf32, #tpu.memory_space<hbm>>, %arg3: memref<1x327680xi32, #tpu.memory_space<hbm>>, %arg4: memref<10112x128xf32, #tpu.memory_space<hbm>>, %arg5: memref<2x10112x128xf32, #tpu.memory_space<hbm>>, %arg6: memref<10240xi32, #tpu.memory_space<vmem>>, %arg7: memref<128xi32, #tpu.memory_space<vmem>>, %arg8: memref<128xi32, #tpu.memory_space<vmem>>, %arg9: memref<128xi32, #tpu.memory_space<vmem>>, %arg10: memref<128xi32, #tpu.memory_space<vmem>>, %arg11: memref<128x128xf32, #tpu.memory_space<vmem>>, %arg12: memref<128x128xf32, #tpu.memory_space<vmem>>, %arg13: memref<10112x128xf32, #tpu.memory_space<vmem_shared>>, %arg14: memref<!tpu.dma_semaphore, #tpu.memory_space<semaphore_mem>>, %arg15: memref<!tpu.dma_semaphore, #tpu.memory_space<semaphore_mem>>) attributes {dimension_semantics = [#tpu.dimension_semantics<core_parallel>, #tpu.dimension_semantics<subcore_parallel>], iteration_bounds = array<i64: 2, 16>, scalar_prefetch = 0 : i64, scratch_operands = 10 : i64, tpu.core_type = #tpu.core_type<sc_vector_subcore>, window_params = [{transform_indices = #map}, {transform_indices = #map}, {transform_indices = #map}, {transform_indices = #map1}]} {
    %mul3A = arith.constant 2 : i32
    %mul3A_0 = arith.muli %arg1, %mul3A : i32
    %add3A = arith.addi %mul3A_0, %arg0 : i32
    %mul3A_1 = arith.constant 10240 : i32
    %mul3A_2 = arith.muli %add3A, %mul3A_1 : i32
    %multiple_of3A = tpu.assume_multiple %mul3A_2, 128 : i32
    %run_scoped3A = arith.constant 0 : i32
    "tpu.region"() ({
      %run_scoped3A_383 = tpu.sem_alloc : memref<!tpu.dma_semaphore, #tpu.memory_space<semaphore_mem>>
      %dma_start3A_384 = tpu.memref_slice %arg3[%run_scoped3A, %multiple_of3A] : memref<1x327680xi32, #tpu.memory_space<hbm>> -> memref<1x10240xi32, #tpu.memory_space<hbm>>
      %dma_start3A_385 = tpu.memref_squeeze %dma_start3A_384 : memref<1x10240xi32, #tpu.memory_space<hbm>> -> memref<10240xi32, #tpu.memory_space<hbm>>
      %dma_start3A_386 = tpu.memref_slice %arg3[%run_scoped3A, %multiple_of3A] : memref<1x327680xi32, #tpu.memory_space<hbm>> -> memref<1x10240xi32, #tpu.memory_space<hbm>>
      %dma_start3A_387 = tpu.memref_squeeze %dma_start3A_386 : memref<1x10240xi32, #tpu.memory_space<hbm>> -> memref<10240xi32, #tpu.memory_space<hbm>>
      tpu.enqueue_dma source(%dma_start3A_387 : memref<10240xi32, #tpu.memory_space<hbm>>) target(%arg6 : memref<10240xi32, #tpu.memory_space<vmem>>) target_semaphore(%run_scoped3A_383 : memref<!tpu.dma_semaphore, #tpu.memory_space<semaphore_mem>>)
      %dma_wait3A_388 = tpu.memref_slice %arg3[%run_scoped3A, %multiple_of3A] : memref<1x327680xi32, #tpu.memory_space<hbm>> -> memref<1x10240xi32, #tpu.memory_space<hbm>>
      %dma_wait3A_389 = tpu.memref_squeeze %dma_wait3A_388 : memref<1x10240xi32, #tpu.memory_space<hbm>> -> memref<10240xi32, #tpu.memory_space<hbm>>
      %dma_wait3A_390 = tpu.memref_slice %arg3[%run_scoped3A, %multiple_of3A] : memref<1x327680xi32, #tpu.memory_space<hbm>> -> memref<1x10240xi32, #tpu.memory_space<hbm>>
      %dma_wait3A_391 = tpu.memref_squeeze %dma_wait3A_390 : memref<1x10240xi32, #tpu.memory_space<hbm>> -> memref<10240xi32, #tpu.memory_space<hbm>>
      tpu.wait_dma2 semaphore(%run_scoped3A_383 : memref<!tpu.dma_semaphore, #tpu.memory_space<semaphore_mem>>) src(%dma_wait3A_391 : memref<10240xi32, #tpu.memory_space<hbm>>) dst(%arg6 : memref<10240xi32, #tpu.memory_space<vmem>>)
      tpu.yield
    }) : () -> ()
    %mul3A_3 = arith.constant 632 : i32
    %mul3A_4 = arith.muli %arg1, %mul3A_3 : i32
    %mul3A_5 = arith.constant 632 : i32
    %mul3A_6 = arith.muli %arg1, %mul3A_5 : i32
    "tpu.region"() ({
      %run_scoped3A_383 = tpu.sem_alloc : memref<!tpu.dma_semaphore, #tpu.memory_space<semaphore_mem>>
      %dma_start3A_384 = arith.constant 0 : i32
      %dma_start3A_385 = tpu.memref_slice %arg13[%mul3A_6, %dma_start3A_384] : memref<10112x128xf32, #tpu.memory_space<vmem_shared>> -> memref<632x128xf32, #tpu.memory_space<vmem_shared>>
      %dma_start3A_386 = arith.constant 0 : i32
      %dma_start3A_387 = tpu.memref_slice %arg4[%mul3A_4, %dma_start3A_386] : memref<10112x128xf32, #tpu.memory_space<hbm>> -> memref<632x128xf32, #tpu.memory_space<hbm>>
      tpu.enqueue_dma source(%dma_start3A_387 : memref<632x128xf32, #tpu.memory_space<hbm>>) target(%dma_start3A_385 : memref<632x128xf32, #tpu.memory_space<vmem_shared>>) target_semaphore(%run_scoped3A_383 : memref<!tpu.dma_semaphore, #tpu.memory_space<semaphore_mem>>)
      %dma_wait3A_388 = arith.constant 0 : i32
      %dma_wait3A_389 = tpu.memref_slice %arg13[%mul3A_6, %dma_wait3A_388] : memref<10112x128xf32, #tpu.memory_space<vmem_shared>> -> memref<632x128xf32, #tpu.memory_space<vmem_shared>>
      %dma_wait3A_390 = arith.constant 0 : i32
      %dma_wait3A_391 = tpu.memref_slice %arg4[%mul3A_4, %dma_wait3A_390] : memref<10112x128xf32, #tpu.memory_space<hbm>> -> memref<632x128xf32, #tpu.memory_space<hbm>>
      tpu.wait_dma2 semaphore(%run_scoped3A_383 : memref<!tpu.dma_semaphore, #tpu.memory_space<semaphore_mem>>) src(%dma_wait3A_391 : memref<632x128xf32, #tpu.memory_space<hbm>>) dst(%dma_wait3A_389 : memref<632x128xf32, #tpu.memory_space<vmem_shared>>)
      tpu.yield
    }) : () -> ()
    %barrier3A = arith.constant 0 : index
    tpu.barrier barrier_id(%barrier3A)
    %multiple_of3A_7 = arith.constant 0 : i32
    %multiple_of3A_8 = tpu.assume_multiple %multiple_of3A_7, 128 : i32
    %add3A_9 = arith.constant 0 : i32
    %add3A_10 = arith.addi %multiple_of3A_8, %add3A_9 : i32
    %get3A = arith.index_cast %add3A_10 : i32 to index
    %get3A_11 = tpu.vector_load %arg6[%get3A] {strides = array<i32>} : memref<10240xi32, #tpu.memory_space<vmem>>, vector<16xi32>,
    %get3A_12 = vector.shape_cast %get3A_11 : vector<16xi32> to vector<16xi32>
    %shift_right_logical3A = arith.constant 14 : i32
    %shift_right_logical3A_13 = vector.broadcast %shift_right_logical3A : i32 to vector<16xi32>
    %shift_right_logical3A_14 = arith.shrui %get3A_12, %shift_right_logical3A_13 : vector<16xi32>
    %swap3A = arith.constant 0 : index
    %swap3A_15 = tpu.vector_load %arg7[%swap3A] {strides = array<i32>} : memref<128xi32, #tpu.memory_space<vmem>>, vector<16xi32>,
    %swap3A_16 = vector.shape_cast %swap3A_15 : vector<16xi32> to vector<16xi32>
    %swap3A_17 = vector.shape_cast %shift_right_logical3A_14 : vector<16xi32> to vector<16xi32>
    tpu.vector_store %arg7[%swap3A], %swap3A_17 {strides = array<i32>} : memref<128xi32, #tpu.memory_space<vmem>>, vector<16xi32>,
    %and3A = arith.constant 16383 : i32
    %and3A_18 = vector.broadcast %and3A : i32 to vector<16xi32>
    %and3A_19 = arith.andi %get3A_12, %and3A_18 : vector<16xi32>
    %swap3A_20 = arith.constant 0 : index
    %swap3A_21 = tpu.vector_load %arg9[%swap3A_20] {strides = array<i32>} : memref<128xi32, #tpu.memory_space<vmem>>, vector<16xi32>,
    %swap3A_22 = vector.shape_cast %swap3A_21 : vector<16xi32> to vector<16xi32>
    %swap3A_23 = vector.shape_cast %and3A_19 : vector<16xi32> to vector<16xi32>
    tpu.vector_store %arg9[%swap3A_20], %swap3A_23 {strides = array<i32>} : memref<128xi32, #tpu.memory_space<vmem>>, vector<16xi32>,
    %add3A_24 = arith.constant 16 : i32
    %add3A_25 = arith.addi %multiple_of3A_8, %add3A_24 : i32
    %get3A_26 = arith.index_cast %add3A_25 : i32 to index
    %get3A_27 = tpu.vector_load %arg6[%get3A_26] {strides = array<i32>} : memref<10240xi32, #tpu.memory_space<vmem>>, vector<16xi32>,
    %get3A_28 = vector.shape_cast %get3A_27 : vector<16xi32> to vector<16xi32>
    %shift_right_logical3A_29 = arith.constant 14 : i32
    %shift_right_logical3A_30 = vector.broadcast %shift_right_logical3A_29 : i32 to vector<16xi32>
    %shift_right_logical3A_31 = arith.shrui %get3A_28, %shift_right_logical3A_30 : vector<16xi32>
    %swap3A_32 = arith.constant 16 : index
    %swap3A_33 = tpu.vector_load %arg7[%swap3A_32] {strides = array<i32>} : memref<128xi32, #tpu.memory_space<vmem>>, vector<16xi32>,
    %swap3A_34 = vector.shape_cast %swap3A_33 : vector<16xi32> to vector<16xi32>
    %swap3A_35 = vector.shape_cast %shift_right_logical3A_31 : vector<16xi32> to vector<16xi32>
    tpu.vector_store %arg7[%swap3A_32], %swap3A_35 {strides = array<i32>} : memref<128xi32, #tpu.memory_space<vmem>>, vector<16xi32>,
    %and3A_36 = arith.constant 16383 : i32
    %and3A_37 = vector.broadcast %and3A_36 : i32 to vector<16xi32>
    %and3A_38 = arith.andi %get3A_28, %and3A_37 : vector<16xi32>
    %swap3A_39 = arith.constant 16 : index
    %swap3A_40 = tpu.vector_load %arg9[%swap3A_39] {strides = array<i32>} : memref<128xi32, #tpu.memory_space<vmem>>, vector<16xi32>,
    %swap3A_41 = vector.shape_cast %swap3A_40 : vector<16xi32> to vector<16xi32>
    %swap3A_42 = vector.shape_cast %and3A_38 : vector<16xi32> to vector<16xi32>
    tpu.vector_store %arg9[%swap3A_39], %swap3A_42 {strides = array<i32>} : memref<128xi32, #tpu.memory_space<vmem>>, vector<16xi32>,
    %add3A_43 = arith.constant 32 : i32
    %add3A_44 = arith.addi %multiple_of3A_8, %add3A_43 : i32
    %get3A_45 = arith.index_cast %add3A_44 : i32 to index
    %get3A_46 = tpu.vector_load %arg6[%get3A_45] {strides = array<i32>} : memref<10240xi32, #tpu.memory_space<vmem>>, vector<16xi32>,
    %get3A_47 = vector.shape_cast %get3A_46 : vector<16xi32> to vector<16xi32>
    %shift_right_logical3A_48 = arith.constant 14 : i32
    %shift_right_logical3A_49 = vector.broadcast %shift_right_logical3A_48 : i32 to vector<16xi32>
    %shift_right_logical3A_50 = arith.shrui %get3A_47, %shift_right_logical3A_49 : vector<16xi32>
    %swap3A_51 = arith.constant 32 : index
    %swap3A_52 = tpu.vector_load %arg7[%swap3A_51] {strides = array<i32>} : memref<128xi32, #tpu.memory_space<vmem>>, vector<16xi32>,
    %swap3A_53 = vector.shape_cast %swap3A_52 : vector<16xi32> to vector<16xi32>
    %swap3A_54 = vector.shape_cast %shift_right_logical3A_50 : vector<16xi32> to vector<16xi32>
    tpu.vector_store %arg7[%swap3A_51], %swap3A_54 {strides = array<i32>} : memref<128xi32, #tpu.memory_space<vmem>>, vector<16xi32>,
    %and3A_55 = arith.constant 16383 : i32
    %and3A_56 = vector.broadcast %and3A_55 : i32 to vector<16xi32>
    %and3A_57 = arith.andi %get3A_47, %and3A_56 : vector<16xi32>
    %swap3A_58 = arith.constant 32 : index
    %swap3A_59 = tpu.vector_load %arg9[%swap3A_58] {strides = array<i32>} : memref<128xi32, #tpu.memory_space<vmem>>, vector<16xi32>,
    %swap3A_60 = vector.shape_cast %swap3A_59 : vector<16xi32> to vector<16xi32>
    %swap3A_61 = vector.shape_cast %and3A_57 : vector<16xi32> to vector<16xi32>
    tpu.vector_store %arg9[%swap3A_58], %swap3A_61 {strides = array<i32>} : memref<128xi32, #tpu.memory_space<vmem>>, vector<16xi32>,
    %add3A_62 = arith.constant 48 : i32
    %add3A_63 = arith.addi %multiple_of3A_8, %add3A_62 : i32
    %get3A_64 = arith.index_cast %add3A_63 : i32 to index
    %get3A_65 = tpu.vector_load %arg6[%get3A_64] {strides = array<i32>} : memref<10240xi32, #tpu.memory_space<vmem>>, vector<16xi32>,
    %get3A_66 = vector.shape_cast %get3A_65 : vector<16xi32> to vector<16xi32>
    %shift_right_logical3A_67 = arith.constant 14 : i32
    %shift_right_logical3A_68 = vector.broadcast %shift_right_logical3A_67 : i32 to vector<16xi32>
    %shift_right_logical3A_69 = arith.shrui %get3A_66, %shift_right_logical3A_68 : vector<16xi32>
    %swap3A_70 = arith.constant 48 : index
    %swap3A_71 = tpu.vector_load %arg7[%swap3A_70] {strides = array<i32>} : memref<128xi32, #tpu.memory_space<vmem>>, vector<16xi32>,
    %swap3A_72 = vector.shape_cast %swap3A_71 : vector<16xi32> to vector<16xi32>
    %swap3A_73 = vector.shape_cast %shift_right_logical3A_69 : vector<16xi32> to vector<16xi32>
    tpu.vector_store %arg7[%swap3A_70], %swap3A_73 {strides = array<i32>} : memref<128xi32, #tpu.memory_space<vmem>>, vector<16xi32>,
    %and3A_74 = arith.constant 16383 : i32
    %and3A_75 = vector.broadcast %and3A_74 : i32 to vector<16xi32>
    %and3A_76 = arith.andi %get3A_66, %and3A_75 : vector<16xi32>
    %swap3A_77 = arith.constant 48 : index
    %swap3A_78 = tpu.vector_load %arg9[%swap3A_77] {strides = array<i32>} : memref<128xi32, #tpu.memory_space<vmem>>, vector<16xi32>,
    %swap3A_79 = vector.shape_cast %swap3A_78 : vector<16xi32> to vector<16xi32>
    %swap3A_80 = vector.shape_cast %and3A_76 : vector<16xi32> to vector<16xi32>
    tpu.vector_store %arg9[%swap3A_77], %swap3A_80 {strides = array<i32>} : memref<128xi32, #tpu.memory_space<vmem>>, vector<16xi32>,
    %add3A_81 = arith.constant 64 : i32
    %add3A_82 = arith.addi %multiple_of3A_8, %add3A_81 : i32
    %get3A_83 = arith.index_cast %add3A_82 : i32 to index
    %get3A_84 = tpu.vector_load %arg6[%get3A_83] {strides = array<i32>} : memref<10240xi32, #tpu.memory_space<vmem>>, vector<16xi32>,
    %get3A_85 = vector.shape_cast %get3A_84 : vector<16xi32> to vector<16xi32>
    %shift_right_logical3A_86 = arith.constant 14 : i32
    %shift_right_logical3A_87 = vector.broadcast %shift_right_logical3A_86 : i32 to vector<16xi32>
    %shift_right_logical3A_88 = arith.shrui %get3A_85, %shift_right_logical3A_87 : vector<16xi32>
    %swap3A_89 = arith.constant 64 : index
    %swap3A_90 = tpu.vector_load %arg7[%swap3A_89] {strides = array<i32>} : memref<128xi32, #tpu.memory_space<vmem>>, vector<16xi32>,
    %swap3A_91 = vector.shape_cast %swap3A_90 : vector<16xi32> to vector<16xi32>
    %swap3A_92 = vector.shape_cast %shift_right_logical3A_88 : vector<16xi32> to vector<16xi32>
    tpu.vector_store %arg7[%swap3A_89], %swap3A_92 {strides = array<i32>} : memref<128xi32, #tpu.memory_space<vmem>>, vector<16xi32>,
    %and3A_93 = arith.constant 16383 : i32
    %and3A_94 = vector.broadcast %and3A_93 : i32 to vector<16xi32>
    %and3A_95 = arith.andi %get3A_85, %and3A_94 : vector<16xi32>
    %swap3A_96 = arith.constant 64 : index
    %swap3A_97 = tpu.vector_load %arg9[%swap3A_96] {strides = array<i32>} : memref<128xi32, #tpu.memory_space<vmem>>, vector<16xi32>,
    %swap3A_98 = vector.shape_cast %swap3A_97 : vector<16xi32> to vector<16xi32>
    %swap3A_99 = vector.shape_cast %and3A_95 : vector<16xi32> to vector<16xi32>
    tpu.vector_store %arg9[%swap3A_96], %swap3A_99 {strides = array<i32>} : memref<128xi32, #tpu.memory_space<vmem>>, vector<16xi32>,
    %add3A_100 = arith.constant 80 : i32
    %add3A_101 = arith.addi %multiple_of3A_8, %add3A_100 : i32
    %get3A_102 = arith.index_cast %add3A_101 : i32 to index
    %get3A_103 = tpu.vector_load %arg6[%get3A_102] {strides = array<i32>} : memref<10240xi32, #tpu.memory_space<vmem>>, vector<16xi32>,
    %get3A_104 = vector.shape_cast %get3A_103 : vector<16xi32> to vector<16xi32>
    %shift_right_logical3A_105 = arith.constant 14 : i32
    %shift_right_logical3A_106 = vector.broadcast %shift_right_logical3A_105 : i32 to vector<16xi32>
    %shift_right_logical3A_107 = arith.shrui %get3A_104, %shift_right_logical3A_106 : vector<16xi32>
    %swap3A_108 = arith.constant 80 : index
    %swap3A_109 = tpu.vector_load %arg7[%swap3A_108] {strides = array<i32>} : memref<128xi32, #tpu.memory_space<vmem>>, vector<16xi32>,
    %swap3A_110 = vector.shape_cast %swap3A_109 : vector<16xi32> to vector<16xi32>
    %swap3A_111 = vector.shape_cast %shift_right_logical3A_107 : vector<16xi32> to vector<16xi32>
    tpu.vector_store %arg7[%swap3A_108], %swap3A_111 {strides = array<i32>} : memref<128xi32, #tpu.memory_space<vmem>>, vector<16xi32>,
    %and3A_112 = arith.constant 16383 : i32
    %and3A_113 = vector.broadcast %and3A_112 : i32 to vector<16xi32>
    %and3A_114 = arith.andi %get3A_104, %and3A_113 : vector<16xi32>
    %swap3A_115 = arith.constant 80 : index
    %swap3A_116 = tpu.vector_load %arg9[%swap3A_115] {strides = array<i32>} : memref<128xi32, #tpu.memory_space<vmem>>, vector<16xi32>,
    %swap3A_117 = vector.shape_cast %swap3A_116 : vector<16xi32> to vector<16xi32>
    %swap3A_118 = vector.shape_cast %and3A_114 : vector<16xi32> to vector<16xi32>
    tpu.vector_store %arg9[%swap3A_115], %swap3A_118 {strides = array<i32>} : memref<128xi32, #tpu.memory_space<vmem>>, vector<16xi32>,
    %add3A_119 = arith.constant 96 : i32
    %add3A_120 = arith.addi %multiple_of3A_8, %add3A_119 : i32
    %get3A_121 = arith.index_cast %add3A_120 : i32 to index
    %get3A_122 = tpu.vector_load %arg6[%get3A_121] {strides = array<i32>} : memref<10240xi32, #tpu.memory_space<vmem>>, vector<16xi32>,
    %get3A_123 = vector.shape_cast %get3A_122 : vector<16xi32> to vector<16xi32>
    %shift_right_logical3A_124 = arith.constant 14 : i32
    %shift_right_logical3A_125 = vector.broadcast %shift_right_logical3A_124 : i32 to vector<16xi32>
    %shift_right_logical3A_126 = arith.shrui %get3A_123, %shift_right_logical3A_125 : vector<16xi32>
    %swap3A_127 = arith.constant 96 : index
    %swap3A_128 = tpu.vector_load %arg7[%swap3A_127] {strides = array<i32>} : memref<128xi32, #tpu.memory_space<vmem>>, vector<16xi32>,
    %swap3A_129 = vector.shape_cast %swap3A_128 : vector<16xi32> to vector<16xi32>
    %swap3A_130 = vector.shape_cast %shift_right_logical3A_126 : vector<16xi32> to vector<16xi32>
    tpu.vector_store %arg7[%swap3A_127], %swap3A_130 {strides = array<i32>} : memref<128xi32, #tpu.memory_space<vmem>>, vector<16xi32>,
    %and3A_131 = arith.constant 16383 : i32
    %and3A_132 = vector.broadcast %and3A_131 : i32 to vector<16xi32>
    %and3A_133 = arith.andi %get3A_123, %and3A_132 : vector<16xi32>
    %swap3A_134 = arith.constant 96 : index
    %swap3A_135 = tpu.vector_load %arg9[%swap3A_134] {strides = array<i32>} : memref<128xi32, #tpu.memory_space<vmem>>, vector<16xi32>,
    %swap3A_136 = vector.shape_cast %swap3A_135 : vector<16xi32> to vector<16xi32>
    %swap3A_137 = vector.shape_cast %and3A_133 : vector<16xi32> to vector<16xi32>
    tpu.vector_store %arg9[%swap3A_134], %swap3A_137 {strides = array<i32>} : memref<128xi32, #tpu.memory_space<vmem>>, vector<16xi32>,
    %add3A_138 = arith.constant 112 : i32
    %add3A_139 = arith.addi %multiple_of3A_8, %add3A_138 : i32
    %get3A_140 = arith.index_cast %add3A_139 : i32 to index
    %get3A_141 = tpu.vector_load %arg6[%get3A_140] {strides = array<i32>} : memref<10240xi32, #tpu.memory_space<vmem>>, vector<16xi32>,
    %get3A_142 = vector.shape_cast %get3A_141 : vector<16xi32> to vector<16xi32>
    %shift_right_logical3A_143 = arith.constant 14 : i32
    %shift_right_logical3A_144 = vector.broadcast %shift_right_logical3A_143 : i32 to vector<16xi32>
    %shift_right_logical3A_145 = arith.shrui %get3A_142, %shift_right_logical3A_144 : vector<16xi32>
    %swap3A_146 = arith.constant 112 : index
    %swap3A_147 = tpu.vector_load %arg7[%swap3A_146] {strides = array<i32>} : memref<128xi32, #tpu.memory_space<vmem>>, vector<16xi32>,
    %swap3A_148 = vector.shape_cast %swap3A_147 : vector<16xi32> to vector<16xi32>
    %swap3A_149 = vector.shape_cast %shift_right_logical3A_145 : vector<16xi32> to vector<16xi32>
    tpu.vector_store %arg7[%swap3A_146], %swap3A_149 {strides = array<i32>} : memref<128xi32, #tpu.memory_space<vmem>>, vector<16xi32>,
    %and3A_150 = arith.constant 16383 : i32
    %and3A_151 = vector.broadcast %and3A_150 : i32 to vector<16xi32>
    %and3A_152 = arith.andi %get3A_142, %and3A_151 : vector<16xi32>
    %swap3A_153 = arith.constant 112 : index
    %swap3A_154 = tpu.vector_load %arg9[%swap3A_153] {strides = array<i32>} : memref<128xi32, #tpu.memory_space<vmem>>, vector<16xi32>,
    %swap3A_155 = vector.shape_cast %swap3A_154 : vector<16xi32> to vector<16xi32>
    %swap3A_156 = vector.shape_cast %and3A_152 : vector<16xi32> to vector<16xi32>
    tpu.vector_store %arg9[%swap3A_153], %swap3A_156 {strides = array<i32>} : memref<128xi32, #tpu.memory_space<vmem>>, vector<16xi32>,
    %dma_start3A = arith.constant 0 : i32
    %dma_start3A_157 = arith.constant 0 : i32
    %dma_start3A_158 = tpu.memref_slice %arg11[%dma_start3A, %dma_start3A_157] : memref<128x128xf32, #tpu.memory_space<vmem>> -> memref<64x128xf32, #tpu.memory_space<vmem>>
    %dma_start3A_159 = arith.constant 0 : i32
    %dma_start3A_160 = tpu.memref_slice %arg7[%dma_start3A_159] : memref<128xi32, #tpu.memory_space<vmem>> -> memref<64xi32, #tpu.memory_space<vmem>>
    %dma_start3A_161 = arith.constant 0 : i32
    %dma_start3A_162 = arith.constant 0 : i32
    %dma_start3A_163 = tpu.memref_slice %arg2[%dma_start3A_161, %dma_start3A_162] : memref<90000x128xf32, #tpu.memory_space<hbm>> -> memref<90000x128xf32, #tpu.memory_space<hbm>>
    tpu.enqueue_indirect_dma source(%dma_start3A_163 : memref<90000x128xf32, #tpu.memory_space<hbm>>) target(%dma_start3A_158 : memref<64x128xf32, #tpu.memory_space<vmem>>) offsets(%dma_start3A_160 : memref<64xi32, #tpu.memory_space<vmem>>) semaphore(%arg14 : memref<!tpu.dma_semaphore, #tpu.memory_space<semaphore_mem>>)
    %dma_start3A_164 = arith.constant 64 : i32
    %dma_start3A_165 = arith.constant 0 : i32
    %dma_start3A_166 = tpu.memref_slice %arg11[%dma_start3A_164, %dma_start3A_165] : memref<128x128xf32, #tpu.memory_space<vmem>> -> memref<64x128xf32, #tpu.memory_space<vmem>>
    %dma_start3A_167 = arith.constant 64 : i32
    %dma_start3A_168 = tpu.memref_slice %arg7[%dma_start3A_167] : memref<128xi32, #tpu.memory_space<vmem>> -> memref<64xi32, #tpu.memory_space<vmem>>
    %dma_start3A_169 = arith.constant 0 : i32
    %dma_start3A_170 = arith.constant 0 : i32
    %dma_start3A_171 = tpu.memref_slice %arg2[%dma_start3A_169, %dma_start3A_170] : memref<90000x128xf32, #tpu.memory_space<hbm>> -> memref<90000x128xf32, #tpu.memory_space<hbm>>
    tpu.enqueue_indirect_dma source(%dma_start3A_171 : memref<90000x128xf32, #tpu.memory_space<hbm>>) target(%dma_start3A_166 : memref<64x128xf32, #tpu.memory_space<vmem>>) offsets(%dma_start3A_168 : memref<64xi32, #tpu.memory_space<vmem>>) semaphore(%arg14 : memref<!tpu.dma_semaphore, #tpu.memory_space<semaphore_mem>>)
    %multiple_of3A_172 = arith.constant 128 : i32
    %multiple_of3A_173 = tpu.assume_multiple %multiple_of3A_172, 128 : i32
    %add3A_174 = arith.constant 0 : i32
    %add3A_175 = arith.addi %multiple_of3A_173, %add3A_174 : i32
    %get3A_176 = arith.index_cast %add3A_175 : i32 to index
    %get3A_177 = tpu.vector_load %arg6[%get3A_176] {strides = array<i32>} : memref<10240xi32, #tpu.memory_space<vmem>>, vector<16xi32>,
    %get3A_178 = vector.shape_cast %get3A_177 : vector<16xi32> to vector<16xi32>
    %shift_right_logical3A_179 = arith.constant 14 : i32
    %shift_right_logical3A_180 = vector.broadcast %shift_right_logical3A_179 : i32 to vector<16xi32>
    %shift_right_logical3A_181 = arith.shrui %get3A_178, %shift_right_logical3A_180 : vector<16xi32>
    %swap3A_182 = arith.constant 0 : index
    %swap3A_183 = tpu.vector_load %arg8[%swap3A_182] {strides = array<i32>} : memref<128xi32, #tpu.memory_space<vmem>>, vector<16xi32>,
    %swap3A_184 = vector.shape_cast %swap3A_183 : vector<16xi32> to vector<16xi32>
    %swap3A_185 = vector.shape_cast %shift_right_logical3A_181 : vector<16xi32> to vector<16xi32>
    tpu.vector_store %arg8[%swap3A_182], %swap3A_185 {strides = array<i32>} : memref<128xi32, #tpu.memory_space<vmem>>, vector<16xi32>,
    %and3A_186 = arith.constant 16383 : i32
    %and3A_187 = vector.broadcast %and3A_186 : i32 to vector<16xi32>
    %and3A_188 = arith.andi %get3A_178, %and3A_187 : vector<16xi32>
    %swap3A_189 = arith.constant 0 : index
    %swap3A_190 = tpu.vector_load %arg10[%swap3A_189] {strides = array<i32>} : memref<128xi32, #tpu.memory_space<vmem>>, vector<16xi32>,
    %swap3A_191 = vector.shape_cast %swap3A_190 : vector<16xi32> to vector<16xi32>
    %swap3A_192 = vector.shape_cast %and3A_188 : vector<16xi32> to vector<16xi32>
    tpu.vector_store %arg10[%swap3A_189], %swap3A_192 {strides = array<i32>} : memref<128xi32, #tpu.memory_space<vmem>>, vector<16xi32>,
    %add3A_193 = arith.constant 16 : i32
    %add3A_194 = arith.addi %multiple_of3A_173, %add3A_193 : i32
    %get3A_195 = arith.index_cast %add3A_194 : i32 to index
    %get3A_196 = tpu.vector_load %arg6[%get3A_195] {strides = array<i32>} : memref<10240xi32, #tpu.memory_space<vmem>>, vector<16xi32>,
    %get3A_197 = vector.shape_cast %get3A_196 : vector<16xi32> to vector<16xi32>
    %shift_right_logical3A_198 = arith.constant 14 : i32
    %shift_right_logical3A_199 = vector.broadcast %shift_right_logical3A_198 : i32 to vector<16xi32>
    %shift_right_logical3A_200 = arith.shrui %get3A_197, %shift_right_logical3A_199 : vector<16xi32>
    %swap3A_201 = arith.constant 16 : index
    %swap3A_202 = tpu.vector_load %arg8[%swap3A_201] {strides = array<i32>} : memref<128xi32, #tpu.memory_space<vmem>>, vector<16xi32>,
    %swap3A_203 = vector.shape_cast %swap3A_202 : vector<16xi32> to vector<16xi32>
    %swap3A_204 = vector.shape_cast %shift_right_logical3A_200 : vector<16xi32> to vector<16xi32>
    tpu.vector_store %arg8[%swap3A_201], %swap3A_204 {strides = array<i32>} : memref<128xi32, #tpu.memory_space<vmem>>, vector<16xi32>,
    %and3A_205 = arith.constant 16383 : i32
    %and3A_206 = vector.broadcast %and3A_205 : i32 to vector<16xi32>
    %and3A_207 = arith.andi %get3A_197, %and3A_206 : vector<16xi32>
    %swap3A_208 = arith.constant 16 : index
    %swap3A_209 = tpu.vector_load %arg10[%swap3A_208] {strides = array<i32>} : memref<128xi32, #tpu.memory_space<vmem>>, vector<16xi32>,
    %swap3A_210 = vector.shape_cast %swap3A_209 : vector<16xi32> to vector<16xi32>
    %swap3A_211 = vector.shape_cast %and3A_207 : vector<16xi32> to vector<16xi32>
    tpu.vector_store %arg10[%swap3A_208], %swap3A_211 {strides = array<i32>} : memref<128xi32, #tpu.memory_space<vmem>>, vector<16xi32>,
    %add3A_212 = arith.constant 32 : i32
    %add3A_213 = arith.addi %multiple_of3A_173, %add3A_212 : i32
    %get3A_214 = arith.index_cast %add3A_213 : i32 to index
    %get3A_215 = tpu.vector_load %arg6[%get3A_214] {strides = array<i32>} : memref<10240xi32, #tpu.memory_space<vmem>>, vector<16xi32>,
    %get3A_216 = vector.shape_cast %get3A_215 : vector<16xi32> to vector<16xi32>
    %shift_right_logical3A_217 = arith.constant 14 : i32
    %shift_right_logical3A_218 = vector.broadcast %shift_right_logical3A_217 : i32 to vector<16xi32>
    %shift_right_logical3A_219 = arith.shrui %get3A_216, %shift_right_logical3A_218 : vector<16xi32>
    %swap3A_220 = arith.constant 32 : index
    %swap3A_221 = tpu.vector_load %arg8[%swap3A_220] {strides = array<i32>} : memref<128xi32, #tpu.memory_space<vmem>>, vector<16xi32>,
    %swap3A_222 = vector.shape_cast %swap3A_221 : vector<16xi32> to vector<16xi32>
    %swap3A_223 = vector.shape_cast %shift_right_logical3A_219 : vector<16xi32> to vector<16xi32>
    tpu.vector_store %arg8[%swap3A_220], %swap3A_223 {strides = array<i32>} : memref<128xi32, #tpu.memory_space<vmem>>, vector<16xi32>,
    %and3A_224 = arith.constant 16383 : i32
    %and3A_225 = vector.broadcast %and3A_224 : i32 to vector<16xi32>
    %and3A_226 = arith.andi %get3A_216, %and3A_225 : vector<16xi32>
    %swap3A_227 = arith.constant 32 : index
    %swap3A_228 = tpu.vector_load %arg10[%swap3A_227] {strides = array<i32>} : memref<128xi32, #tpu.memory_space<vmem>>, vector<16xi32>,
    %swap3A_229 = vector.shape_cast %swap3A_228 : vector<16xi32> to vector<16xi32>
    %swap3A_230 = vector.shape_cast %and3A_226 : vector<16xi32> to vector<16xi32>
    tpu.vector_store %arg10[%swap3A_227], %swap3A_230 {strides = array<i32>} : memref<128xi32, #tpu.memory_space<vmem>>, vector<16xi32>,
    %add3A_231 = arith.constant 48 : i32
    %add3A_232 = arith.addi %multiple_of3A_173, %add3A_231 : i32
    %get3A_233 = arith.index_cast %add3A_232 : i32 to index
    %get3A_234 = tpu.vector_load %arg6[%get3A_233] {strides = array<i32>} : memref<10240xi32, #tpu.memory_space<vmem>>, vector<16xi32>,
    %get3A_235 = vector.shape_cast %get3A_234 : vector<16xi32> to vector<16xi32>
    %shift_right_logical3A_236 = arith.constant 14 : i32
    %shift_right_logical3A_237 = vector.broadcast %shift_right_logical3A_236 : i32 to vector<16xi32>
    %shift_right_logical3A_238 = arith.shrui %get3A_235, %shift_right_logical3A_237 : vector<16xi32>
    %swap3A_239 = arith.constant 48 : index
    %swap3A_240 = tpu.vector_load %arg8[%swap3A_239] {strides = array<i32>} : memref<128xi32, #tpu.memory_space<vmem>>, vector<16xi32>,
    %swap3A_241 = vector.shape_cast %swap3A_240 : vector<16xi32> to vector<16xi32>
    %swap3A_242 = vector.shape_cast %shift_right_logical3A_238 : vector<16xi32> to vector<16xi32>
    tpu.vector_store %arg8[%swap3A_239], %swap3A_242 {strides = array<i32>} : memref<128xi32, #tpu.memory_space<vmem>>, vector<16xi32>,
    %and3A_243 = arith.constant 16383 : i32
    %and3A_244 = vector.broadcast %and3A_243 : i32 to vector<16xi32>
    %and3A_245 = arith.andi %get3A_235, %and3A_244 : vector<16xi32>
    %swap3A_246 = arith.constant 48 : index
    %swap3A_247 = tpu.vector_load %arg10[%swap3A_246] {strides = array<i32>} : memref<128xi32, #tpu.memory_space<vmem>>, vector<16xi32>,
    %swap3A_248 = vector.shape_cast %swap3A_247 : vector<16xi32> to vector<16xi32>
    %swap3A_249 = vector.shape_cast %and3A_245 : vector<16xi32> to vector<16xi32>
    tpu.vector_store %arg10[%swap3A_246], %swap3A_249 {strides = array<i32>} : memref<128xi32, #tpu.memory_space<vmem>>, vector<16xi32>,
    %add3A_250 = arith.constant 64 : i32
    %add3A_251 = arith.addi %multiple_of3A_173, %add3A_250 : i32
    %get3A_252 = arith.index_cast %add3A_251 : i32 to index
    %get3A_253 = tpu.vector_load %arg6[%get3A_252] {strides = array<i32>} : memref<10240xi32, #tpu.memory_space<vmem>>, vector<16xi32>,
    %get3A_254 = vector.shape_cast %get3A_253 : vector<16xi32> to vector<16xi32>
    %shift_right_logical3A_255 = arith.constant 14 : i32
    %shift_right_logical3A_256 = vector.broadcast %shift_right_logical3A_255 : i32 to vector<16xi32>
    %shift_right_logical3A_257 = arith.shrui %get3A_254, %shift_right_logical3A_256 : vector<16xi32>
    %swap3A_258 = arith.constant 64 : index
    %swap3A_259 = tpu.vector_load %arg8[%swap3A_258] {strides = array<i32>} : memref<128xi32, #tpu.memory_space<vmem>>, vector<16xi32>,
    %swap3A_260 = vector.shape_cast %swap3A_259 : vector<16xi32> to vector<16xi32>
    %swap3A_261 = vector.shape_cast %shift_right_logical3A_257 : vector<16xi32> to vector<16xi32>
    tpu.vector_store %arg8[%swap3A_258], %swap3A_261 {strides = array<i32>} : memref<128xi32, #tpu.memory_space<vmem>>, vector<16xi32>,
    %and3A_262 = arith.constant 16383 : i32
    %and3A_263 = vector.broadcast %and3A_262 : i32 to vector<16xi32>
    %and3A_264 = arith.andi %get3A_254, %and3A_263 : vector<16xi32>
    %swap3A_265 = arith.constant 64 : index
    %swap3A_266 = tpu.vector_load %arg10[%swap3A_265] {strides = array<i32>} : memref<128xi32, #tpu.memory_space<vmem>>, vector<16xi32>,
    %swap3A_267 = vector.shape_cast %swap3A_266 : vector<16xi32> to vector<16xi32>
    %swap3A_268 = vector.shape_cast %and3A_264 : vector<16xi32> to vector<16xi32>
    tpu.vector_store %arg10[%swap3A_265], %swap3A_268 {strides = array<i32>} : memref<128xi32, #tpu.memory_space<vmem>>, vector<16xi32>,
    %add3A_269 = arith.constant 80 : i32
    %add3A_270 = arith.addi %multiple_of3A_173, %add3A_269 : i32
    %get3A_271 = arith.index_cast %add3A_270 : i32 to index
    %get3A_272 = tpu.vector_load %arg6[%get3A_271] {strides = array<i32>} : memref<10240xi32, #tpu.memory_space<vmem>>, vector<16xi32>,
    %get3A_273 = vector.shape_cast %get3A_272 : vector<16xi32> to vector<16xi32>
    %shift_right_logical3A_274 = arith.constant 14 : i32
    %shift_right_logical3A_275 = vector.broadcast %shift_right_logical3A_274 : i32 to vector<16xi32>
    %shift_right_logical3A_276 = arith.shrui %get3A_273, %shift_right_logical3A_275 : vector<16xi32>
    %swap3A_277 = arith.constant 80 : index
    %swap3A_278 = tpu.vector_load %arg8[%swap3A_277] {strides = array<i32>} : memref<128xi32, #tpu.memory_space<vmem>>, vector<16xi32>,
    %swap3A_279 = vector.shape_cast %swap3A_278 : vector<16xi32> to vector<16xi32>
    %swap3A_280 = vector.shape_cast %shift_right_logical3A_276 : vector<16xi32> to vector<16xi32>
    tpu.vector_store %arg8[%swap3A_277], %swap3A_280 {strides = array<i32>} : memref<128xi32, #tpu.memory_space<vmem>>, vector<16xi32>,
    %and3A_281 = arith.constant 16383 : i32
    %and3A_282 = vector.broadcast %and3A_281 : i32 to vector<16xi32>
    %and3A_283 = arith.andi %get3A_273, %and3A_282 : vector<16xi32>
    %swap3A_284 = arith.constant 80 : index
    %swap3A_285 = tpu.vector_load %arg10[%swap3A_284] {strides = array<i32>} : memref<128xi32, #tpu.memory_space<vmem>>, vector<16xi32>,
    %swap3A_286 = vector.shape_cast %swap3A_285 : vector<16xi32> to vector<16xi32>
    %swap3A_287 = vector.shape_cast %and3A_283 : vector<16xi32> to vector<16xi32>
    tpu.vector_store %arg10[%swap3A_284], %swap3A_287 {strides = array<i32>} : memref<128xi32, #tpu.memory_space<vmem>>, vector<16xi32>,
    %add3A_288 = arith.constant 96 : i32
    %add3A_289 = arith.addi %multiple_of3A_173, %add3A_288 : i32
    %get3A_290 = arith.index_cast %add3A_289 : i32 to index
    %get3A_291 = tpu.vector_load %arg6[%get3A_290] {strides = array<i32>} : memref<10240xi32, #tpu.memory_space<vmem>>, vector<16xi32>,
    %get3A_292 = vector.shape_cast %get3A_291 : vector<16xi32> to vector<16xi32>
    %shift_right_logical3A_293 = arith.constant 14 : i32
    %shift_right_logical3A_294 = vector.broadcast %shift_right_logical3A_293 : i32 to vector<16xi32>
    %shift_right_logical3A_295 = arith.shrui %get3A_292, %shift_right_logical3A_294 : vector<16xi32>
    %swap3A_296 = arith.constant 96 : index
    %swap3A_297 = tpu.vector_load %arg8[%swap3A_296] {strides = array<i32>} : memref<128xi32, #tpu.memory_space<vmem>>, vector<16xi32>,
    %swap3A_298 = vector.shape_cast %swap3A_297 : vector<16xi32> to vector<16xi32>
    %swap3A_299 = vector.shape_cast %shift_right_logical3A_295 : vector<16xi32> to vector<16xi32>
    tpu.vector_store %arg8[%swap3A_296], %swap3A_299 {strides = array<i32>} : memref<128xi32, #tpu.memory_space<vmem>>, vector<16xi32>,
    %and3A_300 = arith.constant 16383 : i32
    %and3A_301 = vector.broadcast %and3A_300 : i32 to vector<16xi32>
    %and3A_302 = arith.andi %get3A_292, %and3A_301 : vector<16xi32>
    %swap3A_303 = arith.constant 96 : index
    %swap3A_304 = tpu.vector_load %arg10[%swap3A_303] {strides = array<i32>} : memref<128xi32, #tpu.memory_space<vmem>>, vector<16xi32>,
    %swap3A_305 = vector.shape_cast %swap3A_304 : vector<16xi32> to vector<16xi32>
    %swap3A_306 = vector.shape_cast %and3A_302 : vector<16xi32> to vector<16xi32>
    tpu.vector_store %arg10[%swap3A_303], %swap3A_306 {strides = array<i32>} : memref<128xi32, #tpu.memory_space<vmem>>, vector<16xi32>,
    %add3A_307 = arith.constant 112 : i32
    %add3A_308 = arith.addi %multiple_of3A_173, %add3A_307 : i32
    %get3A_309 = arith.index_cast %add3A_308 : i32 to index
    %get3A_310 = tpu.vector_load %arg6[%get3A_309] {strides = array<i32>} : memref<10240xi32, #tpu.memory_space<vmem>>, vector<16xi32>,
    %get3A_311 = vector.shape_cast %get3A_310 : vector<16xi32> to vector<16xi32>
    %shift_right_logical3A_312 = arith.constant 14 : i32
    %shift_right_logical3A_313 = vector.broadcast %shift_right_logical3A_312 : i32 to vector<16xi32>
    %shift_right_logical3A_314 = arith.shrui %get3A_311, %shift_right_logical3A_313 : vector<16xi32>
    %swap3A_315 = arith.constant 112 : index
    %swap3A_316 = tpu.vector_load %arg8[%swap3A_315] {strides = array<i32>} : memref<128xi32, #tpu.memory_space<vmem>>, vector<16xi32>,
    %swap3A_317 = vector.shape_cast %swap3A_316 : vector<16xi32> to vector<16xi32>
    %swap3A_318 = vector.shape_cast %shift_right_logical3A_314 : vector<16xi32> to vector<16xi32>
    tpu.vector_store %arg8[%swap3A_315], %swap3A_318 {strides = array<i32>} : memref<128xi32, #tpu.memory_space<vmem>>, vector<16xi32>,
    %and3A_319 = arith.constant 16383 : i32
    %and3A_320 = vector.broadcast %and3A_319 : i32 to vector<16xi32>
    %and3A_321 = arith.andi %get3A_311, %and3A_320 : vector<16xi32>
    %swap3A_322 = arith.constant 112 : index
    %swap3A_323 = tpu.vector_load %arg10[%swap3A_322] {strides = array<i32>} : memref<128xi32, #tpu.memory_space<vmem>>, vector<16xi32>,
    %swap3A_324 = vector.shape_cast %swap3A_323 : vector<16xi32> to vector<16xi32>
    %swap3A_325 = vector.shape_cast %and3A_321 : vector<16xi32> to vector<16xi32>
    tpu.vector_store %arg10[%swap3A_322], %swap3A_325 {strides = array<i32>} : memref<128xi32, #tpu.memory_space<vmem>>, vector<16xi32>,
    %dma_start3A_326 = arith.constant 0 : i32
    %dma_start3A_327 = arith.constant 0 : i32
    %dma_start3A_328 = tpu.memref_slice %arg12[%dma_start3A_326, %dma_start3A_327] : memref<128x128xf32, #tpu.memory_space<vmem>> -> memref<64x128xf32, #tpu.memory_space<vmem>>
    %dma_start3A_329 = arith.constant 0 : i32
    %dma_start3A_330 = tpu.memref_slice %arg8[%dma_start3A_329] : memref<128xi32, #tpu.memory_space<vmem>> -> memref<64xi32, #tpu.memory_space<vmem>>
    %dma_start3A_331 = arith.constant 0 : i32
    %dma_start3A_332 = arith.constant 0 : i32
    %dma_start3A_333 = tpu.memref_slice %arg2[%dma_start3A_331, %dma_start3A_332] : memref<90000x128xf32, #tpu.memory_space<hbm>> -> memref<90000x128xf32, #tpu.memory_space<hbm>>
    tpu.enqueue_indirect_dma source(%dma_start3A_333 : memref<90000x128xf32, #tpu.memory_space<hbm>>) target(%dma_start3A_328 : memref<64x128xf32, #tpu.memory_space<vmem>>) offsets(%dma_start3A_330 : memref<64xi32, #tpu.memory_space<vmem>>) semaphore(%arg15 : memref<!tpu.dma_semaphore, #tpu.memory_space<semaphore_mem>>)
    %dma_start3A_334 = arith.constant 64 : i32
    %dma_start3A_335 = arith.constant 0 : i32
    %dma_start3A_336 = tpu.memref_slice %arg12[%dma_start3A_334, %dma_start3A_335] : memref<128x128xf32, #tpu.memory_space<vmem>> -> memref<64x128xf32, #tpu.memory_space<vmem>>
    %dma_start3A_337 = arith.constant 64 : i32
    %dma_start3A_338 = tpu.memref_slice %arg8[%dma_start3A_337] : memref<128xi32, #tpu.memory_space<vmem>> -> memref<64xi32, #tpu.memory_space<vmem>>
    %dma_start3A_339 = arith.constant 0 : i32
    %dma_start3A_340 = arith.constant 0 : i32
    %dma_start3A_341 = tpu.memref_slice %arg2[%dma_start3A_339, %dma_start3A_340] : memref<90000x128xf32, #tpu.memory_space<hbm>> -> memref<90000x128xf32, #tpu.memory_space<hbm>>
    tpu.enqueue_indirect_dma source(%dma_start3A_341 : memref<90000x128xf32, #tpu.memory_space<hbm>>) target(%dma_start3A_336 : memref<64x128xf32, #tpu.memory_space<vmem>>) offsets(%dma_start3A_338 : memref<64xi32, #tpu.memory_space<vmem>>) semaphore(%arg15 : memref<!tpu.dma_semaphore, #tpu.memory_space<semaphore_mem>>)
    %scan3A = arith.constant 0 : i32
    %scan3A_342 = arith.constant 0 : i32
    %scan3A_343 = arith.constant 39 : i32
    %scan3A_344 = arith.addi %scan3A_342, %scan3A_343 : i32
    %scan3A_345 = arith.constant 1 : i32
    scf.for %scan3A_383 = %scan3A_342 to %scan3A_344 step %scan3A_345  : i32 {
      %mul3A_384 = arith.constant 2 : i32
      %mul3A_385 = arith.muli %mul3A_384, %scan3A_383 : i32
      %dma_wait3A_386 = arith.constant 0 : i32
      %dma_wait3A_387 = arith.constant 0 : i32
      %dma_wait3A_388 = tpu.memref_slice %arg11[%dma_wait3A_386, %dma_wait3A_387] : memref<128x128xf32, #tpu.memory_space<vmem>> -> memref<64x128xf32, #tpu.memory_space<vmem>>
      %dma_wait3A_389 = arith.constant 0 : i32
      %dma_wait3A_390 = tpu.memref_slice %arg7[%dma_wait3A_389] : memref<128xi32, #tpu.memory_space<vmem>> -> memref<64xi32, #tpu.memory_space<vmem>>
      %dma_wait3A_391 = arith.constant 0 : i32
      %dma_wait3A_392 = arith.constant 0 : i32
      %dma_wait3A_393 = tpu.memref_slice %arg2[%dma_wait3A_391, %dma_wait3A_392] : memref<90000x128xf32, #tpu.memory_space<hbm>> -> memref<90000x128xf32, #tpu.memory_space<hbm>>
      tpu.wait_indirect_dma semaphore(%arg14 : memref<!tpu.dma_semaphore, #tpu.memory_space<semaphore_mem>>) src(%dma_wait3A_393 : memref<90000x128xf32, #tpu.memory_space<hbm>>) dst(%dma_wait3A_388 : memref<64x128xf32, #tpu.memory_space<vmem>>)
      %dma_wait3A_394 = arith.constant 64 : i32
      %dma_wait3A_395 = arith.constant 0 : i32
      %dma_wait3A_396 = tpu.memref_slice %arg11[%dma_wait3A_394, %dma_wait3A_395] : memref<128x128xf32, #tpu.memory_space<vmem>> -> memref<64x128xf32, #tpu.memory_space<vmem>>
      %dma_wait3A_397 = arith.constant 64 : i32
      %dma_wait3A_398 = tpu.memref_slice %arg7[%dma_wait3A_397] : memref<128xi32, #tpu.memory_space<vmem>> -> memref<64xi32, #tpu.memory_space<vmem>>
      %dma_wait3A_399 = arith.constant 0 : i32
      %dma_wait3A_400 = arith.constant 0 : i32
      %dma_wait3A_401 = tpu.memref_slice %arg2[%dma_wait3A_399, %dma_wait3A_400] : memref<90000x128xf32, #tpu.memory_space<hbm>> -> memref<90000x128xf32, #tpu.memory_space<hbm>>
      tpu.wait_indirect_dma semaphore(%arg14 : memref<!tpu.dma_semaphore, #tpu.memory_space<semaphore_mem>>) src(%dma_wait3A_401 : memref<90000x128xf32, #tpu.memory_space<hbm>>) dst(%dma_wait3A_396 : memref<64x128xf32, #tpu.memory_space<vmem>>)
      "tpu.region"() ({
        %run_scoped3A_768 = tpu.sem_alloc : memref<!tpu.dma_semaphore, #tpu.memory_space<semaphore_mem>>
        %dma_start3A_769 = arith.constant 0 : i32
        %dma_start3A_770 = arith.constant 0 : i32
        %dma_start3A_771 = tpu.memref_slice %arg13[%dma_start3A_769, %dma_start3A_770] : memref<10112x128xf32, #tpu.memory_space<vmem_shared>> -> memref<10112x128xf32, #tpu.memory_space<vmem_shared>>
        tpu.enqueue_indirect_dma source(%arg11 : memref<128x128xf32, #tpu.memory_space<vmem>>) target(%dma_start3A_771 : memref<10112x128xf32, #tpu.memory_space<vmem_shared>>) offsets(%arg9 : memref<128xi32, #tpu.memory_space<vmem>>) semaphore(%run_scoped3A_768 : memref<!tpu.dma_semaphore, #tpu.memory_space<semaphore_mem>>) {add = true}
        %dma_wait3A_772 = arith.constant 0 : i32
        %dma_wait3A_773 = arith.constant 0 : i32
        %dma_wait3A_774 = tpu.memref_slice %arg13[%dma_wait3A_772, %dma_wait3A_773] : memref<10112x128xf32, #tpu.memory_space<vmem_shared>> -> memref<10112x128xf32, #tpu.memory_space<vmem_shared>>
        tpu.wait_indirect_dma semaphore(%run_scoped3A_768 : memref<!tpu.dma_semaphore, #tpu.memory_space<semaphore_mem>>) src(%arg11 : memref<128x128xf32, #tpu.memory_space<vmem>>) dst(%dma_wait3A_774 : memref<10112x128xf32, #tpu.memory_space<vmem_shared>>)
        tpu.yield
      }) : () -> ()
      %add3A_402 = arith.constant 2 : i32
      %add3A_403 = arith.addi %mul3A_385, %add3A_402 : i32
      %mul3A_404 = arith.constant 128 : i32
      %mul3A_405 = arith.muli %add3A_403, %mul3A_404 : i32
      %multiple_of3A_406 = tpu.assume_multiple %mul3A_405, 128 : i32
      %add3A_407 = arith.constant 0 : i32
      %add3A_408 = arith.addi %multiple_of3A_406, %add3A_407 : i32
      %get3A_409 = arith.index_cast %add3A_408 : i32 to index
      %get3A_410 = tpu.vector_load %arg6[%get3A_409] {strides = array<i32>} : memref<10240xi32, #tpu.memory_space<vmem>>, vector<16xi32>,
      %get3A_411 = vector.shape_cast %get3A_410 : vector<16xi32> to vector<16xi32>
      %shift_right_logical3A_412 = arith.constant 14 : i32
      %shift_right_logical3A_413 = vector.broadcast %shift_right_logical3A_412 : i32 to vector<16xi32>
      %shift_right_logical3A_414 = arith.shrui %get3A_411, %shift_right_logical3A_413 : vector<16xi32>
      %swap3A_415 = arith.constant 0 : index
      %swap3A_416 = tpu.vector_load %arg7[%swap3A_415] {strides = array<i32>} : memref<128xi32, #tpu.memory_space<vmem>>, vector<16xi32>,
      %swap3A_417 = vector.shape_cast %swap3A_416 : vector<16xi32> to vector<16xi32>
      %swap3A_418 = vector.shape_cast %shift_right_logical3A_414 : vector<16xi32> to vector<16xi32>
      tpu.vector_store %arg7[%swap3A_415], %swap3A_418 {strides = array<i32>} : memref<128xi32, #tpu.memory_space<vmem>>, vector<16xi32>,
      %and3A_419 = arith.constant 16383 : i32
      %and3A_420 = vector.broadcast %and3A_419 : i32 to vector<16xi32>
      %and3A_421 = arith.andi %get3A_411, %and3A_420 : vector<16xi32>
      %swap3A_422 = arith.constant 0 : index
      %swap3A_423 = tpu.vector_load %arg9[%swap3A_422] {strides = array<i32>} : memref<128xi32, #tpu.memory_space<vmem>>, vector<16xi32>,
      %swap3A_424 = vector.shape_cast %swap3A_423 : vector<16xi32> to vector<16xi32>
      %swap3A_425 = vector.shape_cast %and3A_421 : vector<16xi32> to vector<16xi32>
      tpu.vector_store %arg9[%swap3A_422], %swap3A_425 {strides = array<i32>} : memref<128xi32, #tpu.memory_space<vmem>>, vector<16xi32>,
      %add3A_426 = arith.constant 16 : i32
      %add3A_427 = arith.addi %multiple_of3A_406, %add3A_426 : i32
      %get3A_428 = arith.index_cast %add3A_427 : i32 to index
      %get3A_429 = tpu.vector_load %arg6[%get3A_428] {strides = array<i32>} : memref<10240xi32, #tpu.memory_space<vmem>>, vector<16xi32>,
      %get3A_430 = vector.shape_cast %get3A_429 : vector<16xi32> to vector<16xi32>
      %shift_right_logical3A_431 = arith.constant 14 : i32
      %shift_right_logical3A_432 = vector.broadcast %shift_right_logical3A_431 : i32 to vector<16xi32>
      %shift_right_logical3A_433 = arith.shrui %get3A_430, %shift_right_logical3A_432 : vector<16xi32>
      %swap3A_434 = arith.constant 16 : index
      %swap3A_435 = tpu.vector_load %arg7[%swap3A_434] {strides = array<i32>} : memref<128xi32, #tpu.memory_space<vmem>>, vector<16xi32>,
      %swap3A_436 = vector.shape_cast %swap3A_435 : vector<16xi32> to vector<16xi32>
      %swap3A_437 = vector.shape_cast %shift_right_logical3A_433 : vector<16xi32> to vector<16xi32>
      tpu.vector_store %arg7[%swap3A_434], %swap3A_437 {strides = array<i32>} : memref<128xi32, #tpu.memory_space<vmem>>, vector<16xi32>,
      %and3A_438 = arith.constant 16383 : i32
      %and3A_439 = vector.broadcast %and3A_438 : i32 to vector<16xi32>
      %and3A_440 = arith.andi %get3A_430, %and3A_439 : vector<16xi32>
      %swap3A_441 = arith.constant 16 : index
      %swap3A_442 = tpu.vector_load %arg9[%swap3A_441] {strides = array<i32>} : memref<128xi32, #tpu.memory_space<vmem>>, vector<16xi32>,
      %swap3A_443 = vector.shape_cast %swap3A_442 : vector<16xi32> to vector<16xi32>
      %swap3A_444 = vector.shape_cast %and3A_440 : vector<16xi32> to vector<16xi32>
      tpu.vector_store %arg9[%swap3A_441], %swap3A_444 {strides = array<i32>} : memref<128xi32, #tpu.memory_space<vmem>>, vector<16xi32>,
      %add3A_445 = arith.constant 32 : i32
      %add3A_446 = arith.addi %multiple_of3A_406, %add3A_445 : i32
      %get3A_447 = arith.index_cast %add3A_446 : i32 to index
      %get3A_448 = tpu.vector_load %arg6[%get3A_447] {strides = array<i32>} : memref<10240xi32, #tpu.memory_space<vmem>>, vector<16xi32>,
      %get3A_449 = vector.shape_cast %get3A_448 : vector<16xi32> to vector<16xi32>
      %shift_right_logical3A_450 = arith.constant 14 : i32
      %shift_right_logical3A_451 = vector.broadcast %shift_right_logical3A_450 : i32 to vector<16xi32>
      %shift_right_logical3A_452 = arith.shrui %get3A_449, %shift_right_logical3A_451 : vector<16xi32>
      %swap3A_453 = arith.constant 32 : index
      %swap3A_454 = tpu.vector_load %arg7[%swap3A_453] {strides = array<i32>} : memref<128xi32, #tpu.memory_space<vmem>>, vector<16xi32>,
      %swap3A_455 = vector.shape_cast %swap3A_454 : vector<16xi32> to vector<16xi32>
      %swap3A_456 = vector.shape_cast %shift_right_logical3A_452 : vector<16xi32> to vector<16xi32>
      tpu.vector_store %arg7[%swap3A_453], %swap3A_456 {strides = array<i32>} : memref<128xi32, #tpu.memory_space<vmem>>, vector<16xi32>,
      %and3A_457 = arith.constant 16383 : i32
      %and3A_458 = vector.broadcast %and3A_457 : i32 to vector<16xi32>
      %and3A_459 = arith.andi %get3A_449, %and3A_458 : vector<16xi32>
      %swap3A_460 = arith.constant 32 : index
      %swap3A_461 = tpu.vector_load %arg9[%swap3A_460] {strides = array<i32>} : memref<128xi32, #tpu.memory_space<vmem>>, vector<16xi32>,
      %swap3A_462 = vector.shape_cast %swap3A_461 : vector<16xi32> to vector<16xi32>
      %swap3A_463 = vector.shape_cast %and3A_459 : vector<16xi32> to vector<16xi32>
      tpu.vector_store %arg9[%swap3A_460], %swap3A_463 {strides = array<i32>} : memref<128xi32, #tpu.memory_space<vmem>>, vector<16xi32>,
      %add3A_464 = arith.constant 48 : i32
      %add3A_465 = arith.addi %multiple_of3A_406, %add3A_464 : i32
      %get3A_466 = arith.index_cast %add3A_465 : i32 to index
      %get3A_467 = tpu.vector_load %arg6[%get3A_466] {strides = array<i32>} : memref<10240xi32, #tpu.memory_space<vmem>>, vector<16xi32>,
      %get3A_468 = vector.shape_cast %get3A_467 : vector<16xi32> to vector<16xi32>
      %shift_right_logical3A_469 = arith.constant 14 : i32
      %shift_right_logical3A_470 = vector.broadcast %shift_right_logical3A_469 : i32 to vector<16xi32>
      %shift_right_logical3A_471 = arith.shrui %get3A_468, %shift_right_logical3A_470 : vector<16xi32>
      %swap3A_472 = arith.constant 48 : index
      %swap3A_473 = tpu.vector_load %arg7[%swap3A_472] {strides = array<i32>} : memref<128xi32, #tpu.memory_space<vmem>>, vector<16xi32>,
      %swap3A_474 = vector.shape_cast %swap3A_473 : vector<16xi32> to vector<16xi32>
      %swap3A_475 = vector.shape_cast %shift_right_logical3A_471 : vector<16xi32> to vector<16xi32>
      tpu.vector_store %arg7[%swap3A_472], %swap3A_475 {strides = array<i32>} : memref<128xi32, #tpu.memory_space<vmem>>, vector<16xi32>,
      %and3A_476 = arith.constant 16383 : i32
      %and3A_477 = vector.broadcast %and3A_476 : i32 to vector<16xi32>
      %and3A_478 = arith.andi %get3A_468, %and3A_477 : vector<16xi32>
      %swap3A_479 = arith.constant 48 : index
      %swap3A_480 = tpu.vector_load %arg9[%swap3A_479] {strides = array<i32>} : memref<128xi32, #tpu.memory_space<vmem>>, vector<16xi32>,
      %swap3A_481 = vector.shape_cast %swap3A_480 : vector<16xi32> to vector<16xi32>
      %swap3A_482 = vector.shape_cast %and3A_478 : vector<16xi32> to vector<16xi32>
      tpu.vector_store %arg9[%swap3A_479], %swap3A_482 {strides = array<i32>} : memref<128xi32, #tpu.memory_space<vmem>>, vector<16xi32>,
      %add3A_483 = arith.constant 64 : i32
      %add3A_484 = arith.addi %multiple_of3A_406, %add3A_483 : i32
      %get3A_485 = arith.index_cast %add3A_484 : i32 to index
      %get3A_486 = tpu.vector_load %arg6[%get3A_485] {strides = array<i32>} : memref<10240xi32, #tpu.memory_space<vmem>>, vector<16xi32>,
      %get3A_487 = vector.shape_cast %get3A_486 : vector<16xi32> to vector<16xi32>
      %shift_right_logical3A_488 = arith.constant 14 : i32
      %shift_right_logical3A_489 = vector.broadcast %shift_right_logical3A_488 : i32 to vector<16xi32>
      %shift_right_logical3A_490 = arith.shrui %get3A_487, %shift_right_logical3A_489 : vector<16xi32>
      %swap3A_491 = arith.constant 64 : index
      %swap3A_492 = tpu.vector_load %arg7[%swap3A_491] {strides = array<i32>} : memref<128xi32, #tpu.memory_space<vmem>>, vector<16xi32>,
      %swap3A_493 = vector.shape_cast %swap3A_492 : vector<16xi32> to vector<16xi32>
      %swap3A_494 = vector.shape_cast %shift_right_logical3A_490 : vector<16xi32> to vector<16xi32>
      tpu.vector_store %arg7[%swap3A_491], %swap3A_494 {strides = array<i32>} : memref<128xi32, #tpu.memory_space<vmem>>, vector<16xi32>,
      %and3A_495 = arith.constant 16383 : i32
      %and3A_496 = vector.broadcast %and3A_495 : i32 to vector<16xi32>
      %and3A_497 = arith.andi %get3A_487, %and3A_496 : vector<16xi32>
      %swap3A_498 = arith.constant 64 : index
      %swap3A_499 = tpu.vector_load %arg9[%swap3A_498] {strides = array<i32>} : memref<128xi32, #tpu.memory_space<vmem>>, vector<16xi32>,
      %swap3A_500 = vector.shape_cast %swap3A_499 : vector<16xi32> to vector<16xi32>
      %swap3A_501 = vector.shape_cast %and3A_497 : vector<16xi32> to vector<16xi32>
      tpu.vector_store %arg9[%swap3A_498], %swap3A_501 {strides = array<i32>} : memref<128xi32, #tpu.memory_space<vmem>>, vector<16xi32>,
      %add3A_502 = arith.constant 80 : i32
      %add3A_503 = arith.addi %multiple_of3A_406, %add3A_502 : i32
      %get3A_504 = arith.index_cast %add3A_503 : i32 to index
      %get3A_505 = tpu.vector_load %arg6[%get3A_504] {strides = array<i32>} : memref<10240xi32, #tpu.memory_space<vmem>>, vector<16xi32>,
      %get3A_506 = vector.shape_cast %get3A_505 : vector<16xi32> to vector<16xi32>
      %shift_right_logical3A_507 = arith.constant 14 : i32
      %shift_right_logical3A_508 = vector.broadcast %shift_right_logical3A_507 : i32 to vector<16xi32>
      %shift_right_logical3A_509 = arith.shrui %get3A_506, %shift_right_logical3A_508 : vector<16xi32>
      %swap3A_510 = arith.constant 80 : index
      %swap3A_511 = tpu.vector_load %arg7[%swap3A_510] {strides = array<i32>} : memref<128xi32, #tpu.memory_space<vmem>>, vector<16xi32>,
      %swap3A_512 = vector.shape_cast %swap3A_511 : vector<16xi32> to vector<16xi32>
      %swap3A_513 = vector.shape_cast %shift_right_logical3A_509 : vector<16xi32> to vector<16xi32>
      tpu.vector_store %arg7[%swap3A_510], %swap3A_513 {strides = array<i32>} : memref<128xi32, #tpu.memory_space<vmem>>, vector<16xi32>,
      %and3A_514 = arith.constant 16383 : i32
      %and3A_515 = vector.broadcast %and3A_514 : i32 to vector<16xi32>
      %and3A_516 = arith.andi %get3A_506, %and3A_515 : vector<16xi32>
      %swap3A_517 = arith.constant 80 : index
      %swap3A_518 = tpu.vector_load %arg9[%swap3A_517] {strides = array<i32>} : memref<128xi32, #tpu.memory_space<vmem>>, vector<16xi32>,
      %swap3A_519 = vector.shape_cast %swap3A_518 : vector<16xi32> to vector<16xi32>
      %swap3A_520 = vector.shape_cast %and3A_516 : vector<16xi32> to vector<16xi32>
      tpu.vector_store %arg9[%swap3A_517], %swap3A_520 {strides = array<i32>} : memref<128xi32, #tpu.memory_space<vmem>>, vector<16xi32>,
      %add3A_521 = arith.constant 96 : i32
      %add3A_522 = arith.addi %multiple_of3A_406, %add3A_521 : i32
      %get3A_523 = arith.index_cast %add3A_522 : i32 to index
      %get3A_524 = tpu.vector_load %arg6[%get3A_523] {strides = array<i32>} : memref<10240xi32, #tpu.memory_space<vmem>>, vector<16xi32>,
      %get3A_525 = vector.shape_cast %get3A_524 : vector<16xi32> to vector<16xi32>
      %shift_right_logical3A_526 = arith.constant 14 : i32
      %shift_right_logical3A_527 = vector.broadcast %shift_right_logical3A_526 : i32 to vector<16xi32>
      %shift_right_logical3A_528 = arith.shrui %get3A_525, %shift_right_logical3A_527 : vector<16xi32>
      %swap3A_529 = arith.constant 96 : index
      %swap3A_530 = tpu.vector_load %arg7[%swap3A_529] {strides = array<i32>} : memref<128xi32, #tpu.memory_space<vmem>>, vector<16xi32>,
      %swap3A_531 = vector.shape_cast %swap3A_530 : vector<16xi32> to vector<16xi32>
      %swap3A_532 = vector.shape_cast %shift_right_logical3A_528 : vector<16xi32> to vector<16xi32>
      tpu.vector_store %arg7[%swap3A_529], %swap3A_532 {strides = array<i32>} : memref<128xi32, #tpu.memory_space<vmem>>, vector<16xi32>,
      %and3A_533 = arith.constant 16383 : i32
      %and3A_534 = vector.broadcast %and3A_533 : i32 to vector<16xi32>
      %and3A_535 = arith.andi %get3A_525, %and3A_534 : vector<16xi32>
      %swap3A_536 = arith.constant 96 : index
      %swap3A_537 = tpu.vector_load %arg9[%swap3A_536] {strides = array<i32>} : memref<128xi32, #tpu.memory_space<vmem>>, vector<16xi32>,
      %swap3A_538 = vector.shape_cast %swap3A_537 : vector<16xi32> to vector<16xi32>
      %swap3A_539 = vector.shape_cast %and3A_535 : vector<16xi32> to vector<16xi32>
      tpu.vector_store %arg9[%swap3A_536], %swap3A_539 {strides = array<i32>} : memref<128xi32, #tpu.memory_space<vmem>>, vector<16xi32>,
      %add3A_540 = arith.constant 112 : i32
      %add3A_541 = arith.addi %multiple_of3A_406, %add3A_540 : i32
      %get3A_542 = arith.index_cast %add3A_541 : i32 to index
      %get3A_543 = tpu.vector_load %arg6[%get3A_542] {strides = array<i32>} : memref<10240xi32, #tpu.memory_space<vmem>>, vector<16xi32>,
      %get3A_544 = vector.shape_cast %get3A_543 : vector<16xi32> to vector<16xi32>
      %shift_right_logical3A_545 = arith.constant 14 : i32
      %shift_right_logical3A_546 = vector.broadcast %shift_right_logical3A_545 : i32 to vector<16xi32>
      %shift_right_logical3A_547 = arith.shrui %get3A_544, %shift_right_logical3A_546 : vector<16xi32>
      %swap3A_548 = arith.constant 112 : index
      %swap3A_549 = tpu.vector_load %arg7[%swap3A_548] {strides = array<i32>} : memref<128xi32, #tpu.memory_space<vmem>>, vector<16xi32>,
      %swap3A_550 = vector.shape_cast %swap3A_549 : vector<16xi32> to vector<16xi32>
      %swap3A_551 = vector.shape_cast %shift_right_logical3A_547 : vector<16xi32> to vector<16xi32>
      tpu.vector_store %arg7[%swap3A_548], %swap3A_551 {strides = array<i32>} : memref<128xi32, #tpu.memory_space<vmem>>, vector<16xi32>,
      %and3A_552 = arith.constant 16383 : i32
      %and3A_553 = vector.broadcast %and3A_552 : i32 to vector<16xi32>
      %and3A_554 = arith.andi %get3A_544, %and3A_553 : vector<16xi32>
      %swap3A_555 = arith.constant 112 : index
      %swap3A_556 = tpu.vector_load %arg9[%swap3A_555] {strides = array<i32>} : memref<128xi32, #tpu.memory_space<vmem>>, vector<16xi32>,
      %swap3A_557 = vector.shape_cast %swap3A_556 : vector<16xi32> to vector<16xi32>
      %swap3A_558 = vector.shape_cast %and3A_554 : vector<16xi32> to vector<16xi32>
      tpu.vector_store %arg9[%swap3A_555], %swap3A_558 {strides = array<i32>} : memref<128xi32, #tpu.memory_space<vmem>>, vector<16xi32>,
      %dma_start3A_559 = arith.constant 0 : i32
      %dma_start3A_560 = arith.constant 0 : i32
      %dma_start3A_561 = tpu.memref_slice %arg11[%dma_start3A_559, %dma_start3A_560] : memref<128x128xf32, #tpu.memory_space<vmem>> -> memref<64x128xf32, #tpu.memory_space<vmem>>
      %dma_start3A_562 = arith.constant 0 : i32
      %dma_start3A_563 = tpu.memref_slice %arg7[%dma_start3A_562] : memref<128xi32, #tpu.memory_space<vmem>> -> memref<64xi32, #tpu.memory_space<vmem>>
      %dma_start3A_564 = arith.constant 0 : i32
      %dma_start3A_565 = arith.constant 0 : i32
      %dma_start3A_566 = tpu.memref_slice %arg2[%dma_start3A_564, %dma_start3A_565] : memref<90000x128xf32, #tpu.memory_space<hbm>> -> memref<90000x128xf32, #tpu.memory_space<hbm>>
      tpu.enqueue_indirect_dma source(%dma_start3A_566 : memref<90000x128xf32, #tpu.memory_space<hbm>>) target(%dma_start3A_561 : memref<64x128xf32, #tpu.memory_space<vmem>>) offsets(%dma_start3A_563 : memref<64xi32, #tpu.memory_space<vmem>>) semaphore(%arg14 : memref<!tpu.dma_semaphore, #tpu.memory_space<semaphore_mem>>)
      %dma_start3A_567 = arith.constant 64 : i32
      %dma_start3A_568 = arith.constant 0 : i32
      %dma_start3A_569 = tpu.memref_slice %arg11[%dma_start3A_567, %dma_start3A_568] : memref<128x128xf32, #tpu.memory_space<vmem>> -> memref<64x128xf32, #tpu.memory_space<vmem>>
      %dma_start3A_570 = arith.constant 64 : i32
      %dma_start3A_571 = tpu.memref_slice %arg7[%dma_start3A_570] : memref<128xi32, #tpu.memory_space<vmem>> -> memref<64xi32, #tpu.memory_space<vmem>>
      %dma_start3A_572 = arith.constant 0 : i32
      %dma_start3A_573 = arith.constant 0 : i32
      %dma_start3A_574 = tpu.memref_slice %arg2[%dma_start3A_572, %dma_start3A_573] : memref<90000x128xf32, #tpu.memory_space<hbm>> -> memref<90000x128xf32, #tpu.memory_space<hbm>>
      tpu.enqueue_indirect_dma source(%dma_start3A_574 : memref<90000x128xf32, #tpu.memory_space<hbm>>) target(%dma_start3A_569 : memref<64x128xf32, #tpu.memory_space<vmem>>) offsets(%dma_start3A_571 : memref<64xi32, #tpu.memory_space<vmem>>) semaphore(%arg14 : memref<!tpu.dma_semaphore, #tpu.memory_space<semaphore_mem>>)
      %mul3A_575 = arith.constant 2 : i32
      %mul3A_576 = arith.muli %mul3A_575, %scan3A_383 : i32
      %add3A_577 = arith.constant 1 : i32
      %add3A_578 = arith.addi %mul3A_576, %add3A_577 : i32
      %dma_wait3A_579 = arith.constant 0 : i32
      %dma_wait3A_580 = arith.constant 0 : i32
      %dma_wait3A_581 = tpu.memref_slice %arg12[%dma_wait3A_579, %dma_wait3A_580] : memref<128x128xf32, #tpu.memory_space<vmem>> -> memref<64x128xf32, #tpu.memory_space<vmem>>
      %dma_wait3A_582 = arith.constant 0 : i32
      %dma_wait3A_583 = tpu.memref_slice %arg8[%dma_wait3A_582] : memref<128xi32, #tpu.memory_space<vmem>> -> memref<64xi32, #tpu.memory_space<vmem>>
      %dma_wait3A_584 = arith.constant 0 : i32
      %dma_wait3A_585 = arith.constant 0 : i32
      %dma_wait3A_586 = tpu.memref_slice %arg2[%dma_wait3A_584, %dma_wait3A_585] : memref<90000x128xf32, #tpu.memory_space<hbm>> -> memref<90000x128xf32, #tpu.memory_space<hbm>>
      tpu.wait_indirect_dma semaphore(%arg15 : memref<!tpu.dma_semaphore, #tpu.memory_space<semaphore_mem>>) src(%dma_wait3A_586 : memref<90000x128xf32, #tpu.memory_space<hbm>>) dst(%dma_wait3A_581 : memref<64x128xf32, #tpu.memory_space<vmem>>)
      %dma_wait3A_587 = arith.constant 64 : i32
      %dma_wait3A_588 = arith.constant 0 : i32
      %dma_wait3A_589 = tpu.memref_slice %arg12[%dma_wait3A_587, %dma_wait3A_588] : memref<128x128xf32, #tpu.memory_space<vmem>> -> memref<64x128xf32, #tpu.memory_space<vmem>>
      %dma_wait3A_590 = arith.constant 64 : i32
      %dma_wait3A_591 = tpu.memref_slice %arg8[%dma_wait3A_590] : memref<128xi32, #tpu.memory_space<vmem>> -> memref<64xi32, #tpu.memory_space<vmem>>
      %dma_wait3A_592 = arith.constant 0 : i32
      %dma_wait3A_593 = arith.constant 0 : i32
      %dma_wait3A_594 = tpu.memref_slice %arg2[%dma_wait3A_592, %dma_wait3A_593] : memref<90000x128xf32, #tpu.memory_space<hbm>> -> memref<90000x128xf32, #tpu.memory_space<hbm>>
      tpu.wait_indirect_dma semaphore(%arg15 : memref<!tpu.dma_semaphore, #tpu.memory_space<semaphore_mem>>) src(%dma_wait3A_594 : memref<90000x128xf32, #tpu.memory_space<hbm>>) dst(%dma_wait3A_589 : memref<64x128xf32, #tpu.memory_space<vmem>>)
      "tpu.region"() ({
        %run_scoped3A_768 = tpu.sem_alloc : memref<!tpu.dma_semaphore, #tpu.memory_space<semaphore_mem>>
        %dma_start3A_769 = arith.constant 0 : i32
        %dma_start3A_770 = arith.constant 0 : i32
        %dma_start3A_771 = tpu.memref_slice %arg13[%dma_start3A_769, %dma_start3A_770] : memref<10112x128xf32, #tpu.memory_space<vmem_shared>> -> memref<10112x128xf32, #tpu.memory_space<vmem_shared>>
        tpu.enqueue_indirect_dma source(%arg12 : memref<128x128xf32, #tpu.memory_space<vmem>>) target(%dma_start3A_771 : memref<10112x128xf32, #tpu.memory_space<vmem_shared>>) offsets(%arg10 : memref<128xi32, #tpu.memory_space<vmem>>) semaphore(%run_scoped3A_768 : memref<!tpu.dma_semaphore, #tpu.memory_space<semaphore_mem>>) {add = true}
        %dma_wait3A_772 = arith.constant 0 : i32
        %dma_wait3A_773 = arith.constant 0 : i32
        %dma_wait3A_774 = tpu.memref_slice %arg13[%dma_wait3A_772, %dma_wait3A_773] : memref<10112x128xf32, #tpu.memory_space<vmem_shared>> -> memref<10112x128xf32, #tpu.memory_space<vmem_shared>>
        tpu.wait_indirect_dma semaphore(%run_scoped3A_768 : memref<!tpu.dma_semaphore, #tpu.memory_space<semaphore_mem>>) src(%arg12 : memref<128x128xf32, #tpu.memory_space<vmem>>) dst(%dma_wait3A_774 : memref<10112x128xf32, #tpu.memory_space<vmem_shared>>)
        tpu.yield
      }) : () -> ()
      %add3A_595 = arith.constant 2 : i32
      %add3A_596 = arith.addi %add3A_578, %add3A_595 : i32
      %mul3A_597 = arith.constant 128 : i32
      %mul3A_598 = arith.muli %add3A_596, %mul3A_597 : i32
      %multiple_of3A_599 = tpu.assume_multiple %mul3A_598, 128 : i32
      %add3A_600 = arith.constant 0 : i32
      %add3A_601 = arith.addi %multiple_of3A_599, %add3A_600 : i32
      %get3A_602 = arith.index_cast %add3A_601 : i32 to index
      %get3A_603 = tpu.vector_load %arg6[%get3A_602] {strides = array<i32>} : memref<10240xi32, #tpu.memory_space<vmem>>, vector<16xi32>,
      %get3A_604 = vector.shape_cast %get3A_603 : vector<16xi32> to vector<16xi32>
      %shift_right_logical3A_605 = arith.constant 14 : i32
      %shift_right_logical3A_606 = vector.broadcast %shift_right_logical3A_605 : i32 to vector<16xi32>
      %shift_right_logical3A_607 = arith.shrui %get3A_604, %shift_right_logical3A_606 : vector<16xi32>
      %swap3A_608 = arith.constant 0 : index
      %swap3A_609 = tpu.vector_load %arg8[%swap3A_608] {strides = array<i32>} : memref<128xi32, #tpu.memory_space<vmem>>, vector<16xi32>,
      %swap3A_610 = vector.shape_cast %swap3A_609 : vector<16xi32> to vector<16xi32>
      %swap3A_611 = vector.shape_cast %shift_right_logical3A_607 : vector<16xi32> to vector<16xi32>
      tpu.vector_store %arg8[%swap3A_608], %swap3A_611 {strides = array<i32>} : memref<128xi32, #tpu.memory_space<vmem>>, vector<16xi32>,
      %and3A_612 = arith.constant 16383 : i32
      %and3A_613 = vector.broadcast %and3A_612 : i32 to vector<16xi32>
      %and3A_614 = arith.andi %get3A_604, %and3A_613 : vector<16xi32>
      %swap3A_615 = arith.constant 0 : index
      %swap3A_616 = tpu.vector_load %arg10[%swap3A_615] {strides = array<i32>} : memref<128xi32, #tpu.memory_space<vmem>>, vector<16xi32>,
      %swap3A_617 = vector.shape_cast %swap3A_616 : vector<16xi32> to vector<16xi32>
      %swap3A_618 = vector.shape_cast %and3A_614 : vector<16xi32> to vector<16xi32>
      tpu.vector_store %arg10[%swap3A_615], %swap3A_618 {strides = array<i32>} : memref<128xi32, #tpu.memory_space<vmem>>, vector<16xi32>,
      %add3A_619 = arith.constant 16 : i32
      %add3A_620 = arith.addi %multiple_of3A_599, %add3A_619 : i32
      %get3A_621 = arith.index_cast %add3A_620 : i32 to index
      %get3A_622 = tpu.vector_load %arg6[%get3A_621] {strides = array<i32>} : memref<10240xi32, #tpu.memory_space<vmem>>, vector<16xi32>,
      %get3A_623 = vector.shape_cast %get3A_622 : vector<16xi32> to vector<16xi32>
      %shift_right_logical3A_624 = arith.constant 14 : i32
      %shift_right_logical3A_625 = vector.broadcast %shift_right_logical3A_624 : i32 to vector<16xi32>
      %shift_right_logical3A_626 = arith.shrui %get3A_623, %shift_right_logical3A_625 : vector<16xi32>
      %swap3A_627 = arith.constant 16 : index
      %swap3A_628 = tpu.vector_load %arg8[%swap3A_627] {strides = array<i32>} : memref<128xi32, #tpu.memory_space<vmem>>, vector<16xi32>,
      %swap3A_629 = vector.shape_cast %swap3A_628 : vector<16xi32> to vector<16xi32>
      %swap3A_630 = vector.shape_cast %shift_right_logical3A_626 : vector<16xi32> to vector<16xi32>
      tpu.vector_store %arg8[%swap3A_627], %swap3A_630 {strides = array<i32>} : memref<128xi32, #tpu.memory_space<vmem>>, vector<16xi32>,
      %and3A_631 = arith.constant 16383 : i32
      %and3A_632 = vector.broadcast %and3A_631 : i32 to vector<16xi32>
      %and3A_633 = arith.andi %get3A_623, %and3A_632 : vector<16xi32>
      %swap3A_634 = arith.constant 16 : index
      %swap3A_635 = tpu.vector_load %arg10[%swap3A_634] {strides = array<i32>} : memref<128xi32, #tpu.memory_space<vmem>>, vector<16xi32>,
      %swap3A_636 = vector.shape_cast %swap3A_635 : vector<16xi32> to vector<16xi32>
      %swap3A_637 = vector.shape_cast %and3A_633 : vector<16xi32> to vector<16xi32>
      tpu.vector_store %arg10[%swap3A_634], %swap3A_637 {strides = array<i32>} : memref<128xi32, #tpu.memory_space<vmem>>, vector<16xi32>,
      %add3A_638 = arith.constant 32 : i32
      %add3A_639 = arith.addi %multiple_of3A_599, %add3A_638 : i32
      %get3A_640 = arith.index_cast %add3A_639 : i32 to index
      %get3A_641 = tpu.vector_load %arg6[%get3A_640] {strides = array<i32>} : memref<10240xi32, #tpu.memory_space<vmem>>, vector<16xi32>,
      %get3A_642 = vector.shape_cast %get3A_641 : vector<16xi32> to vector<16xi32>
      %shift_right_logical3A_643 = arith.constant 14 : i32
      %shift_right_logical3A_644 = vector.broadcast %shift_right_logical3A_643 : i32 to vector<16xi32>
      %shift_right_logical3A_645 = arith.shrui %get3A_642, %shift_right_logical3A_644 : vector<16xi32>
      %swap3A_646 = arith.constant 32 : index
      %swap3A_647 = tpu.vector_load %arg8[%swap3A_646] {strides = array<i32>} : memref<128xi32, #tpu.memory_space<vmem>>, vector<16xi32>,
      %swap3A_648 = vector.shape_cast %swap3A_647 : vector<16xi32> to vector<16xi32>
      %swap3A_649 = vector.shape_cast %shift_right_logical3A_645 : vector<16xi32> to vector<16xi32>
      tpu.vector_store %arg8[%swap3A_646], %swap3A_649 {strides = array<i32>} : memref<128xi32, #tpu.memory_space<vmem>>, vector<16xi32>,
      %and3A_650 = arith.constant 16383 : i32
      %and3A_651 = vector.broadcast %and3A_650 : i32 to vector<16xi32>
      %and3A_652 = arith.andi %get3A_642, %and3A_651 : vector<16xi32>
      %swap3A_653 = arith.constant 32 : index
      %swap3A_654 = tpu.vector_load %arg10[%swap3A_653] {strides = array<i32>} : memref<128xi32, #tpu.memory_space<vmem>>, vector<16xi32>,
      %swap3A_655 = vector.shape_cast %swap3A_654 : vector<16xi32> to vector<16xi32>
      %swap3A_656 = vector.shape_cast %and3A_652 : vector<16xi32> to vector<16xi32>
      tpu.vector_store %arg10[%swap3A_653], %swap3A_656 {strides = array<i32>} : memref<128xi32, #tpu.memory_space<vmem>>, vector<16xi32>,
      %add3A_657 = arith.constant 48 : i32
      %add3A_658 = arith.addi %multiple_of3A_599, %add3A_657 : i32
      %get3A_659 = arith.index_cast %add3A_658 : i32 to index
      %get3A_660 = tpu.vector_load %arg6[%get3A_659] {strides = array<i32>} : memref<10240xi32, #tpu.memory_space<vmem>>, vector<16xi32>,
      %get3A_661 = vector.shape_cast %get3A_660 : vector<16xi32> to vector<16xi32>
      %shift_right_logical3A_662 = arith.constant 14 : i32
      %shift_right_logical3A_663 = vector.broadcast %shift_right_logical3A_662 : i32 to vector<16xi32>
      %shift_right_logical3A_664 = arith.shrui %get3A_661, %shift_right_logical3A_663 : vector<16xi32>
      %swap3A_665 = arith.constant 48 : index
      %swap3A_666 = tpu.vector_load %arg8[%swap3A_665] {strides = array<i32>} : memref<128xi32, #tpu.memory_space<vmem>>, vector<16xi32>,
      %swap3A_667 = vector.shape_cast %swap3A_666 : vector<16xi32> to vector<16xi32>
      %swap3A_668 = vector.shape_cast %shift_right_logical3A_664 : vector<16xi32> to vector<16xi32>
      tpu.vector_store %arg8[%swap3A_665], %swap3A_668 {strides = array<i32>} : memref<128xi32, #tpu.memory_space<vmem>>, vector<16xi32>,
      %and3A_669 = arith.constant 16383 : i32
      %and3A_670 = vector.broadcast %and3A_669 : i32 to vector<16xi32>
      %and3A_671 = arith.andi %get3A_661, %and3A_670 : vector<16xi32>
      %swap3A_672 = arith.constant 48 : index
      %swap3A_673 = tpu.vector_load %arg10[%swap3A_672] {strides = array<i32>} : memref<128xi32, #tpu.memory_space<vmem>>, vector<16xi32>,
      %swap3A_674 = vector.shape_cast %swap3A_673 : vector<16xi32> to vector<16xi32>
      %swap3A_675 = vector.shape_cast %and3A_671 : vector<16xi32> to vector<16xi32>
      tpu.vector_store %arg10[%swap3A_672], %swap3A_675 {strides = array<i32>} : memref<128xi32, #tpu.memory_space<vmem>>, vector<16xi32>,
      %add3A_676 = arith.constant 64 : i32
      %add3A_677 = arith.addi %multiple_of3A_599, %add3A_676 : i32
      %get3A_678 = arith.index_cast %add3A_677 : i32 to index
      %get3A_679 = tpu.vector_load %arg6[%get3A_678] {strides = array<i32>} : memref<10240xi32, #tpu.memory_space<vmem>>, vector<16xi32>,
      %get3A_680 = vector.shape_cast %get3A_679 : vector<16xi32> to vector<16xi32>
      %shift_right_logical3A_681 = arith.constant 14 : i32
      %shift_right_logical3A_682 = vector.broadcast %shift_right_logical3A_681 : i32 to vector<16xi32>
      %shift_right_logical3A_683 = arith.shrui %get3A_680, %shift_right_logical3A_682 : vector<16xi32>
      %swap3A_684 = arith.constant 64 : index
      %swap3A_685 = tpu.vector_load %arg8[%swap3A_684] {strides = array<i32>} : memref<128xi32, #tpu.memory_space<vmem>>, vector<16xi32>,
      %swap3A_686 = vector.shape_cast %swap3A_685 : vector<16xi32> to vector<16xi32>
      %swap3A_687 = vector.shape_cast %shift_right_logical3A_683 : vector<16xi32> to vector<16xi32>
      tpu.vector_store %arg8[%swap3A_684], %swap3A_687 {strides = array<i32>} : memref<128xi32, #tpu.memory_space<vmem>>, vector<16xi32>,
      %and3A_688 = arith.constant 16383 : i32
      %and3A_689 = vector.broadcast %and3A_688 : i32 to vector<16xi32>
      %and3A_690 = arith.andi %get3A_680, %and3A_689 : vector<16xi32>
      %swap3A_691 = arith.constant 64 : index
      %swap3A_692 = tpu.vector_load %arg10[%swap3A_691] {strides = array<i32>} : memref<128xi32, #tpu.memory_space<vmem>>, vector<16xi32>,
      %swap3A_693 = vector.shape_cast %swap3A_692 : vector<16xi32> to vector<16xi32>
      %swap3A_694 = vector.shape_cast %and3A_690 : vector<16xi32> to vector<16xi32>
      tpu.vector_store %arg10[%swap3A_691], %swap3A_694 {strides = array<i32>} : memref<128xi32, #tpu.memory_space<vmem>>, vector<16xi32>,
      %add3A_695 = arith.constant 80 : i32
      %add3A_696 = arith.addi %multiple_of3A_599, %add3A_695 : i32
      %get3A_697 = arith.index_cast %add3A_696 : i32 to index
      %get3A_698 = tpu.vector_load %arg6[%get3A_697] {strides = array<i32>} : memref<10240xi32, #tpu.memory_space<vmem>>, vector<16xi32>,
      %get3A_699 = vector.shape_cast %get3A_698 : vector<16xi32> to vector<16xi32>
      %shift_right_logical3A_700 = arith.constant 14 : i32
      %shift_right_logical3A_701 = vector.broadcast %shift_right_logical3A_700 : i32 to vector<16xi32>
      %shift_right_logical3A_702 = arith.shrui %get3A_699, %shift_right_logical3A_701 : vector<16xi32>
      %swap3A_703 = arith.constant 80 : index
      %swap3A_704 = tpu.vector_load %arg8[%swap3A_703] {strides = array<i32>} : memref<128xi32, #tpu.memory_space<vmem>>, vector<16xi32>,
      %swap3A_705 = vector.shape_cast %swap3A_704 : vector<16xi32> to vector<16xi32>
      %swap3A_706 = vector.shape_cast %shift_right_logical3A_702 : vector<16xi32> to vector<16xi32>
      tpu.vector_store %arg8[%swap3A_703], %swap3A_706 {strides = array<i32>} : memref<128xi32, #tpu.memory_space<vmem>>, vector<16xi32>,
      %and3A_707 = arith.constant 16383 : i32
      %and3A_708 = vector.broadcast %and3A_707 : i32 to vector<16xi32>
      %and3A_709 = arith.andi %get3A_699, %and3A_708 : vector<16xi32>
      %swap3A_710 = arith.constant 80 : index
      %swap3A_711 = tpu.vector_load %arg10[%swap3A_710] {strides = array<i32>} : memref<128xi32, #tpu.memory_space<vmem>>, vector<16xi32>,
      %swap3A_712 = vector.shape_cast %swap3A_711 : vector<16xi32> to vector<16xi32>
      %swap3A_713 = vector.shape_cast %and3A_709 : vector<16xi32> to vector<16xi32>
      tpu.vector_store %arg10[%swap3A_710], %swap3A_713 {strides = array<i32>} : memref<128xi32, #tpu.memory_space<vmem>>, vector<16xi32>,
      %add3A_714 = arith.constant 96 : i32
      %add3A_715 = arith.addi %multiple_of3A_599, %add3A_714 : i32
      %get3A_716 = arith.index_cast %add3A_715 : i32 to index
      %get3A_717 = tpu.vector_load %arg6[%get3A_716] {strides = array<i32>} : memref<10240xi32, #tpu.memory_space<vmem>>, vector<16xi32>,
      %get3A_718 = vector.shape_cast %get3A_717 : vector<16xi32> to vector<16xi32>
      %shift_right_logical3A_719 = arith.constant 14 : i32
      %shift_right_logical3A_720 = vector.broadcast %shift_right_logical3A_719 : i32 to vector<16xi32>
      %shift_right_logical3A_721 = arith.shrui %get3A_718, %shift_right_logical3A_720 : vector<16xi32>
      %swap3A_722 = arith.constant 96 : index
      %swap3A_723 = tpu.vector_load %arg8[%swap3A_722] {strides = array<i32>} : memref<128xi32, #tpu.memory_space<vmem>>, vector<16xi32>,
      %swap3A_724 = vector.shape_cast %swap3A_723 : vector<16xi32> to vector<16xi32>
      %swap3A_725 = vector.shape_cast %shift_right_logical3A_721 : vector<16xi32> to vector<16xi32>
      tpu.vector_store %arg8[%swap3A_722], %swap3A_725 {strides = array<i32>} : memref<128xi32, #tpu.memory_space<vmem>>, vector<16xi32>,
      %and3A_726 = arith.constant 16383 : i32
      %and3A_727 = vector.broadcast %and3A_726 : i32 to vector<16xi32>
      %and3A_728 = arith.andi %get3A_718, %and3A_727 : vector<16xi32>
      %swap3A_729 = arith.constant 96 : index
      %swap3A_730 = tpu.vector_load %arg10[%swap3A_729] {strides = array<i32>} : memref<128xi32, #tpu.memory_space<vmem>>, vector<16xi32>,
      %swap3A_731 = vector.shape_cast %swap3A_730 : vector<16xi32> to vector<16xi32>
      %swap3A_732 = vector.shape_cast %and3A_728 : vector<16xi32> to vector<16xi32>
      tpu.vector_store %arg10[%swap3A_729], %swap3A_732 {strides = array<i32>} : memref<128xi32, #tpu.memory_space<vmem>>, vector<16xi32>,
      %add3A_733 = arith.constant 112 : i32
      %add3A_734 = arith.addi %multiple_of3A_599, %add3A_733 : i32
      %get3A_735 = arith.index_cast %add3A_734 : i32 to index
      %get3A_736 = tpu.vector_load %arg6[%get3A_735] {strides = array<i32>} : memref<10240xi32, #tpu.memory_space<vmem>>, vector<16xi32>,
      %get3A_737 = vector.shape_cast %get3A_736 : vector<16xi32> to vector<16xi32>
      %shift_right_logical3A_738 = arith.constant 14 : i32
      %shift_right_logical3A_739 = vector.broadcast %shift_right_logical3A_738 : i32 to vector<16xi32>
      %shift_right_logical3A_740 = arith.shrui %get3A_737, %shift_right_logical3A_739 : vector<16xi32>
      %swap3A_741 = arith.constant 112 : index
      %swap3A_742 = tpu.vector_load %arg8[%swap3A_741] {strides = array<i32>} : memref<128xi32, #tpu.memory_space<vmem>>, vector<16xi32>,
      %swap3A_743 = vector.shape_cast %swap3A_742 : vector<16xi32> to vector<16xi32>
      %swap3A_744 = vector.shape_cast %shift_right_logical3A_740 : vector<16xi32> to vector<16xi32>
      tpu.vector_store %arg8[%swap3A_741], %swap3A_744 {strides = array<i32>} : memref<128xi32, #tpu.memory_space<vmem>>, vector<16xi32>,
      %and3A_745 = arith.constant 16383 : i32
      %and3A_746 = vector.broadcast %and3A_745 : i32 to vector<16xi32>
      %and3A_747 = arith.andi %get3A_737, %and3A_746 : vector<16xi32>
      %swap3A_748 = arith.constant 112 : index
      %swap3A_749 = tpu.vector_load %arg10[%swap3A_748] {strides = array<i32>} : memref<128xi32, #tpu.memory_space<vmem>>, vector<16xi32>,
      %swap3A_750 = vector.shape_cast %swap3A_749 : vector<16xi32> to vector<16xi32>
      %swap3A_751 = vector.shape_cast %and3A_747 : vector<16xi32> to vector<16xi32>
      tpu.vector_store %arg10[%swap3A_748], %swap3A_751 {strides = array<i32>} : memref<128xi32, #tpu.memory_space<vmem>>, vector<16xi32>,
      %dma_start3A_752 = arith.constant 0 : i32
      %dma_start3A_753 = arith.constant 0 : i32
      %dma_start3A_754 = tpu.memref_slice %arg12[%dma_start3A_752, %dma_start3A_753] : memref<128x128xf32, #tpu.memory_space<vmem>> -> memref<64x128xf32, #tpu.memory_space<vmem>>
      %dma_start3A_755 = arith.constant 0 : i32
      %dma_start3A_756 = tpu.memref_slice %arg8[%dma_start3A_755] : memref<128xi32, #tpu.memory_space<vmem>> -> memref<64xi32, #tpu.memory_space<vmem>>
      %dma_start3A_757 = arith.constant 0 : i32
      %dma_start3A_758 = arith.constant 0 : i32
      %dma_start3A_759 = tpu.memref_slice %arg2[%dma_start3A_757, %dma_start3A_758] : memref<90000x128xf32, #tpu.memory_space<hbm>> -> memref<90000x128xf32, #tpu.memory_space<hbm>>
      tpu.enqueue_indirect_dma source(%dma_start3A_759 : memref<90000x128xf32, #tpu.memory_space<hbm>>) target(%dma_start3A_754 : memref<64x128xf32, #tpu.memory_space<vmem>>) offsets(%dma_start3A_756 : memref<64xi32, #tpu.memory_space<vmem>>) semaphore(%arg15 : memref<!tpu.dma_semaphore, #tpu.memory_space<semaphore_mem>>)
      %dma_start3A_760 = arith.constant 64 : i32
      %dma_start3A_761 = arith.constant 0 : i32
      %dma_start3A_762 = tpu.memref_slice %arg12[%dma_start3A_760, %dma_start3A_761] : memref<128x128xf32, #tpu.memory_space<vmem>> -> memref<64x128xf32, #tpu.memory_space<vmem>>
      %dma_start3A_763 = arith.constant 64 : i32
      %dma_start3A_764 = tpu.memref_slice %arg8[%dma_start3A_763] : memref<128xi32, #tpu.memory_space<vmem>> -> memref<64xi32, #tpu.memory_space<vmem>>
      %dma_start3A_765 = arith.constant 0 : i32
      %dma_start3A_766 = arith.constant 0 : i32
      %dma_start3A_767 = tpu.memref_slice %arg2[%dma_start3A_765, %dma_start3A_766] : memref<90000x128xf32, #tpu.memory_space<hbm>> -> memref<90000x128xf32, #tpu.memory_space<hbm>>
      tpu.enqueue_indirect_dma source(%dma_start3A_767 : memref<90000x128xf32, #tpu.memory_space<hbm>>) target(%dma_start3A_762 : memref<64x128xf32, #tpu.memory_space<vmem>>) offsets(%dma_start3A_764 : memref<64xi32, #tpu.memory_space<vmem>>) semaphore(%arg15 : memref<!tpu.dma_semaphore, #tpu.memory_space<semaphore_mem>>)
    }
    %scan3A_346 = arith.constant 39 : i32
    %dma_wait3A = arith.constant 0 : i32
    %dma_wait3A_347 = arith.constant 0 : i32
    %dma_wait3A_348 = tpu.memref_slice %arg11[%dma_wait3A, %dma_wait3A_347] : memref<128x128xf32, #tpu.memory_space<vmem>> -> memref<64x128xf32, #tpu.memory_space<vmem>>
    %dma_wait3A_349 = arith.constant 0 : i32
    %dma_wait3A_350 = tpu.memref_slice %arg7[%dma_wait3A_349] : memref<128xi32, #tpu.memory_space<vmem>> -> memref<64xi32, #tpu.memory_space<vmem>>
    %dma_wait3A_351 = arith.constant 0 : i32
    %dma_wait3A_352 = arith.constant 0 : i32
    %dma_wait3A_353 = tpu.memref_slice %arg2[%dma_wait3A_351, %dma_wait3A_352] : memref<90000x128xf32, #tpu.memory_space<hbm>> -> memref<90000x128xf32, #tpu.memory_space<hbm>>
    tpu.wait_indirect_dma semaphore(%arg14 : memref<!tpu.dma_semaphore, #tpu.memory_space<semaphore_mem>>) src(%dma_wait3A_353 : memref<90000x128xf32, #tpu.memory_space<hbm>>) dst(%dma_wait3A_348 : memref<64x128xf32, #tpu.memory_space<vmem>>)
    %dma_wait3A_354 = arith.constant 64 : i32
    %dma_wait3A_355 = arith.constant 0 : i32
    %dma_wait3A_356 = tpu.memref_slice %arg11[%dma_wait3A_354, %dma_wait3A_355] : memref<128x128xf32, #tpu.memory_space<vmem>> -> memref<64x128xf32, #tpu.memory_space<vmem>>
    %dma_wait3A_357 = arith.constant 64 : i32
    %dma_wait3A_358 = tpu.memref_slice %arg7[%dma_wait3A_357] : memref<128xi32, #tpu.memory_space<vmem>> -> memref<64xi32, #tpu.memory_space<vmem>>
    %dma_wait3A_359 = arith.constant 0 : i32
    %dma_wait3A_360 = arith.constant 0 : i32
    %dma_wait3A_361 = tpu.memref_slice %arg2[%dma_wait3A_359, %dma_wait3A_360] : memref<90000x128xf32, #tpu.memory_space<hbm>> -> memref<90000x128xf32, #tpu.memory_space<hbm>>
    tpu.wait_indirect_dma semaphore(%arg14 : memref<!tpu.dma_semaphore, #tpu.memory_space<semaphore_mem>>) src(%dma_wait3A_361 : memref<90000x128xf32, #tpu.memory_space<hbm>>) dst(%dma_wait3A_356 : memref<64x128xf32, #tpu.memory_space<vmem>>)
    "tpu.region"() ({
      %run_scoped3A_383 = tpu.sem_alloc : memref<!tpu.dma_semaphore, #tpu.memory_space<semaphore_mem>>
      %dma_start3A_384 = arith.constant 0 : i32
      %dma_start3A_385 = arith.constant 0 : i32
      %dma_start3A_386 = tpu.memref_slice %arg13[%dma_start3A_384, %dma_start3A_385] : memref<10112x128xf32, #tpu.memory_space<vmem_shared>> -> memref<10112x128xf32, #tpu.memory_space<vmem_shared>>
      tpu.enqueue_indirect_dma source(%arg11 : memref<128x128xf32, #tpu.memory_space<vmem>>) target(%dma_start3A_386 : memref<10112x128xf32, #tpu.memory_space<vmem_shared>>) offsets(%arg9 : memref<128xi32, #tpu.memory_space<vmem>>) semaphore(%run_scoped3A_383 : memref<!tpu.dma_semaphore, #tpu.memory_space<semaphore_mem>>) {add = true}
      %dma_wait3A_387 = arith.constant 0 : i32
      %dma_wait3A_388 = arith.constant 0 : i32
      %dma_wait3A_389 = tpu.memref_slice %arg13[%dma_wait3A_387, %dma_wait3A_388] : memref<10112x128xf32, #tpu.memory_space<vmem_shared>> -> memref<10112x128xf32, #tpu.memory_space<vmem_shared>>
      tpu.wait_indirect_dma semaphore(%run_scoped3A_383 : memref<!tpu.dma_semaphore, #tpu.memory_space<semaphore_mem>>) src(%arg11 : memref<128x128xf32, #tpu.memory_space<vmem>>) dst(%dma_wait3A_389 : memref<10112x128xf32, #tpu.memory_space<vmem_shared>>)
      tpu.yield
    }) : () -> ()
    %dma_wait3A_362 = arith.constant 0 : i32
    %dma_wait3A_363 = arith.constant 0 : i32
    %dma_wait3A_364 = tpu.memref_slice %arg12[%dma_wait3A_362, %dma_wait3A_363] : memref<128x128xf32, #tpu.memory_space<vmem>> -> memref<64x128xf32, #tpu.memory_space<vmem>>
    %dma_wait3A_365 = arith.constant 0 : i32
    %dma_wait3A_366 = tpu.memref_slice %arg8[%dma_wait3A_365] : memref<128xi32, #tpu.memory_space<vmem>> -> memref<64xi32, #tpu.memory_space<vmem>>
    %dma_wait3A_367 = arith.constant 0 : i32
    %dma_wait3A_368 = arith.constant 0 : i32
    %dma_wait3A_369 = tpu.memref_slice %arg2[%dma_wait3A_367, %dma_wait3A_368] : memref<90000x128xf32, #tpu.memory_space<hbm>> -> memref<90000x128xf32, #tpu.memory_space<hbm>>
    tpu.wait_indirect_dma semaphore(%arg15 : memref<!tpu.dma_semaphore, #tpu.memory_space<semaphore_mem>>) src(%dma_wait3A_369 : memref<90000x128xf32, #tpu.memory_space<hbm>>) dst(%dma_wait3A_364 : memref<64x128xf32, #tpu.memory_space<vmem>>)
    %dma_wait3A_370 = arith.constant 64 : i32
    %dma_wait3A_371 = arith.constant 0 : i32
    %dma_wait3A_372 = tpu.memref_slice %arg12[%dma_wait3A_370, %dma_wait3A_371] : memref<128x128xf32, #tpu.memory_space<vmem>> -> memref<64x128xf32, #tpu.memory_space<vmem>>
    %dma_wait3A_373 = arith.constant 64 : i32
    %dma_wait3A_374 = tpu.memref_slice %arg8[%dma_wait3A_373] : memref<128xi32, #tpu.memory_space<vmem>> -> memref<64xi32, #tpu.memory_space<vmem>>
    %dma_wait3A_375 = arith.constant 0 : i32
    %dma_wait3A_376 = arith.constant 0 : i32
    %dma_wait3A_377 = tpu.memref_slice %arg2[%dma_wait3A_375, %dma_wait3A_376] : memref<90000x128xf32, #tpu.memory_space<hbm>> -> memref<90000x128xf32, #tpu.memory_space<hbm>>
    tpu.wait_indirect_dma semaphore(%arg15 : memref<!tpu.dma_semaphore, #tpu.memory_space<semaphore_mem>>) src(%dma_wait3A_377 : memref<90000x128xf32, #tpu.memory_space<hbm>>) dst(%dma_wait3A_372 : memref<64x128xf32, #tpu.memory_space<vmem>>)
    "tpu.region"() ({
      %run_scoped3A_383 = tpu.sem_alloc : memref<!tpu.dma_semaphore, #tpu.memory_space<semaphore_mem>>
      %dma_start3A_384 = arith.constant 0 : i32
      %dma_start3A_385 = arith.constant 0 : i32
      %dma_start3A_386 = tpu.memref_slice %arg13[%dma_start3A_384, %dma_start3A_385] : memref<10112x128xf32, #tpu.memory_space<vmem_shared>> -> memref<10112x128xf32, #tpu.memory_space<vmem_shared>>
      tpu.enqueue_indirect_dma source(%arg12 : memref<128x128xf32, #tpu.memory_space<vmem>>) target(%dma_start3A_386 : memref<10112x128xf32, #tpu.memory_space<vmem_shared>>) offsets(%arg10 : memref<128xi32, #tpu.memory_space<vmem>>) semaphore(%run_scoped3A_383 : memref<!tpu.dma_semaphore, #tpu.memory_space<semaphore_mem>>) {add = true}
      %dma_wait3A_387 = arith.constant 0 : i32
      %dma_wait3A_388 = arith.constant 0 : i32
      %dma_wait3A_389 = tpu.memref_slice %arg13[%dma_wait3A_387, %dma_wait3A_388] : memref<10112x128xf32, #tpu.memory_space<vmem_shared>> -> memref<10112x128xf32, #tpu.memory_space<vmem_shared>>
      tpu.wait_indirect_dma semaphore(%run_scoped3A_383 : memref<!tpu.dma_semaphore, #tpu.memory_space<semaphore_mem>>) src(%arg12 : memref<128x128xf32, #tpu.memory_space<vmem>>) dst(%dma_wait3A_389 : memref<10112x128xf32, #tpu.memory_space<vmem_shared>>)
      tpu.yield
    }) : () -> ()
    %barrier3A_378 = arith.constant 0 : index
    tpu.barrier barrier_id(%barrier3A_378)
    %mul3A_379 = arith.constant 632 : i32
    %mul3A_380 = arith.muli %arg1, %mul3A_379 : i32
    %mul3A_381 = arith.constant 632 : i32
    %mul3A_382 = arith.muli %arg1, %mul3A_381 : i32
    "tpu.region"() ({
      %run_scoped3A_383 = tpu.sem_alloc : memref<!tpu.dma_semaphore, #tpu.memory_space<semaphore_mem>>
      %dma_start3A_384 = arith.constant 0 : i32
      %dma_start3A_385 = tpu.memref_slice %arg5[%arg0, %mul3A_382, %dma_start3A_384] : memref<2x10112x128xf32, #tpu.memory_space<hbm>> -> memref<1x632x128xf32, #tpu.memory_space<hbm>>
      %dma_start3A_386 = tpu.memref_squeeze %dma_start3A_385 : memref<1x632x128xf32, #tpu.memory_space<hbm>> -> memref<632x128xf32, #tpu.memory_space<hbm>>
      %dma_start3A_387 = arith.constant 0 : i32
      %dma_start3A_388 = tpu.memref_slice %arg13[%mul3A_380, %dma_start3A_387] : memref<10112x128xf32, #tpu.memory_space<vmem_shared>> -> memref<632x128xf32, #tpu.memory_space<vmem_shared>>
      tpu.enqueue_dma source(%dma_start3A_388 : memref<632x128xf32, #tpu.memory_space<vmem_shared>>) target(%dma_start3A_386 : memref<632x128xf32, #tpu.memory_space<hbm>>) target_semaphore(%run_scoped3A_383 : memref<!tpu.dma_semaphore, #tpu.memory_space<semaphore_mem>>)
      %dma_wait3A_389 = arith.constant 0 : i32
      %dma_wait3A_390 = tpu.memref_slice %arg5[%arg0, %mul3A_382, %dma_wait3A_389] : memref<2x10112x128xf32, #tpu.memory_space<hbm>> -> memref<1x632x128xf32, #tpu.memory_space<hbm>>
      %dma_wait3A_391 = tpu.memref_squeeze %dma_wait3A_390 : memref<1x632x128xf32, #tpu.memory_space<hbm>> -> memref<632x128xf32, #tpu.memory_space<hbm>>
      %dma_wait3A_392 = arith.constant 0 : i32
      %dma_wait3A_393 = tpu.memref_slice %arg13[%mul3A_380, %dma_wait3A_392] : memref<10112x128xf32, #tpu.memory_space<vmem_shared>> -> memref<632x128xf32, #tpu.memory_space<vmem_shared>>
      tpu.wait_dma2 semaphore(%run_scoped3A_383 : memref<!tpu.dma_semaphore, #tpu.memory_space<semaphore_mem>>) src(%dma_wait3A_393 : memref<632x128xf32, #tpu.memory_space<vmem_shared>>) dst(%dma_wait3A_391 : memref<632x128xf32, #tpu.memory_space<hbm>>)
      tpu.yield
    }) : () -> ()
    return
  }
}

#map = affine_map<(d0, d1) -> (0, 0)>
#map1 = affine_map<(d0, d1) -> (0, 0, 0)>
module attributes {stable_mosaic.version = 14 : i64} {
  func.func @body_fn(%arg0: i32, %arg1: i32, %arg2: memref<90000x128xf32, #tpu.memory_space<hbm>>, %arg3: memref<1x327680xi32, #tpu.memory_space<hbm>>, %arg4: memref<10112x128xf32, #tpu.memory_space<hbm>>, %arg5: memref<2x10112x128xf32, #tpu.memory_space<hbm>>, %arg6: memref<10240xi32, #tpu.memory_space<vmem>>, %arg7: memref<128xi32, #tpu.memory_space<vmem>>, %arg8: memref<128xi32, #tpu.memory_space<vmem>>, %arg9: memref<128xi32, #tpu.memory_space<vmem>>, %arg10: memref<128xi32, #tpu.memory_space<vmem>>, %arg11: memref<128x128xf32, #tpu.memory_space<vmem>>, %arg12: memref<128x128xf32, #tpu.memory_space<vmem>>, %arg13: memref<10112x128xf32, #tpu.memory_space<vmem_shared>>, %arg14: memref<!tpu.dma_semaphore, #tpu.memory_space<semaphore_mem>>, %arg15: memref<!tpu.dma_semaphore, #tpu.memory_space<semaphore_mem>>) attributes {dimension_semantics = [#tpu.dimension_semantics<core_parallel>, #tpu.dimension_semantics<subcore_parallel>], iteration_bounds = array<i64: 2, 16>, scalar_prefetch = 0 : i64, scratch_operands = 10 : i64, tpu.core_type = #tpu.core_type<sc_vector_subcore>, window_params = [{transform_indices = #map}, {transform_indices = #map}, {transform_indices = #map}, {transform_indices = #map1}]} {
    %mul3A = arith.constant 2 : i32
    %mul3A_0 = arith.muli %arg1, %mul3A : i32
    %add3A = arith.addi %mul3A_0, %arg0 : i32
    %mul3A_1 = arith.constant 10240 : i32
    %mul3A_2 = arith.muli %add3A, %mul3A_1 : i32
    %multiple_of3A = tpu.assume_multiple %mul3A_2, 128 : i32
    %run_scoped3A = arith.constant 0 : i32
    "tpu.region"() ({
      %run_scoped3A_383 = tpu.sem_alloc : memref<!tpu.dma_semaphore, #tpu.memory_space<semaphore_mem>>
      %dma_start3A_384 = tpu.memref_slice %arg3[%run_scoped3A, %multiple_of3A] : memref<1x327680xi32, #tpu.memory_space<hbm>> -> memref<1x10240xi32, #tpu.memory_space<hbm>>
      %dma_start3A_385 = tpu.memref_squeeze %dma_start3A_384 : memref<1x10240xi32, #tpu.memory_space<hbm>> -> memref<10240xi32, #tpu.memory_space<hbm>>
      %dma_start3A_386 = tpu.memref_slice %arg3[%run_scoped3A, %multiple_of3A] : memref<1x327680xi32, #tpu.memory_space<hbm>> -> memref<1x10240xi32, #tpu.memory_space<hbm>>
      %dma_start3A_387 = tpu.memref_squeeze %dma_start3A_386 : memref<1x10240xi32, #tpu.memory_space<hbm>> -> memref<10240xi32, #tpu.memory_space<hbm>>
      tpu.enqueue_dma source(%dma_start3A_387 : memref<10240xi32, #tpu.memory_space<hbm>>) target(%arg6 : memref<10240xi32, #tpu.memory_space<vmem>>) target_semaphore(%run_scoped3A_383 : memref<!tpu.dma_semaphore, #tpu.memory_space<semaphore_mem>>)
      %dma_wait3A_388 = tpu.memref_slice %arg3[%run_scoped3A, %multiple_of3A] : memref<1x327680xi32, #tpu.memory_space<hbm>> -> memref<1x10240xi32, #tpu.memory_space<hbm>>
      %dma_wait3A_389 = tpu.memref_squeeze %dma_wait3A_388 : memref<1x10240xi32, #tpu.memory_space<hbm>> -> memref<10240xi32, #tpu.memory_space<hbm>>
      %dma_wait3A_390 = tpu.memref_slice %arg3[%run_scoped3A, %multiple_of3A] : memref<1x327680xi32, #tpu.memory_space<hbm>> -> memref<1x10240xi32, #tpu.memory_space<hbm>>
      %dma_wait3A_391 = tpu.memref_squeeze %dma_wait3A_390 : memref<1x10240xi32, #tpu.memory_space<hbm>> -> memref<10240xi32, #tpu.memory_space<hbm>>
      tpu.wait_dma2 semaphore(%run_scoped3A_383 : memref<!tpu.dma_semaphore, #tpu.memory_space<semaphore_mem>>) src(%dma_wait3A_391 : memref<10240xi32, #tpu.memory_space<hbm>>) dst(%arg6 : memref<10240xi32, #tpu.memory_space<vmem>>)
      tpu.yield
    }) : () -> ()
    %mul3A_3 = arith.constant 632 : i32
    %mul3A_4 = arith.muli %arg1, %mul3A_3 : i32
    %mul3A_5 = arith.constant 632 : i32
    %mul3A_6 = arith.muli %arg1, %mul3A_5 : i32
    "tpu.region"() ({
      %run_scoped3A_383 = tpu.sem_alloc : memref<!tpu.dma_semaphore, #tpu.memory_space<semaphore_mem>>
      %dma_start3A_384 = arith.constant 0 : i32
      %dma_start3A_385 = tpu.memref_slice %arg13[%mul3A_6, %dma_start3A_384] : memref<10112x128xf32, #tpu.memory_space<vmem_shared>> -> memref<632x128xf32, #tpu.memory_space<vmem_shared>>
      %dma_start3A_386 = arith.constant 0 : i32
      %dma_start3A_387 = tpu.memref_slice %arg4[%mul3A_4, %dma_start3A_386] : memref<10112x128xf32, #tpu.memory_space<hbm>> -> memref<632x128xf32, #tpu.memory_space<hbm>>
      tpu.enqueue_dma source(%dma_start3A_387 : memref<632x128xf32, #tpu.memory_space<hbm>>) target(%dma_start3A_385 : memref<632x128xf32, #tpu.memory_space<vmem_shared>>) target_semaphore(%run_scoped3A_383 : memref<!tpu.dma_semaphore, #tpu.memory_space<semaphore_mem>>)
      %dma_wait3A_388 = arith.constant 0 : i32
      %dma_wait3A_389 = tpu.memref_slice %arg13[%mul3A_6, %dma_wait3A_388] : memref<10112x128xf32, #tpu.memory_space<vmem_shared>> -> memref<632x128xf32, #tpu.memory_space<vmem_shared>>
      %dma_wait3A_390 = arith.constant 0 : i32
      %dma_wait3A_391 = tpu.memref_slice %arg4[%mul3A_4, %dma_wait3A_390] : memref<10112x128xf32, #tpu.memory_space<hbm>> -> memref<632x128xf32, #tpu.memory_space<hbm>>
      tpu.wait_dma2 semaphore(%run_scoped3A_383 : memref<!tpu.dma_semaphore, #tpu.memory_space<semaphore_mem>>) src(%dma_wait3A_391 : memref<632x128xf32, #tpu.memory_space<hbm>>) dst(%dma_wait3A_389 : memref<632x128xf32, #tpu.memory_space<vmem_shared>>)
      tpu.yield
    }) : () -> ()
    %barrier3A = arith.constant 0 : index
    tpu.barrier barrier_id(%barrier3A)
    %multiple_of3A_7 = arith.constant 0 : i32
    %multiple_of3A_8 = tpu.assume_multiple %multiple_of3A_7, 128 : i32
    %add3A_9 = arith.constant 0 : i32
    %add3A_10 = arith.addi %multiple_of3A_8, %add3A_9 : i32
    %get3A = arith.index_cast %add3A_10 : i32 to index
    %get3A_11 = tpu.vector_load %arg6[%get3A] {strides = array<i32>} : memref<10240xi32, #tpu.memory_space<vmem>>, vector<16xi32>,
    %get3A_12 = vector.shape_cast %get3A_11 : vector<16xi32> to vector<16xi32>
    %shift_right_logical3A = arith.constant 14 : i32
    %shift_right_logical3A_13 = vector.broadcast %shift_right_logical3A : i32 to vector<16xi32>
    %shift_right_logical3A_14 = arith.shrui %get3A_12, %shift_right_logical3A_13 : vector<16xi32>
    %swap3A = arith.constant 0 : index
    %swap3A_15 = tpu.vector_load %arg7[%swap3A] {strides = array<i32>} : memref<128xi32, #tpu.memory_space<vmem>>, vector<16xi32>,
    %swap3A_16 = vector.shape_cast %swap3A_15 : vector<16xi32> to vector<16xi32>
    %swap3A_17 = vector.shape_cast %shift_right_logical3A_14 : vector<16xi32> to vector<16xi32>
    tpu.vector_store %arg7[%swap3A], %swap3A_17 {strides = array<i32>} : memref<128xi32, #tpu.memory_space<vmem>>, vector<16xi32>,
    %and3A = arith.constant 16383 : i32
    %and3A_18 = vector.broadcast %and3A : i32 to vector<16xi32>
    %and3A_19 = arith.andi %get3A_12, %and3A_18 : vector<16xi32>
    %swap3A_20 = arith.constant 0 : index
    %swap3A_21 = tpu.vector_load %arg9[%swap3A_20] {strides = array<i32>} : memref<128xi32, #tpu.memory_space<vmem>>, vector<16xi32>,
    %swap3A_22 = vector.shape_cast %swap3A_21 : vector<16xi32> to vector<16xi32>
    %swap3A_23 = vector.shape_cast %and3A_19 : vector<16xi32> to vector<16xi32>
    tpu.vector_store %arg9[%swap3A_20], %swap3A_23 {strides = array<i32>} : memref<128xi32, #tpu.memory_space<vmem>>, vector<16xi32>,
    %add3A_24 = arith.constant 16 : i32
    %add3A_25 = arith.addi %multiple_of3A_8, %add3A_24 : i32
    %get3A_26 = arith.index_cast %add3A_25 : i32 to index
    %get3A_27 = tpu.vector_load %arg6[%get3A_26] {strides = array<i32>} : memref<10240xi32, #tpu.memory_space<vmem>>, vector<16xi32>,
    %get3A_28 = vector.shape_cast %get3A_27 : vector<16xi32> to vector<16xi32>
    %shift_right_logical3A_29 = arith.constant 14 : i32
    %shift_right_logical3A_30 = vector.broadcast %shift_right_logical3A_29 : i32 to vector<16xi32>
    %shift_right_logical3A_31 = arith.shrui %get3A_28, %shift_right_logical3A_30 : vector<16xi32>
    %swap3A_32 = arith.constant 16 : index
    %swap3A_33 = tpu.vector_load %arg7[%swap3A_32] {strides = array<i32>} : memref<128xi32, #tpu.memory_space<vmem>>, vector<16xi32>,
    %swap3A_34 = vector.shape_cast %swap3A_33 : vector<16xi32> to vector<16xi32>
    %swap3A_35 = vector.shape_cast %shift_right_logical3A_31 : vector<16xi32> to vector<16xi32>
    tpu.vector_store %arg7[%swap3A_32], %swap3A_35 {strides = array<i32>} : memref<128xi32, #tpu.memory_space<vmem>>, vector<16xi32>,
    %and3A_36 = arith.constant 16383 : i32
    %and3A_37 = vector.broadcast %and3A_36 : i32 to vector<16xi32>
    %and3A_38 = arith.andi %get3A_28, %and3A_37 : vector<16xi32>
    %swap3A_39 = arith.constant 16 : index
    %swap3A_40 = tpu.vector_load %arg9[%swap3A_39] {strides = array<i32>} : memref<128xi32, #tpu.memory_space<vmem>>, vector<16xi32>,
    %swap3A_41 = vector.shape_cast %swap3A_40 : vector<16xi32> to vector<16xi32>
    %swap3A_42 = vector.shape_cast %and3A_38 : vector<16xi32> to vector<16xi32>
    tpu.vector_store %arg9[%swap3A_39], %swap3A_42 {strides = array<i32>} : memref<128xi32, #tpu.memory_space<vmem>>, vector<16xi32>,
    %add3A_43 = arith.constant 32 : i32
    %add3A_44 = arith.addi %multiple_of3A_8, %add3A_43 : i32
    %get3A_45 = arith.index_cast %add3A_44 : i32 to index
    %get3A_46 = tpu.vector_load %arg6[%get3A_45] {strides = array<i32>} : memref<10240xi32, #tpu.memory_space<vmem>>, vector<16xi32>,
    %get3A_47 = vector.shape_cast %get3A_46 : vector<16xi32> to vector<16xi32>
    %shift_right_logical3A_48 = arith.constant 14 : i32
    %shift_right_logical3A_49 = vector.broadcast %shift_right_logical3A_48 : i32 to vector<16xi32>
    %shift_right_logical3A_50 = arith.shrui %get3A_47, %shift_right_logical3A_49 : vector<16xi32>
    %swap3A_51 = arith.constant 32 : index
    %swap3A_52 = tpu.vector_load %arg7[%swap3A_51] {strides = array<i32>} : memref<128xi32, #tpu.memory_space<vmem>>, vector<16xi32>,
    %swap3A_53 = vector.shape_cast %swap3A_52 : vector<16xi32> to vector<16xi32>
    %swap3A_54 = vector.shape_cast %shift_right_logical3A_50 : vector<16xi32> to vector<16xi32>
    tpu.vector_store %arg7[%swap3A_51], %swap3A_54 {strides = array<i32>} : memref<128xi32, #tpu.memory_space<vmem>>, vector<16xi32>,
    %and3A_55 = arith.constant 16383 : i32
    %and3A_56 = vector.broadcast %and3A_55 : i32 to vector<16xi32>
    %and3A_57 = arith.andi %get3A_47, %and3A_56 : vector<16xi32>
    %swap3A_58 = arith.constant 32 : index
    %swap3A_59 = tpu.vector_load %arg9[%swap3A_58] {strides = array<i32>} : memref<128xi32, #tpu.memory_space<vmem>>, vector<16xi32>,
    %swap3A_60 = vector.shape_cast %swap3A_59 : vector<16xi32> to vector<16xi32>
    %swap3A_61 = vector.shape_cast %and3A_57 : vector<16xi32> to vector<16xi32>
    tpu.vector_store %arg9[%swap3A_58], %swap3A_61 {strides = array<i32>} : memref<128xi32, #tpu.memory_space<vmem>>, vector<16xi32>,
    %add3A_62 = arith.constant 48 : i32
    %add3A_63 = arith.addi %multiple_of3A_8, %add3A_62 : i32
    %get3A_64 = arith.index_cast %add3A_63 : i32 to index
    %get3A_65 = tpu.vector_load %arg6[%get3A_64] {strides = array<i32>} : memref<10240xi32, #tpu.memory_space<vmem>>, vector<16xi32>,
    %get3A_66 = vector.shape_cast %get3A_65 : vector<16xi32> to vector<16xi32>
    %shift_right_logical3A_67 = arith.constant 14 : i32
    %shift_right_logical3A_68 = vector.broadcast %shift_right_logical3A_67 : i32 to vector<16xi32>
    %shift_right_logical3A_69 = arith.shrui %get3A_66, %shift_right_logical3A_68 : vector<16xi32>
    %swap3A_70 = arith.constant 48 : index
    %swap3A_71 = tpu.vector_load %arg7[%swap3A_70] {strides = array<i32>} : memref<128xi32, #tpu.memory_space<vmem>>, vector<16xi32>,
    %swap3A_72 = vector.shape_cast %swap3A_71 : vector<16xi32> to vector<16xi32>
    %swap3A_73 = vector.shape_cast %shift_right_logical3A_69 : vector<16xi32> to vector<16xi32>
    tpu.vector_store %arg7[%swap3A_70], %swap3A_73 {strides = array<i32>} : memref<128xi32, #tpu.memory_space<vmem>>, vector<16xi32>,
    %and3A_74 = arith.constant 16383 : i32
    %and3A_75 = vector.broadcast %and3A_74 : i32 to vector<16xi32>
    %and3A_76 = arith.andi %get3A_66, %and3A_75 : vector<16xi32>
    %swap3A_77 = arith.constant 48 : index
    %swap3A_78 = tpu.vector_load %arg9[%swap3A_77] {strides = array<i32>} : memref<128xi32, #tpu.memory_space<vmem>>, vector<16xi32>,
    %swap3A_79 = vector.shape_cast %swap3A_78 : vector<16xi32> to vector<16xi32>
    %swap3A_80 = vector.shape_cast %and3A_76 : vector<16xi32> to vector<16xi32>
    tpu.vector_store %arg9[%swap3A_77], %swap3A_80 {strides = array<i32>} : memref<128xi32, #tpu.memory_space<vmem>>, vector<16xi32>,
    %add3A_81 = arith.constant 64 : i32
    %add3A_82 = arith.addi %multiple_of3A_8, %add3A_81 : i32
    %get3A_83 = arith.index_cast %add3A_82 : i32 to index
    %get3A_84 = tpu.vector_load %arg6[%get3A_83] {strides = array<i32>} : memref<10240xi32, #tpu.memory_space<vmem>>, vector<16xi32>,
    %get3A_85 = vector.shape_cast %get3A_84 : vector<16xi32> to vector<16xi32>
    %shift_right_logical3A_86 = arith.constant 14 : i32
    %shift_right_logical3A_87 = vector.broadcast %shift_right_logical3A_86 : i32 to vector<16xi32>
    %shift_right_logical3A_88 = arith.shrui %get3A_85, %shift_right_logical3A_87 : vector<16xi32>
    %swap3A_89 = arith.constant 64 : index
    %swap3A_90 = tpu.vector_load %arg7[%swap3A_89] {strides = array<i32>} : memref<128xi32, #tpu.memory_space<vmem>>, vector<16xi32>,
    %swap3A_91 = vector.shape_cast %swap3A_90 : vector<16xi32> to vector<16xi32>
    %swap3A_92 = vector.shape_cast %shift_right_logical3A_88 : vector<16xi32> to vector<16xi32>
    tpu.vector_store %arg7[%swap3A_89], %swap3A_92 {strides = array<i32>} : memref<128xi32, #tpu.memory_space<vmem>>, vector<16xi32>,
    %and3A_93 = arith.constant 16383 : i32
    %and3A_94 = vector.broadcast %and3A_93 : i32 to vector<16xi32>
    %and3A_95 = arith.andi %get3A_85, %and3A_94 : vector<16xi32>
    %swap3A_96 = arith.constant 64 : index
    %swap3A_97 = tpu.vector_load %arg9[%swap3A_96] {strides = array<i32>} : memref<128xi32, #tpu.memory_space<vmem>>, vector<16xi32>,
    %swap3A_98 = vector.shape_cast %swap3A_97 : vector<16xi32> to vector<16xi32>
    %swap3A_99 = vector.shape_cast %and3A_95 : vector<16xi32> to vector<16xi32>
    tpu.vector_store %arg9[%swap3A_96], %swap3A_99 {strides = array<i32>} : memref<128xi32, #tpu.memory_space<vmem>>, vector<16xi32>,
    %add3A_100 = arith.constant 80 : i32
    %add3A_101 = arith.addi %multiple_of3A_8, %add3A_100 : i32
    %get3A_102 = arith.index_cast %add3A_101 : i32 to index
    %get3A_103 = tpu.vector_load %arg6[%get3A_102] {strides = array<i32>} : memref<10240xi32, #tpu.memory_space<vmem>>, vector<16xi32>,
    %get3A_104 = vector.shape_cast %get3A_103 : vector<16xi32> to vector<16xi32>
    %shift_right_logical3A_105 = arith.constant 14 : i32
    %shift_right_logical3A_106 = vector.broadcast %shift_right_logical3A_105 : i32 to vector<16xi32>
    %shift_right_logical3A_107 = arith.shrui %get3A_104, %shift_right_logical3A_106 : vector<16xi32>
    %swap3A_108 = arith.constant 80 : index
    %swap3A_109 = tpu.vector_load %arg7[%swap3A_108] {strides = array<i32>} : memref<128xi32, #tpu.memory_space<vmem>>, vector<16xi32>,
    %swap3A_110 = vector.shape_cast %swap3A_109 : vector<16xi32> to vector<16xi32>
    %swap3A_111 = vector.shape_cast %shift_right_logical3A_107 : vector<16xi32> to vector<16xi32>
    tpu.vector_store %arg7[%swap3A_108], %swap3A_111 {strides = array<i32>} : memref<128xi32, #tpu.memory_space<vmem>>, vector<16xi32>,
    %and3A_112 = arith.constant 16383 : i32
    %and3A_113 = vector.broadcast %and3A_112 : i32 to vector<16xi32>
    %and3A_114 = arith.andi %get3A_104, %and3A_113 : vector<16xi32>
    %swap3A_115 = arith.constant 80 : index
    %swap3A_116 = tpu.vector_load %arg9[%swap3A_115] {strides = array<i32>} : memref<128xi32, #tpu.memory_space<vmem>>, vector<16xi32>,
    %swap3A_117 = vector.shape_cast %swap3A_116 : vector<16xi32> to vector<16xi32>
    %swap3A_118 = vector.shape_cast %and3A_114 : vector<16xi32> to vector<16xi32>
    tpu.vector_store %arg9[%swap3A_115], %swap3A_118 {strides = array<i32>} : memref<128xi32, #tpu.memory_space<vmem>>, vector<16xi32>,
    %add3A_119 = arith.constant 96 : i32
    %add3A_120 = arith.addi %multiple_of3A_8, %add3A_119 : i32
    %get3A_121 = arith.index_cast %add3A_120 : i32 to index
    %get3A_122 = tpu.vector_load %arg6[%get3A_121] {strides = array<i32>} : memref<10240xi32, #tpu.memory_space<vmem>>, vector<16xi32>,
    %get3A_123 = vector.shape_cast %get3A_122 : vector<16xi32> to vector<16xi32>
    %shift_right_logical3A_124 = arith.constant 14 : i32
    %shift_right_logical3A_125 = vector.broadcast %shift_right_logical3A_124 : i32 to vector<16xi32>
    %shift_right_logical3A_126 = arith.shrui %get3A_123, %shift_right_logical3A_125 : vector<16xi32>
    %swap3A_127 = arith.constant 96 : index
    %swap3A_128 = tpu.vector_load %arg7[%swap3A_127] {strides = array<i32>} : memref<128xi32, #tpu.memory_space<vmem>>, vector<16xi32>,
    %swap3A_129 = vector.shape_cast %swap3A_128 : vector<16xi32> to vector<16xi32>
    %swap3A_130 = vector.shape_cast %shift_right_logical3A_126 : vector<16xi32> to vector<16xi32>
    tpu.vector_store %arg7[%swap3A_127], %swap3A_130 {strides = array<i32>} : memref<128xi32, #tpu.memory_space<vmem>>, vector<16xi32>,
    %and3A_131 = arith.constant 16383 : i32
    %and3A_132 = vector.broadcast %and3A_131 : i32 to vector<16xi32>
    %and3A_133 = arith.andi %get3A_123, %and3A_132 : vector<16xi32>
    %swap3A_134 = arith.constant 96 : index
    %swap3A_135 = tpu.vector_load %arg9[%swap3A_134] {strides = array<i32>} : memref<128xi32, #tpu.memory_space<vmem>>, vector<16xi32>,
    %swap3A_136 = vector.shape_cast %swap3A_135 : vector<16xi32> to vector<16xi32>
    %swap3A_137 = vector.shape_cast %and3A_133 : vector<16xi32> to vector<16xi32>
    tpu.vector_store %arg9[%swap3A_134], %swap3A_137 {strides = array<i32>} : memref<128xi32, #tpu.memory_space<vmem>>, vector<16xi32>,
    %add3A_138 = arith.constant 112 : i32
    %add3A_139 = arith.addi %multiple_of3A_8, %add3A_138 : i32
    %get3A_140 = arith.index_cast %add3A_139 : i32 to index
    %get3A_141 = tpu.vector_load %arg6[%get3A_140] {strides = array<i32>} : memref<10240xi32, #tpu.memory_space<vmem>>, vector<16xi32>,
    %get3A_142 = vector.shape_cast %get3A_141 : vector<16xi32> to vector<16xi32>
    %shift_right_logical3A_143 = arith.constant 14 : i32
    %shift_right_logical3A_144 = vector.broadcast %shift_right_logical3A_143 : i32 to vector<16xi32>
    %shift_right_logical3A_145 = arith.shrui %get3A_142, %shift_right_logical3A_144 : vector<16xi32>
    %swap3A_146 = arith.constant 112 : index
    %swap3A_147 = tpu.vector_load %arg7[%swap3A_146] {strides = array<i32>} : memref<128xi32, #tpu.memory_space<vmem>>, vector<16xi32>,
    %swap3A_148 = vector.shape_cast %swap3A_147 : vector<16xi32> to vector<16xi32>
    %swap3A_149 = vector.shape_cast %shift_right_logical3A_145 : vector<16xi32> to vector<16xi32>
    tpu.vector_store %arg7[%swap3A_146], %swap3A_149 {strides = array<i32>} : memref<128xi32, #tpu.memory_space<vmem>>, vector<16xi32>,
    %and3A_150 = arith.constant 16383 : i32
    %and3A_151 = vector.broadcast %and3A_150 : i32 to vector<16xi32>
    %and3A_152 = arith.andi %get3A_142, %and3A_151 : vector<16xi32>
    %swap3A_153 = arith.constant 112 : index
    %swap3A_154 = tpu.vector_load %arg9[%swap3A_153] {strides = array<i32>} : memref<128xi32, #tpu.memory_space<vmem>>, vector<16xi32>,
    %swap3A_155 = vector.shape_cast %swap3A_154 : vector<16xi32> to vector<16xi32>
    %swap3A_156 = vector.shape_cast %and3A_152 : vector<16xi32> to vector<16xi32>
    tpu.vector_store %arg9[%swap3A_153], %swap3A_156 {strides = array<i32>} : memref<128xi32, #tpu.memory_space<vmem>>, vector<16xi32>,
    %dma_start3A = arith.constant 0 : i32
    %dma_start3A_157 = arith.constant 0 : i32
    %dma_start3A_158 = tpu.memref_slice %arg11[%dma_start3A, %dma_start3A_157] : memref<128x128xf32, #tpu.memory_space<vmem>> -> memref<64x128xf32, #tpu.memory_space<vmem>>
    %dma_start3A_159 = arith.constant 0 : i32
    %dma_start3A_160 = tpu.memref_slice %arg7[%dma_start3A_159] : memref<128xi32, #tpu.memory_space<vmem>> -> memref<64xi32, #tpu.memory_space<vmem>>
    %dma_start3A_161 = arith.constant 0 : i32
    %dma_start3A_162 = arith.constant 0 : i32
    %dma_start3A_163 = tpu.memref_slice %arg2[%dma_start3A_161, %dma_start3A_162] : memref<90000x128xf32, #tpu.memory_space<hbm>> -> memref<90000x128xf32, #tpu.memory_space<hbm>>
    tpu.enqueue_indirect_dma source(%dma_start3A_163 : memref<90000x128xf32, #tpu.memory_space<hbm>>) target(%dma_start3A_158 : memref<64x128xf32, #tpu.memory_space<vmem>>) offsets(%dma_start3A_160 : memref<64xi32, #tpu.memory_space<vmem>>) semaphore(%arg14 : memref<!tpu.dma_semaphore, #tpu.memory_space<semaphore_mem>>)
    %dma_start3A_164 = arith.constant 64 : i32
    %dma_start3A_165 = arith.constant 0 : i32
    %dma_start3A_166 = tpu.memref_slice %arg11[%dma_start3A_164, %dma_start3A_165] : memref<128x128xf32, #tpu.memory_space<vmem>> -> memref<64x128xf32, #tpu.memory_space<vmem>>
    %dma_start3A_167 = arith.constant 64 : i32
    %dma_start3A_168 = tpu.memref_slice %arg7[%dma_start3A_167] : memref<128xi32, #tpu.memory_space<vmem>> -> memref<64xi32, #tpu.memory_space<vmem>>
    %dma_start3A_169 = arith.constant 0 : i32
    %dma_start3A_170 = arith.constant 0 : i32
    %dma_start3A_171 = tpu.memref_slice %arg2[%dma_start3A_169, %dma_start3A_170] : memref<90000x128xf32, #tpu.memory_space<hbm>> -> memref<90000x128xf32, #tpu.memory_space<hbm>>
    tpu.enqueue_indirect_dma source(%dma_start3A_171 : memref<90000x128xf32, #tpu.memory_space<hbm>>) target(%dma_start3A_166 : memref<64x128xf32, #tpu.memory_space<vmem>>) offsets(%dma_start3A_168 : memref<64xi32, #tpu.memory_space<vmem>>) semaphore(%arg14 : memref<!tpu.dma_semaphore, #tpu.memory_space<semaphore_mem>>)
    %multiple_of3A_172 = arith.constant 128 : i32
    %multiple_of3A_173 = tpu.assume_multiple %multiple_of3A_172, 128 : i32
    %add3A_174 = arith.constant 0 : i32
    %add3A_175 = arith.addi %multiple_of3A_173, %add3A_174 : i32
    %get3A_176 = arith.index_cast %add3A_175 : i32 to index
    %get3A_177 = tpu.vector_load %arg6[%get3A_176] {strides = array<i32>} : memref<10240xi32, #tpu.memory_space<vmem>>, vector<16xi32>,
    %get3A_178 = vector.shape_cast %get3A_177 : vector<16xi32> to vector<16xi32>
    %shift_right_logical3A_179 = arith.constant 14 : i32
    %shift_right_logical3A_180 = vector.broadcast %shift_right_logical3A_179 : i32 to vector<16xi32>
    %shift_right_logical3A_181 = arith.shrui %get3A_178, %shift_right_logical3A_180 : vector<16xi32>
    %swap3A_182 = arith.constant 0 : index
    %swap3A_183 = tpu.vector_load %arg8[%swap3A_182] {strides = array<i32>} : memref<128xi32, #tpu.memory_space<vmem>>, vector<16xi32>,
    %swap3A_184 = vector.shape_cast %swap3A_183 : vector<16xi32> to vector<16xi32>
    %swap3A_185 = vector.shape_cast %shift_right_logical3A_181 : vector<16xi32> to vector<16xi32>
    tpu.vector_store %arg8[%swap3A_182], %swap3A_185 {strides = array<i32>} : memref<128xi32, #tpu.memory_space<vmem>>, vector<16xi32>,
    %and3A_186 = arith.constant 16383 : i32
    %and3A_187 = vector.broadcast %and3A_186 : i32 to vector<16xi32>
    %and3A_188 = arith.andi %get3A_178, %and3A_187 : vector<16xi32>
    %swap3A_189 = arith.constant 0 : index
    %swap3A_190 = tpu.vector_load %arg10[%swap3A_189] {strides = array<i32>} : memref<128xi32, #tpu.memory_space<vmem>>, vector<16xi32>,
    %swap3A_191 = vector.shape_cast %swap3A_190 : vector<16xi32> to vector<16xi32>
    %swap3A_192 = vector.shape_cast %and3A_188 : vector<16xi32> to vector<16xi32>
    tpu.vector_store %arg10[%swap3A_189], %swap3A_192 {strides = array<i32>} : memref<128xi32, #tpu.memory_space<vmem>>, vector<16xi32>,
    %add3A_193 = arith.constant 16 : i32
    %add3A_194 = arith.addi %multiple_of3A_173, %add3A_193 : i32
    %get3A_195 = arith.index_cast %add3A_194 : i32 to index
    %get3A_196 = tpu.vector_load %arg6[%get3A_195] {strides = array<i32>} : memref<10240xi32, #tpu.memory_space<vmem>>, vector<16xi32>,
    %get3A_197 = vector.shape_cast %get3A_196 : vector<16xi32> to vector<16xi32>
    %shift_right_logical3A_198 = arith.constant 14 : i32
    %shift_right_logical3A_199 = vector.broadcast %shift_right_logical3A_198 : i32 to vector<16xi32>
    %shift_right_logical3A_200 = arith.shrui %get3A_197, %shift_right_logical3A_199 : vector<16xi32>
    %swap3A_201 = arith.constant 16 : index
    %swap3A_202 = tpu.vector_load %arg8[%swap3A_201] {strides = array<i32>} : memref<128xi32, #tpu.memory_space<vmem>>, vector<16xi32>,
    %swap3A_203 = vector.shape_cast %swap3A_202 : vector<16xi32> to vector<16xi32>
    %swap3A_204 = vector.shape_cast %shift_right_logical3A_200 : vector<16xi32> to vector<16xi32>
    tpu.vector_store %arg8[%swap3A_201], %swap3A_204 {strides = array<i32>} : memref<128xi32, #tpu.memory_space<vmem>>, vector<16xi32>,
    %and3A_205 = arith.constant 16383 : i32
    %and3A_206 = vector.broadcast %and3A_205 : i32 to vector<16xi32>
    %and3A_207 = arith.andi %get3A_197, %and3A_206 : vector<16xi32>
    %swap3A_208 = arith.constant 16 : index
    %swap3A_209 = tpu.vector_load %arg10[%swap3A_208] {strides = array<i32>} : memref<128xi32, #tpu.memory_space<vmem>>, vector<16xi32>,
    %swap3A_210 = vector.shape_cast %swap3A_209 : vector<16xi32> to vector<16xi32>
    %swap3A_211 = vector.shape_cast %and3A_207 : vector<16xi32> to vector<16xi32>
    tpu.vector_store %arg10[%swap3A_208], %swap3A_211 {strides = array<i32>} : memref<128xi32, #tpu.memory_space<vmem>>, vector<16xi32>,
    %add3A_212 = arith.constant 32 : i32
    %add3A_213 = arith.addi %multiple_of3A_173, %add3A_212 : i32
    %get3A_214 = arith.index_cast %add3A_213 : i32 to index
    %get3A_215 = tpu.vector_load %arg6[%get3A_214] {strides = array<i32>} : memref<10240xi32, #tpu.memory_space<vmem>>, vector<16xi32>,
    %get3A_216 = vector.shape_cast %get3A_215 : vector<16xi32> to vector<16xi32>
    %shift_right_logical3A_217 = arith.constant 14 : i32
    %shift_right_logical3A_218 = vector.broadcast %shift_right_logical3A_217 : i32 to vector<16xi32>
    %shift_right_logical3A_219 = arith.shrui %get3A_216, %shift_right_logical3A_218 : vector<16xi32>
    %swap3A_220 = arith.constant 32 : index
    %swap3A_221 = tpu.vector_load %arg8[%swap3A_220] {strides = array<i32>} : memref<128xi32, #tpu.memory_space<vmem>>, vector<16xi32>,
    %swap3A_222 = vector.shape_cast %swap3A_221 : vector<16xi32> to vector<16xi32>
    %swap3A_223 = vector.shape_cast %shift_right_logical3A_219 : vector<16xi32> to vector<16xi32>
    tpu.vector_store %arg8[%swap3A_220], %swap3A_223 {strides = array<i32>} : memref<128xi32, #tpu.memory_space<vmem>>, vector<16xi32>,
    %and3A_224 = arith.constant 16383 : i32
    %and3A_225 = vector.broadcast %and3A_224 : i32 to vector<16xi32>
    %and3A_226 = arith.andi %get3A_216, %and3A_225 : vector<16xi32>
    %swap3A_227 = arith.constant 32 : index
    %swap3A_228 = tpu.vector_load %arg10[%swap3A_227] {strides = array<i32>} : memref<128xi32, #tpu.memory_space<vmem>>, vector<16xi32>,
    %swap3A_229 = vector.shape_cast %swap3A_228 : vector<16xi32> to vector<16xi32>
    %swap3A_230 = vector.shape_cast %and3A_226 : vector<16xi32> to vector<16xi32>
    tpu.vector_store %arg10[%swap3A_227], %swap3A_230 {strides = array<i32>} : memref<128xi32, #tpu.memory_space<vmem>>, vector<16xi32>,
    %add3A_231 = arith.constant 48 : i32
    %add3A_232 = arith.addi %multiple_of3A_173, %add3A_231 : i32
    %get3A_233 = arith.index_cast %add3A_232 : i32 to index
    %get3A_234 = tpu.vector_load %arg6[%get3A_233] {strides = array<i32>} : memref<10240xi32, #tpu.memory_space<vmem>>, vector<16xi32>,
    %get3A_235 = vector.shape_cast %get3A_234 : vector<16xi32> to vector<16xi32>
    %shift_right_logical3A_236 = arith.constant 14 : i32
    %shift_right_logical3A_237 = vector.broadcast %shift_right_logical3A_236 : i32 to vector<16xi32>
    %shift_right_logical3A_238 = arith.shrui %get3A_235, %shift_right_logical3A_237 : vector<16xi32>
    %swap3A_239 = arith.constant 48 : index
    %swap3A_240 = tpu.vector_load %arg8[%swap3A_239] {strides = array<i32>} : memref<128xi32, #tpu.memory_space<vmem>>, vector<16xi32>,
    %swap3A_241 = vector.shape_cast %swap3A_240 : vector<16xi32> to vector<16xi32>
    %swap3A_242 = vector.shape_cast %shift_right_logical3A_238 : vector<16xi32> to vector<16xi32>
    tpu.vector_store %arg8[%swap3A_239], %swap3A_242 {strides = array<i32>} : memref<128xi32, #tpu.memory_space<vmem>>, vector<16xi32>,
    %and3A_243 = arith.constant 16383 : i32
    %and3A_244 = vector.broadcast %and3A_243 : i32 to vector<16xi32>
    %and3A_245 = arith.andi %get3A_235, %and3A_244 : vector<16xi32>
    %swap3A_246 = arith.constant 48 : index
    %swap3A_247 = tpu.vector_load %arg10[%swap3A_246] {strides = array<i32>} : memref<128xi32, #tpu.memory_space<vmem>>, vector<16xi32>,
    %swap3A_248 = vector.shape_cast %swap3A_247 : vector<16xi32> to vector<16xi32>
    %swap3A_249 = vector.shape_cast %and3A_245 : vector<16xi32> to vector<16xi32>
    tpu.vector_store %arg10[%swap3A_246], %swap3A_249 {strides = array<i32>} : memref<128xi32, #tpu.memory_space<vmem>>, vector<16xi32>,
    %add3A_250 = arith.constant 64 : i32
    %add3A_251 = arith.addi %multiple_of3A_173, %add3A_250 : i32
    %get3A_252 = arith.index_cast %add3A_251 : i32 to index
    %get3A_253 = tpu.vector_load %arg6[%get3A_252] {strides = array<i32>} : memref<10240xi32, #tpu.memory_space<vmem>>, vector<16xi32>,
    %get3A_254 = vector.shape_cast %get3A_253 : vector<16xi32> to vector<16xi32>
    %shift_right_logical3A_255 = arith.constant 14 : i32
    %shift_right_logical3A_256 = vector.broadcast %shift_right_logical3A_255 : i32 to vector<16xi32>
    %shift_right_logical3A_257 = arith.shrui %get3A_254, %shift_right_logical3A_256 : vector<16xi32>
    %swap3A_258 = arith.constant 64 : index
    %swap3A_259 = tpu.vector_load %arg8[%swap3A_258] {strides = array<i32>} : memref<128xi32, #tpu.memory_space<vmem>>, vector<16xi32>,
    %swap3A_260 = vector.shape_cast %swap3A_259 : vector<16xi32> to vector<16xi32>
    %swap3A_261 = vector.shape_cast %shift_right_logical3A_257 : vector<16xi32> to vector<16xi32>
    tpu.vector_store %arg8[%swap3A_258], %swap3A_261 {strides = array<i32>} : memref<128xi32, #tpu.memory_space<vmem>>, vector<16xi32>,
    %and3A_262 = arith.constant 16383 : i32
    %and3A_263 = vector.broadcast %and3A_262 : i32 to vector<16xi32>
    %and3A_264 = arith.andi %get3A_254, %and3A_263 : vector<16xi32>
    %swap3A_265 = arith.constant 64 : index
    %swap3A_266 = tpu.vector_load %arg10[%swap3A_265] {strides = array<i32>} : memref<128xi32, #tpu.memory_space<vmem>>, vector<16xi32>,
    %swap3A_267 = vector.shape_cast %swap3A_266 : vector<16xi32> to vector<16xi32>
    %swap3A_268 = vector.shape_cast %and3A_264 : vector<16xi32> to vector<16xi32>
    tpu.vector_store %arg10[%swap3A_265], %swap3A_268 {strides = array<i32>} : memref<128xi32, #tpu.memory_space<vmem>>, vector<16xi32>,
    %add3A_269 = arith.constant 80 : i32
    %add3A_270 = arith.addi %multiple_of3A_173, %add3A_269 : i32
    %get3A_271 = arith.index_cast %add3A_270 : i32 to index
    %get3A_272 = tpu.vector_load %arg6[%get3A_271] {strides = array<i32>} : memref<10240xi32, #tpu.memory_space<vmem>>, vector<16xi32>,
    %get3A_273 = vector.shape_cast %get3A_272 : vector<16xi32> to vector<16xi32>
    %shift_right_logical3A_274 = arith.constant 14 : i32
    %shift_right_logical3A_275 = vector.broadcast %shift_right_logical3A_274 : i32 to vector<16xi32>
    %shift_right_logical3A_276 = arith.shrui %get3A_273, %shift_right_logical3A_275 : vector<16xi32>
    %swap3A_277 = arith.constant 80 : index
    %swap3A_278 = tpu.vector_load %arg8[%swap3A_277] {strides = array<i32>} : memref<128xi32, #tpu.memory_space<vmem>>, vector<16xi32>,
    %swap3A_279 = vector.shape_cast %swap3A_278 : vector<16xi32> to vector<16xi32>
    %swap3A_280 = vector.shape_cast %shift_right_logical3A_276 : vector<16xi32> to vector<16xi32>
    tpu.vector_store %arg8[%swap3A_277], %swap3A_280 {strides = array<i32>} : memref<128xi32, #tpu.memory_space<vmem>>, vector<16xi32>,
    %and3A_281 = arith.constant 16383 : i32
    %and3A_282 = vector.broadcast %and3A_281 : i32 to vector<16xi32>
    %and3A_283 = arith.andi %get3A_273, %and3A_282 : vector<16xi32>
    %swap3A_284 = arith.constant 80 : index
    %swap3A_285 = tpu.vector_load %arg10[%swap3A_284] {strides = array<i32>} : memref<128xi32, #tpu.memory_space<vmem>>, vector<16xi32>,
    %swap3A_286 = vector.shape_cast %swap3A_285 : vector<16xi32> to vector<16xi32>
    %swap3A_287 = vector.shape_cast %and3A_283 : vector<16xi32> to vector<16xi32>
    tpu.vector_store %arg10[%swap3A_284], %swap3A_287 {strides = array<i32>} : memref<128xi32, #tpu.memory_space<vmem>>, vector<16xi32>,
    %add3A_288 = arith.constant 96 : i32
    %add3A_289 = arith.addi %multiple_of3A_173, %add3A_288 : i32
    %get3A_290 = arith.index_cast %add3A_289 : i32 to index
    %get3A_291 = tpu.vector_load %arg6[%get3A_290] {strides = array<i32>} : memref<10240xi32, #tpu.memory_space<vmem>>, vector<16xi32>,
    %get3A_292 = vector.shape_cast %get3A_291 : vector<16xi32> to vector<16xi32>
    %shift_right_logical3A_293 = arith.constant 14 : i32
    %shift_right_logical3A_294 = vector.broadcast %shift_right_logical3A_293 : i32 to vector<16xi32>
    %shift_right_logical3A_295 = arith.shrui %get3A_292, %shift_right_logical3A_294 : vector<16xi32>
    %swap3A_296 = arith.constant 96 : index
    %swap3A_297 = tpu.vector_load %arg8[%swap3A_296] {strides = array<i32>} : memref<128xi32, #tpu.memory_space<vmem>>, vector<16xi32>,
    %swap3A_298 = vector.shape_cast %swap3A_297 : vector<16xi32> to vector<16xi32>
    %swap3A_299 = vector.shape_cast %shift_right_logical3A_295 : vector<16xi32> to vector<16xi32>
    tpu.vector_store %arg8[%swap3A_296], %swap3A_299 {strides = array<i32>} : memref<128xi32, #tpu.memory_space<vmem>>, vector<16xi32>,
    %and3A_300 = arith.constant 16383 : i32
    %and3A_301 = vector.broadcast %and3A_300 : i32 to vector<16xi32>
    %and3A_302 = arith.andi %get3A_292, %and3A_301 : vector<16xi32>
    %swap3A_303 = arith.constant 96 : index
    %swap3A_304 = tpu.vector_load %arg10[%swap3A_303] {strides = array<i32>} : memref<128xi32, #tpu.memory_space<vmem>>, vector<16xi32>,
    %swap3A_305 = vector.shape_cast %swap3A_304 : vector<16xi32> to vector<16xi32>
    %swap3A_306 = vector.shape_cast %and3A_302 : vector<16xi32> to vector<16xi32>
    tpu.vector_store %arg10[%swap3A_303], %swap3A_306 {strides = array<i32>} : memref<128xi32, #tpu.memory_space<vmem>>, vector<16xi32>,
    %add3A_307 = arith.constant 112 : i32
    %add3A_308 = arith.addi %multiple_of3A_173, %add3A_307 : i32
    %get3A_309 = arith.index_cast %add3A_308 : i32 to index
    %get3A_310 = tpu.vector_load %arg6[%get3A_309] {strides = array<i32>} : memref<10240xi32, #tpu.memory_space<vmem>>, vector<16xi32>,
    %get3A_311 = vector.shape_cast %get3A_310 : vector<16xi32> to vector<16xi32>
    %shift_right_logical3A_312 = arith.constant 14 : i32
    %shift_right_logical3A_313 = vector.broadcast %shift_right_logical3A_312 : i32 to vector<16xi32>
    %shift_right_logical3A_314 = arith.shrui %get3A_311, %shift_right_logical3A_313 : vector<16xi32>
    %swap3A_315 = arith.constant 112 : index
    %swap3A_316 = tpu.vector_load %arg8[%swap3A_315] {strides = array<i32>} : memref<128xi32, #tpu.memory_space<vmem>>, vector<16xi32>,
    %swap3A_317 = vector.shape_cast %swap3A_316 : vector<16xi32> to vector<16xi32>
    %swap3A_318 = vector.shape_cast %shift_right_logical3A_314 : vector<16xi32> to vector<16xi32>
    tpu.vector_store %arg8[%swap3A_315], %swap3A_318 {strides = array<i32>} : memref<128xi32, #tpu.memory_space<vmem>>, vector<16xi32>,
    %and3A_319 = arith.constant 16383 : i32
    %and3A_320 = vector.broadcast %and3A_319 : i32 to vector<16xi32>
    %and3A_321 = arith.andi %get3A_311, %and3A_320 : vector<16xi32>
    %swap3A_322 = arith.constant 112 : index
    %swap3A_323 = tpu.vector_load %arg10[%swap3A_322] {strides = array<i32>} : memref<128xi32, #tpu.memory_space<vmem>>, vector<16xi32>,
    %swap3A_324 = vector.shape_cast %swap3A_323 : vector<16xi32> to vector<16xi32>
    %swap3A_325 = vector.shape_cast %and3A_321 : vector<16xi32> to vector<16xi32>
    tpu.vector_store %arg10[%swap3A_322], %swap3A_325 {strides = array<i32>} : memref<128xi32, #tpu.memory_space<vmem>>, vector<16xi32>,
    %dma_start3A_326 = arith.constant 0 : i32
    %dma_start3A_327 = arith.constant 0 : i32
    %dma_start3A_328 = tpu.memref_slice %arg12[%dma_start3A_326, %dma_start3A_327] : memref<128x128xf32, #tpu.memory_space<vmem>> -> memref<64x128xf32, #tpu.memory_space<vmem>>
    %dma_start3A_329 = arith.constant 0 : i32
    %dma_start3A_330 = tpu.memref_slice %arg8[%dma_start3A_329] : memref<128xi32, #tpu.memory_space<vmem>> -> memref<64xi32, #tpu.memory_space<vmem>>
    %dma_start3A_331 = arith.constant 0 : i32
    %dma_start3A_332 = arith.constant 0 : i32
    %dma_start3A_333 = tpu.memref_slice %arg2[%dma_start3A_331, %dma_start3A_332] : memref<90000x128xf32, #tpu.memory_space<hbm>> -> memref<90000x128xf32, #tpu.memory_space<hbm>>
    tpu.enqueue_indirect_dma source(%dma_start3A_333 : memref<90000x128xf32, #tpu.memory_space<hbm>>) target(%dma_start3A_328 : memref<64x128xf32, #tpu.memory_space<vmem>>) offsets(%dma_start3A_330 : memref<64xi32, #tpu.memory_space<vmem>>) semaphore(%arg15 : memref<!tpu.dma_semaphore, #tpu.memory_space<semaphore_mem>>)
    %dma_start3A_334 = arith.constant 64 : i32
    %dma_start3A_335 = arith.constant 0 : i32
    %dma_start3A_336 = tpu.memref_slice %arg12[%dma_start3A_334, %dma_start3A_335] : memref<128x128xf32, #tpu.memory_space<vmem>> -> memref<64x128xf32, #tpu.memory_space<vmem>>
    %dma_start3A_337 = arith.constant 64 : i32
    %dma_start3A_338 = tpu.memref_slice %arg8[%dma_start3A_337] : memref<128xi32, #tpu.memory_space<vmem>> -> memref<64xi32, #tpu.memory_space<vmem>>
    %dma_start3A_339 = arith.constant 0 : i32
    %dma_start3A_340 = arith.constant 0 : i32
    %dma_start3A_341 = tpu.memref_slice %arg2[%dma_start3A_339, %dma_start3A_340] : memref<90000x128xf32, #tpu.memory_space<hbm>> -> memref<90000x128xf32, #tpu.memory_space<hbm>>
    tpu.enqueue_indirect_dma source(%dma_start3A_341 : memref<90000x128xf32, #tpu.memory_space<hbm>>) target(%dma_start3A_336 : memref<64x128xf32, #tpu.memory_space<vmem>>) offsets(%dma_start3A_338 : memref<64xi32, #tpu.memory_space<vmem>>) semaphore(%arg15 : memref<!tpu.dma_semaphore, #tpu.memory_space<semaphore_mem>>)
    %scan3A = arith.constant 0 : i32
    %scan3A_342 = arith.constant 0 : i32
    %scan3A_343 = arith.constant 39 : i32
    %scan3A_344 = arith.addi %scan3A_342, %scan3A_343 : i32
    %scan3A_345 = arith.constant 1 : i32
    scf.for %scan3A_383 = %scan3A_342 to %scan3A_344 step %scan3A_345  : i32 {
      %mul3A_384 = arith.constant 2 : i32
      %mul3A_385 = arith.muli %mul3A_384, %scan3A_383 : i32
      %dma_wait3A_386 = arith.constant 0 : i32
      %dma_wait3A_387 = arith.constant 0 : i32
      %dma_wait3A_388 = tpu.memref_slice %arg11[%dma_wait3A_386, %dma_wait3A_387] : memref<128x128xf32, #tpu.memory_space<vmem>> -> memref<64x128xf32, #tpu.memory_space<vmem>>
      %dma_wait3A_389 = arith.constant 0 : i32
      %dma_wait3A_390 = tpu.memref_slice %arg7[%dma_wait3A_389] : memref<128xi32, #tpu.memory_space<vmem>> -> memref<64xi32, #tpu.memory_space<vmem>>
      %dma_wait3A_391 = arith.constant 0 : i32
      %dma_wait3A_392 = arith.constant 0 : i32
      %dma_wait3A_393 = tpu.memref_slice %arg2[%dma_wait3A_391, %dma_wait3A_392] : memref<90000x128xf32, #tpu.memory_space<hbm>> -> memref<90000x128xf32, #tpu.memory_space<hbm>>
      tpu.wait_indirect_dma semaphore(%arg14 : memref<!tpu.dma_semaphore, #tpu.memory_space<semaphore_mem>>) src(%dma_wait3A_393 : memref<90000x128xf32, #tpu.memory_space<hbm>>) dst(%dma_wait3A_388 : memref<64x128xf32, #tpu.memory_space<vmem>>)
      %dma_wait3A_394 = arith.constant 64 : i32
      %dma_wait3A_395 = arith.constant 0 : i32
      %dma_wait3A_396 = tpu.memref_slice %arg11[%dma_wait3A_394, %dma_wait3A_395] : memref<128x128xf32, #tpu.memory_space<vmem>> -> memref<64x128xf32, #tpu.memory_space<vmem>>
      %dma_wait3A_397 = arith.constant 64 : i32
      %dma_wait3A_398 = tpu.memref_slice %arg7[%dma_wait3A_397] : memref<128xi32, #tpu.memory_space<vmem>> -> memref<64xi32, #tpu.memory_space<vmem>>
      %dma_wait3A_399 = arith.constant 0 : i32
      %dma_wait3A_400 = arith.constant 0 : i32
      %dma_wait3A_401 = tpu.memref_slice %arg2[%dma_wait3A_399, %dma_wait3A_400] : memref<90000x128xf32, #tpu.memory_space<hbm>> -> memref<90000x128xf32, #tpu.memory_space<hbm>>
      tpu.wait_indirect_dma semaphore(%arg14 : memref<!tpu.dma_semaphore, #tpu.memory_space<semaphore_mem>>) src(%dma_wait3A_401 : memref<90000x128xf32, #tpu.memory_space<hbm>>) dst(%dma_wait3A_396 : memref<64x128xf32, #tpu.memory_space<vmem>>)
      "tpu.region"() ({
        %run_scoped3A_768 = tpu.sem_alloc : memref<!tpu.dma_semaphore, #tpu.memory_space<semaphore_mem>>
        %dma_start3A_769 = arith.constant 0 : i32
        %dma_start3A_770 = arith.constant 0 : i32
        %dma_start3A_771 = tpu.memref_slice %arg13[%dma_start3A_769, %dma_start3A_770] : memref<10112x128xf32, #tpu.memory_space<vmem_shared>> -> memref<10112x128xf32, #tpu.memory_space<vmem_shared>>
        tpu.enqueue_indirect_dma source(%arg11 : memref<128x128xf32, #tpu.memory_space<vmem>>) target(%dma_start3A_771 : memref<10112x128xf32, #tpu.memory_space<vmem_shared>>) offsets(%arg9 : memref<128xi32, #tpu.memory_space<vmem>>) semaphore(%run_scoped3A_768 : memref<!tpu.dma_semaphore, #tpu.memory_space<semaphore_mem>>) {add = true}
        %dma_wait3A_772 = arith.constant 0 : i32
        %dma_wait3A_773 = arith.constant 0 : i32
        %dma_wait3A_774 = tpu.memref_slice %arg13[%dma_wait3A_772, %dma_wait3A_773] : memref<10112x128xf32, #tpu.memory_space<vmem_shared>> -> memref<10112x128xf32, #tpu.memory_space<vmem_shared>>
        tpu.wait_indirect_dma semaphore(%run_scoped3A_768 : memref<!tpu.dma_semaphore, #tpu.memory_space<semaphore_mem>>) src(%arg11 : memref<128x128xf32, #tpu.memory_space<vmem>>) dst(%dma_wait3A_774 : memref<10112x128xf32, #tpu.memory_space<vmem_shared>>)
        tpu.yield
      }) : () -> ()
      %add3A_402 = arith.constant 2 : i32
      %add3A_403 = arith.addi %mul3A_385, %add3A_402 : i32
      %mul3A_404 = arith.constant 128 : i32
      %mul3A_405 = arith.muli %add3A_403, %mul3A_404 : i32
      %multiple_of3A_406 = tpu.assume_multiple %mul3A_405, 128 : i32
      %add3A_407 = arith.constant 0 : i32
      %add3A_408 = arith.addi %multiple_of3A_406, %add3A_407 : i32
      %get3A_409 = arith.index_cast %add3A_408 : i32 to index
      %get3A_410 = tpu.vector_load %arg6[%get3A_409] {strides = array<i32>} : memref<10240xi32, #tpu.memory_space<vmem>>, vector<16xi32>,
      %get3A_411 = vector.shape_cast %get3A_410 : vector<16xi32> to vector<16xi32>
      %shift_right_logical3A_412 = arith.constant 14 : i32
      %shift_right_logical3A_413 = vector.broadcast %shift_right_logical3A_412 : i32 to vector<16xi32>
      %shift_right_logical3A_414 = arith.shrui %get3A_411, %shift_right_logical3A_413 : vector<16xi32>
      %swap3A_415 = arith.constant 0 : index
      %swap3A_416 = tpu.vector_load %arg7[%swap3A_415] {strides = array<i32>} : memref<128xi32, #tpu.memory_space<vmem>>, vector<16xi32>,
      %swap3A_417 = vector.shape_cast %swap3A_416 : vector<16xi32> to vector<16xi32>
      %swap3A_418 = vector.shape_cast %shift_right_logical3A_414 : vector<16xi32> to vector<16xi32>
      tpu.vector_store %arg7[%swap3A_415], %swap3A_418 {strides = array<i32>} : memref<128xi32, #tpu.memory_space<vmem>>, vector<16xi32>,
      %and3A_419 = arith.constant 16383 : i32
      %and3A_420 = vector.broadcast %and3A_419 : i32 to vector<16xi32>
      %and3A_421 = arith.andi %get3A_411, %and3A_420 : vector<16xi32>
      %swap3A_422 = arith.constant 0 : index
      %swap3A_423 = tpu.vector_load %arg9[%swap3A_422] {strides = array<i32>} : memref<128xi32, #tpu.memory_space<vmem>>, vector<16xi32>,
      %swap3A_424 = vector.shape_cast %swap3A_423 : vector<16xi32> to vector<16xi32>
      %swap3A_425 = vector.shape_cast %and3A_421 : vector<16xi32> to vector<16xi32>
      tpu.vector_store %arg9[%swap3A_422], %swap3A_425 {strides = array<i32>} : memref<128xi32, #tpu.memory_space<vmem>>, vector<16xi32>,
      %add3A_426 = arith.constant 16 : i32
      %add3A_427 = arith.addi %multiple_of3A_406, %add3A_426 : i32
      %get3A_428 = arith.index_cast %add3A_427 : i32 to index
      %get3A_429 = tpu.vector_load %arg6[%get3A_428] {strides = array<i32>} : memref<10240xi32, #tpu.memory_space<vmem>>, vector<16xi32>,
      %get3A_430 = vector.shape_cast %get3A_429 : vector<16xi32> to vector<16xi32>
      %shift_right_logical3A_431 = arith.constant 14 : i32
      %shift_right_logical3A_432 = vector.broadcast %shift_right_logical3A_431 : i32 to vector<16xi32>
      %shift_right_logical3A_433 = arith.shrui %get3A_430, %shift_right_logical3A_432 : vector<16xi32>
      %swap3A_434 = arith.constant 16 : index
      %swap3A_435 = tpu.vector_load %arg7[%swap3A_434] {strides = array<i32>} : memref<128xi32, #tpu.memory_space<vmem>>, vector<16xi32>,
      %swap3A_436 = vector.shape_cast %swap3A_435 : vector<16xi32> to vector<16xi32>
      %swap3A_437 = vector.shape_cast %shift_right_logical3A_433 : vector<16xi32> to vector<16xi32>
      tpu.vector_store %arg7[%swap3A_434], %swap3A_437 {strides = array<i32>} : memref<128xi32, #tpu.memory_space<vmem>>, vector<16xi32>,
      %and3A_438 = arith.constant 16383 : i32
      %and3A_439 = vector.broadcast %and3A_438 : i32 to vector<16xi32>
      %and3A_440 = arith.andi %get3A_430, %and3A_439 : vector<16xi32>
      %swap3A_441 = arith.constant 16 : index
      %swap3A_442 = tpu.vector_load %arg9[%swap3A_441] {strides = array<i32>} : memref<128xi32, #tpu.memory_space<vmem>>, vector<16xi32>,
      %swap3A_443 = vector.shape_cast %swap3A_442 : vector<16xi32> to vector<16xi32>
      %swap3A_444 = vector.shape_cast %and3A_440 : vector<16xi32> to vector<16xi32>
      tpu.vector_store %arg9[%swap3A_441], %swap3A_444 {strides = array<i32>} : memref<128xi32, #tpu.memory_space<vmem>>, vector<16xi32>,
      %add3A_445 = arith.constant 32 : i32
      %add3A_446 = arith.addi %multiple_of3A_406, %add3A_445 : i32
      %get3A_447 = arith.index_cast %add3A_446 : i32 to index
      %get3A_448 = tpu.vector_load %arg6[%get3A_447] {strides = array<i32>} : memref<10240xi32, #tpu.memory_space<vmem>>, vector<16xi32>,
      %get3A_449 = vector.shape_cast %get3A_448 : vector<16xi32> to vector<16xi32>
      %shift_right_logical3A_450 = arith.constant 14 : i32
      %shift_right_logical3A_451 = vector.broadcast %shift_right_logical3A_450 : i32 to vector<16xi32>
      %shift_right_logical3A_452 = arith.shrui %get3A_449, %shift_right_logical3A_451 : vector<16xi32>
      %swap3A_453 = arith.constant 32 : index
      %swap3A_454 = tpu.vector_load %arg7[%swap3A_453] {strides = array<i32>} : memref<128xi32, #tpu.memory_space<vmem>>, vector<16xi32>,
      %swap3A_455 = vector.shape_cast %swap3A_454 : vector<16xi32> to vector<16xi32>
      %swap3A_456 = vector.shape_cast %shift_right_logical3A_452 : vector<16xi32> to vector<16xi32>
      tpu.vector_store %arg7[%swap3A_453], %swap3A_456 {strides = array<i32>} : memref<128xi32, #tpu.memory_space<vmem>>, vector<16xi32>,
      %and3A_457 = arith.constant 16383 : i32
      %and3A_458 = vector.broadcast %and3A_457 : i32 to vector<16xi32>
      %and3A_459 = arith.andi %get3A_449, %and3A_458 : vector<16xi32>
      %swap3A_460 = arith.constant 32 : index
      %swap3A_461 = tpu.vector_load %arg9[%swap3A_460] {strides = array<i32>} : memref<128xi32, #tpu.memory_space<vmem>>, vector<16xi32>,
      %swap3A_462 = vector.shape_cast %swap3A_461 : vector<16xi32> to vector<16xi32>
      %swap3A_463 = vector.shape_cast %and3A_459 : vector<16xi32> to vector<16xi32>
      tpu.vector_store %arg9[%swap3A_460], %swap3A_463 {strides = array<i32>} : memref<128xi32, #tpu.memory_space<vmem>>, vector<16xi32>,
      %add3A_464 = arith.constant 48 : i32
      %add3A_465 = arith.addi %multiple_of3A_406, %add3A_464 : i32
      %get3A_466 = arith.index_cast %add3A_465 : i32 to index
      %get3A_467 = tpu.vector_load %arg6[%get3A_466] {strides = array<i32>} : memref<10240xi32, #tpu.memory_space<vmem>>, vector<16xi32>,
      %get3A_468 = vector.shape_cast %get3A_467 : vector<16xi32> to vector<16xi32>
      %shift_right_logical3A_469 = arith.constant 14 : i32
      %shift_right_logical3A_470 = vector.broadcast %shift_right_logical3A_469 : i32 to vector<16xi32>
      %shift_right_logical3A_471 = arith.shrui %get3A_468, %shift_right_logical3A_470 : vector<16xi32>
      %swap3A_472 = arith.constant 48 : index
      %swap3A_473 = tpu.vector_load %arg7[%swap3A_472] {strides = array<i32>} : memref<128xi32, #tpu.memory_space<vmem>>, vector<16xi32>,
      %swap3A_474 = vector.shape_cast %swap3A_473 : vector<16xi32> to vector<16xi32>
      %swap3A_475 = vector.shape_cast %shift_right_logical3A_471 : vector<16xi32> to vector<16xi32>
      tpu.vector_store %arg7[%swap3A_472], %swap3A_475 {strides = array<i32>} : memref<128xi32, #tpu.memory_space<vmem>>, vector<16xi32>,
      %and3A_476 = arith.constant 16383 : i32
      %and3A_477 = vector.broadcast %and3A_476 : i32 to vector<16xi32>
      %and3A_478 = arith.andi %get3A_468, %and3A_477 : vector<16xi32>
      %swap3A_479 = arith.constant 48 : index
      %swap3A_480 = tpu.vector_load %arg9[%swap3A_479] {strides = array<i32>} : memref<128xi32, #tpu.memory_space<vmem>>, vector<16xi32>,
      %swap3A_481 = vector.shape_cast %swap3A_480 : vector<16xi32> to vector<16xi32>
      %swap3A_482 = vector.shape_cast %and3A_478 : vector<16xi32> to vector<16xi32>
      tpu.vector_store %arg9[%swap3A_479], %swap3A_482 {strides = array<i32>} : memref<128xi32, #tpu.memory_space<vmem>>, vector<16xi32>,
      %add3A_483 = arith.constant 64 : i32
      %add3A_484 = arith.addi %multiple_of3A_406, %add3A_483 : i32
      %get3A_485 = arith.index_cast %add3A_484 : i32 to index
      %get3A_486 = tpu.vector_load %arg6[%get3A_485] {strides = array<i32>} : memref<10240xi32, #tpu.memory_space<vmem>>, vector<16xi32>,
      %get3A_487 = vector.shape_cast %get3A_486 : vector<16xi32> to vector<16xi32>
      %shift_right_logical3A_488 = arith.constant 14 : i32
      %shift_right_logical3A_489 = vector.broadcast %shift_right_logical3A_488 : i32 to vector<16xi32>
      %shift_right_logical3A_490 = arith.shrui %get3A_487, %shift_right_logical3A_489 : vector<16xi32>
      %swap3A_491 = arith.constant 64 : index
      %swap3A_492 = tpu.vector_load %arg7[%swap3A_491] {strides = array<i32>} : memref<128xi32, #tpu.memory_space<vmem>>, vector<16xi32>,
      %swap3A_493 = vector.shape_cast %swap3A_492 : vector<16xi32> to vector<16xi32>
      %swap3A_494 = vector.shape_cast %shift_right_logical3A_490 : vector<16xi32> to vector<16xi32>
      tpu.vector_store %arg7[%swap3A_491], %swap3A_494 {strides = array<i32>} : memref<128xi32, #tpu.memory_space<vmem>>, vector<16xi32>,
      %and3A_495 = arith.constant 16383 : i32
      %and3A_496 = vector.broadcast %and3A_495 : i32 to vector<16xi32>
      %and3A_497 = arith.andi %get3A_487, %and3A_496 : vector<16xi32>
      %swap3A_498 = arith.constant 64 : index
      %swap3A_499 = tpu.vector_load %arg9[%swap3A_498] {strides = array<i32>} : memref<128xi32, #tpu.memory_space<vmem>>, vector<16xi32>,
      %swap3A_500 = vector.shape_cast %swap3A_499 : vector<16xi32> to vector<16xi32>
      %swap3A_501 = vector.shape_cast %and3A_497 : vector<16xi32> to vector<16xi32>
      tpu.vector_store %arg9[%swap3A_498], %swap3A_501 {strides = array<i32>} : memref<128xi32, #tpu.memory_space<vmem>>, vector<16xi32>,
      %add3A_502 = arith.constant 80 : i32
      %add3A_503 = arith.addi %multiple_of3A_406, %add3A_502 : i32
      %get3A_504 = arith.index_cast %add3A_503 : i32 to index
      %get3A_505 = tpu.vector_load %arg6[%get3A_504] {strides = array<i32>} : memref<10240xi32, #tpu.memory_space<vmem>>, vector<16xi32>,
      %get3A_506 = vector.shape_cast %get3A_505 : vector<16xi32> to vector<16xi32>
      %shift_right_logical3A_507 = arith.constant 14 : i32
      %shift_right_logical3A_508 = vector.broadcast %shift_right_logical3A_507 : i32 to vector<16xi32>
      %shift_right_logical3A_509 = arith.shrui %get3A_506, %shift_right_logical3A_508 : vector<16xi32>
      %swap3A_510 = arith.constant 80 : index
      %swap3A_511 = tpu.vector_load %arg7[%swap3A_510] {strides = array<i32>} : memref<128xi32, #tpu.memory_space<vmem>>, vector<16xi32>,
      %swap3A_512 = vector.shape_cast %swap3A_511 : vector<16xi32> to vector<16xi32>
      %swap3A_513 = vector.shape_cast %shift_right_logical3A_509 : vector<16xi32> to vector<16xi32>
      tpu.vector_store %arg7[%swap3A_510], %swap3A_513 {strides = array<i32>} : memref<128xi32, #tpu.memory_space<vmem>>, vector<16xi32>,
      %and3A_514 = arith.constant 16383 : i32
      %and3A_515 = vector.broadcast %and3A_514 : i32 to vector<16xi32>
      %and3A_516 = arith.andi %get3A_506, %and3A_515 : vector<16xi32>
      %swap3A_517 = arith.constant 80 : index
      %swap3A_518 = tpu.vector_load %arg9[%swap3A_517] {strides = array<i32>} : memref<128xi32, #tpu.memory_space<vmem>>, vector<16xi32>,
      %swap3A_519 = vector.shape_cast %swap3A_518 : vector<16xi32> to vector<16xi32>
      %swap3A_520 = vector.shape_cast %and3A_516 : vector<16xi32> to vector<16xi32>
      tpu.vector_store %arg9[%swap3A_517], %swap3A_520 {strides = array<i32>} : memref<128xi32, #tpu.memory_space<vmem>>, vector<16xi32>,
      %add3A_521 = arith.constant 96 : i32
      %add3A_522 = arith.addi %multiple_of3A_406, %add3A_521 : i32
      %get3A_523 = arith.index_cast %add3A_522 : i32 to index
      %get3A_524 = tpu.vector_load %arg6[%get3A_523] {strides = array<i32>} : memref<10240xi32, #tpu.memory_space<vmem>>, vector<16xi32>,
      %get3A_525 = vector.shape_cast %get3A_524 : vector<16xi32> to vector<16xi32>
      %shift_right_logical3A_526 = arith.constant 14 : i32
      %shift_right_logical3A_527 = vector.broadcast %shift_right_logical3A_526 : i32 to vector<16xi32>
      %shift_right_logical3A_528 = arith.shrui %get3A_525, %shift_right_logical3A_527 : vector<16xi32>
      %swap3A_529 = arith.constant 96 : index
      %swap3A_530 = tpu.vector_load %arg7[%swap3A_529] {strides = array<i32>} : memref<128xi32, #tpu.memory_space<vmem>>, vector<16xi32>,
      %swap3A_531 = vector.shape_cast %swap3A_530 : vector<16xi32> to vector<16xi32>
      %swap3A_532 = vector.shape_cast %shift_right_logical3A_528 : vector<16xi32> to vector<16xi32>
      tpu.vector_store %arg7[%swap3A_529], %swap3A_532 {strides = array<i32>} : memref<128xi32, #tpu.memory_space<vmem>>, vector<16xi32>,
      %and3A_533 = arith.constant 16383 : i32
      %and3A_534 = vector.broadcast %and3A_533 : i32 to vector<16xi32>
      %and3A_535 = arith.andi %get3A_525, %and3A_534 : vector<16xi32>
      %swap3A_536 = arith.constant 96 : index
      %swap3A_537 = tpu.vector_load %arg9[%swap3A_536] {strides = array<i32>} : memref<128xi32, #tpu.memory_space<vmem>>, vector<16xi32>,
      %swap3A_538 = vector.shape_cast %swap3A_537 : vector<16xi32> to vector<16xi32>
      %swap3A_539 = vector.shape_cast %and3A_535 : vector<16xi32> to vector<16xi32>
      tpu.vector_store %arg9[%swap3A_536], %swap3A_539 {strides = array<i32>} : memref<128xi32, #tpu.memory_space<vmem>>, vector<16xi32>,
      %add3A_540 = arith.constant 112 : i32
      %add3A_541 = arith.addi %multiple_of3A_406, %add3A_540 : i32
      %get3A_542 = arith.index_cast %add3A_541 : i32 to index
      %get3A_543 = tpu.vector_load %arg6[%get3A_542] {strides = array<i32>} : memref<10240xi32, #tpu.memory_space<vmem>>, vector<16xi32>,
      %get3A_544 = vector.shape_cast %get3A_543 : vector<16xi32> to vector<16xi32>
      %shift_right_logical3A_545 = arith.constant 14 : i32
      %shift_right_logical3A_546 = vector.broadcast %shift_right_logical3A_545 : i32 to vector<16xi32>
      %shift_right_logical3A_547 = arith.shrui %get3A_544, %shift_right_logical3A_546 : vector<16xi32>
      %swap3A_548 = arith.constant 112 : index
      %swap3A_549 = tpu.vector_load %arg7[%swap3A_548] {strides = array<i32>} : memref<128xi32, #tpu.memory_space<vmem>>, vector<16xi32>,
      %swap3A_550 = vector.shape_cast %swap3A_549 : vector<16xi32> to vector<16xi32>
      %swap3A_551 = vector.shape_cast %shift_right_logical3A_547 : vector<16xi32> to vector<16xi32>
      tpu.vector_store %arg7[%swap3A_548], %swap3A_551 {strides = array<i32>} : memref<128xi32, #tpu.memory_space<vmem>>, vector<16xi32>,
      %and3A_552 = arith.constant 16383 : i32
      %and3A_553 = vector.broadcast %and3A_552 : i32 to vector<16xi32>
      %and3A_554 = arith.andi %get3A_544, %and3A_553 : vector<16xi32>
      %swap3A_555 = arith.constant 112 : index
      %swap3A_556 = tpu.vector_load %arg9[%swap3A_555] {strides = array<i32>} : memref<128xi32, #tpu.memory_space<vmem>>, vector<16xi32>,
      %swap3A_557 = vector.shape_cast %swap3A_556 : vector<16xi32> to vector<16xi32>
      %swap3A_558 = vector.shape_cast %and3A_554 : vector<16xi32> to vector<16xi32>
      tpu.vector_store %arg9[%swap3A_555], %swap3A_558 {strides = array<i32>} : memref<128xi32, #tpu.memory_space<vmem>>, vector<16xi32>,
      %dma_start3A_559 = arith.constant 0 : i32
      %dma_start3A_560 = arith.constant 0 : i32
      %dma_start3A_561 = tpu.memref_slice %arg11[%dma_start3A_559, %dma_start3A_560] : memref<128x128xf32, #tpu.memory_space<vmem>> -> memref<64x128xf32, #tpu.memory_space<vmem>>
      %dma_start3A_562 = arith.constant 0 : i32
      %dma_start3A_563 = tpu.memref_slice %arg7[%dma_start3A_562] : memref<128xi32, #tpu.memory_space<vmem>> -> memref<64xi32, #tpu.memory_space<vmem>>
      %dma_start3A_564 = arith.constant 0 : i32
      %dma_start3A_565 = arith.constant 0 : i32
      %dma_start3A_566 = tpu.memref_slice %arg2[%dma_start3A_564, %dma_start3A_565] : memref<90000x128xf32, #tpu.memory_space<hbm>> -> memref<90000x128xf32, #tpu.memory_space<hbm>>
      tpu.enqueue_indirect_dma source(%dma_start3A_566 : memref<90000x128xf32, #tpu.memory_space<hbm>>) target(%dma_start3A_561 : memref<64x128xf32, #tpu.memory_space<vmem>>) offsets(%dma_start3A_563 : memref<64xi32, #tpu.memory_space<vmem>>) semaphore(%arg14 : memref<!tpu.dma_semaphore, #tpu.memory_space<semaphore_mem>>)
      %dma_start3A_567 = arith.constant 64 : i32
      %dma_start3A_568 = arith.constant 0 : i32
      %dma_start3A_569 = tpu.memref_slice %arg11[%dma_start3A_567, %dma_start3A_568] : memref<128x128xf32, #tpu.memory_space<vmem>> -> memref<64x128xf32, #tpu.memory_space<vmem>>
      %dma_start3A_570 = arith.constant 64 : i32
      %dma_start3A_571 = tpu.memref_slice %arg7[%dma_start3A_570] : memref<128xi32, #tpu.memory_space<vmem>> -> memref<64xi32, #tpu.memory_space<vmem>>
      %dma_start3A_572 = arith.constant 0 : i32
      %dma_start3A_573 = arith.constant 0 : i32
      %dma_start3A_574 = tpu.memref_slice %arg2[%dma_start3A_572, %dma_start3A_573] : memref<90000x128xf32, #tpu.memory_space<hbm>> -> memref<90000x128xf32, #tpu.memory_space<hbm>>
      tpu.enqueue_indirect_dma source(%dma_start3A_574 : memref<90000x128xf32, #tpu.memory_space<hbm>>) target(%dma_start3A_569 : memref<64x128xf32, #tpu.memory_space<vmem>>) offsets(%dma_start3A_571 : memref<64xi32, #tpu.memory_space<vmem>>) semaphore(%arg14 : memref<!tpu.dma_semaphore, #tpu.memory_space<semaphore_mem>>)
      %mul3A_575 = arith.constant 2 : i32
      %mul3A_576 = arith.muli %mul3A_575, %scan3A_383 : i32
      %add3A_577 = arith.constant 1 : i32
      %add3A_578 = arith.addi %mul3A_576, %add3A_577 : i32
      %dma_wait3A_579 = arith.constant 0 : i32
      %dma_wait3A_580 = arith.constant 0 : i32
      %dma_wait3A_581 = tpu.memref_slice %arg12[%dma_wait3A_579, %dma_wait3A_580] : memref<128x128xf32, #tpu.memory_space<vmem>> -> memref<64x128xf32, #tpu.memory_space<vmem>>
      %dma_wait3A_582 = arith.constant 0 : i32
      %dma_wait3A_583 = tpu.memref_slice %arg8[%dma_wait3A_582] : memref<128xi32, #tpu.memory_space<vmem>> -> memref<64xi32, #tpu.memory_space<vmem>>
      %dma_wait3A_584 = arith.constant 0 : i32
      %dma_wait3A_585 = arith.constant 0 : i32
      %dma_wait3A_586 = tpu.memref_slice %arg2[%dma_wait3A_584, %dma_wait3A_585] : memref<90000x128xf32, #tpu.memory_space<hbm>> -> memref<90000x128xf32, #tpu.memory_space<hbm>>
      tpu.wait_indirect_dma semaphore(%arg15 : memref<!tpu.dma_semaphore, #tpu.memory_space<semaphore_mem>>) src(%dma_wait3A_586 : memref<90000x128xf32, #tpu.memory_space<hbm>>) dst(%dma_wait3A_581 : memref<64x128xf32, #tpu.memory_space<vmem>>)
      %dma_wait3A_587 = arith.constant 64 : i32
      %dma_wait3A_588 = arith.constant 0 : i32
      %dma_wait3A_589 = tpu.memref_slice %arg12[%dma_wait3A_587, %dma_wait3A_588] : memref<128x128xf32, #tpu.memory_space<vmem>> -> memref<64x128xf32, #tpu.memory_space<vmem>>
      %dma_wait3A_590 = arith.constant 64 : i32
      %dma_wait3A_591 = tpu.memref_slice %arg8[%dma_wait3A_590] : memref<128xi32, #tpu.memory_space<vmem>> -> memref<64xi32, #tpu.memory_space<vmem>>
      %dma_wait3A_592 = arith.constant 0 : i32
      %dma_wait3A_593 = arith.constant 0 : i32
      %dma_wait3A_594 = tpu.memref_slice %arg2[%dma_wait3A_592, %dma_wait3A_593] : memref<90000x128xf32, #tpu.memory_space<hbm>> -> memref<90000x128xf32, #tpu.memory_space<hbm>>
      tpu.wait_indirect_dma semaphore(%arg15 : memref<!tpu.dma_semaphore, #tpu.memory_space<semaphore_mem>>) src(%dma_wait3A_594 : memref<90000x128xf32, #tpu.memory_space<hbm>>) dst(%dma_wait3A_589 : memref<64x128xf32, #tpu.memory_space<vmem>>)
      "tpu.region"() ({
        %run_scoped3A_768 = tpu.sem_alloc : memref<!tpu.dma_semaphore, #tpu.memory_space<semaphore_mem>>
        %dma_start3A_769 = arith.constant 0 : i32
        %dma_start3A_770 = arith.constant 0 : i32
        %dma_start3A_771 = tpu.memref_slice %arg13[%dma_start3A_769, %dma_start3A_770] : memref<10112x128xf32, #tpu.memory_space<vmem_shared>> -> memref<10112x128xf32, #tpu.memory_space<vmem_shared>>
        tpu.enqueue_indirect_dma source(%arg12 : memref<128x128xf32, #tpu.memory_space<vmem>>) target(%dma_start3A_771 : memref<10112x128xf32, #tpu.memory_space<vmem_shared>>) offsets(%arg10 : memref<128xi32, #tpu.memory_space<vmem>>) semaphore(%run_scoped3A_768 : memref<!tpu.dma_semaphore, #tpu.memory_space<semaphore_mem>>) {add = true}
        %dma_wait3A_772 = arith.constant 0 : i32
        %dma_wait3A_773 = arith.constant 0 : i32
        %dma_wait3A_774 = tpu.memref_slice %arg13[%dma_wait3A_772, %dma_wait3A_773] : memref<10112x128xf32, #tpu.memory_space<vmem_shared>> -> memref<10112x128xf32, #tpu.memory_space<vmem_shared>>
        tpu.wait_indirect_dma semaphore(%run_scoped3A_768 : memref<!tpu.dma_semaphore, #tpu.memory_space<semaphore_mem>>) src(%arg12 : memref<128x128xf32, #tpu.memory_space<vmem>>) dst(%dma_wait3A_774 : memref<10112x128xf32, #tpu.memory_space<vmem_shared>>)
        tpu.yield
      }) : () -> ()
      %add3A_595 = arith.constant 2 : i32
      %add3A_596 = arith.addi %add3A_578, %add3A_595 : i32
      %mul3A_597 = arith.constant 128 : i32
      %mul3A_598 = arith.muli %add3A_596, %mul3A_597 : i32
      %multiple_of3A_599 = tpu.assume_multiple %mul3A_598, 128 : i32
      %add3A_600 = arith.constant 0 : i32
      %add3A_601 = arith.addi %multiple_of3A_599, %add3A_600 : i32
      %get3A_602 = arith.index_cast %add3A_601 : i32 to index
      %get3A_603 = tpu.vector_load %arg6[%get3A_602] {strides = array<i32>} : memref<10240xi32, #tpu.memory_space<vmem>>, vector<16xi32>,
      %get3A_604 = vector.shape_cast %get3A_603 : vector<16xi32> to vector<16xi32>
      %shift_right_logical3A_605 = arith.constant 14 : i32
      %shift_right_logical3A_606 = vector.broadcast %shift_right_logical3A_605 : i32 to vector<16xi32>
      %shift_right_logical3A_607 = arith.shrui %get3A_604, %shift_right_logical3A_606 : vector<16xi32>
      %swap3A_608 = arith.constant 0 : index
      %swap3A_609 = tpu.vector_load %arg8[%swap3A_608] {strides = array<i32>} : memref<128xi32, #tpu.memory_space<vmem>>, vector<16xi32>,
      %swap3A_610 = vector.shape_cast %swap3A_609 : vector<16xi32> to vector<16xi32>
      %swap3A_611 = vector.shape_cast %shift_right_logical3A_607 : vector<16xi32> to vector<16xi32>
      tpu.vector_store %arg8[%swap3A_608], %swap3A_611 {strides = array<i32>} : memref<128xi32, #tpu.memory_space<vmem>>, vector<16xi32>,
      %and3A_612 = arith.constant 16383 : i32
      %and3A_613 = vector.broadcast %and3A_612 : i32 to vector<16xi32>
      %and3A_614 = arith.andi %get3A_604, %and3A_613 : vector<16xi32>
      %swap3A_615 = arith.constant 0 : index
      %swap3A_616 = tpu.vector_load %arg10[%swap3A_615] {strides = array<i32>} : memref<128xi32, #tpu.memory_space<vmem>>, vector<16xi32>,
      %swap3A_617 = vector.shape_cast %swap3A_616 : vector<16xi32> to vector<16xi32>
      %swap3A_618 = vector.shape_cast %and3A_614 : vector<16xi32> to vector<16xi32>
      tpu.vector_store %arg10[%swap3A_615], %swap3A_618 {strides = array<i32>} : memref<128xi32, #tpu.memory_space<vmem>>, vector<16xi32>,
      %add3A_619 = arith.constant 16 : i32
      %add3A_620 = arith.addi %multiple_of3A_599, %add3A_619 : i32
      %get3A_621 = arith.index_cast %add3A_620 : i32 to index
      %get3A_622 = tpu.vector_load %arg6[%get3A_621] {strides = array<i32>} : memref<10240xi32, #tpu.memory_space<vmem>>, vector<16xi32>,
      %get3A_623 = vector.shape_cast %get3A_622 : vector<16xi32> to vector<16xi32>
      %shift_right_logical3A_624 = arith.constant 14 : i32
      %shift_right_logical3A_625 = vector.broadcast %shift_right_logical3A_624 : i32 to vector<16xi32>
      %shift_right_logical3A_626 = arith.shrui %get3A_623, %shift_right_logical3A_625 : vector<16xi32>
      %swap3A_627 = arith.constant 16 : index
      %swap3A_628 = tpu.vector_load %arg8[%swap3A_627] {strides = array<i32>} : memref<128xi32, #tpu.memory_space<vmem>>, vector<16xi32>,
      %swap3A_629 = vector.shape_cast %swap3A_628 : vector<16xi32> to vector<16xi32>
      %swap3A_630 = vector.shape_cast %shift_right_logical3A_626 : vector<16xi32> to vector<16xi32>
      tpu.vector_store %arg8[%swap3A_627], %swap3A_630 {strides = array<i32>} : memref<128xi32, #tpu.memory_space<vmem>>, vector<16xi32>,
      %and3A_631 = arith.constant 16383 : i32
      %and3A_632 = vector.broadcast %and3A_631 : i32 to vector<16xi32>
      %and3A_633 = arith.andi %get3A_623, %and3A_632 : vector<16xi32>
      %swap3A_634 = arith.constant 16 : index
      %swap3A_635 = tpu.vector_load %arg10[%swap3A_634] {strides = array<i32>} : memref<128xi32, #tpu.memory_space<vmem>>, vector<16xi32>,
      %swap3A_636 = vector.shape_cast %swap3A_635 : vector<16xi32> to vector<16xi32>
      %swap3A_637 = vector.shape_cast %and3A_633 : vector<16xi32> to vector<16xi32>
      tpu.vector_store %arg10[%swap3A_634], %swap3A_637 {strides = array<i32>} : memref<128xi32, #tpu.memory_space<vmem>>, vector<16xi32>,
      %add3A_638 = arith.constant 32 : i32
      %add3A_639 = arith.addi %multiple_of3A_599, %add3A_638 : i32
      %get3A_640 = arith.index_cast %add3A_639 : i32 to index
      %get3A_641 = tpu.vector_load %arg6[%get3A_640] {strides = array<i32>} : memref<10240xi32, #tpu.memory_space<vmem>>, vector<16xi32>,
      %get3A_642 = vector.shape_cast %get3A_641 : vector<16xi32> to vector<16xi32>
      %shift_right_logical3A_643 = arith.constant 14 : i32
      %shift_right_logical3A_644 = vector.broadcast %shift_right_logical3A_643 : i32 to vector<16xi32>
      %shift_right_logical3A_645 = arith.shrui %get3A_642, %shift_right_logical3A_644 : vector<16xi32>
      %swap3A_646 = arith.constant 32 : index
      %swap3A_647 = tpu.vector_load %arg8[%swap3A_646] {strides = array<i32>} : memref<128xi32, #tpu.memory_space<vmem>>, vector<16xi32>,
      %swap3A_648 = vector.shape_cast %swap3A_647 : vector<16xi32> to vector<16xi32>
      %swap3A_649 = vector.shape_cast %shift_right_logical3A_645 : vector<16xi32> to vector<16xi32>
      tpu.vector_store %arg8[%swap3A_646], %swap3A_649 {strides = array<i32>} : memref<128xi32, #tpu.memory_space<vmem>>, vector<16xi32>,
      %and3A_650 = arith.constant 16383 : i32
      %and3A_651 = vector.broadcast %and3A_650 : i32 to vector<16xi32>
      %and3A_652 = arith.andi %get3A_642, %and3A_651 : vector<16xi32>
      %swap3A_653 = arith.constant 32 : index
      %swap3A_654 = tpu.vector_load %arg10[%swap3A_653] {strides = array<i32>} : memref<128xi32, #tpu.memory_space<vmem>>, vector<16xi32>,
      %swap3A_655 = vector.shape_cast %swap3A_654 : vector<16xi32> to vector<16xi32>
      %swap3A_656 = vector.shape_cast %and3A_652 : vector<16xi32> to vector<16xi32>
      tpu.vector_store %arg10[%swap3A_653], %swap3A_656 {strides = array<i32>} : memref<128xi32, #tpu.memory_space<vmem>>, vector<16xi32>,
      %add3A_657 = arith.constant 48 : i32
      %add3A_658 = arith.addi %multiple_of3A_599, %add3A_657 : i32
      %get3A_659 = arith.index_cast %add3A_658 : i32 to index
      %get3A_660 = tpu.vector_load %arg6[%get3A_659] {strides = array<i32>} : memref<10240xi32, #tpu.memory_space<vmem>>, vector<16xi32>,
      %get3A_661 = vector.shape_cast %get3A_660 : vector<16xi32> to vector<16xi32>
      %shift_right_logical3A_662 = arith.constant 14 : i32
      %shift_right_logical3A_663 = vector.broadcast %shift_right_logical3A_662 : i32 to vector<16xi32>
      %shift_right_logical3A_664 = arith.shrui %get3A_661, %shift_right_logical3A_663 : vector<16xi32>
      %swap3A_665 = arith.constant 48 : index
      %swap3A_666 = tpu.vector_load %arg8[%swap3A_665] {strides = array<i32>} : memref<128xi32, #tpu.memory_space<vmem>>, vector<16xi32>,
      %swap3A_667 = vector.shape_cast %swap3A_666 : vector<16xi32> to vector<16xi32>
      %swap3A_668 = vector.shape_cast %shift_right_logical3A_664 : vector<16xi32> to vector<16xi32>
      tpu.vector_store %arg8[%swap3A_665], %swap3A_668 {strides = array<i32>} : memref<128xi32, #tpu.memory_space<vmem>>, vector<16xi32>,
      %and3A_669 = arith.constant 16383 : i32
      %and3A_670 = vector.broadcast %and3A_669 : i32 to vector<16xi32>
      %and3A_671 = arith.andi %get3A_661, %and3A_670 : vector<16xi32>
      %swap3A_672 = arith.constant 48 : index
      %swap3A_673 = tpu.vector_load %arg10[%swap3A_672] {strides = array<i32>} : memref<128xi32, #tpu.memory_space<vmem>>, vector<16xi32>,
      %swap3A_674 = vector.shape_cast %swap3A_673 : vector<16xi32> to vector<16xi32>
      %swap3A_675 = vector.shape_cast %and3A_671 : vector<16xi32> to vector<16xi32>
      tpu.vector_store %arg10[%swap3A_672], %swap3A_675 {strides = array<i32>} : memref<128xi32, #tpu.memory_space<vmem>>, vector<16xi32>,
      %add3A_676 = arith.constant 64 : i32
      %add3A_677 = arith.addi %multiple_of3A_599, %add3A_676 : i32
      %get3A_678 = arith.index_cast %add3A_677 : i32 to index
      %get3A_679 = tpu.vector_load %arg6[%get3A_678] {strides = array<i32>} : memref<10240xi32, #tpu.memory_space<vmem>>, vector<16xi32>,
      %get3A_680 = vector.shape_cast %get3A_679 : vector<16xi32> to vector<16xi32>
      %shift_right_logical3A_681 = arith.constant 14 : i32
      %shift_right_logical3A_682 = vector.broadcast %shift_right_logical3A_681 : i32 to vector<16xi32>
      %shift_right_logical3A_683 = arith.shrui %get3A_680, %shift_right_logical3A_682 : vector<16xi32>
      %swap3A_684 = arith.constant 64 : index
      %swap3A_685 = tpu.vector_load %arg8[%swap3A_684] {strides = array<i32>} : memref<128xi32, #tpu.memory_space<vmem>>, vector<16xi32>,
      %swap3A_686 = vector.shape_cast %swap3A_685 : vector<16xi32> to vector<16xi32>
      %swap3A_687 = vector.shape_cast %shift_right_logical3A_683 : vector<16xi32> to vector<16xi32>
      tpu.vector_store %arg8[%swap3A_684], %swap3A_687 {strides = array<i32>} : memref<128xi32, #tpu.memory_space<vmem>>, vector<16xi32>,
      %and3A_688 = arith.constant 16383 : i32
      %and3A_689 = vector.broadcast %and3A_688 : i32 to vector<16xi32>
      %and3A_690 = arith.andi %get3A_680, %and3A_689 : vector<16xi32>
      %swap3A_691 = arith.constant 64 : index
      %swap3A_692 = tpu.vector_load %arg10[%swap3A_691] {strides = array<i32>} : memref<128xi32, #tpu.memory_space<vmem>>, vector<16xi32>,
      %swap3A_693 = vector.shape_cast %swap3A_692 : vector<16xi32> to vector<16xi32>
      %swap3A_694 = vector.shape_cast %and3A_690 : vector<16xi32> to vector<16xi32>
      tpu.vector_store %arg10[%swap3A_691], %swap3A_694 {strides = array<i32>} : memref<128xi32, #tpu.memory_space<vmem>>, vector<16xi32>,
      %add3A_695 = arith.constant 80 : i32
      %add3A_696 = arith.addi %multiple_of3A_599, %add3A_695 : i32
      %get3A_697 = arith.index_cast %add3A_696 : i32 to index
      %get3A_698 = tpu.vector_load %arg6[%get3A_697] {strides = array<i32>} : memref<10240xi32, #tpu.memory_space<vmem>>, vector<16xi32>,
      %get3A_699 = vector.shape_cast %get3A_698 : vector<16xi32> to vector<16xi32>
      %shift_right_logical3A_700 = arith.constant 14 : i32
      %shift_right_logical3A_701 = vector.broadcast %shift_right_logical3A_700 : i32 to vector<16xi32>
      %shift_right_logical3A_702 = arith.shrui %get3A_699, %shift_right_logical3A_701 : vector<16xi32>
      %swap3A_703 = arith.constant 80 : index
      %swap3A_704 = tpu.vector_load %arg8[%swap3A_703] {strides = array<i32>} : memref<128xi32, #tpu.memory_space<vmem>>, vector<16xi32>,
      %swap3A_705 = vector.shape_cast %swap3A_704 : vector<16xi32> to vector<16xi32>
      %swap3A_706 = vector.shape_cast %shift_right_logical3A_702 : vector<16xi32> to vector<16xi32>
      tpu.vector_store %arg8[%swap3A_703], %swap3A_706 {strides = array<i32>} : memref<128xi32, #tpu.memory_space<vmem>>, vector<16xi32>,
      %and3A_707 = arith.constant 16383 : i32
      %and3A_708 = vector.broadcast %and3A_707 : i32 to vector<16xi32>
      %and3A_709 = arith.andi %get3A_699, %and3A_708 : vector<16xi32>
      %swap3A_710 = arith.constant 80 : index
      %swap3A_711 = tpu.vector_load %arg10[%swap3A_710] {strides = array<i32>} : memref<128xi32, #tpu.memory_space<vmem>>, vector<16xi32>,
      %swap3A_712 = vector.shape_cast %swap3A_711 : vector<16xi32> to vector<16xi32>
      %swap3A_713 = vector.shape_cast %and3A_709 : vector<16xi32> to vector<16xi32>
      tpu.vector_store %arg10[%swap3A_710], %swap3A_713 {strides = array<i32>} : memref<128xi32, #tpu.memory_space<vmem>>, vector<16xi32>,
      %add3A_714 = arith.constant 96 : i32
      %add3A_715 = arith.addi %multiple_of3A_599, %add3A_714 : i32
      %get3A_716 = arith.index_cast %add3A_715 : i32 to index
      %get3A_717 = tpu.vector_load %arg6[%get3A_716] {strides = array<i32>} : memref<10240xi32, #tpu.memory_space<vmem>>, vector<16xi32>,
      %get3A_718 = vector.shape_cast %get3A_717 : vector<16xi32> to vector<16xi32>
      %shift_right_logical3A_719 = arith.constant 14 : i32
      %shift_right_logical3A_720 = vector.broadcast %shift_right_logical3A_719 : i32 to vector<16xi32>
      %shift_right_logical3A_721 = arith.shrui %get3A_718, %shift_right_logical3A_720 : vector<16xi32>
      %swap3A_722 = arith.constant 96 : index
      %swap3A_723 = tpu.vector_load %arg8[%swap3A_722] {strides = array<i32>} : memref<128xi32, #tpu.memory_space<vmem>>, vector<16xi32>,
      %swap3A_724 = vector.shape_cast %swap3A_723 : vector<16xi32> to vector<16xi32>
      %swap3A_725 = vector.shape_cast %shift_right_logical3A_721 : vector<16xi32> to vector<16xi32>
      tpu.vector_store %arg8[%swap3A_722], %swap3A_725 {strides = array<i32>} : memref<128xi32, #tpu.memory_space<vmem>>, vector<16xi32>,
      %and3A_726 = arith.constant 16383 : i32
      %and3A_727 = vector.broadcast %and3A_726 : i32 to vector<16xi32>
      %and3A_728 = arith.andi %get3A_718, %and3A_727 : vector<16xi32>
      %swap3A_729 = arith.constant 96 : index
      %swap3A_730 = tpu.vector_load %arg10[%swap3A_729] {strides = array<i32>} : memref<128xi32, #tpu.memory_space<vmem>>, vector<16xi32>,
      %swap3A_731 = vector.shape_cast %swap3A_730 : vector<16xi32> to vector<16xi32>
      %swap3A_732 = vector.shape_cast %and3A_728 : vector<16xi32> to vector<16xi32>
      tpu.vector_store %arg10[%swap3A_729], %swap3A_732 {strides = array<i32>} : memref<128xi32, #tpu.memory_space<vmem>>, vector<16xi32>,
      %add3A_733 = arith.constant 112 : i32
      %add3A_734 = arith.addi %multiple_of3A_599, %add3A_733 : i32
      %get3A_735 = arith.index_cast %add3A_734 : i32 to index
      %get3A_736 = tpu.vector_load %arg6[%get3A_735] {strides = array<i32>} : memref<10240xi32, #tpu.memory_space<vmem>>, vector<16xi32>,
      %get3A_737 = vector.shape_cast %get3A_736 : vector<16xi32> to vector<16xi32>
      %shift_right_logical3A_738 = arith.constant 14 : i32
      %shift_right_logical3A_739 = vector.broadcast %shift_right_logical3A_738 : i32 to vector<16xi32>
      %shift_right_logical3A_740 = arith.shrui %get3A_737, %shift_right_logical3A_739 : vector<16xi32>
      %swap3A_741 = arith.constant 112 : index
      %swap3A_742 = tpu.vector_load %arg8[%swap3A_741] {strides = array<i32>} : memref<128xi32, #tpu.memory_space<vmem>>, vector<16xi32>,
      %swap3A_743 = vector.shape_cast %swap3A_742 : vector<16xi32> to vector<16xi32>
      %swap3A_744 = vector.shape_cast %shift_right_logical3A_740 : vector<16xi32> to vector<16xi32>
      tpu.vector_store %arg8[%swap3A_741], %swap3A_744 {strides = array<i32>} : memref<128xi32, #tpu.memory_space<vmem>>, vector<16xi32>,
      %and3A_745 = arith.constant 16383 : i32
      %and3A_746 = vector.broadcast %and3A_745 : i32 to vector<16xi32>
      %and3A_747 = arith.andi %get3A_737, %and3A_746 : vector<16xi32>
      %swap3A_748 = arith.constant 112 : index
      %swap3A_749 = tpu.vector_load %arg10[%swap3A_748] {strides = array<i32>} : memref<128xi32, #tpu.memory_space<vmem>>, vector<16xi32>,
      %swap3A_750 = vector.shape_cast %swap3A_749 : vector<16xi32> to vector<16xi32>
      %swap3A_751 = vector.shape_cast %and3A_747 : vector<16xi32> to vector<16xi32>
      tpu.vector_store %arg10[%swap3A_748], %swap3A_751 {strides = array<i32>} : memref<128xi32, #tpu.memory_space<vmem>>, vector<16xi32>,
      %dma_start3A_752 = arith.constant 0 : i32
      %dma_start3A_753 = arith.constant 0 : i32
      %dma_start3A_754 = tpu.memref_slice %arg12[%dma_start3A_752, %dma_start3A_753] : memref<128x128xf32, #tpu.memory_space<vmem>> -> memref<64x128xf32, #tpu.memory_space<vmem>>
      %dma_start3A_755 = arith.constant 0 : i32
      %dma_start3A_756 = tpu.memref_slice %arg8[%dma_start3A_755] : memref<128xi32, #tpu.memory_space<vmem>> -> memref<64xi32, #tpu.memory_space<vmem>>
      %dma_start3A_757 = arith.constant 0 : i32
      %dma_start3A_758 = arith.constant 0 : i32
      %dma_start3A_759 = tpu.memref_slice %arg2[%dma_start3A_757, %dma_start3A_758] : memref<90000x128xf32, #tpu.memory_space<hbm>> -> memref<90000x128xf32, #tpu.memory_space<hbm>>
      tpu.enqueue_indirect_dma source(%dma_start3A_759 : memref<90000x128xf32, #tpu.memory_space<hbm>>) target(%dma_start3A_754 : memref<64x128xf32, #tpu.memory_space<vmem>>) offsets(%dma_start3A_756 : memref<64xi32, #tpu.memory_space<vmem>>) semaphore(%arg15 : memref<!tpu.dma_semaphore, #tpu.memory_space<semaphore_mem>>)
      %dma_start3A_760 = arith.constant 64 : i32
      %dma_start3A_761 = arith.constant 0 : i32
      %dma_start3A_762 = tpu.memref_slice %arg12[%dma_start3A_760, %dma_start3A_761] : memref<128x128xf32, #tpu.memory_space<vmem>> -> memref<64x128xf32, #tpu.memory_space<vmem>>
      %dma_start3A_763 = arith.constant 64 : i32
      %dma_start3A_764 = tpu.memref_slice %arg8[%dma_start3A_763] : memref<128xi32, #tpu.memory_space<vmem>> -> memref<64xi32, #tpu.memory_space<vmem>>
      %dma_start3A_765 = arith.constant 0 : i32
      %dma_start3A_766 = arith.constant 0 : i32
      %dma_start3A_767 = tpu.memref_slice %arg2[%dma_start3A_765, %dma_start3A_766] : memref<90000x128xf32, #tpu.memory_space<hbm>> -> memref<90000x128xf32, #tpu.memory_space<hbm>>
      tpu.enqueue_indirect_dma source(%dma_start3A_767 : memref<90000x128xf32, #tpu.memory_space<hbm>>) target(%dma_start3A_762 : memref<64x128xf32, #tpu.memory_space<vmem>>) offsets(%dma_start3A_764 : memref<64xi32, #tpu.memory_space<vmem>>) semaphore(%arg15 : memref<!tpu.dma_semaphore, #tpu.memory_space<semaphore_mem>>)
    }
    %scan3A_346 = arith.constant 39 : i32
    %dma_wait3A = arith.constant 0 : i32
    %dma_wait3A_347 = arith.constant 0 : i32
    %dma_wait3A_348 = tpu.memref_slice %arg11[%dma_wait3A, %dma_wait3A_347] : memref<128x128xf32, #tpu.memory_space<vmem>> -> memref<64x128xf32, #tpu.memory_space<vmem>>
    %dma_wait3A_349 = arith.constant 0 : i32
    %dma_wait3A_350 = tpu.memref_slice %arg7[%dma_wait3A_349] : memref<128xi32, #tpu.memory_space<vmem>> -> memref<64xi32, #tpu.memory_space<vmem>>
    %dma_wait3A_351 = arith.constant 0 : i32
    %dma_wait3A_352 = arith.constant 0 : i32
    %dma_wait3A_353 = tpu.memref_slice %arg2[%dma_wait3A_351, %dma_wait3A_352] : memref<90000x128xf32, #tpu.memory_space<hbm>> -> memref<90000x128xf32, #tpu.memory_space<hbm>>
    tpu.wait_indirect_dma semaphore(%arg14 : memref<!tpu.dma_semaphore, #tpu.memory_space<semaphore_mem>>) src(%dma_wait3A_353 : memref<90000x128xf32, #tpu.memory_space<hbm>>) dst(%dma_wait3A_348 : memref<64x128xf32, #tpu.memory_space<vmem>>)
    %dma_wait3A_354 = arith.constant 64 : i32
    %dma_wait3A_355 = arith.constant 0 : i32
    %dma_wait3A_356 = tpu.memref_slice %arg11[%dma_wait3A_354, %dma_wait3A_355] : memref<128x128xf32, #tpu.memory_space<vmem>> -> memref<64x128xf32, #tpu.memory_space<vmem>>
    %dma_wait3A_357 = arith.constant 64 : i32
    %dma_wait3A_358 = tpu.memref_slice %arg7[%dma_wait3A_357] : memref<128xi32, #tpu.memory_space<vmem>> -> memref<64xi32, #tpu.memory_space<vmem>>
    %dma_wait3A_359 = arith.constant 0 : i32
    %dma_wait3A_360 = arith.constant 0 : i32
    %dma_wait3A_361 = tpu.memref_slice %arg2[%dma_wait3A_359, %dma_wait3A_360] : memref<90000x128xf32, #tpu.memory_space<hbm>> -> memref<90000x128xf32, #tpu.memory_space<hbm>>
    tpu.wait_indirect_dma semaphore(%arg14 : memref<!tpu.dma_semaphore, #tpu.memory_space<semaphore_mem>>) src(%dma_wait3A_361 : memref<90000x128xf32, #tpu.memory_space<hbm>>) dst(%dma_wait3A_356 : memref<64x128xf32, #tpu.memory_space<vmem>>)
    "tpu.region"() ({
      %run_scoped3A_383 = tpu.sem_alloc : memref<!tpu.dma_semaphore, #tpu.memory_space<semaphore_mem>>
      %dma_start3A_384 = arith.constant 0 : i32
      %dma_start3A_385 = arith.constant 0 : i32
      %dma_start3A_386 = tpu.memref_slice %arg13[%dma_start3A_384, %dma_start3A_385] : memref<10112x128xf32, #tpu.memory_space<vmem_shared>> -> memref<10112x128xf32, #tpu.memory_space<vmem_shared>>
      tpu.enqueue_indirect_dma source(%arg11 : memref<128x128xf32, #tpu.memory_space<vmem>>) target(%dma_start3A_386 : memref<10112x128xf32, #tpu.memory_space<vmem_shared>>) offsets(%arg9 : memref<128xi32, #tpu.memory_space<vmem>>) semaphore(%run_scoped3A_383 : memref<!tpu.dma_semaphore, #tpu.memory_space<semaphore_mem>>) {add = true}
      %dma_wait3A_387 = arith.constant 0 : i32
      %dma_wait3A_388 = arith.constant 0 : i32
      %dma_wait3A_389 = tpu.memref_slice %arg13[%dma_wait3A_387, %dma_wait3A_388] : memref<10112x128xf32, #tpu.memory_space<vmem_shared>> -> memref<10112x128xf32, #tpu.memory_space<vmem_shared>>
      tpu.wait_indirect_dma semaphore(%run_scoped3A_383 : memref<!tpu.dma_semaphore, #tpu.memory_space<semaphore_mem>>) src(%arg11 : memref<128x128xf32, #tpu.memory_space<vmem>>) dst(%dma_wait3A_389 : memref<10112x128xf32, #tpu.memory_space<vmem_shared>>)
      tpu.yield
    }) : () -> ()
    %dma_wait3A_362 = arith.constant 0 : i32
    %dma_wait3A_363 = arith.constant 0 : i32
    %dma_wait3A_364 = tpu.memref_slice %arg12[%dma_wait3A_362, %dma_wait3A_363] : memref<128x128xf32, #tpu.memory_space<vmem>> -> memref<64x128xf32, #tpu.memory_space<vmem>>
    %dma_wait3A_365 = arith.constant 0 : i32
    %dma_wait3A_366 = tpu.memref_slice %arg8[%dma_wait3A_365] : memref<128xi32, #tpu.memory_space<vmem>> -> memref<64xi32, #tpu.memory_space<vmem>>
    %dma_wait3A_367 = arith.constant 0 : i32
    %dma_wait3A_368 = arith.constant 0 : i32
    %dma_wait3A_369 = tpu.memref_slice %arg2[%dma_wait3A_367, %dma_wait3A_368] : memref<90000x128xf32, #tpu.memory_space<hbm>> -> memref<90000x128xf32, #tpu.memory_space<hbm>>
    tpu.wait_indirect_dma semaphore(%arg15 : memref<!tpu.dma_semaphore, #tpu.memory_space<semaphore_mem>>) src(%dma_wait3A_369 : memref<90000x128xf32, #tpu.memory_space<hbm>>) dst(%dma_wait3A_364 : memref<64x128xf32, #tpu.memory_space<vmem>>)
    %dma_wait3A_370 = arith.constant 64 : i32
    %dma_wait3A_371 = arith.constant 0 : i32
    %dma_wait3A_372 = tpu.memref_slice %arg12[%dma_wait3A_370, %dma_wait3A_371] : memref<128x128xf32, #tpu.memory_space<vmem>> -> memref<64x128xf32, #tpu.memory_space<vmem>>
    %dma_wait3A_373 = arith.constant 64 : i32
    %dma_wait3A_374 = tpu.memref_slice %arg8[%dma_wait3A_373] : memref<128xi32, #tpu.memory_space<vmem>> -> memref<64xi32, #tpu.memory_space<vmem>>
    %dma_wait3A_375 = arith.constant 0 : i32
    %dma_wait3A_376 = arith.constant 0 : i32
    %dma_wait3A_377 = tpu.memref_slice %arg2[%dma_wait3A_375, %dma_wait3A_376] : memref<90000x128xf32, #tpu.memory_space<hbm>> -> memref<90000x128xf32, #tpu.memory_space<hbm>>
    tpu.wait_indirect_dma semaphore(%arg15 : memref<!tpu.dma_semaphore, #tpu.memory_space<semaphore_mem>>) src(%dma_wait3A_377 : memref<90000x128xf32, #tpu.memory_space<hbm>>) dst(%dma_wait3A_372 : memref<64x128xf32, #tpu.memory_space<vmem>>)
    "tpu.region"() ({
      %run_scoped3A_383 = tpu.sem_alloc : memref<!tpu.dma_semaphore, #tpu.memory_space<semaphore_mem>>
      %dma_start3A_384 = arith.constant 0 : i32
      %dma_start3A_385 = arith.constant 0 : i32
      %dma_start3A_386 = tpu.memref_slice %arg13[%dma_start3A_384, %dma_start3A_385] : memref<10112x128xf32, #tpu.memory_space<vmem_shared>> -> memref<10112x128xf32, #tpu.memory_space<vmem_shared>>
      tpu.enqueue_indirect_dma source(%arg12 : memref<128x128xf32, #tpu.memory_space<vmem>>) target(%dma_start3A_386 : memref<10112x128xf32, #tpu.memory_space<vmem_shared>>) offsets(%arg10 : memref<128xi32, #tpu.memory_space<vmem>>) semaphore(%run_scoped3A_383 : memref<!tpu.dma_semaphore, #tpu.memory_space<semaphore_mem>>) {add = true}
      %dma_wait3A_387 = arith.constant 0 : i32
      %dma_wait3A_388 = arith.constant 0 : i32
      %dma_wait3A_389 = tpu.memref_slice %arg13[%dma_wait3A_387, %dma_wait3A_388] : memref<10112x128xf32, #tpu.memory_space<vmem_shared>> -> memref<10112x128xf32, #tpu.memory_space<vmem_shared>>
      tpu.wait_indirect_dma semaphore(%run_scoped3A_383 : memref<!tpu.dma_semaphore, #tpu.memory_space<semaphore_mem>>) src(%arg12 : memref<128x128xf32, #tpu.memory_space<vmem>>) dst(%dma_wait3A_389 : memref<10112x128xf32, #tpu.memory_space<vmem_shared>>)
      tpu.yield
    }) : () -> ()
    %barrier3A_378 = arith.constant 0 : index
    tpu.barrier barrier_id(%barrier3A_378)
    %mul3A_379 = arith.constant 632 : i32
    %mul3A_380 = arith.muli %arg1, %mul3A_379 : i32
    %mul3A_381 = arith.constant 632 : i32
    %mul3A_382 = arith.muli %arg1, %mul3A_381 : i32
    "tpu.region"() ({
      %run_scoped3A_383 = tpu.sem_alloc : memref<!tpu.dma_semaphore, #tpu.memory_space<semaphore_mem>>
      %dma_start3A_384 = arith.constant 0 : i32
      %dma_start3A_385 = tpu.memref_slice %arg5[%arg0, %mul3A_382, %dma_start3A_384] : memref<2x10112x128xf32, #tpu.memory_space<hbm>> -> memref<1x632x128xf32, #tpu.memory_space<hbm>>
      %dma_start3A_386 = tpu.memref_squeeze %dma_start3A_385 : memref<1x632x128xf32, #tpu.memory_space<hbm>> -> memref<632x128xf32, #tpu.memory_space<hbm>>
      %dma_start3A_387 = arith.constant 0 : i32
      %dma_start3A_388 = tpu.memref_slice %arg13[%mul3A_380, %dma_start3A_387] : memref<10112x128xf32, #tpu.memory_space<vmem_shared>> -> memref<632x128xf32, #tpu.memory_space<vmem_shared>>
      tpu.enqueue_dma source(%dma_start3A_388 : memref<632x128xf32, #tpu.memory_space<vmem_shared>>) target(%dma_start3A_386 : memref<632x128xf32, #tpu.memory_space<hbm>>) target_semaphore(%run_scoped3A_383 : memref<!tpu.dma_semaphore, #tpu.memory_space<semaphore_mem>>)
      %dma_wait3A_389 = arith.constant 0 : i32
      %dma_wait3A_390 = tpu.memref_slice %arg5[%arg0, %mul3A_382, %dma_wait3A_389] : memref<2x10112x128xf32, #tpu.memory_space<hbm>> -> memref<1x632x128xf32, #tpu.memory_space<hbm>>
      %dma_wait3A_391 = tpu.memref_squeeze %dma_wait3A_390 : memref<1x632x128xf32, #tpu.memory_space<hbm>> -> memref<632x128xf32, #tpu.memory_space<hbm>>
      %dma_wait3A_392 = arith.constant 0 : i32
      %dma_wait3A_393 = tpu.memref_slice %arg13[%mul3A_380, %dma_wait3A_392] : memref<10112x128xf32, #tpu.memory_space<vmem_shared>> -> memref<632x128xf32, #tpu.memory_space<vmem_shared>>
      tpu.wait_dma2 semaphore(%run_scoped3A_383 : memref<!tpu.dma_semaphore, #tpu.memory_space<semaphore_mem>>) src(%dma_wait3A_393 : memref<632x128xf32, #tpu.memory_space<vmem_shared>>) dst(%dma_wait3A_391 : memref<632x128xf32, #tpu.memory_space<hbm>>)
      tpu.yield
    }) : () -> ()
    return
  }
}

#map = affine_map<(d0, d1) -> (0, 0)>
#map1 = affine_map<(d0, d1) -> (0, 0, 0)>
module attributes {stable_mosaic.version = 14 : i64} {
  func.func @body_fn(%arg0: i32, %arg1: i32, %arg2: memref<90000x128xf32, #tpu.memory_space<hbm>>, %arg3: memref<1x327680xi32, #tpu.memory_space<hbm>>, %arg4: memref<10112x128xf32, #tpu.memory_space<hbm>>, %arg5: memref<2x10112x128xf32, #tpu.memory_space<hbm>>, %arg6: memref<10240xi32, #tpu.memory_space<vmem>>, %arg7: memref<128xi32, #tpu.memory_space<vmem>>, %arg8: memref<128xi32, #tpu.memory_space<vmem>>, %arg9: memref<128xi32, #tpu.memory_space<vmem>>, %arg10: memref<128xi32, #tpu.memory_space<vmem>>, %arg11: memref<128x128xf32, #tpu.memory_space<vmem>>, %arg12: memref<128x128xf32, #tpu.memory_space<vmem>>, %arg13: memref<10112x128xf32, #tpu.memory_space<vmem_shared>>, %arg14: memref<!tpu.dma_semaphore, #tpu.memory_space<semaphore_mem>>, %arg15: memref<!tpu.dma_semaphore, #tpu.memory_space<semaphore_mem>>) attributes {dimension_semantics = [#tpu.dimension_semantics<core_parallel>, #tpu.dimension_semantics<subcore_parallel>], iteration_bounds = array<i64: 2, 16>, scalar_prefetch = 0 : i64, scratch_operands = 10 : i64, tpu.core_type = #tpu.core_type<sc_vector_subcore>, window_params = [{transform_indices = #map}, {transform_indices = #map}, {transform_indices = #map}, {transform_indices = #map1}]} {
    %mul3A = arith.constant 2 : i32
    %mul3A_0 = arith.muli %arg1, %mul3A : i32
    %add3A = arith.addi %mul3A_0, %arg0 : i32
    %mul3A_1 = arith.constant 10240 : i32
    %mul3A_2 = arith.muli %add3A, %mul3A_1 : i32
    %multiple_of3A = tpu.assume_multiple %mul3A_2, 128 : i32
    %run_scoped3A = arith.constant 0 : i32
    "tpu.region"() ({
      %run_scoped3A_383 = tpu.sem_alloc : memref<!tpu.dma_semaphore, #tpu.memory_space<semaphore_mem>>
      %dma_start3A_384 = tpu.memref_slice %arg3[%run_scoped3A, %multiple_of3A] : memref<1x327680xi32, #tpu.memory_space<hbm>> -> memref<1x10240xi32, #tpu.memory_space<hbm>>
      %dma_start3A_385 = tpu.memref_squeeze %dma_start3A_384 : memref<1x10240xi32, #tpu.memory_space<hbm>> -> memref<10240xi32, #tpu.memory_space<hbm>>
      %dma_start3A_386 = tpu.memref_slice %arg3[%run_scoped3A, %multiple_of3A] : memref<1x327680xi32, #tpu.memory_space<hbm>> -> memref<1x10240xi32, #tpu.memory_space<hbm>>
      %dma_start3A_387 = tpu.memref_squeeze %dma_start3A_386 : memref<1x10240xi32, #tpu.memory_space<hbm>> -> memref<10240xi32, #tpu.memory_space<hbm>>
      tpu.enqueue_dma source(%dma_start3A_387 : memref<10240xi32, #tpu.memory_space<hbm>>) target(%arg6 : memref<10240xi32, #tpu.memory_space<vmem>>) target_semaphore(%run_scoped3A_383 : memref<!tpu.dma_semaphore, #tpu.memory_space<semaphore_mem>>)
      %dma_wait3A_388 = tpu.memref_slice %arg3[%run_scoped3A, %multiple_of3A] : memref<1x327680xi32, #tpu.memory_space<hbm>> -> memref<1x10240xi32, #tpu.memory_space<hbm>>
      %dma_wait3A_389 = tpu.memref_squeeze %dma_wait3A_388 : memref<1x10240xi32, #tpu.memory_space<hbm>> -> memref<10240xi32, #tpu.memory_space<hbm>>
      %dma_wait3A_390 = tpu.memref_slice %arg3[%run_scoped3A, %multiple_of3A] : memref<1x327680xi32, #tpu.memory_space<hbm>> -> memref<1x10240xi32, #tpu.memory_space<hbm>>
      %dma_wait3A_391 = tpu.memref_squeeze %dma_wait3A_390 : memref<1x10240xi32, #tpu.memory_space<hbm>> -> memref<10240xi32, #tpu.memory_space<hbm>>
      tpu.wait_dma2 semaphore(%run_scoped3A_383 : memref<!tpu.dma_semaphore, #tpu.memory_space<semaphore_mem>>) src(%dma_wait3A_391 : memref<10240xi32, #tpu.memory_space<hbm>>) dst(%arg6 : memref<10240xi32, #tpu.memory_space<vmem>>)
      tpu.yield
    }) : () -> ()
    %mul3A_3 = arith.constant 632 : i32
    %mul3A_4 = arith.muli %arg1, %mul3A_3 : i32
    %mul3A_5 = arith.constant 632 : i32
    %mul3A_6 = arith.muli %arg1, %mul3A_5 : i32
    "tpu.region"() ({
      %run_scoped3A_383 = tpu.sem_alloc : memref<!tpu.dma_semaphore, #tpu.memory_space<semaphore_mem>>
      %dma_start3A_384 = arith.constant 0 : i32
      %dma_start3A_385 = tpu.memref_slice %arg13[%mul3A_6, %dma_start3A_384] : memref<10112x128xf32, #tpu.memory_space<vmem_shared>> -> memref<632x128xf32, #tpu.memory_space<vmem_shared>>
      %dma_start3A_386 = arith.constant 0 : i32
      %dma_start3A_387 = tpu.memref_slice %arg4[%mul3A_4, %dma_start3A_386] : memref<10112x128xf32, #tpu.memory_space<hbm>> -> memref<632x128xf32, #tpu.memory_space<hbm>>
      tpu.enqueue_dma source(%dma_start3A_387 : memref<632x128xf32, #tpu.memory_space<hbm>>) target(%dma_start3A_385 : memref<632x128xf32, #tpu.memory_space<vmem_shared>>) target_semaphore(%run_scoped3A_383 : memref<!tpu.dma_semaphore, #tpu.memory_space<semaphore_mem>>)
      %dma_wait3A_388 = arith.constant 0 : i32
      %dma_wait3A_389 = tpu.memref_slice %arg13[%mul3A_6, %dma_wait3A_388] : memref<10112x128xf32, #tpu.memory_space<vmem_shared>> -> memref<632x128xf32, #tpu.memory_space<vmem_shared>>
      %dma_wait3A_390 = arith.constant 0 : i32
      %dma_wait3A_391 = tpu.memref_slice %arg4[%mul3A_4, %dma_wait3A_390] : memref<10112x128xf32, #tpu.memory_space<hbm>> -> memref<632x128xf32, #tpu.memory_space<hbm>>
      tpu.wait_dma2 semaphore(%run_scoped3A_383 : memref<!tpu.dma_semaphore, #tpu.memory_space<semaphore_mem>>) src(%dma_wait3A_391 : memref<632x128xf32, #tpu.memory_space<hbm>>) dst(%dma_wait3A_389 : memref<632x128xf32, #tpu.memory_space<vmem_shared>>)
      tpu.yield
    }) : () -> ()
    %barrier3A = arith.constant 0 : index
    tpu.barrier barrier_id(%barrier3A)
    %multiple_of3A_7 = arith.constant 0 : i32
    %multiple_of3A_8 = tpu.assume_multiple %multiple_of3A_7, 128 : i32
    %add3A_9 = arith.constant 0 : i32
    %add3A_10 = arith.addi %multiple_of3A_8, %add3A_9 : i32
    %get3A = arith.index_cast %add3A_10 : i32 to index
    %get3A_11 = tpu.vector_load %arg6[%get3A] {strides = array<i32>} : memref<10240xi32, #tpu.memory_space<vmem>>, vector<16xi32>,
    %get3A_12 = vector.shape_cast %get3A_11 : vector<16xi32> to vector<16xi32>
    %shift_right_logical3A = arith.constant 14 : i32
    %shift_right_logical3A_13 = vector.broadcast %shift_right_logical3A : i32 to vector<16xi32>
    %shift_right_logical3A_14 = arith.shrui %get3A_12, %shift_right_logical3A_13 : vector<16xi32>
    %swap3A = arith.constant 0 : index
    %swap3A_15 = tpu.vector_load %arg7[%swap3A] {strides = array<i32>} : memref<128xi32, #tpu.memory_space<vmem>>, vector<16xi32>,
    %swap3A_16 = vector.shape_cast %swap3A_15 : vector<16xi32> to vector<16xi32>
    %swap3A_17 = vector.shape_cast %shift_right_logical3A_14 : vector<16xi32> to vector<16xi32>
    tpu.vector_store %arg7[%swap3A], %swap3A_17 {strides = array<i32>} : memref<128xi32, #tpu.memory_space<vmem>>, vector<16xi32>,
    %and3A = arith.constant 16383 : i32
    %and3A_18 = vector.broadcast %and3A : i32 to vector<16xi32>
    %and3A_19 = arith.andi %get3A_12, %and3A_18 : vector<16xi32>
    %swap3A_20 = arith.constant 0 : index
    %swap3A_21 = tpu.vector_load %arg9[%swap3A_20] {strides = array<i32>} : memref<128xi32, #tpu.memory_space<vmem>>, vector<16xi32>,
    %swap3A_22 = vector.shape_cast %swap3A_21 : vector<16xi32> to vector<16xi32>
    %swap3A_23 = vector.shape_cast %and3A_19 : vector<16xi32> to vector<16xi32>
    tpu.vector_store %arg9[%swap3A_20], %swap3A_23 {strides = array<i32>} : memref<128xi32, #tpu.memory_space<vmem>>, vector<16xi32>,
    %add3A_24 = arith.constant 16 : i32
    %add3A_25 = arith.addi %multiple_of3A_8, %add3A_24 : i32
    %get3A_26 = arith.index_cast %add3A_25 : i32 to index
    %get3A_27 = tpu.vector_load %arg6[%get3A_26] {strides = array<i32>} : memref<10240xi32, #tpu.memory_space<vmem>>, vector<16xi32>,
    %get3A_28 = vector.shape_cast %get3A_27 : vector<16xi32> to vector<16xi32>
    %shift_right_logical3A_29 = arith.constant 14 : i32
    %shift_right_logical3A_30 = vector.broadcast %shift_right_logical3A_29 : i32 to vector<16xi32>
    %shift_right_logical3A_31 = arith.shrui %get3A_28, %shift_right_logical3A_30 : vector<16xi32>
    %swap3A_32 = arith.constant 16 : index
    %swap3A_33 = tpu.vector_load %arg7[%swap3A_32] {strides = array<i32>} : memref<128xi32, #tpu.memory_space<vmem>>, vector<16xi32>,
    %swap3A_34 = vector.shape_cast %swap3A_33 : vector<16xi32> to vector<16xi32>
    %swap3A_35 = vector.shape_cast %shift_right_logical3A_31 : vector<16xi32> to vector<16xi32>
    tpu.vector_store %arg7[%swap3A_32], %swap3A_35 {strides = array<i32>} : memref<128xi32, #tpu.memory_space<vmem>>, vector<16xi32>,
    %and3A_36 = arith.constant 16383 : i32
    %and3A_37 = vector.broadcast %and3A_36 : i32 to vector<16xi32>
    %and3A_38 = arith.andi %get3A_28, %and3A_37 : vector<16xi32>
    %swap3A_39 = arith.constant 16 : index
    %swap3A_40 = tpu.vector_load %arg9[%swap3A_39] {strides = array<i32>} : memref<128xi32, #tpu.memory_space<vmem>>, vector<16xi32>,
    %swap3A_41 = vector.shape_cast %swap3A_40 : vector<16xi32> to vector<16xi32>
    %swap3A_42 = vector.shape_cast %and3A_38 : vector<16xi32> to vector<16xi32>
    tpu.vector_store %arg9[%swap3A_39], %swap3A_42 {strides = array<i32>} : memref<128xi32, #tpu.memory_space<vmem>>, vector<16xi32>,
    %add3A_43 = arith.constant 32 : i32
    %add3A_44 = arith.addi %multiple_of3A_8, %add3A_43 : i32
    %get3A_45 = arith.index_cast %add3A_44 : i32 to index
    %get3A_46 = tpu.vector_load %arg6[%get3A_45] {strides = array<i32>} : memref<10240xi32, #tpu.memory_space<vmem>>, vector<16xi32>,
    %get3A_47 = vector.shape_cast %get3A_46 : vector<16xi32> to vector<16xi32>
    %shift_right_logical3A_48 = arith.constant 14 : i32
    %shift_right_logical3A_49 = vector.broadcast %shift_right_logical3A_48 : i32 to vector<16xi32>
    %shift_right_logical3A_50 = arith.shrui %get3A_47, %shift_right_logical3A_49 : vector<16xi32>
    %swap3A_51 = arith.constant 32 : index
    %swap3A_52 = tpu.vector_load %arg7[%swap3A_51] {strides = array<i32>} : memref<128xi32, #tpu.memory_space<vmem>>, vector<16xi32>,
    %swap3A_53 = vector.shape_cast %swap3A_52 : vector<16xi32> to vector<16xi32>
    %swap3A_54 = vector.shape_cast %shift_right_logical3A_50 : vector<16xi32> to vector<16xi32>
    tpu.vector_store %arg7[%swap3A_51], %swap3A_54 {strides = array<i32>} : memref<128xi32, #tpu.memory_space<vmem>>, vector<16xi32>,
    %and3A_55 = arith.constant 16383 : i32
    %and3A_56 = vector.broadcast %and3A_55 : i32 to vector<16xi32>
    %and3A_57 = arith.andi %get3A_47, %and3A_56 : vector<16xi32>
    %swap3A_58 = arith.constant 32 : index
    %swap3A_59 = tpu.vector_load %arg9[%swap3A_58] {strides = array<i32>} : memref<128xi32, #tpu.memory_space<vmem>>, vector<16xi32>,
    %swap3A_60 = vector.shape_cast %swap3A_59 : vector<16xi32> to vector<16xi32>
    %swap3A_61 = vector.shape_cast %and3A_57 : vector<16xi32> to vector<16xi32>
    tpu.vector_store %arg9[%swap3A_58], %swap3A_61 {strides = array<i32>} : memref<128xi32, #tpu.memory_space<vmem>>, vector<16xi32>,
    %add3A_62 = arith.constant 48 : i32
    %add3A_63 = arith.addi %multiple_of3A_8, %add3A_62 : i32
    %get3A_64 = arith.index_cast %add3A_63 : i32 to index
    %get3A_65 = tpu.vector_load %arg6[%get3A_64] {strides = array<i32>} : memref<10240xi32, #tpu.memory_space<vmem>>, vector<16xi32>,
    %get3A_66 = vector.shape_cast %get3A_65 : vector<16xi32> to vector<16xi32>
    %shift_right_logical3A_67 = arith.constant 14 : i32
    %shift_right_logical3A_68 = vector.broadcast %shift_right_logical3A_67 : i32 to vector<16xi32>
    %shift_right_logical3A_69 = arith.shrui %get3A_66, %shift_right_logical3A_68 : vector<16xi32>
    %swap3A_70 = arith.constant 48 : index
    %swap3A_71 = tpu.vector_load %arg7[%swap3A_70] {strides = array<i32>} : memref<128xi32, #tpu.memory_space<vmem>>, vector<16xi32>,
    %swap3A_72 = vector.shape_cast %swap3A_71 : vector<16xi32> to vector<16xi32>
    %swap3A_73 = vector.shape_cast %shift_right_logical3A_69 : vector<16xi32> to vector<16xi32>
    tpu.vector_store %arg7[%swap3A_70], %swap3A_73 {strides = array<i32>} : memref<128xi32, #tpu.memory_space<vmem>>, vector<16xi32>,
    %and3A_74 = arith.constant 16383 : i32
    %and3A_75 = vector.broadcast %and3A_74 : i32 to vector<16xi32>
    %and3A_76 = arith.andi %get3A_66, %and3A_75 : vector<16xi32>
    %swap3A_77 = arith.constant 48 : index
    %swap3A_78 = tpu.vector_load %arg9[%swap3A_77] {strides = array<i32>} : memref<128xi32, #tpu.memory_space<vmem>>, vector<16xi32>,
    %swap3A_79 = vector.shape_cast %swap3A_78 : vector<16xi32> to vector<16xi32>
    %swap3A_80 = vector.shape_cast %and3A_76 : vector<16xi32> to vector<16xi32>
    tpu.vector_store %arg9[%swap3A_77], %swap3A_80 {strides = array<i32>} : memref<128xi32, #tpu.memory_space<vmem>>, vector<16xi32>,
    %add3A_81 = arith.constant 64 : i32
    %add3A_82 = arith.addi %multiple_of3A_8, %add3A_81 : i32
    %get3A_83 = arith.index_cast %add3A_82 : i32 to index
    %get3A_84 = tpu.vector_load %arg6[%get3A_83] {strides = array<i32>} : memref<10240xi32, #tpu.memory_space<vmem>>, vector<16xi32>,
    %get3A_85 = vector.shape_cast %get3A_84 : vector<16xi32> to vector<16xi32>
    %shift_right_logical3A_86 = arith.constant 14 : i32
    %shift_right_logical3A_87 = vector.broadcast %shift_right_logical3A_86 : i32 to vector<16xi32>
    %shift_right_logical3A_88 = arith.shrui %get3A_85, %shift_right_logical3A_87 : vector<16xi32>
    %swap3A_89 = arith.constant 64 : index
    %swap3A_90 = tpu.vector_load %arg7[%swap3A_89] {strides = array<i32>} : memref<128xi32, #tpu.memory_space<vmem>>, vector<16xi32>,
    %swap3A_91 = vector.shape_cast %swap3A_90 : vector<16xi32> to vector<16xi32>
    %swap3A_92 = vector.shape_cast %shift_right_logical3A_88 : vector<16xi32> to vector<16xi32>
    tpu.vector_store %arg7[%swap3A_89], %swap3A_92 {strides = array<i32>} : memref<128xi32, #tpu.memory_space<vmem>>, vector<16xi32>,
    %and3A_93 = arith.constant 16383 : i32
    %and3A_94 = vector.broadcast %and3A_93 : i32 to vector<16xi32>
    %and3A_95 = arith.andi %get3A_85, %and3A_94 : vector<16xi32>
    %swap3A_96 = arith.constant 64 : index
    %swap3A_97 = tpu.vector_load %arg9[%swap3A_96] {strides = array<i32>} : memref<128xi32, #tpu.memory_space<vmem>>, vector<16xi32>,
    %swap3A_98 = vector.shape_cast %swap3A_97 : vector<16xi32> to vector<16xi32>
    %swap3A_99 = vector.shape_cast %and3A_95 : vector<16xi32> to vector<16xi32>
    tpu.vector_store %arg9[%swap3A_96], %swap3A_99 {strides = array<i32>} : memref<128xi32, #tpu.memory_space<vmem>>, vector<16xi32>,
    %add3A_100 = arith.constant 80 : i32
    %add3A_101 = arith.addi %multiple_of3A_8, %add3A_100 : i32
    %get3A_102 = arith.index_cast %add3A_101 : i32 to index
    %get3A_103 = tpu.vector_load %arg6[%get3A_102] {strides = array<i32>} : memref<10240xi32, #tpu.memory_space<vmem>>, vector<16xi32>,
    %get3A_104 = vector.shape_cast %get3A_103 : vector<16xi32> to vector<16xi32>
    %shift_right_logical3A_105 = arith.constant 14 : i32
    %shift_right_logical3A_106 = vector.broadcast %shift_right_logical3A_105 : i32 to vector<16xi32>
    %shift_right_logical3A_107 = arith.shrui %get3A_104, %shift_right_logical3A_106 : vector<16xi32>
    %swap3A_108 = arith.constant 80 : index
    %swap3A_109 = tpu.vector_load %arg7[%swap3A_108] {strides = array<i32>} : memref<128xi32, #tpu.memory_space<vmem>>, vector<16xi32>,
    %swap3A_110 = vector.shape_cast %swap3A_109 : vector<16xi32> to vector<16xi32>
    %swap3A_111 = vector.shape_cast %shift_right_logical3A_107 : vector<16xi32> to vector<16xi32>
    tpu.vector_store %arg7[%swap3A_108], %swap3A_111 {strides = array<i32>} : memref<128xi32, #tpu.memory_space<vmem>>, vector<16xi32>,
    %and3A_112 = arith.constant 16383 : i32
    %and3A_113 = vector.broadcast %and3A_112 : i32 to vector<16xi32>
    %and3A_114 = arith.andi %get3A_104, %and3A_113 : vector<16xi32>
    %swap3A_115 = arith.constant 80 : index
    %swap3A_116 = tpu.vector_load %arg9[%swap3A_115] {strides = array<i32>} : memref<128xi32, #tpu.memory_space<vmem>>, vector<16xi32>,
    %swap3A_117 = vector.shape_cast %swap3A_116 : vector<16xi32> to vector<16xi32>
    %swap3A_118 = vector.shape_cast %and3A_114 : vector<16xi32> to vector<16xi32>
    tpu.vector_store %arg9[%swap3A_115], %swap3A_118 {strides = array<i32>} : memref<128xi32, #tpu.memory_space<vmem>>, vector<16xi32>,
    %add3A_119 = arith.constant 96 : i32
    %add3A_120 = arith.addi %multiple_of3A_8, %add3A_119 : i32
    %get3A_121 = arith.index_cast %add3A_120 : i32 to index
    %get3A_122 = tpu.vector_load %arg6[%get3A_121] {strides = array<i32>} : memref<10240xi32, #tpu.memory_space<vmem>>, vector<16xi32>,
    %get3A_123 = vector.shape_cast %get3A_122 : vector<16xi32> to vector<16xi32>
    %shift_right_logical3A_124 = arith.constant 14 : i32
    %shift_right_logical3A_125 = vector.broadcast %shift_right_logical3A_124 : i32 to vector<16xi32>
    %shift_right_logical3A_126 = arith.shrui %get3A_123, %shift_right_logical3A_125 : vector<16xi32>
    %swap3A_127 = arith.constant 96 : index
    %swap3A_128 = tpu.vector_load %arg7[%swap3A_127] {strides = array<i32>} : memref<128xi32, #tpu.memory_space<vmem>>, vector<16xi32>,
    %swap3A_129 = vector.shape_cast %swap3A_128 : vector<16xi32> to vector<16xi32>
    %swap3A_130 = vector.shape_cast %shift_right_logical3A_126 : vector<16xi32> to vector<16xi32>
    tpu.vector_store %arg7[%swap3A_127], %swap3A_130 {strides = array<i32>} : memref<128xi32, #tpu.memory_space<vmem>>, vector<16xi32>,
    %and3A_131 = arith.constant 16383 : i32
    %and3A_132 = vector.broadcast %and3A_131 : i32 to vector<16xi32>
    %and3A_133 = arith.andi %get3A_123, %and3A_132 : vector<16xi32>
    %swap3A_134 = arith.constant 96 : index
    %swap3A_135 = tpu.vector_load %arg9[%swap3A_134] {strides = array<i32>} : memref<128xi32, #tpu.memory_space<vmem>>, vector<16xi32>,
    %swap3A_136 = vector.shape_cast %swap3A_135 : vector<16xi32> to vector<16xi32>
    %swap3A_137 = vector.shape_cast %and3A_133 : vector<16xi32> to vector<16xi32>
    tpu.vector_store %arg9[%swap3A_134], %swap3A_137 {strides = array<i32>} : memref<128xi32, #tpu.memory_space<vmem>>, vector<16xi32>,
    %add3A_138 = arith.constant 112 : i32
    %add3A_139 = arith.addi %multiple_of3A_8, %add3A_138 : i32
    %get3A_140 = arith.index_cast %add3A_139 : i32 to index
    %get3A_141 = tpu.vector_load %arg6[%get3A_140] {strides = array<i32>} : memref<10240xi32, #tpu.memory_space<vmem>>, vector<16xi32>,
    %get3A_142 = vector.shape_cast %get3A_141 : vector<16xi32> to vector<16xi32>
    %shift_right_logical3A_143 = arith.constant 14 : i32
    %shift_right_logical3A_144 = vector.broadcast %shift_right_logical3A_143 : i32 to vector<16xi32>
    %shift_right_logical3A_145 = arith.shrui %get3A_142, %shift_right_logical3A_144 : vector<16xi32>
    %swap3A_146 = arith.constant 112 : index
    %swap3A_147 = tpu.vector_load %arg7[%swap3A_146] {strides = array<i32>} : memref<128xi32, #tpu.memory_space<vmem>>, vector<16xi32>,
    %swap3A_148 = vector.shape_cast %swap3A_147 : vector<16xi32> to vector<16xi32>
    %swap3A_149 = vector.shape_cast %shift_right_logical3A_145 : vector<16xi32> to vector<16xi32>
    tpu.vector_store %arg7[%swap3A_146], %swap3A_149 {strides = array<i32>} : memref<128xi32, #tpu.memory_space<vmem>>, vector<16xi32>,
    %and3A_150 = arith.constant 16383 : i32
    %and3A_151 = vector.broadcast %and3A_150 : i32 to vector<16xi32>
    %and3A_152 = arith.andi %get3A_142, %and3A_151 : vector<16xi32>
    %swap3A_153 = arith.constant 112 : index
    %swap3A_154 = tpu.vector_load %arg9[%swap3A_153] {strides = array<i32>} : memref<128xi32, #tpu.memory_space<vmem>>, vector<16xi32>,
    %swap3A_155 = vector.shape_cast %swap3A_154 : vector<16xi32> to vector<16xi32>
    %swap3A_156 = vector.shape_cast %and3A_152 : vector<16xi32> to vector<16xi32>
    tpu.vector_store %arg9[%swap3A_153], %swap3A_156 {strides = array<i32>} : memref<128xi32, #tpu.memory_space<vmem>>, vector<16xi32>,
    %dma_start3A = arith.constant 0 : i32
    %dma_start3A_157 = arith.constant 0 : i32
    %dma_start3A_158 = tpu.memref_slice %arg11[%dma_start3A, %dma_start3A_157] : memref<128x128xf32, #tpu.memory_space<vmem>> -> memref<64x128xf32, #tpu.memory_space<vmem>>
    %dma_start3A_159 = arith.constant 0 : i32
    %dma_start3A_160 = tpu.memref_slice %arg7[%dma_start3A_159] : memref<128xi32, #tpu.memory_space<vmem>> -> memref<64xi32, #tpu.memory_space<vmem>>
    %dma_start3A_161 = arith.constant 0 : i32
    %dma_start3A_162 = arith.constant 0 : i32
    %dma_start3A_163 = tpu.memref_slice %arg2[%dma_start3A_161, %dma_start3A_162] : memref<90000x128xf32, #tpu.memory_space<hbm>> -> memref<90000x128xf32, #tpu.memory_space<hbm>>
    tpu.enqueue_indirect_dma source(%dma_start3A_163 : memref<90000x128xf32, #tpu.memory_space<hbm>>) target(%dma_start3A_158 : memref<64x128xf32, #tpu.memory_space<vmem>>) offsets(%dma_start3A_160 : memref<64xi32, #tpu.memory_space<vmem>>) semaphore(%arg14 : memref<!tpu.dma_semaphore, #tpu.memory_space<semaphore_mem>>)
    %dma_start3A_164 = arith.constant 64 : i32
    %dma_start3A_165 = arith.constant 0 : i32
    %dma_start3A_166 = tpu.memref_slice %arg11[%dma_start3A_164, %dma_start3A_165] : memref<128x128xf32, #tpu.memory_space<vmem>> -> memref<64x128xf32, #tpu.memory_space<vmem>>
    %dma_start3A_167 = arith.constant 64 : i32
    %dma_start3A_168 = tpu.memref_slice %arg7[%dma_start3A_167] : memref<128xi32, #tpu.memory_space<vmem>> -> memref<64xi32, #tpu.memory_space<vmem>>
    %dma_start3A_169 = arith.constant 0 : i32
    %dma_start3A_170 = arith.constant 0 : i32
    %dma_start3A_171 = tpu.memref_slice %arg2[%dma_start3A_169, %dma_start3A_170] : memref<90000x128xf32, #tpu.memory_space<hbm>> -> memref<90000x128xf32, #tpu.memory_space<hbm>>
    tpu.enqueue_indirect_dma source(%dma_start3A_171 : memref<90000x128xf32, #tpu.memory_space<hbm>>) target(%dma_start3A_166 : memref<64x128xf32, #tpu.memory_space<vmem>>) offsets(%dma_start3A_168 : memref<64xi32, #tpu.memory_space<vmem>>) semaphore(%arg14 : memref<!tpu.dma_semaphore, #tpu.memory_space<semaphore_mem>>)
    %multiple_of3A_172 = arith.constant 128 : i32
    %multiple_of3A_173 = tpu.assume_multiple %multiple_of3A_172, 128 : i32
    %add3A_174 = arith.constant 0 : i32
    %add3A_175 = arith.addi %multiple_of3A_173, %add3A_174 : i32
    %get3A_176 = arith.index_cast %add3A_175 : i32 to index
    %get3A_177 = tpu.vector_load %arg6[%get3A_176] {strides = array<i32>} : memref<10240xi32, #tpu.memory_space<vmem>>, vector<16xi32>,
    %get3A_178 = vector.shape_cast %get3A_177 : vector<16xi32> to vector<16xi32>
    %shift_right_logical3A_179 = arith.constant 14 : i32
    %shift_right_logical3A_180 = vector.broadcast %shift_right_logical3A_179 : i32 to vector<16xi32>
    %shift_right_logical3A_181 = arith.shrui %get3A_178, %shift_right_logical3A_180 : vector<16xi32>
    %swap3A_182 = arith.constant 0 : index
    %swap3A_183 = tpu.vector_load %arg8[%swap3A_182] {strides = array<i32>} : memref<128xi32, #tpu.memory_space<vmem>>, vector<16xi32>,
    %swap3A_184 = vector.shape_cast %swap3A_183 : vector<16xi32> to vector<16xi32>
    %swap3A_185 = vector.shape_cast %shift_right_logical3A_181 : vector<16xi32> to vector<16xi32>
    tpu.vector_store %arg8[%swap3A_182], %swap3A_185 {strides = array<i32>} : memref<128xi32, #tpu.memory_space<vmem>>, vector<16xi32>,
    %and3A_186 = arith.constant 16383 : i32
    %and3A_187 = vector.broadcast %and3A_186 : i32 to vector<16xi32>
    %and3A_188 = arith.andi %get3A_178, %and3A_187 : vector<16xi32>
    %swap3A_189 = arith.constant 0 : index
    %swap3A_190 = tpu.vector_load %arg10[%swap3A_189] {strides = array<i32>} : memref<128xi32, #tpu.memory_space<vmem>>, vector<16xi32>,
    %swap3A_191 = vector.shape_cast %swap3A_190 : vector<16xi32> to vector<16xi32>
    %swap3A_192 = vector.shape_cast %and3A_188 : vector<16xi32> to vector<16xi32>
    tpu.vector_store %arg10[%swap3A_189], %swap3A_192 {strides = array<i32>} : memref<128xi32, #tpu.memory_space<vmem>>, vector<16xi32>,
    %add3A_193 = arith.constant 16 : i32
    %add3A_194 = arith.addi %multiple_of3A_173, %add3A_193 : i32
    %get3A_195 = arith.index_cast %add3A_194 : i32 to index
    %get3A_196 = tpu.vector_load %arg6[%get3A_195] {strides = array<i32>} : memref<10240xi32, #tpu.memory_space<vmem>>, vector<16xi32>,
    %get3A_197 = vector.shape_cast %get3A_196 : vector<16xi32> to vector<16xi32>
    %shift_right_logical3A_198 = arith.constant 14 : i32
    %shift_right_logical3A_199 = vector.broadcast %shift_right_logical3A_198 : i32 to vector<16xi32>
    %shift_right_logical3A_200 = arith.shrui %get3A_197, %shift_right_logical3A_199 : vector<16xi32>
    %swap3A_201 = arith.constant 16 : index
    %swap3A_202 = tpu.vector_load %arg8[%swap3A_201] {strides = array<i32>} : memref<128xi32, #tpu.memory_space<vmem>>, vector<16xi32>,
    %swap3A_203 = vector.shape_cast %swap3A_202 : vector<16xi32> to vector<16xi32>
    %swap3A_204 = vector.shape_cast %shift_right_logical3A_200 : vector<16xi32> to vector<16xi32>
    tpu.vector_store %arg8[%swap3A_201], %swap3A_204 {strides = array<i32>} : memref<128xi32, #tpu.memory_space<vmem>>, vector<16xi32>,
    %and3A_205 = arith.constant 16383 : i32
    %and3A_206 = vector.broadcast %and3A_205 : i32 to vector<16xi32>
    %and3A_207 = arith.andi %get3A_197, %and3A_206 : vector<16xi32>
    %swap3A_208 = arith.constant 16 : index
    %swap3A_209 = tpu.vector_load %arg10[%swap3A_208] {strides = array<i32>} : memref<128xi32, #tpu.memory_space<vmem>>, vector<16xi32>,
    %swap3A_210 = vector.shape_cast %swap3A_209 : vector<16xi32> to vector<16xi32>
    %swap3A_211 = vector.shape_cast %and3A_207 : vector<16xi32> to vector<16xi32>
    tpu.vector_store %arg10[%swap3A_208], %swap3A_211 {strides = array<i32>} : memref<128xi32, #tpu.memory_space<vmem>>, vector<16xi32>,
    %add3A_212 = arith.constant 32 : i32
    %add3A_213 = arith.addi %multiple_of3A_173, %add3A_212 : i32
    %get3A_214 = arith.index_cast %add3A_213 : i32 to index
    %get3A_215 = tpu.vector_load %arg6[%get3A_214] {strides = array<i32>} : memref<10240xi32, #tpu.memory_space<vmem>>, vector<16xi32>,
    %get3A_216 = vector.shape_cast %get3A_215 : vector<16xi32> to vector<16xi32>
    %shift_right_logical3A_217 = arith.constant 14 : i32
    %shift_right_logical3A_218 = vector.broadcast %shift_right_logical3A_217 : i32 to vector<16xi32>
    %shift_right_logical3A_219 = arith.shrui %get3A_216, %shift_right_logical3A_218 : vector<16xi32>
    %swap3A_220 = arith.constant 32 : index
    %swap3A_221 = tpu.vector_load %arg8[%swap3A_220] {strides = array<i32>} : memref<128xi32, #tpu.memory_space<vmem>>, vector<16xi32>,
    %swap3A_222 = vector.shape_cast %swap3A_221 : vector<16xi32> to vector<16xi32>
    %swap3A_223 = vector.shape_cast %shift_right_logical3A_219 : vector<16xi32> to vector<16xi32>
    tpu.vector_store %arg8[%swap3A_220], %swap3A_223 {strides = array<i32>} : memref<128xi32, #tpu.memory_space<vmem>>, vector<16xi32>,
    %and3A_224 = arith.constant 16383 : i32
    %and3A_225 = vector.broadcast %and3A_224 : i32 to vector<16xi32>
    %and3A_226 = arith.andi %get3A_216, %and3A_225 : vector<16xi32>
    %swap3A_227 = arith.constant 32 : index
    %swap3A_228 = tpu.vector_load %arg10[%swap3A_227] {strides = array<i32>} : memref<128xi32, #tpu.memory_space<vmem>>, vector<16xi32>,
    %swap3A_229 = vector.shape_cast %swap3A_228 : vector<16xi32> to vector<16xi32>
    %swap3A_230 = vector.shape_cast %and3A_226 : vector<16xi32> to vector<16xi32>
    tpu.vector_store %arg10[%swap3A_227], %swap3A_230 {strides = array<i32>} : memref<128xi32, #tpu.memory_space<vmem>>, vector<16xi32>,
    %add3A_231 = arith.constant 48 : i32
    %add3A_232 = arith.addi %multiple_of3A_173, %add3A_231 : i32
    %get3A_233 = arith.index_cast %add3A_232 : i32 to index
    %get3A_234 = tpu.vector_load %arg6[%get3A_233] {strides = array<i32>} : memref<10240xi32, #tpu.memory_space<vmem>>, vector<16xi32>,
    %get3A_235 = vector.shape_cast %get3A_234 : vector<16xi32> to vector<16xi32>
    %shift_right_logical3A_236 = arith.constant 14 : i32
    %shift_right_logical3A_237 = vector.broadcast %shift_right_logical3A_236 : i32 to vector<16xi32>
    %shift_right_logical3A_238 = arith.shrui %get3A_235, %shift_right_logical3A_237 : vector<16xi32>
    %swap3A_239 = arith.constant 48 : index
    %swap3A_240 = tpu.vector_load %arg8[%swap3A_239] {strides = array<i32>} : memref<128xi32, #tpu.memory_space<vmem>>, vector<16xi32>,
    %swap3A_241 = vector.shape_cast %swap3A_240 : vector<16xi32> to vector<16xi32>
    %swap3A_242 = vector.shape_cast %shift_right_logical3A_238 : vector<16xi32> to vector<16xi32>
    tpu.vector_store %arg8[%swap3A_239], %swap3A_242 {strides = array<i32>} : memref<128xi32, #tpu.memory_space<vmem>>, vector<16xi32>,
    %and3A_243 = arith.constant 16383 : i32
    %and3A_244 = vector.broadcast %and3A_243 : i32 to vector<16xi32>
    %and3A_245 = arith.andi %get3A_235, %and3A_244 : vector<16xi32>
    %swap3A_246 = arith.constant 48 : index
    %swap3A_247 = tpu.vector_load %arg10[%swap3A_246] {strides = array<i32>} : memref<128xi32, #tpu.memory_space<vmem>>, vector<16xi32>,
    %swap3A_248 = vector.shape_cast %swap3A_247 : vector<16xi32> to vector<16xi32>
    %swap3A_249 = vector.shape_cast %and3A_245 : vector<16xi32> to vector<16xi32>
    tpu.vector_store %arg10[%swap3A_246], %swap3A_249 {strides = array<i32>} : memref<128xi32, #tpu.memory_space<vmem>>, vector<16xi32>,
    %add3A_250 = arith.constant 64 : i32
    %add3A_251 = arith.addi %multiple_of3A_173, %add3A_250 : i32
    %get3A_252 = arith.index_cast %add3A_251 : i32 to index
    %get3A_253 = tpu.vector_load %arg6[%get3A_252] {strides = array<i32>} : memref<10240xi32, #tpu.memory_space<vmem>>, vector<16xi32>,
    %get3A_254 = vector.shape_cast %get3A_253 : vector<16xi32> to vector<16xi32>
    %shift_right_logical3A_255 = arith.constant 14 : i32
    %shift_right_logical3A_256 = vector.broadcast %shift_right_logical3A_255 : i32 to vector<16xi32>
    %shift_right_logical3A_257 = arith.shrui %get3A_254, %shift_right_logical3A_256 : vector<16xi32>
    %swap3A_258 = arith.constant 64 : index
    %swap3A_259 = tpu.vector_load %arg8[%swap3A_258] {strides = array<i32>} : memref<128xi32, #tpu.memory_space<vmem>>, vector<16xi32>,
    %swap3A_260 = vector.shape_cast %swap3A_259 : vector<16xi32> to vector<16xi32>
    %swap3A_261 = vector.shape_cast %shift_right_logical3A_257 : vector<16xi32> to vector<16xi32>
    tpu.vector_store %arg8[%swap3A_258], %swap3A_261 {strides = array<i32>} : memref<128xi32, #tpu.memory_space<vmem>>, vector<16xi32>,
    %and3A_262 = arith.constant 16383 : i32
    %and3A_263 = vector.broadcast %and3A_262 : i32 to vector<16xi32>
    %and3A_264 = arith.andi %get3A_254, %and3A_263 : vector<16xi32>
    %swap3A_265 = arith.constant 64 : index
    %swap3A_266 = tpu.vector_load %arg10[%swap3A_265] {strides = array<i32>} : memref<128xi32, #tpu.memory_space<vmem>>, vector<16xi32>,
    %swap3A_267 = vector.shape_cast %swap3A_266 : vector<16xi32> to vector<16xi32>
    %swap3A_268 = vector.shape_cast %and3A_264 : vector<16xi32> to vector<16xi32>
    tpu.vector_store %arg10[%swap3A_265], %swap3A_268 {strides = array<i32>} : memref<128xi32, #tpu.memory_space<vmem>>, vector<16xi32>,
    %add3A_269 = arith.constant 80 : i32
    %add3A_270 = arith.addi %multiple_of3A_173, %add3A_269 : i32
    %get3A_271 = arith.index_cast %add3A_270 : i32 to index
    %get3A_272 = tpu.vector_load %arg6[%get3A_271] {strides = array<i32>} : memref<10240xi32, #tpu.memory_space<vmem>>, vector<16xi32>,
    %get3A_273 = vector.shape_cast %get3A_272 : vector<16xi32> to vector<16xi32>
    %shift_right_logical3A_274 = arith.constant 14 : i32
    %shift_right_logical3A_275 = vector.broadcast %shift_right_logical3A_274 : i32 to vector<16xi32>
    %shift_right_logical3A_276 = arith.shrui %get3A_273, %shift_right_logical3A_275 : vector<16xi32>
    %swap3A_277 = arith.constant 80 : index
    %swap3A_278 = tpu.vector_load %arg8[%swap3A_277] {strides = array<i32>} : memref<128xi32, #tpu.memory_space<vmem>>, vector<16xi32>,
    %swap3A_279 = vector.shape_cast %swap3A_278 : vector<16xi32> to vector<16xi32>
    %swap3A_280 = vector.shape_cast %shift_right_logical3A_276 : vector<16xi32> to vector<16xi32>
    tpu.vector_store %arg8[%swap3A_277], %swap3A_280 {strides = array<i32>} : memref<128xi32, #tpu.memory_space<vmem>>, vector<16xi32>,
    %and3A_281 = arith.constant 16383 : i32
    %and3A_282 = vector.broadcast %and3A_281 : i32 to vector<16xi32>
    %and3A_283 = arith.andi %get3A_273, %and3A_282 : vector<16xi32>
    %swap3A_284 = arith.constant 80 : index
    %swap3A_285 = tpu.vector_load %arg10[%swap3A_284] {strides = array<i32>} : memref<128xi32, #tpu.memory_space<vmem>>, vector<16xi32>,
    %swap3A_286 = vector.shape_cast %swap3A_285 : vector<16xi32> to vector<16xi32>
    %swap3A_287 = vector.shape_cast %and3A_283 : vector<16xi32> to vector<16xi32>
    tpu.vector_store %arg10[%swap3A_284], %swap3A_287 {strides = array<i32>} : memref<128xi32, #tpu.memory_space<vmem>>, vector<16xi32>,
    %add3A_288 = arith.constant 96 : i32
    %add3A_289 = arith.addi %multiple_of3A_173, %add3A_288 : i32
    %get3A_290 = arith.index_cast %add3A_289 : i32 to index
    %get3A_291 = tpu.vector_load %arg6[%get3A_290] {strides = array<i32>} : memref<10240xi32, #tpu.memory_space<vmem>>, vector<16xi32>,
    %get3A_292 = vector.shape_cast %get3A_291 : vector<16xi32> to vector<16xi32>
    %shift_right_logical3A_293 = arith.constant 14 : i32
    %shift_right_logical3A_294 = vector.broadcast %shift_right_logical3A_293 : i32 to vector<16xi32>
    %shift_right_logical3A_295 = arith.shrui %get3A_292, %shift_right_logical3A_294 : vector<16xi32>
    %swap3A_296 = arith.constant 96 : index
    %swap3A_297 = tpu.vector_load %arg8[%swap3A_296] {strides = array<i32>} : memref<128xi32, #tpu.memory_space<vmem>>, vector<16xi32>,
    %swap3A_298 = vector.shape_cast %swap3A_297 : vector<16xi32> to vector<16xi32>
    %swap3A_299 = vector.shape_cast %shift_right_logical3A_295 : vector<16xi32> to vector<16xi32>
    tpu.vector_store %arg8[%swap3A_296], %swap3A_299 {strides = array<i32>} : memref<128xi32, #tpu.memory_space<vmem>>, vector<16xi32>,
    %and3A_300 = arith.constant 16383 : i32
    %and3A_301 = vector.broadcast %and3A_300 : i32 to vector<16xi32>
    %and3A_302 = arith.andi %get3A_292, %and3A_301 : vector<16xi32>
    %swap3A_303 = arith.constant 96 : index
    %swap3A_304 = tpu.vector_load %arg10[%swap3A_303] {strides = array<i32>} : memref<128xi32, #tpu.memory_space<vmem>>, vector<16xi32>,
    %swap3A_305 = vector.shape_cast %swap3A_304 : vector<16xi32> to vector<16xi32>
    %swap3A_306 = vector.shape_cast %and3A_302 : vector<16xi32> to vector<16xi32>
    tpu.vector_store %arg10[%swap3A_303], %swap3A_306 {strides = array<i32>} : memref<128xi32, #tpu.memory_space<vmem>>, vector<16xi32>,
    %add3A_307 = arith.constant 112 : i32
    %add3A_308 = arith.addi %multiple_of3A_173, %add3A_307 : i32
    %get3A_309 = arith.index_cast %add3A_308 : i32 to index
    %get3A_310 = tpu.vector_load %arg6[%get3A_309] {strides = array<i32>} : memref<10240xi32, #tpu.memory_space<vmem>>, vector<16xi32>,
    %get3A_311 = vector.shape_cast %get3A_310 : vector<16xi32> to vector<16xi32>
    %shift_right_logical3A_312 = arith.constant 14 : i32
    %shift_right_logical3A_313 = vector.broadcast %shift_right_logical3A_312 : i32 to vector<16xi32>
    %shift_right_logical3A_314 = arith.shrui %get3A_311, %shift_right_logical3A_313 : vector<16xi32>
    %swap3A_315 = arith.constant 112 : index
    %swap3A_316 = tpu.vector_load %arg8[%swap3A_315] {strides = array<i32>} : memref<128xi32, #tpu.memory_space<vmem>>, vector<16xi32>,
    %swap3A_317 = vector.shape_cast %swap3A_316 : vector<16xi32> to vector<16xi32>
    %swap3A_318 = vector.shape_cast %shift_right_logical3A_314 : vector<16xi32> to vector<16xi32>
    tpu.vector_store %arg8[%swap3A_315], %swap3A_318 {strides = array<i32>} : memref<128xi32, #tpu.memory_space<vmem>>, vector<16xi32>,
    %and3A_319 = arith.constant 16383 : i32
    %and3A_320 = vector.broadcast %and3A_319 : i32 to vector<16xi32>
    %and3A_321 = arith.andi %get3A_311, %and3A_320 : vector<16xi32>
    %swap3A_322 = arith.constant 112 : index
    %swap3A_323 = tpu.vector_load %arg10[%swap3A_322] {strides = array<i32>} : memref<128xi32, #tpu.memory_space<vmem>>, vector<16xi32>,
    %swap3A_324 = vector.shape_cast %swap3A_323 : vector<16xi32> to vector<16xi32>
    %swap3A_325 = vector.shape_cast %and3A_321 : vector<16xi32> to vector<16xi32>
    tpu.vector_store %arg10[%swap3A_322], %swap3A_325 {strides = array<i32>} : memref<128xi32, #tpu.memory_space<vmem>>, vector<16xi32>,
    %dma_start3A_326 = arith.constant 0 : i32
    %dma_start3A_327 = arith.constant 0 : i32
    %dma_start3A_328 = tpu.memref_slice %arg12[%dma_start3A_326, %dma_start3A_327] : memref<128x128xf32, #tpu.memory_space<vmem>> -> memref<64x128xf32, #tpu.memory_space<vmem>>
    %dma_start3A_329 = arith.constant 0 : i32
    %dma_start3A_330 = tpu.memref_slice %arg8[%dma_start3A_329] : memref<128xi32, #tpu.memory_space<vmem>> -> memref<64xi32, #tpu.memory_space<vmem>>
    %dma_start3A_331 = arith.constant 0 : i32
    %dma_start3A_332 = arith.constant 0 : i32
    %dma_start3A_333 = tpu.memref_slice %arg2[%dma_start3A_331, %dma_start3A_332] : memref<90000x128xf32, #tpu.memory_space<hbm>> -> memref<90000x128xf32, #tpu.memory_space<hbm>>
    tpu.enqueue_indirect_dma source(%dma_start3A_333 : memref<90000x128xf32, #tpu.memory_space<hbm>>) target(%dma_start3A_328 : memref<64x128xf32, #tpu.memory_space<vmem>>) offsets(%dma_start3A_330 : memref<64xi32, #tpu.memory_space<vmem>>) semaphore(%arg15 : memref<!tpu.dma_semaphore, #tpu.memory_space<semaphore_mem>>)
    %dma_start3A_334 = arith.constant 64 : i32
    %dma_start3A_335 = arith.constant 0 : i32
    %dma_start3A_336 = tpu.memref_slice %arg12[%dma_start3A_334, %dma_start3A_335] : memref<128x128xf32, #tpu.memory_space<vmem>> -> memref<64x128xf32, #tpu.memory_space<vmem>>
    %dma_start3A_337 = arith.constant 64 : i32
    %dma_start3A_338 = tpu.memref_slice %arg8[%dma_start3A_337] : memref<128xi32, #tpu.memory_space<vmem>> -> memref<64xi32, #tpu.memory_space<vmem>>
    %dma_start3A_339 = arith.constant 0 : i32
    %dma_start3A_340 = arith.constant 0 : i32
    %dma_start3A_341 = tpu.memref_slice %arg2[%dma_start3A_339, %dma_start3A_340] : memref<90000x128xf32, #tpu.memory_space<hbm>> -> memref<90000x128xf32, #tpu.memory_space<hbm>>
    tpu.enqueue_indirect_dma source(%dma_start3A_341 : memref<90000x128xf32, #tpu.memory_space<hbm>>) target(%dma_start3A_336 : memref<64x128xf32, #tpu.memory_space<vmem>>) offsets(%dma_start3A_338 : memref<64xi32, #tpu.memory_space<vmem>>) semaphore(%arg15 : memref<!tpu.dma_semaphore, #tpu.memory_space<semaphore_mem>>)
    %scan3A = arith.constant 0 : i32
    %scan3A_342 = arith.constant 0 : i32
    %scan3A_343 = arith.constant 39 : i32
    %scan3A_344 = arith.addi %scan3A_342, %scan3A_343 : i32
    %scan3A_345 = arith.constant 1 : i32
    scf.for %scan3A_383 = %scan3A_342 to %scan3A_344 step %scan3A_345  : i32 {
      %mul3A_384 = arith.constant 2 : i32
      %mul3A_385 = arith.muli %mul3A_384, %scan3A_383 : i32
      %dma_wait3A_386 = arith.constant 0 : i32
      %dma_wait3A_387 = arith.constant 0 : i32
      %dma_wait3A_388 = tpu.memref_slice %arg11[%dma_wait3A_386, %dma_wait3A_387] : memref<128x128xf32, #tpu.memory_space<vmem>> -> memref<64x128xf32, #tpu.memory_space<vmem>>
      %dma_wait3A_389 = arith.constant 0 : i32
      %dma_wait3A_390 = tpu.memref_slice %arg7[%dma_wait3A_389] : memref<128xi32, #tpu.memory_space<vmem>> -> memref<64xi32, #tpu.memory_space<vmem>>
      %dma_wait3A_391 = arith.constant 0 : i32
      %dma_wait3A_392 = arith.constant 0 : i32
      %dma_wait3A_393 = tpu.memref_slice %arg2[%dma_wait3A_391, %dma_wait3A_392] : memref<90000x128xf32, #tpu.memory_space<hbm>> -> memref<90000x128xf32, #tpu.memory_space<hbm>>
      tpu.wait_indirect_dma semaphore(%arg14 : memref<!tpu.dma_semaphore, #tpu.memory_space<semaphore_mem>>) src(%dma_wait3A_393 : memref<90000x128xf32, #tpu.memory_space<hbm>>) dst(%dma_wait3A_388 : memref<64x128xf32, #tpu.memory_space<vmem>>)
      %dma_wait3A_394 = arith.constant 64 : i32
      %dma_wait3A_395 = arith.constant 0 : i32
      %dma_wait3A_396 = tpu.memref_slice %arg11[%dma_wait3A_394, %dma_wait3A_395] : memref<128x128xf32, #tpu.memory_space<vmem>> -> memref<64x128xf32, #tpu.memory_space<vmem>>
      %dma_wait3A_397 = arith.constant 64 : i32
      %dma_wait3A_398 = tpu.memref_slice %arg7[%dma_wait3A_397] : memref<128xi32, #tpu.memory_space<vmem>> -> memref<64xi32, #tpu.memory_space<vmem>>
      %dma_wait3A_399 = arith.constant 0 : i32
      %dma_wait3A_400 = arith.constant 0 : i32
      %dma_wait3A_401 = tpu.memref_slice %arg2[%dma_wait3A_399, %dma_wait3A_400] : memref<90000x128xf32, #tpu.memory_space<hbm>> -> memref<90000x128xf32, #tpu.memory_space<hbm>>
      tpu.wait_indirect_dma semaphore(%arg14 : memref<!tpu.dma_semaphore, #tpu.memory_space<semaphore_mem>>) src(%dma_wait3A_401 : memref<90000x128xf32, #tpu.memory_space<hbm>>) dst(%dma_wait3A_396 : memref<64x128xf32, #tpu.memory_space<vmem>>)
      "tpu.region"() ({
        %run_scoped3A_768 = tpu.sem_alloc : memref<!tpu.dma_semaphore, #tpu.memory_space<semaphore_mem>>
        %dma_start3A_769 = arith.constant 0 : i32
        %dma_start3A_770 = arith.constant 0 : i32
        %dma_start3A_771 = tpu.memref_slice %arg13[%dma_start3A_769, %dma_start3A_770] : memref<10112x128xf32, #tpu.memory_space<vmem_shared>> -> memref<10112x128xf32, #tpu.memory_space<vmem_shared>>
        tpu.enqueue_indirect_dma source(%arg11 : memref<128x128xf32, #tpu.memory_space<vmem>>) target(%dma_start3A_771 : memref<10112x128xf32, #tpu.memory_space<vmem_shared>>) offsets(%arg9 : memref<128xi32, #tpu.memory_space<vmem>>) semaphore(%run_scoped3A_768 : memref<!tpu.dma_semaphore, #tpu.memory_space<semaphore_mem>>) {add = true}
        %dma_wait3A_772 = arith.constant 0 : i32
        %dma_wait3A_773 = arith.constant 0 : i32
        %dma_wait3A_774 = tpu.memref_slice %arg13[%dma_wait3A_772, %dma_wait3A_773] : memref<10112x128xf32, #tpu.memory_space<vmem_shared>> -> memref<10112x128xf32, #tpu.memory_space<vmem_shared>>
        tpu.wait_indirect_dma semaphore(%run_scoped3A_768 : memref<!tpu.dma_semaphore, #tpu.memory_space<semaphore_mem>>) src(%arg11 : memref<128x128xf32, #tpu.memory_space<vmem>>) dst(%dma_wait3A_774 : memref<10112x128xf32, #tpu.memory_space<vmem_shared>>)
        tpu.yield
      }) : () -> ()
      %add3A_402 = arith.constant 2 : i32
      %add3A_403 = arith.addi %mul3A_385, %add3A_402 : i32
      %mul3A_404 = arith.constant 128 : i32
      %mul3A_405 = arith.muli %add3A_403, %mul3A_404 : i32
      %multiple_of3A_406 = tpu.assume_multiple %mul3A_405, 128 : i32
      %add3A_407 = arith.constant 0 : i32
      %add3A_408 = arith.addi %multiple_of3A_406, %add3A_407 : i32
      %get3A_409 = arith.index_cast %add3A_408 : i32 to index
      %get3A_410 = tpu.vector_load %arg6[%get3A_409] {strides = array<i32>} : memref<10240xi32, #tpu.memory_space<vmem>>, vector<16xi32>,
      %get3A_411 = vector.shape_cast %get3A_410 : vector<16xi32> to vector<16xi32>
      %shift_right_logical3A_412 = arith.constant 14 : i32
      %shift_right_logical3A_413 = vector.broadcast %shift_right_logical3A_412 : i32 to vector<16xi32>
      %shift_right_logical3A_414 = arith.shrui %get3A_411, %shift_right_logical3A_413 : vector<16xi32>
      %swap3A_415 = arith.constant 0 : index
      %swap3A_416 = tpu.vector_load %arg7[%swap3A_415] {strides = array<i32>} : memref<128xi32, #tpu.memory_space<vmem>>, vector<16xi32>,
      %swap3A_417 = vector.shape_cast %swap3A_416 : vector<16xi32> to vector<16xi32>
      %swap3A_418 = vector.shape_cast %shift_right_logical3A_414 : vector<16xi32> to vector<16xi32>
      tpu.vector_store %arg7[%swap3A_415], %swap3A_418 {strides = array<i32>} : memref<128xi32, #tpu.memory_space<vmem>>, vector<16xi32>,
      %and3A_419 = arith.constant 16383 : i32
      %and3A_420 = vector.broadcast %and3A_419 : i32 to vector<16xi32>
      %and3A_421 = arith.andi %get3A_411, %and3A_420 : vector<16xi32>
      %swap3A_422 = arith.constant 0 : index
      %swap3A_423 = tpu.vector_load %arg9[%swap3A_422] {strides = array<i32>} : memref<128xi32, #tpu.memory_space<vmem>>, vector<16xi32>,
      %swap3A_424 = vector.shape_cast %swap3A_423 : vector<16xi32> to vector<16xi32>
      %swap3A_425 = vector.shape_cast %and3A_421 : vector<16xi32> to vector<16xi32>
      tpu.vector_store %arg9[%swap3A_422], %swap3A_425 {strides = array<i32>} : memref<128xi32, #tpu.memory_space<vmem>>, vector<16xi32>,
      %add3A_426 = arith.constant 16 : i32
      %add3A_427 = arith.addi %multiple_of3A_406, %add3A_426 : i32
      %get3A_428 = arith.index_cast %add3A_427 : i32 to index
      %get3A_429 = tpu.vector_load %arg6[%get3A_428] {strides = array<i32>} : memref<10240xi32, #tpu.memory_space<vmem>>, vector<16xi32>,
      %get3A_430 = vector.shape_cast %get3A_429 : vector<16xi32> to vector<16xi32>
      %shift_right_logical3A_431 = arith.constant 14 : i32
      %shift_right_logical3A_432 = vector.broadcast %shift_right_logical3A_431 : i32 to vector<16xi32>
      %shift_right_logical3A_433 = arith.shrui %get3A_430, %shift_right_logical3A_432 : vector<16xi32>
      %swap3A_434 = arith.constant 16 : index
      %swap3A_435 = tpu.vector_load %arg7[%swap3A_434] {strides = array<i32>} : memref<128xi32, #tpu.memory_space<vmem>>, vector<16xi32>,
      %swap3A_436 = vector.shape_cast %swap3A_435 : vector<16xi32> to vector<16xi32>
      %swap3A_437 = vector.shape_cast %shift_right_logical3A_433 : vector<16xi32> to vector<16xi32>
      tpu.vector_store %arg7[%swap3A_434], %swap3A_437 {strides = array<i32>} : memref<128xi32, #tpu.memory_space<vmem>>, vector<16xi32>,
      %and3A_438 = arith.constant 16383 : i32
      %and3A_439 = vector.broadcast %and3A_438 : i32 to vector<16xi32>
      %and3A_440 = arith.andi %get3A_430, %and3A_439 : vector<16xi32>
      %swap3A_441 = arith.constant 16 : index
      %swap3A_442 = tpu.vector_load %arg9[%swap3A_441] {strides = array<i32>} : memref<128xi32, #tpu.memory_space<vmem>>, vector<16xi32>,
      %swap3A_443 = vector.shape_cast %swap3A_442 : vector<16xi32> to vector<16xi32>
      %swap3A_444 = vector.shape_cast %and3A_440 : vector<16xi32> to vector<16xi32>
      tpu.vector_store %arg9[%swap3A_441], %swap3A_444 {strides = array<i32>} : memref<128xi32, #tpu.memory_space<vmem>>, vector<16xi32>,
      %add3A_445 = arith.constant 32 : i32
      %add3A_446 = arith.addi %multiple_of3A_406, %add3A_445 : i32
      %get3A_447 = arith.index_cast %add3A_446 : i32 to index
      %get3A_448 = tpu.vector_load %arg6[%get3A_447] {strides = array<i32>} : memref<10240xi32, #tpu.memory_space<vmem>>, vector<16xi32>,
      %get3A_449 = vector.shape_cast %get3A_448 : vector<16xi32> to vector<16xi32>
      %shift_right_logical3A_450 = arith.constant 14 : i32
      %shift_right_logical3A_451 = vector.broadcast %shift_right_logical3A_450 : i32 to vector<16xi32>
      %shift_right_logical3A_452 = arith.shrui %get3A_449, %shift_right_logical3A_451 : vector<16xi32>
      %swap3A_453 = arith.constant 32 : index
      %swap3A_454 = tpu.vector_load %arg7[%swap3A_453] {strides = array<i32>} : memref<128xi32, #tpu.memory_space<vmem>>, vector<16xi32>,
      %swap3A_455 = vector.shape_cast %swap3A_454 : vector<16xi32> to vector<16xi32>
      %swap3A_456 = vector.shape_cast %shift_right_logical3A_452 : vector<16xi32> to vector<16xi32>
      tpu.vector_store %arg7[%swap3A_453], %swap3A_456 {strides = array<i32>} : memref<128xi32, #tpu.memory_space<vmem>>, vector<16xi32>,
      %and3A_457 = arith.constant 16383 : i32
      %and3A_458 = vector.broadcast %and3A_457 : i32 to vector<16xi32>
      %and3A_459 = arith.andi %get3A_449, %and3A_458 : vector<16xi32>
      %swap3A_460 = arith.constant 32 : index
      %swap3A_461 = tpu.vector_load %arg9[%swap3A_460] {strides = array<i32>} : memref<128xi32, #tpu.memory_space<vmem>>, vector<16xi32>,
      %swap3A_462 = vector.shape_cast %swap3A_461 : vector<16xi32> to vector<16xi32>
      %swap3A_463 = vector.shape_cast %and3A_459 : vector<16xi32> to vector<16xi32>
      tpu.vector_store %arg9[%swap3A_460], %swap3A_463 {strides = array<i32>} : memref<128xi32, #tpu.memory_space<vmem>>, vector<16xi32>,
      %add3A_464 = arith.constant 48 : i32
      %add3A_465 = arith.addi %multiple_of3A_406, %add3A_464 : i32
      %get3A_466 = arith.index_cast %add3A_465 : i32 to index
      %get3A_467 = tpu.vector_load %arg6[%get3A_466] {strides = array<i32>} : memref<10240xi32, #tpu.memory_space<vmem>>, vector<16xi32>,
      %get3A_468 = vector.shape_cast %get3A_467 : vector<16xi32> to vector<16xi32>
      %shift_right_logical3A_469 = arith.constant 14 : i32
      %shift_right_logical3A_470 = vector.broadcast %shift_right_logical3A_469 : i32 to vector<16xi32>
      %shift_right_logical3A_471 = arith.shrui %get3A_468, %shift_right_logical3A_470 : vector<16xi32>
      %swap3A_472 = arith.constant 48 : index
      %swap3A_473 = tpu.vector_load %arg7[%swap3A_472] {strides = array<i32>} : memref<128xi32, #tpu.memory_space<vmem>>, vector<16xi32>,
      %swap3A_474 = vector.shape_cast %swap3A_473 : vector<16xi32> to vector<16xi32>
      %swap3A_475 = vector.shape_cast %shift_right_logical3A_471 : vector<16xi32> to vector<16xi32>
      tpu.vector_store %arg7[%swap3A_472], %swap3A_475 {strides = array<i32>} : memref<128xi32, #tpu.memory_space<vmem>>, vector<16xi32>,
      %and3A_476 = arith.constant 16383 : i32
      %and3A_477 = vector.broadcast %and3A_476 : i32 to vector<16xi32>
      %and3A_478 = arith.andi %get3A_468, %and3A_477 : vector<16xi32>
      %swap3A_479 = arith.constant 48 : index
      %swap3A_480 = tpu.vector_load %arg9[%swap3A_479] {strides = array<i32>} : memref<128xi32, #tpu.memory_space<vmem>>, vector<16xi32>,
      %swap3A_481 = vector.shape_cast %swap3A_480 : vector<16xi32> to vector<16xi32>
      %swap3A_482 = vector.shape_cast %and3A_478 : vector<16xi32> to vector<16xi32>
      tpu.vector_store %arg9[%swap3A_479], %swap3A_482 {strides = array<i32>} : memref<128xi32, #tpu.memory_space<vmem>>, vector<16xi32>,
      %add3A_483 = arith.constant 64 : i32
      %add3A_484 = arith.addi %multiple_of3A_406, %add3A_483 : i32
      %get3A_485 = arith.index_cast %add3A_484 : i32 to index
      %get3A_486 = tpu.vector_load %arg6[%get3A_485] {strides = array<i32>} : memref<10240xi32, #tpu.memory_space<vmem>>, vector<16xi32>,
      %get3A_487 = vector.shape_cast %get3A_486 : vector<16xi32> to vector<16xi32>
      %shift_right_logical3A_488 = arith.constant 14 : i32
      %shift_right_logical3A_489 = vector.broadcast %shift_right_logical3A_488 : i32 to vector<16xi32>
      %shift_right_logical3A_490 = arith.shrui %get3A_487, %shift_right_logical3A_489 : vector<16xi32>
      %swap3A_491 = arith.constant 64 : index
      %swap3A_492 = tpu.vector_load %arg7[%swap3A_491] {strides = array<i32>} : memref<128xi32, #tpu.memory_space<vmem>>, vector<16xi32>,
      %swap3A_493 = vector.shape_cast %swap3A_492 : vector<16xi32> to vector<16xi32>
      %swap3A_494 = vector.shape_cast %shift_right_logical3A_490 : vector<16xi32> to vector<16xi32>
      tpu.vector_store %arg7[%swap3A_491], %swap3A_494 {strides = array<i32>} : memref<128xi32, #tpu.memory_space<vmem>>, vector<16xi32>,
      %and3A_495 = arith.constant 16383 : i32
      %and3A_496 = vector.broadcast %and3A_495 : i32 to vector<16xi32>
      %and3A_497 = arith.andi %get3A_487, %and3A_496 : vector<16xi32>
      %swap3A_498 = arith.constant 64 : index
      %swap3A_499 = tpu.vector_load %arg9[%swap3A_498] {strides = array<i32>} : memref<128xi32, #tpu.memory_space<vmem>>, vector<16xi32>,
      %swap3A_500 = vector.shape_cast %swap3A_499 : vector<16xi32> to vector<16xi32>
      %swap3A_501 = vector.shape_cast %and3A_497 : vector<16xi32> to vector<16xi32>
      tpu.vector_store %arg9[%swap3A_498], %swap3A_501 {strides = array<i32>} : memref<128xi32, #tpu.memory_space<vmem>>, vector<16xi32>,
      %add3A_502 = arith.constant 80 : i32
      %add3A_503 = arith.addi %multiple_of3A_406, %add3A_502 : i32
      %get3A_504 = arith.index_cast %add3A_503 : i32 to index
      %get3A_505 = tpu.vector_load %arg6[%get3A_504] {strides = array<i32>} : memref<10240xi32, #tpu.memory_space<vmem>>, vector<16xi32>,
      %get3A_506 = vector.shape_cast %get3A_505 : vector<16xi32> to vector<16xi32>
      %shift_right_logical3A_507 = arith.constant 14 : i32
      %shift_right_logical3A_508 = vector.broadcast %shift_right_logical3A_507 : i32 to vector<16xi32>
      %shift_right_logical3A_509 = arith.shrui %get3A_506, %shift_right_logical3A_508 : vector<16xi32>
      %swap3A_510 = arith.constant 80 : index
      %swap3A_511 = tpu.vector_load %arg7[%swap3A_510] {strides = array<i32>} : memref<128xi32, #tpu.memory_space<vmem>>, vector<16xi32>,
      %swap3A_512 = vector.shape_cast %swap3A_511 : vector<16xi32> to vector<16xi32>
      %swap3A_513 = vector.shape_cast %shift_right_logical3A_509 : vector<16xi32> to vector<16xi32>
      tpu.vector_store %arg7[%swap3A_510], %swap3A_513 {strides = array<i32>} : memref<128xi32, #tpu.memory_space<vmem>>, vector<16xi32>,
      %and3A_514 = arith.constant 16383 : i32
      %and3A_515 = vector.broadcast %and3A_514 : i32 to vector<16xi32>
      %and3A_516 = arith.andi %get3A_506, %and3A_515 : vector<16xi32>
      %swap3A_517 = arith.constant 80 : index
      %swap3A_518 = tpu.vector_load %arg9[%swap3A_517] {strides = array<i32>} : memref<128xi32, #tpu.memory_space<vmem>>, vector<16xi32>,
      %swap3A_519 = vector.shape_cast %swap3A_518 : vector<16xi32> to vector<16xi32>
      %swap3A_520 = vector.shape_cast %and3A_516 : vector<16xi32> to vector<16xi32>
      tpu.vector_store %arg9[%swap3A_517], %swap3A_520 {strides = array<i32>} : memref<128xi32, #tpu.memory_space<vmem>>, vector<16xi32>,
      %add3A_521 = arith.constant 96 : i32
      %add3A_522 = arith.addi %multiple_of3A_406, %add3A_521 : i32
      %get3A_523 = arith.index_cast %add3A_522 : i32 to index
      %get3A_524 = tpu.vector_load %arg6[%get3A_523] {strides = array<i32>} : memref<10240xi32, #tpu.memory_space<vmem>>, vector<16xi32>,
      %get3A_525 = vector.shape_cast %get3A_524 : vector<16xi32> to vector<16xi32>
      %shift_right_logical3A_526 = arith.constant 14 : i32
      %shift_right_logical3A_527 = vector.broadcast %shift_right_logical3A_526 : i32 to vector<16xi32>
      %shift_right_logical3A_528 = arith.shrui %get3A_525, %shift_right_logical3A_527 : vector<16xi32>
      %swap3A_529 = arith.constant 96 : index
      %swap3A_530 = tpu.vector_load %arg7[%swap3A_529] {strides = array<i32>} : memref<128xi32, #tpu.memory_space<vmem>>, vector<16xi32>,
      %swap3A_531 = vector.shape_cast %swap3A_530 : vector<16xi32> to vector<16xi32>
      %swap3A_532 = vector.shape_cast %shift_right_logical3A_528 : vector<16xi32> to vector<16xi32>
      tpu.vector_store %arg7[%swap3A_529], %swap3A_532 {strides = array<i32>} : memref<128xi32, #tpu.memory_space<vmem>>, vector<16xi32>,
      %and3A_533 = arith.constant 16383 : i32
      %and3A_534 = vector.broadcast %and3A_533 : i32 to vector<16xi32>
      %and3A_535 = arith.andi %get3A_525, %and3A_534 : vector<16xi32>
      %swap3A_536 = arith.constant 96 : index
      %swap3A_537 = tpu.vector_load %arg9[%swap3A_536] {strides = array<i32>} : memref<128xi32, #tpu.memory_space<vmem>>, vector<16xi32>,
      %swap3A_538 = vector.shape_cast %swap3A_537 : vector<16xi32> to vector<16xi32>
      %swap3A_539 = vector.shape_cast %and3A_535 : vector<16xi32> to vector<16xi32>
      tpu.vector_store %arg9[%swap3A_536], %swap3A_539 {strides = array<i32>} : memref<128xi32, #tpu.memory_space<vmem>>, vector<16xi32>,
      %add3A_540 = arith.constant 112 : i32
      %add3A_541 = arith.addi %multiple_of3A_406, %add3A_540 : i32
      %get3A_542 = arith.index_cast %add3A_541 : i32 to index
      %get3A_543 = tpu.vector_load %arg6[%get3A_542] {strides = array<i32>} : memref<10240xi32, #tpu.memory_space<vmem>>, vector<16xi32>,
      %get3A_544 = vector.shape_cast %get3A_543 : vector<16xi32> to vector<16xi32>
      %shift_right_logical3A_545 = arith.constant 14 : i32
      %shift_right_logical3A_546 = vector.broadcast %shift_right_logical3A_545 : i32 to vector<16xi32>
      %shift_right_logical3A_547 = arith.shrui %get3A_544, %shift_right_logical3A_546 : vector<16xi32>
      %swap3A_548 = arith.constant 112 : index
      %swap3A_549 = tpu.vector_load %arg7[%swap3A_548] {strides = array<i32>} : memref<128xi32, #tpu.memory_space<vmem>>, vector<16xi32>,
      %swap3A_550 = vector.shape_cast %swap3A_549 : vector<16xi32> to vector<16xi32>
      %swap3A_551 = vector.shape_cast %shift_right_logical3A_547 : vector<16xi32> to vector<16xi32>
      tpu.vector_store %arg7[%swap3A_548], %swap3A_551 {strides = array<i32>} : memref<128xi32, #tpu.memory_space<vmem>>, vector<16xi32>,
      %and3A_552 = arith.constant 16383 : i32
      %and3A_553 = vector.broadcast %and3A_552 : i32 to vector<16xi32>
      %and3A_554 = arith.andi %get3A_544, %and3A_553 : vector<16xi32>
      %swap3A_555 = arith.constant 112 : index
      %swap3A_556 = tpu.vector_load %arg9[%swap3A_555] {strides = array<i32>} : memref<128xi32, #tpu.memory_space<vmem>>, vector<16xi32>,
      %swap3A_557 = vector.shape_cast %swap3A_556 : vector<16xi32> to vector<16xi32>
      %swap3A_558 = vector.shape_cast %and3A_554 : vector<16xi32> to vector<16xi32>
      tpu.vector_store %arg9[%swap3A_555], %swap3A_558 {strides = array<i32>} : memref<128xi32, #tpu.memory_space<vmem>>, vector<16xi32>,
      %dma_start3A_559 = arith.constant 0 : i32
      %dma_start3A_560 = arith.constant 0 : i32
      %dma_start3A_561 = tpu.memref_slice %arg11[%dma_start3A_559, %dma_start3A_560] : memref<128x128xf32, #tpu.memory_space<vmem>> -> memref<64x128xf32, #tpu.memory_space<vmem>>
      %dma_start3A_562 = arith.constant 0 : i32
      %dma_start3A_563 = tpu.memref_slice %arg7[%dma_start3A_562] : memref<128xi32, #tpu.memory_space<vmem>> -> memref<64xi32, #tpu.memory_space<vmem>>
      %dma_start3A_564 = arith.constant 0 : i32
      %dma_start3A_565 = arith.constant 0 : i32
      %dma_start3A_566 = tpu.memref_slice %arg2[%dma_start3A_564, %dma_start3A_565] : memref<90000x128xf32, #tpu.memory_space<hbm>> -> memref<90000x128xf32, #tpu.memory_space<hbm>>
      tpu.enqueue_indirect_dma source(%dma_start3A_566 : memref<90000x128xf32, #tpu.memory_space<hbm>>) target(%dma_start3A_561 : memref<64x128xf32, #tpu.memory_space<vmem>>) offsets(%dma_start3A_563 : memref<64xi32, #tpu.memory_space<vmem>>) semaphore(%arg14 : memref<!tpu.dma_semaphore, #tpu.memory_space<semaphore_mem>>)
      %dma_start3A_567 = arith.constant 64 : i32
      %dma_start3A_568 = arith.constant 0 : i32
      %dma_start3A_569 = tpu.memref_slice %arg11[%dma_start3A_567, %dma_start3A_568] : memref<128x128xf32, #tpu.memory_space<vmem>> -> memref<64x128xf32, #tpu.memory_space<vmem>>
      %dma_start3A_570 = arith.constant 64 : i32
      %dma_start3A_571 = tpu.memref_slice %arg7[%dma_start3A_570] : memref<128xi32, #tpu.memory_space<vmem>> -> memref<64xi32, #tpu.memory_space<vmem>>
      %dma_start3A_572 = arith.constant 0 : i32
      %dma_start3A_573 = arith.constant 0 : i32
      %dma_start3A_574 = tpu.memref_slice %arg2[%dma_start3A_572, %dma_start3A_573] : memref<90000x128xf32, #tpu.memory_space<hbm>> -> memref<90000x128xf32, #tpu.memory_space<hbm>>
      tpu.enqueue_indirect_dma source(%dma_start3A_574 : memref<90000x128xf32, #tpu.memory_space<hbm>>) target(%dma_start3A_569 : memref<64x128xf32, #tpu.memory_space<vmem>>) offsets(%dma_start3A_571 : memref<64xi32, #tpu.memory_space<vmem>>) semaphore(%arg14 : memref<!tpu.dma_semaphore, #tpu.memory_space<semaphore_mem>>)
      %mul3A_575 = arith.constant 2 : i32
      %mul3A_576 = arith.muli %mul3A_575, %scan3A_383 : i32
      %add3A_577 = arith.constant 1 : i32
      %add3A_578 = arith.addi %mul3A_576, %add3A_577 : i32
      %dma_wait3A_579 = arith.constant 0 : i32
      %dma_wait3A_580 = arith.constant 0 : i32
      %dma_wait3A_581 = tpu.memref_slice %arg12[%dma_wait3A_579, %dma_wait3A_580] : memref<128x128xf32, #tpu.memory_space<vmem>> -> memref<64x128xf32, #tpu.memory_space<vmem>>
      %dma_wait3A_582 = arith.constant 0 : i32
      %dma_wait3A_583 = tpu.memref_slice %arg8[%dma_wait3A_582] : memref<128xi32, #tpu.memory_space<vmem>> -> memref<64xi32, #tpu.memory_space<vmem>>
      %dma_wait3A_584 = arith.constant 0 : i32
      %dma_wait3A_585 = arith.constant 0 : i32
      %dma_wait3A_586 = tpu.memref_slice %arg2[%dma_wait3A_584, %dma_wait3A_585] : memref<90000x128xf32, #tpu.memory_space<hbm>> -> memref<90000x128xf32, #tpu.memory_space<hbm>>
      tpu.wait_indirect_dma semaphore(%arg15 : memref<!tpu.dma_semaphore, #tpu.memory_space<semaphore_mem>>) src(%dma_wait3A_586 : memref<90000x128xf32, #tpu.memory_space<hbm>>) dst(%dma_wait3A_581 : memref<64x128xf32, #tpu.memory_space<vmem>>)
      %dma_wait3A_587 = arith.constant 64 : i32
      %dma_wait3A_588 = arith.constant 0 : i32
      %dma_wait3A_589 = tpu.memref_slice %arg12[%dma_wait3A_587, %dma_wait3A_588] : memref<128x128xf32, #tpu.memory_space<vmem>> -> memref<64x128xf32, #tpu.memory_space<vmem>>
      %dma_wait3A_590 = arith.constant 64 : i32
      %dma_wait3A_591 = tpu.memref_slice %arg8[%dma_wait3A_590] : memref<128xi32, #tpu.memory_space<vmem>> -> memref<64xi32, #tpu.memory_space<vmem>>
      %dma_wait3A_592 = arith.constant 0 : i32
      %dma_wait3A_593 = arith.constant 0 : i32
      %dma_wait3A_594 = tpu.memref_slice %arg2[%dma_wait3A_592, %dma_wait3A_593] : memref<90000x128xf32, #tpu.memory_space<hbm>> -> memref<90000x128xf32, #tpu.memory_space<hbm>>
      tpu.wait_indirect_dma semaphore(%arg15 : memref<!tpu.dma_semaphore, #tpu.memory_space<semaphore_mem>>) src(%dma_wait3A_594 : memref<90000x128xf32, #tpu.memory_space<hbm>>) dst(%dma_wait3A_589 : memref<64x128xf32, #tpu.memory_space<vmem>>)
      "tpu.region"() ({
        %run_scoped3A_768 = tpu.sem_alloc : memref<!tpu.dma_semaphore, #tpu.memory_space<semaphore_mem>>
        %dma_start3A_769 = arith.constant 0 : i32
        %dma_start3A_770 = arith.constant 0 : i32
        %dma_start3A_771 = tpu.memref_slice %arg13[%dma_start3A_769, %dma_start3A_770] : memref<10112x128xf32, #tpu.memory_space<vmem_shared>> -> memref<10112x128xf32, #tpu.memory_space<vmem_shared>>
        tpu.enqueue_indirect_dma source(%arg12 : memref<128x128xf32, #tpu.memory_space<vmem>>) target(%dma_start3A_771 : memref<10112x128xf32, #tpu.memory_space<vmem_shared>>) offsets(%arg10 : memref<128xi32, #tpu.memory_space<vmem>>) semaphore(%run_scoped3A_768 : memref<!tpu.dma_semaphore, #tpu.memory_space<semaphore_mem>>) {add = true}
        %dma_wait3A_772 = arith.constant 0 : i32
        %dma_wait3A_773 = arith.constant 0 : i32
        %dma_wait3A_774 = tpu.memref_slice %arg13[%dma_wait3A_772, %dma_wait3A_773] : memref<10112x128xf32, #tpu.memory_space<vmem_shared>> -> memref<10112x128xf32, #tpu.memory_space<vmem_shared>>
        tpu.wait_indirect_dma semaphore(%run_scoped3A_768 : memref<!tpu.dma_semaphore, #tpu.memory_space<semaphore_mem>>) src(%arg12 : memref<128x128xf32, #tpu.memory_space<vmem>>) dst(%dma_wait3A_774 : memref<10112x128xf32, #tpu.memory_space<vmem_shared>>)
        tpu.yield
      }) : () -> ()
      %add3A_595 = arith.constant 2 : i32
      %add3A_596 = arith.addi %add3A_578, %add3A_595 : i32
      %mul3A_597 = arith.constant 128 : i32
      %mul3A_598 = arith.muli %add3A_596, %mul3A_597 : i32
      %multiple_of3A_599 = tpu.assume_multiple %mul3A_598, 128 : i32
      %add3A_600 = arith.constant 0 : i32
      %add3A_601 = arith.addi %multiple_of3A_599, %add3A_600 : i32
      %get3A_602 = arith.index_cast %add3A_601 : i32 to index
      %get3A_603 = tpu.vector_load %arg6[%get3A_602] {strides = array<i32>} : memref<10240xi32, #tpu.memory_space<vmem>>, vector<16xi32>,
      %get3A_604 = vector.shape_cast %get3A_603 : vector<16xi32> to vector<16xi32>
      %shift_right_logical3A_605 = arith.constant 14 : i32
      %shift_right_logical3A_606 = vector.broadcast %shift_right_logical3A_605 : i32 to vector<16xi32>
      %shift_right_logical3A_607 = arith.shrui %get3A_604, %shift_right_logical3A_606 : vector<16xi32>
      %swap3A_608 = arith.constant 0 : index
      %swap3A_609 = tpu.vector_load %arg8[%swap3A_608] {strides = array<i32>} : memref<128xi32, #tpu.memory_space<vmem>>, vector<16xi32>,
      %swap3A_610 = vector.shape_cast %swap3A_609 : vector<16xi32> to vector<16xi32>
      %swap3A_611 = vector.shape_cast %shift_right_logical3A_607 : vector<16xi32> to vector<16xi32>
      tpu.vector_store %arg8[%swap3A_608], %swap3A_611 {strides = array<i32>} : memref<128xi32, #tpu.memory_space<vmem>>, vector<16xi32>,
      %and3A_612 = arith.constant 16383 : i32
      %and3A_613 = vector.broadcast %and3A_612 : i32 to vector<16xi32>
      %and3A_614 = arith.andi %get3A_604, %and3A_613 : vector<16xi32>
      %swap3A_615 = arith.constant 0 : index
      %swap3A_616 = tpu.vector_load %arg10[%swap3A_615] {strides = array<i32>} : memref<128xi32, #tpu.memory_space<vmem>>, vector<16xi32>,
      %swap3A_617 = vector.shape_cast %swap3A_616 : vector<16xi32> to vector<16xi32>
      %swap3A_618 = vector.shape_cast %and3A_614 : vector<16xi32> to vector<16xi32>
      tpu.vector_store %arg10[%swap3A_615], %swap3A_618 {strides = array<i32>} : memref<128xi32, #tpu.memory_space<vmem>>, vector<16xi32>,
      %add3A_619 = arith.constant 16 : i32
      %add3A_620 = arith.addi %multiple_of3A_599, %add3A_619 : i32
      %get3A_621 = arith.index_cast %add3A_620 : i32 to index
      %get3A_622 = tpu.vector_load %arg6[%get3A_621] {strides = array<i32>} : memref<10240xi32, #tpu.memory_space<vmem>>, vector<16xi32>,
      %get3A_623 = vector.shape_cast %get3A_622 : vector<16xi32> to vector<16xi32>
      %shift_right_logical3A_624 = arith.constant 14 : i32
      %shift_right_logical3A_625 = vector.broadcast %shift_right_logical3A_624 : i32 to vector<16xi32>
      %shift_right_logical3A_626 = arith.shrui %get3A_623, %shift_right_logical3A_625 : vector<16xi32>
      %swap3A_627 = arith.constant 16 : index
      %swap3A_628 = tpu.vector_load %arg8[%swap3A_627] {strides = array<i32>} : memref<128xi32, #tpu.memory_space<vmem>>, vector<16xi32>,
      %swap3A_629 = vector.shape_cast %swap3A_628 : vector<16xi32> to vector<16xi32>
      %swap3A_630 = vector.shape_cast %shift_right_logical3A_626 : vector<16xi32> to vector<16xi32>
      tpu.vector_store %arg8[%swap3A_627], %swap3A_630 {strides = array<i32>} : memref<128xi32, #tpu.memory_space<vmem>>, vector<16xi32>,
      %and3A_631 = arith.constant 16383 : i32
      %and3A_632 = vector.broadcast %and3A_631 : i32 to vector<16xi32>
      %and3A_633 = arith.andi %get3A_623, %and3A_632 : vector<16xi32>
      %swap3A_634 = arith.constant 16 : index
      %swap3A_635 = tpu.vector_load %arg10[%swap3A_634] {strides = array<i32>} : memref<128xi32, #tpu.memory_space<vmem>>, vector<16xi32>,
      %swap3A_636 = vector.shape_cast %swap3A_635 : vector<16xi32> to vector<16xi32>
      %swap3A_637 = vector.shape_cast %and3A_633 : vector<16xi32> to vector<16xi32>
      tpu.vector_store %arg10[%swap3A_634], %swap3A_637 {strides = array<i32>} : memref<128xi32, #tpu.memory_space<vmem>>, vector<16xi32>,
      %add3A_638 = arith.constant 32 : i32
      %add3A_639 = arith.addi %multiple_of3A_599, %add3A_638 : i32
      %get3A_640 = arith.index_cast %add3A_639 : i32 to index
      %get3A_641 = tpu.vector_load %arg6[%get3A_640] {strides = array<i32>} : memref<10240xi32, #tpu.memory_space<vmem>>, vector<16xi32>,
      %get3A_642 = vector.shape_cast %get3A_641 : vector<16xi32> to vector<16xi32>
      %shift_right_logical3A_643 = arith.constant 14 : i32
      %shift_right_logical3A_644 = vector.broadcast %shift_right_logical3A_643 : i32 to vector<16xi32>
      %shift_right_logical3A_645 = arith.shrui %get3A_642, %shift_right_logical3A_644 : vector<16xi32>
      %swap3A_646 = arith.constant 32 : index
      %swap3A_647 = tpu.vector_load %arg8[%swap3A_646] {strides = array<i32>} : memref<128xi32, #tpu.memory_space<vmem>>, vector<16xi32>,
      %swap3A_648 = vector.shape_cast %swap3A_647 : vector<16xi32> to vector<16xi32>
      %swap3A_649 = vector.shape_cast %shift_right_logical3A_645 : vector<16xi32> to vector<16xi32>
      tpu.vector_store %arg8[%swap3A_646], %swap3A_649 {strides = array<i32>} : memref<128xi32, #tpu.memory_space<vmem>>, vector<16xi32>,
      %and3A_650 = arith.constant 16383 : i32
      %and3A_651 = vector.broadcast %and3A_650 : i32 to vector<16xi32>
      %and3A_652 = arith.andi %get3A_642, %and3A_651 : vector<16xi32>
      %swap3A_653 = arith.constant 32 : index
      %swap3A_654 = tpu.vector_load %arg10[%swap3A_653] {strides = array<i32>} : memref<128xi32, #tpu.memory_space<vmem>>, vector<16xi32>,
      %swap3A_655 = vector.shape_cast %swap3A_654 : vector<16xi32> to vector<16xi32>
      %swap3A_656 = vector.shape_cast %and3A_652 : vector<16xi32> to vector<16xi32>
      tpu.vector_store %arg10[%swap3A_653], %swap3A_656 {strides = array<i32>} : memref<128xi32, #tpu.memory_space<vmem>>, vector<16xi32>,
      %add3A_657 = arith.constant 48 : i32
      %add3A_658 = arith.addi %multiple_of3A_599, %add3A_657 : i32
      %get3A_659 = arith.index_cast %add3A_658 : i32 to index
      %get3A_660 = tpu.vector_load %arg6[%get3A_659] {strides = array<i32>} : memref<10240xi32, #tpu.memory_space<vmem>>, vector<16xi32>,
      %get3A_661 = vector.shape_cast %get3A_660 : vector<16xi32> to vector<16xi32>
      %shift_right_logical3A_662 = arith.constant 14 : i32
      %shift_right_logical3A_663 = vector.broadcast %shift_right_logical3A_662 : i32 to vector<16xi32>
      %shift_right_logical3A_664 = arith.shrui %get3A_661, %shift_right_logical3A_663 : vector<16xi32>
      %swap3A_665 = arith.constant 48 : index
      %swap3A_666 = tpu.vector_load %arg8[%swap3A_665] {strides = array<i32>} : memref<128xi32, #tpu.memory_space<vmem>>, vector<16xi32>,
      %swap3A_667 = vector.shape_cast %swap3A_666 : vector<16xi32> to vector<16xi32>
      %swap3A_668 = vector.shape_cast %shift_right_logical3A_664 : vector<16xi32> to vector<16xi32>
      tpu.vector_store %arg8[%swap3A_665], %swap3A_668 {strides = array<i32>} : memref<128xi32, #tpu.memory_space<vmem>>, vector<16xi32>,
      %and3A_669 = arith.constant 16383 : i32
      %and3A_670 = vector.broadcast %and3A_669 : i32 to vector<16xi32>
      %and3A_671 = arith.andi %get3A_661, %and3A_670 : vector<16xi32>
      %swap3A_672 = arith.constant 48 : index
      %swap3A_673 = tpu.vector_load %arg10[%swap3A_672] {strides = array<i32>} : memref<128xi32, #tpu.memory_space<vmem>>, vector<16xi32>,
      %swap3A_674 = vector.shape_cast %swap3A_673 : vector<16xi32> to vector<16xi32>
      %swap3A_675 = vector.shape_cast %and3A_671 : vector<16xi32> to vector<16xi32>
      tpu.vector_store %arg10[%swap3A_672], %swap3A_675 {strides = array<i32>} : memref<128xi32, #tpu.memory_space<vmem>>, vector<16xi32>,
      %add3A_676 = arith.constant 64 : i32
      %add3A_677 = arith.addi %multiple_of3A_599, %add3A_676 : i32
      %get3A_678 = arith.index_cast %add3A_677 : i32 to index
      %get3A_679 = tpu.vector_load %arg6[%get3A_678] {strides = array<i32>} : memref<10240xi32, #tpu.memory_space<vmem>>, vector<16xi32>,
      %get3A_680 = vector.shape_cast %get3A_679 : vector<16xi32> to vector<16xi32>
      %shift_right_logical3A_681 = arith.constant 14 : i32
      %shift_right_logical3A_682 = vector.broadcast %shift_right_logical3A_681 : i32 to vector<16xi32>
      %shift_right_logical3A_683 = arith.shrui %get3A_680, %shift_right_logical3A_682 : vector<16xi32>
      %swap3A_684 = arith.constant 64 : index
      %swap3A_685 = tpu.vector_load %arg8[%swap3A_684] {strides = array<i32>} : memref<128xi32, #tpu.memory_space<vmem>>, vector<16xi32>,
      %swap3A_686 = vector.shape_cast %swap3A_685 : vector<16xi32> to vector<16xi32>
      %swap3A_687 = vector.shape_cast %shift_right_logical3A_683 : vector<16xi32> to vector<16xi32>
      tpu.vector_store %arg8[%swap3A_684], %swap3A_687 {strides = array<i32>} : memref<128xi32, #tpu.memory_space<vmem>>, vector<16xi32>,
      %and3A_688 = arith.constant 16383 : i32
      %and3A_689 = vector.broadcast %and3A_688 : i32 to vector<16xi32>
      %and3A_690 = arith.andi %get3A_680, %and3A_689 : vector<16xi32>
      %swap3A_691 = arith.constant 64 : index
      %swap3A_692 = tpu.vector_load %arg10[%swap3A_691] {strides = array<i32>} : memref<128xi32, #tpu.memory_space<vmem>>, vector<16xi32>,
      %swap3A_693 = vector.shape_cast %swap3A_692 : vector<16xi32> to vector<16xi32>
      %swap3A_694 = vector.shape_cast %and3A_690 : vector<16xi32> to vector<16xi32>
      tpu.vector_store %arg10[%swap3A_691], %swap3A_694 {strides = array<i32>} : memref<128xi32, #tpu.memory_space<vmem>>, vector<16xi32>,
      %add3A_695 = arith.constant 80 : i32
      %add3A_696 = arith.addi %multiple_of3A_599, %add3A_695 : i32
      %get3A_697 = arith.index_cast %add3A_696 : i32 to index
      %get3A_698 = tpu.vector_load %arg6[%get3A_697] {strides = array<i32>} : memref<10240xi32, #tpu.memory_space<vmem>>, vector<16xi32>,
      %get3A_699 = vector.shape_cast %get3A_698 : vector<16xi32> to vector<16xi32>
      %shift_right_logical3A_700 = arith.constant 14 : i32
      %shift_right_logical3A_701 = vector.broadcast %shift_right_logical3A_700 : i32 to vector<16xi32>
      %shift_right_logical3A_702 = arith.shrui %get3A_699, %shift_right_logical3A_701 : vector<16xi32>
      %swap3A_703 = arith.constant 80 : index
      %swap3A_704 = tpu.vector_load %arg8[%swap3A_703] {strides = array<i32>} : memref<128xi32, #tpu.memory_space<vmem>>, vector<16xi32>,
      %swap3A_705 = vector.shape_cast %swap3A_704 : vector<16xi32> to vector<16xi32>
      %swap3A_706 = vector.shape_cast %shift_right_logical3A_702 : vector<16xi32> to vector<16xi32>
      tpu.vector_store %arg8[%swap3A_703], %swap3A_706 {strides = array<i32>} : memref<128xi32, #tpu.memory_space<vmem>>, vector<16xi32>,
      %and3A_707 = arith.constant 16383 : i32
      %and3A_708 = vector.broadcast %and3A_707 : i32 to vector<16xi32>
      %and3A_709 = arith.andi %get3A_699, %and3A_708 : vector<16xi32>
      %swap3A_710 = arith.constant 80 : index
      %swap3A_711 = tpu.vector_load %arg10[%swap3A_710] {strides = array<i32>} : memref<128xi32, #tpu.memory_space<vmem>>, vector<16xi32>,
      %swap3A_712 = vector.shape_cast %swap3A_711 : vector<16xi32> to vector<16xi32>
      %swap3A_713 = vector.shape_cast %and3A_709 : vector<16xi32> to vector<16xi32>
      tpu.vector_store %arg10[%swap3A_710], %swap3A_713 {strides = array<i32>} : memref<128xi32, #tpu.memory_space<vmem>>, vector<16xi32>,
      %add3A_714 = arith.constant 96 : i32
      %add3A_715 = arith.addi %multiple_of3A_599, %add3A_714 : i32
      %get3A_716 = arith.index_cast %add3A_715 : i32 to index
      %get3A_717 = tpu.vector_load %arg6[%get3A_716] {strides = array<i32>} : memref<10240xi32, #tpu.memory_space<vmem>>, vector<16xi32>,
      %get3A_718 = vector.shape_cast %get3A_717 : vector<16xi32> to vector<16xi32>
      %shift_right_logical3A_719 = arith.constant 14 : i32
      %shift_right_logical3A_720 = vector.broadcast %shift_right_logical3A_719 : i32 to vector<16xi32>
      %shift_right_logical3A_721 = arith.shrui %get3A_718, %shift_right_logical3A_720 : vector<16xi32>
      %swap3A_722 = arith.constant 96 : index
      %swap3A_723 = tpu.vector_load %arg8[%swap3A_722] {strides = array<i32>} : memref<128xi32, #tpu.memory_space<vmem>>, vector<16xi32>,
      %swap3A_724 = vector.shape_cast %swap3A_723 : vector<16xi32> to vector<16xi32>
      %swap3A_725 = vector.shape_cast %shift_right_logical3A_721 : vector<16xi32> to vector<16xi32>
      tpu.vector_store %arg8[%swap3A_722], %swap3A_725 {strides = array<i32>} : memref<128xi32, #tpu.memory_space<vmem>>, vector<16xi32>,
      %and3A_726 = arith.constant 16383 : i32
      %and3A_727 = vector.broadcast %and3A_726 : i32 to vector<16xi32>
      %and3A_728 = arith.andi %get3A_718, %and3A_727 : vector<16xi32>
      %swap3A_729 = arith.constant 96 : index
      %swap3A_730 = tpu.vector_load %arg10[%swap3A_729] {strides = array<i32>} : memref<128xi32, #tpu.memory_space<vmem>>, vector<16xi32>,
      %swap3A_731 = vector.shape_cast %swap3A_730 : vector<16xi32> to vector<16xi32>
      %swap3A_732 = vector.shape_cast %and3A_728 : vector<16xi32> to vector<16xi32>
      tpu.vector_store %arg10[%swap3A_729], %swap3A_732 {strides = array<i32>} : memref<128xi32, #tpu.memory_space<vmem>>, vector<16xi32>,
      %add3A_733 = arith.constant 112 : i32
      %add3A_734 = arith.addi %multiple_of3A_599, %add3A_733 : i32
      %get3A_735 = arith.index_cast %add3A_734 : i32 to index
      %get3A_736 = tpu.vector_load %arg6[%get3A_735] {strides = array<i32>} : memref<10240xi32, #tpu.memory_space<vmem>>, vector<16xi32>,
      %get3A_737 = vector.shape_cast %get3A_736 : vector<16xi32> to vector<16xi32>
      %shift_right_logical3A_738 = arith.constant 14 : i32
      %shift_right_logical3A_739 = vector.broadcast %shift_right_logical3A_738 : i32 to vector<16xi32>
      %shift_right_logical3A_740 = arith.shrui %get3A_737, %shift_right_logical3A_739 : vector<16xi32>
      %swap3A_741 = arith.constant 112 : index
      %swap3A_742 = tpu.vector_load %arg8[%swap3A_741] {strides = array<i32>} : memref<128xi32, #tpu.memory_space<vmem>>, vector<16xi32>,
      %swap3A_743 = vector.shape_cast %swap3A_742 : vector<16xi32> to vector<16xi32>
      %swap3A_744 = vector.shape_cast %shift_right_logical3A_740 : vector<16xi32> to vector<16xi32>
      tpu.vector_store %arg8[%swap3A_741], %swap3A_744 {strides = array<i32>} : memref<128xi32, #tpu.memory_space<vmem>>, vector<16xi32>,
      %and3A_745 = arith.constant 16383 : i32
      %and3A_746 = vector.broadcast %and3A_745 : i32 to vector<16xi32>
      %and3A_747 = arith.andi %get3A_737, %and3A_746 : vector<16xi32>
      %swap3A_748 = arith.constant 112 : index
      %swap3A_749 = tpu.vector_load %arg10[%swap3A_748] {strides = array<i32>} : memref<128xi32, #tpu.memory_space<vmem>>, vector<16xi32>,
      %swap3A_750 = vector.shape_cast %swap3A_749 : vector<16xi32> to vector<16xi32>
      %swap3A_751 = vector.shape_cast %and3A_747 : vector<16xi32> to vector<16xi32>
      tpu.vector_store %arg10[%swap3A_748], %swap3A_751 {strides = array<i32>} : memref<128xi32, #tpu.memory_space<vmem>>, vector<16xi32>,
      %dma_start3A_752 = arith.constant 0 : i32
      %dma_start3A_753 = arith.constant 0 : i32
      %dma_start3A_754 = tpu.memref_slice %arg12[%dma_start3A_752, %dma_start3A_753] : memref<128x128xf32, #tpu.memory_space<vmem>> -> memref<64x128xf32, #tpu.memory_space<vmem>>
      %dma_start3A_755 = arith.constant 0 : i32
      %dma_start3A_756 = tpu.memref_slice %arg8[%dma_start3A_755] : memref<128xi32, #tpu.memory_space<vmem>> -> memref<64xi32, #tpu.memory_space<vmem>>
      %dma_start3A_757 = arith.constant 0 : i32
      %dma_start3A_758 = arith.constant 0 : i32
      %dma_start3A_759 = tpu.memref_slice %arg2[%dma_start3A_757, %dma_start3A_758] : memref<90000x128xf32, #tpu.memory_space<hbm>> -> memref<90000x128xf32, #tpu.memory_space<hbm>>
      tpu.enqueue_indirect_dma source(%dma_start3A_759 : memref<90000x128xf32, #tpu.memory_space<hbm>>) target(%dma_start3A_754 : memref<64x128xf32, #tpu.memory_space<vmem>>) offsets(%dma_start3A_756 : memref<64xi32, #tpu.memory_space<vmem>>) semaphore(%arg15 : memref<!tpu.dma_semaphore, #tpu.memory_space<semaphore_mem>>)
      %dma_start3A_760 = arith.constant 64 : i32
      %dma_start3A_761 = arith.constant 0 : i32
      %dma_start3A_762 = tpu.memref_slice %arg12[%dma_start3A_760, %dma_start3A_761] : memref<128x128xf32, #tpu.memory_space<vmem>> -> memref<64x128xf32, #tpu.memory_space<vmem>>
      %dma_start3A_763 = arith.constant 64 : i32
      %dma_start3A_764 = tpu.memref_slice %arg8[%dma_start3A_763] : memref<128xi32, #tpu.memory_space<vmem>> -> memref<64xi32, #tpu.memory_space<vmem>>
      %dma_start3A_765 = arith.constant 0 : i32
      %dma_start3A_766 = arith.constant 0 : i32
      %dma_start3A_767 = tpu.memref_slice %arg2[%dma_start3A_765, %dma_start3A_766] : memref<90000x128xf32, #tpu.memory_space<hbm>> -> memref<90000x128xf32, #tpu.memory_space<hbm>>
      tpu.enqueue_indirect_dma source(%dma_start3A_767 : memref<90000x128xf32, #tpu.memory_space<hbm>>) target(%dma_start3A_762 : memref<64x128xf32, #tpu.memory_space<vmem>>) offsets(%dma_start3A_764 : memref<64xi32, #tpu.memory_space<vmem>>) semaphore(%arg15 : memref<!tpu.dma_semaphore, #tpu.memory_space<semaphore_mem>>)
    }
    %scan3A_346 = arith.constant 39 : i32
    %dma_wait3A = arith.constant 0 : i32
    %dma_wait3A_347 = arith.constant 0 : i32
    %dma_wait3A_348 = tpu.memref_slice %arg11[%dma_wait3A, %dma_wait3A_347] : memref<128x128xf32, #tpu.memory_space<vmem>> -> memref<64x128xf32, #tpu.memory_space<vmem>>
    %dma_wait3A_349 = arith.constant 0 : i32
    %dma_wait3A_350 = tpu.memref_slice %arg7[%dma_wait3A_349] : memref<128xi32, #tpu.memory_space<vmem>> -> memref<64xi32, #tpu.memory_space<vmem>>
    %dma_wait3A_351 = arith.constant 0 : i32
    %dma_wait3A_352 = arith.constant 0 : i32
    %dma_wait3A_353 = tpu.memref_slice %arg2[%dma_wait3A_351, %dma_wait3A_352] : memref<90000x128xf32, #tpu.memory_space<hbm>> -> memref<90000x128xf32, #tpu.memory_space<hbm>>
    tpu.wait_indirect_dma semaphore(%arg14 : memref<!tpu.dma_semaphore, #tpu.memory_space<semaphore_mem>>) src(%dma_wait3A_353 : memref<90000x128xf32, #tpu.memory_space<hbm>>) dst(%dma_wait3A_348 : memref<64x128xf32, #tpu.memory_space<vmem>>)
    %dma_wait3A_354 = arith.constant 64 : i32
    %dma_wait3A_355 = arith.constant 0 : i32
    %dma_wait3A_356 = tpu.memref_slice %arg11[%dma_wait3A_354, %dma_wait3A_355] : memref<128x128xf32, #tpu.memory_space<vmem>> -> memref<64x128xf32, #tpu.memory_space<vmem>>
    %dma_wait3A_357 = arith.constant 64 : i32
    %dma_wait3A_358 = tpu.memref_slice %arg7[%dma_wait3A_357] : memref<128xi32, #tpu.memory_space<vmem>> -> memref<64xi32, #tpu.memory_space<vmem>>
    %dma_wait3A_359 = arith.constant 0 : i32
    %dma_wait3A_360 = arith.constant 0 : i32
    %dma_wait3A_361 = tpu.memref_slice %arg2[%dma_wait3A_359, %dma_wait3A_360] : memref<90000x128xf32, #tpu.memory_space<hbm>> -> memref<90000x128xf32, #tpu.memory_space<hbm>>
    tpu.wait_indirect_dma semaphore(%arg14 : memref<!tpu.dma_semaphore, #tpu.memory_space<semaphore_mem>>) src(%dma_wait3A_361 : memref<90000x128xf32, #tpu.memory_space<hbm>>) dst(%dma_wait3A_356 : memref<64x128xf32, #tpu.memory_space<vmem>>)
    "tpu.region"() ({
      %run_scoped3A_383 = tpu.sem_alloc : memref<!tpu.dma_semaphore, #tpu.memory_space<semaphore_mem>>
      %dma_start3A_384 = arith.constant 0 : i32
      %dma_start3A_385 = arith.constant 0 : i32
      %dma_start3A_386 = tpu.memref_slice %arg13[%dma_start3A_384, %dma_start3A_385] : memref<10112x128xf32, #tpu.memory_space<vmem_shared>> -> memref<10112x128xf32, #tpu.memory_space<vmem_shared>>
      tpu.enqueue_indirect_dma source(%arg11 : memref<128x128xf32, #tpu.memory_space<vmem>>) target(%dma_start3A_386 : memref<10112x128xf32, #tpu.memory_space<vmem_shared>>) offsets(%arg9 : memref<128xi32, #tpu.memory_space<vmem>>) semaphore(%run_scoped3A_383 : memref<!tpu.dma_semaphore, #tpu.memory_space<semaphore_mem>>) {add = true}
      %dma_wait3A_387 = arith.constant 0 : i32
      %dma_wait3A_388 = arith.constant 0 : i32
      %dma_wait3A_389 = tpu.memref_slice %arg13[%dma_wait3A_387, %dma_wait3A_388] : memref<10112x128xf32, #tpu.memory_space<vmem_shared>> -> memref<10112x128xf32, #tpu.memory_space<vmem_shared>>
      tpu.wait_indirect_dma semaphore(%run_scoped3A_383 : memref<!tpu.dma_semaphore, #tpu.memory_space<semaphore_mem>>) src(%arg11 : memref<128x128xf32, #tpu.memory_space<vmem>>) dst(%dma_wait3A_389 : memref<10112x128xf32, #tpu.memory_space<vmem_shared>>)
      tpu.yield
    }) : () -> ()
    %dma_wait3A_362 = arith.constant 0 : i32
    %dma_wait3A_363 = arith.constant 0 : i32
    %dma_wait3A_364 = tpu.memref_slice %arg12[%dma_wait3A_362, %dma_wait3A_363] : memref<128x128xf32, #tpu.memory_space<vmem>> -> memref<64x128xf32, #tpu.memory_space<vmem>>
    %dma_wait3A_365 = arith.constant 0 : i32
    %dma_wait3A_366 = tpu.memref_slice %arg8[%dma_wait3A_365] : memref<128xi32, #tpu.memory_space<vmem>> -> memref<64xi32, #tpu.memory_space<vmem>>
    %dma_wait3A_367 = arith.constant 0 : i32
    %dma_wait3A_368 = arith.constant 0 : i32
    %dma_wait3A_369 = tpu.memref_slice %arg2[%dma_wait3A_367, %dma_wait3A_368] : memref<90000x128xf32, #tpu.memory_space<hbm>> -> memref<90000x128xf32, #tpu.memory_space<hbm>>
    tpu.wait_indirect_dma semaphore(%arg15 : memref<!tpu.dma_semaphore, #tpu.memory_space<semaphore_mem>>) src(%dma_wait3A_369 : memref<90000x128xf32, #tpu.memory_space<hbm>>) dst(%dma_wait3A_364 : memref<64x128xf32, #tpu.memory_space<vmem>>)
    %dma_wait3A_370 = arith.constant 64 : i32
    %dma_wait3A_371 = arith.constant 0 : i32
    %dma_wait3A_372 = tpu.memref_slice %arg12[%dma_wait3A_370, %dma_wait3A_371] : memref<128x128xf32, #tpu.memory_space<vmem>> -> memref<64x128xf32, #tpu.memory_space<vmem>>
    %dma_wait3A_373 = arith.constant 64 : i32
    %dma_wait3A_374 = tpu.memref_slice %arg8[%dma_wait3A_373] : memref<128xi32, #tpu.memory_space<vmem>> -> memref<64xi32, #tpu.memory_space<vmem>>
    %dma_wait3A_375 = arith.constant 0 : i32
    %dma_wait3A_376 = arith.constant 0 : i32
    %dma_wait3A_377 = tpu.memref_slice %arg2[%dma_wait3A_375, %dma_wait3A_376] : memref<90000x128xf32, #tpu.memory_space<hbm>> -> memref<90000x128xf32, #tpu.memory_space<hbm>>
    tpu.wait_indirect_dma semaphore(%arg15 : memref<!tpu.dma_semaphore, #tpu.memory_space<semaphore_mem>>) src(%dma_wait3A_377 : memref<90000x128xf32, #tpu.memory_space<hbm>>) dst(%dma_wait3A_372 : memref<64x128xf32, #tpu.memory_space<vmem>>)
    "tpu.region"() ({
      %run_scoped3A_383 = tpu.sem_alloc : memref<!tpu.dma_semaphore, #tpu.memory_space<semaphore_mem>>
      %dma_start3A_384 = arith.constant 0 : i32
      %dma_start3A_385 = arith.constant 0 : i32
      %dma_start3A_386 = tpu.memref_slice %arg13[%dma_start3A_384, %dma_start3A_385] : memref<10112x128xf32, #tpu.memory_space<vmem_shared>> -> memref<10112x128xf32, #tpu.memory_space<vmem_shared>>
      tpu.enqueue_indirect_dma source(%arg12 : memref<128x128xf32, #tpu.memory_space<vmem>>) target(%dma_start3A_386 : memref<10112x128xf32, #tpu.memory_space<vmem_shared>>) offsets(%arg10 : memref<128xi32, #tpu.memory_space<vmem>>) semaphore(%run_scoped3A_383 : memref<!tpu.dma_semaphore, #tpu.memory_space<semaphore_mem>>) {add = true}
      %dma_wait3A_387 = arith.constant 0 : i32
      %dma_wait3A_388 = arith.constant 0 : i32
      %dma_wait3A_389 = tpu.memref_slice %arg13[%dma_wait3A_387, %dma_wait3A_388] : memref<10112x128xf32, #tpu.memory_space<vmem_shared>> -> memref<10112x128xf32, #tpu.memory_space<vmem_shared>>
      tpu.wait_indirect_dma semaphore(%run_scoped3A_383 : memref<!tpu.dma_semaphore, #tpu.memory_space<semaphore_mem>>) src(%arg12 : memref<128x128xf32, #tpu.memory_space<vmem>>) dst(%dma_wait3A_389 : memref<10112x128xf32, #tpu.memory_space<vmem_shared>>)
      tpu.yield
    }) : () -> ()
    %barrier3A_378 = arith.constant 0 : index
    tpu.barrier barrier_id(%barrier3A_378)
    %mul3A_379 = arith.constant 632 : i32
    %mul3A_380 = arith.muli %arg1, %mul3A_379 : i32
    %mul3A_381 = arith.constant 632 : i32
    %mul3A_382 = arith.muli %arg1, %mul3A_381 : i32
    "tpu.region"() ({
      %run_scoped3A_383 = tpu.sem_alloc : memref<!tpu.dma_semaphore, #tpu.memory_space<semaphore_mem>>
      %dma_start3A_384 = arith.constant 0 : i32
      %dma_start3A_385 = tpu.memref_slice %arg5[%arg0, %mul3A_382, %dma_start3A_384] : memref<2x10112x128xf32, #tpu.memory_space<hbm>> -> memref<1x632x128xf32, #tpu.memory_space<hbm>>
      %dma_start3A_386 = tpu.memref_squeeze %dma_start3A_385 : memref<1x632x128xf32, #tpu.memory_space<hbm>> -> memref<632x128xf32, #tpu.memory_space<hbm>>
      %dma_start3A_387 = arith.constant 0 : i32
      %dma_start3A_388 = tpu.memref_slice %arg13[%mul3A_380, %dma_start3A_387] : memref<10112x128xf32, #tpu.memory_space<vmem_shared>> -> memref<632x128xf32, #tpu.memory_space<vmem_shared>>
      tpu.enqueue_dma source(%dma_start3A_388 : memref<632x128xf32, #tpu.memory_space<vmem_shared>>) target(%dma_start3A_386 : memref<632x128xf32, #tpu.memory_space<hbm>>) target_semaphore(%run_scoped3A_383 : memref<!tpu.dma_semaphore, #tpu.memory_space<semaphore_mem>>)
      %dma_wait3A_389 = arith.constant 0 : i32
      %dma_wait3A_390 = tpu.memref_slice %arg5[%arg0, %mul3A_382, %dma_wait3A_389] : memref<2x10112x128xf32, #tpu.memory_space<hbm>> -> memref<1x632x128xf32, #tpu.memory_space<hbm>>
      %dma_wait3A_391 = tpu.memref_squeeze %dma_wait3A_390 : memref<1x632x128xf32, #tpu.memory_space<hbm>> -> memref<632x128xf32, #tpu.memory_space<hbm>>
      %dma_wait3A_392 = arith.constant 0 : i32
      %dma_wait3A_393 = tpu.memref_slice %arg13[%mul3A_380, %dma_wait3A_392] : memref<10112x128xf32, #tpu.memory_space<vmem_shared>> -> memref<632x128xf32, #tpu.memory_space<vmem_shared>>
      tpu.wait_dma2 semaphore(%run_scoped3A_383 : memref<!tpu.dma_semaphore, #tpu.memory_space<semaphore_mem>>) src(%dma_wait3A_393 : memref<632x128xf32, #tpu.memory_space<vmem_shared>>) dst(%dma_wait3A_391 : memref<632x128xf32, #tpu.memory_space<hbm>>)
      tpu.yield
    }) : () -> ()
    return
  }
}

#map = affine_map<(d0, d1) -> (0, 0, 0)>
#map1 = affine_map<(d0, d1) -> (0, 0)>
#map2 = affine_map<(d0, d1) -> (0)>
module attributes {stable_mosaic.version = 14 : i64} {
  func.func @body_fn(%arg0: i32, %arg1: i32, %arg2: memref<2x10112x128xf32, #tpu.memory_space<hbm>>, %arg3: memref<90000x128xf32, #tpu.memory_space<hbm>>, %arg4: memref<3072xi32, #tpu.memory_space<hbm>>, %arg5: memref<3072x128xf32, #tpu.memory_space<hbm>>, %arg6: memref<96xi32, #tpu.memory_space<vmem>>, %arg7: memref<96xi32, #tpu.memory_space<vmem>>, %arg8: memref<96x128xf32, #tpu.memory_space<vmem>>, %arg9: memref<96x128xf32, #tpu.memory_space<vmem>>, %arg10: memref<96x128xf32, #tpu.memory_space<vmem>>, %arg11: memref<!tpu.dma_semaphore, #tpu.memory_space<semaphore_mem>>) attributes {dimension_semantics = [#tpu.dimension_semantics<core_parallel>, #tpu.dimension_semantics<subcore_parallel>], iteration_bounds = array<i64: 2, 16>, scalar_prefetch = 0 : i64, scratch_operands = 6 : i64, tpu.core_type = #tpu.core_type<sc_vector_subcore>, window_params = [{transform_indices = #map}, {transform_indices = #map1}, {transform_indices = #map2}, {transform_indices = #map1}]} {
    %mul3A = arith.constant 2 : i32
    %mul3A_0 = arith.muli %arg1, %mul3A : i32
    %add3A = arith.addi %mul3A_0, %arg0 : i32
    %mul3A_1 = arith.constant 96 : i32
    %mul3A_2 = arith.muli %add3A, %mul3A_1 : i32
    "tpu.region"() ({
      %run_scoped3A = tpu.sem_alloc : memref<!tpu.dma_semaphore, #tpu.memory_space<semaphore_mem>>
      %dma_start3A_102 = tpu.memref_slice %arg4[%mul3A_2] : memref<3072xi32, #tpu.memory_space<hbm>> -> memref<96xi32, #tpu.memory_space<hbm>>
      %dma_start3A_103 = tpu.memref_slice %arg4[%mul3A_2] : memref<3072xi32, #tpu.memory_space<hbm>> -> memref<96xi32, #tpu.memory_space<hbm>>
      tpu.enqueue_dma source(%dma_start3A_103 : memref<96xi32, #tpu.memory_space<hbm>>) target(%arg6 : memref<96xi32, #tpu.memory_space<vmem>>) target_semaphore(%run_scoped3A : memref<!tpu.dma_semaphore, #tpu.memory_space<semaphore_mem>>)
      %dma_wait3A_104 = tpu.memref_slice %arg4[%mul3A_2] : memref<3072xi32, #tpu.memory_space<hbm>> -> memref<96xi32, #tpu.memory_space<hbm>>
      %dma_wait3A_105 = tpu.memref_slice %arg4[%mul3A_2] : memref<3072xi32, #tpu.memory_space<hbm>> -> memref<96xi32, #tpu.memory_space<hbm>>
      tpu.wait_dma2 semaphore(%run_scoped3A : memref<!tpu.dma_semaphore, #tpu.memory_space<semaphore_mem>>) src(%dma_wait3A_105 : memref<96xi32, #tpu.memory_space<hbm>>) dst(%arg6 : memref<96xi32, #tpu.memory_space<vmem>>)
      tpu.yield
    }) : () -> ()
    %dma_start3A = arith.constant 0 : i32
    %dma_start3A_3 = arith.constant 0 : i32
    %dma_start3A_4 = arith.constant 0 : i32
    %dma_start3A_5 = tpu.memref_slice %arg2[%dma_start3A, %dma_start3A_3, %dma_start3A_4] : memref<2x10112x128xf32, #tpu.memory_space<hbm>> -> memref<1x10112x128xf32, #tpu.memory_space<hbm>>
    %dma_start3A_6 = tpu.memref_squeeze %dma_start3A_5 : memref<1x10112x128xf32, #tpu.memory_space<hbm>> -> memref<10112x128xf32, #tpu.memory_space<hbm>>
    %dma_start3A_7 = arith.constant 0 : i32
    %dma_start3A_8 = arith.constant 0 : i32
    %dma_start3A_9 = tpu.memref_slice %dma_start3A_6[%dma_start3A_7, %dma_start3A_8] : memref<10112x128xf32, #tpu.memory_space<hbm>> -> memref<10112x128xf32, #tpu.memory_space<hbm>>
    tpu.enqueue_indirect_dma source(%dma_start3A_9 : memref<10112x128xf32, #tpu.memory_space<hbm>>) target(%arg8 : memref<96x128xf32, #tpu.memory_space<vmem>>) offsets(%arg6 : memref<96xi32, #tpu.memory_space<vmem>>) semaphore(%arg11 : memref<!tpu.dma_semaphore, #tpu.memory_space<semaphore_mem>>)
    %dma_start3A_10 = arith.constant 1 : i32
    %dma_start3A_11 = arith.constant 0 : i32
    %dma_start3A_12 = arith.constant 0 : i32
    %dma_start3A_13 = tpu.memref_slice %arg2[%dma_start3A_10, %dma_start3A_11, %dma_start3A_12] : memref<2x10112x128xf32, #tpu.memory_space<hbm>> -> memref<1x10112x128xf32, #tpu.memory_space<hbm>>
    %dma_start3A_14 = tpu.memref_squeeze %dma_start3A_13 : memref<1x10112x128xf32, #tpu.memory_space<hbm>> -> memref<10112x128xf32, #tpu.memory_space<hbm>>
    %dma_start3A_15 = arith.constant 0 : i32
    %dma_start3A_16 = arith.constant 0 : i32
    %dma_start3A_17 = tpu.memref_slice %dma_start3A_14[%dma_start3A_15, %dma_start3A_16] : memref<10112x128xf32, #tpu.memory_space<hbm>> -> memref<10112x128xf32, #tpu.memory_space<hbm>>
    tpu.enqueue_indirect_dma source(%dma_start3A_17 : memref<10112x128xf32, #tpu.memory_space<hbm>>) target(%arg9 : memref<96x128xf32, #tpu.memory_space<vmem>>) offsets(%arg6 : memref<96xi32, #tpu.memory_space<vmem>>) semaphore(%arg11 : memref<!tpu.dma_semaphore, #tpu.memory_space<semaphore_mem>>)
    %get3A = arith.constant 0 : index
    %get3A_18 = tpu.vector_load %arg6[%get3A] {strides = array<i32>} : memref<96xi32, #tpu.memory_space<vmem>>, vector<16xi32>,
    %get3A_19 = vector.shape_cast %get3A_18 : vector<16xi32> to vector<16xi32>
    %add3A_20 = arith.constant 80000 : i32
    %add3A_21 = vector.broadcast %add3A_20 : i32 to vector<16xi32>
    %add3A_22 = arith.addi %get3A_19, %add3A_21 : vector<16xi32>
    %swap3A = arith.constant 0 : index
    %swap3A_23 = tpu.vector_load %arg7[%swap3A] {strides = array<i32>} : memref<96xi32, #tpu.memory_space<vmem>>, vector<16xi32>,
    %swap3A_24 = vector.shape_cast %swap3A_23 : vector<16xi32> to vector<16xi32>
    %swap3A_25 = vector.shape_cast %add3A_22 : vector<16xi32> to vector<16xi32>
    tpu.vector_store %arg7[%swap3A], %swap3A_25 {strides = array<i32>} : memref<96xi32, #tpu.memory_space<vmem>>, vector<16xi32>,
    %get3A_26 = arith.constant 16 : index
    %get3A_27 = tpu.vector_load %arg6[%get3A_26] {strides = array<i32>} : memref<96xi32, #tpu.memory_space<vmem>>, vector<16xi32>,
    %get3A_28 = vector.shape_cast %get3A_27 : vector<16xi32> to vector<16xi32>
    %add3A_29 = arith.constant 80000 : i32
    %add3A_30 = vector.broadcast %add3A_29 : i32 to vector<16xi32>
    %add3A_31 = arith.addi %get3A_28, %add3A_30 : vector<16xi32>
    %swap3A_32 = arith.constant 16 : index
    %swap3A_33 = tpu.vector_load %arg7[%swap3A_32] {strides = array<i32>} : memref<96xi32, #tpu.memory_space<vmem>>, vector<16xi32>,
    %swap3A_34 = vector.shape_cast %swap3A_33 : vector<16xi32> to vector<16xi32>
    %swap3A_35 = vector.shape_cast %add3A_31 : vector<16xi32> to vector<16xi32>
    tpu.vector_store %arg7[%swap3A_32], %swap3A_35 {strides = array<i32>} : memref<96xi32, #tpu.memory_space<vmem>>, vector<16xi32>,
    %get3A_36 = arith.constant 32 : index
    %get3A_37 = tpu.vector_load %arg6[%get3A_36] {strides = array<i32>} : memref<96xi32, #tpu.memory_space<vmem>>, vector<16xi32>,
    %get3A_38 = vector.shape_cast %get3A_37 : vector<16xi32> to vector<16xi32>
    %add3A_39 = arith.constant 80000 : i32
    %add3A_40 = vector.broadcast %add3A_39 : i32 to vector<16xi32>
    %add3A_41 = arith.addi %get3A_38, %add3A_40 : vector<16xi32>
    %swap3A_42 = arith.constant 32 : index
    %swap3A_43 = tpu.vector_load %arg7[%swap3A_42] {strides = array<i32>} : memref<96xi32, #tpu.memory_space<vmem>>, vector<16xi32>,
    %swap3A_44 = vector.shape_cast %swap3A_43 : vector<16xi32> to vector<16xi32>
    %swap3A_45 = vector.shape_cast %add3A_41 : vector<16xi32> to vector<16xi32>
    tpu.vector_store %arg7[%swap3A_42], %swap3A_45 {strides = array<i32>} : memref<96xi32, #tpu.memory_space<vmem>>, vector<16xi32>,
    %get3A_46 = arith.constant 48 : index
    %get3A_47 = tpu.vector_load %arg6[%get3A_46] {strides = array<i32>} : memref<96xi32, #tpu.memory_space<vmem>>, vector<16xi32>,
    %get3A_48 = vector.shape_cast %get3A_47 : vector<16xi32> to vector<16xi32>
    %add3A_49 = arith.constant 80000 : i32
    %add3A_50 = vector.broadcast %add3A_49 : i32 to vector<16xi32>
    %add3A_51 = arith.addi %get3A_48, %add3A_50 : vector<16xi32>
    %swap3A_52 = arith.constant 48 : index
    %swap3A_53 = tpu.vector_load %arg7[%swap3A_52] {strides = array<i32>} : memref<96xi32, #tpu.memory_space<vmem>>, vector<16xi32>,
    %swap3A_54 = vector.shape_cast %swap3A_53 : vector<16xi32> to vector<16xi32>
    %swap3A_55 = vector.shape_cast %add3A_51 : vector<16xi32> to vector<16xi32>
    tpu.vector_store %arg7[%swap3A_52], %swap3A_55 {strides = array<i32>} : memref<96xi32, #tpu.memory_space<vmem>>, vector<16xi32>,
    %get3A_56 = arith.constant 64 : index
    %get3A_57 = tpu.vector_load %arg6[%get3A_56] {strides = array<i32>} : memref<96xi32, #tpu.memory_space<vmem>>, vector<16xi32>,
    %get3A_58 = vector.shape_cast %get3A_57 : vector<16xi32> to vector<16xi32>
    %add3A_59 = arith.constant 80000 : i32
    %add3A_60 = vector.broadcast %add3A_59 : i32 to vector<16xi32>
    %add3A_61 = arith.addi %get3A_58, %add3A_60 : vector<16xi32>
    %swap3A_62 = arith.constant 64 : index
    %swap3A_63 = tpu.vector_load %arg7[%swap3A_62] {strides = array<i32>} : memref<96xi32, #tpu.memory_space<vmem>>, vector<16xi32>,
    %swap3A_64 = vector.shape_cast %swap3A_63 : vector<16xi32> to vector<16xi32>
    %swap3A_65 = vector.shape_cast %add3A_61 : vector<16xi32> to vector<16xi32>
    tpu.vector_store %arg7[%swap3A_62], %swap3A_65 {strides = array<i32>} : memref<96xi32, #tpu.memory_space<vmem>>, vector<16xi32>,
    %get3A_66 = arith.constant 80 : index
    %get3A_67 = tpu.vector_load %arg6[%get3A_66] {strides = array<i32>} : memref<96xi32, #tpu.memory_space<vmem>>, vector<16xi32>,
    %get3A_68 = vector.shape_cast %get3A_67 : vector<16xi32> to vector<16xi32>
    %add3A_69 = arith.constant 80000 : i32
    %add3A_70 = vector.broadcast %add3A_69 : i32 to vector<16xi32>
    %add3A_71 = arith.addi %get3A_68, %add3A_70 : vector<16xi32>
    %swap3A_72 = arith.constant 80 : index
    %swap3A_73 = tpu.vector_load %arg7[%swap3A_72] {strides = array<i32>} : memref<96xi32, #tpu.memory_space<vmem>>, vector<16xi32>,
    %swap3A_74 = vector.shape_cast %swap3A_73 : vector<16xi32> to vector<16xi32>
    %swap3A_75 = vector.shape_cast %add3A_71 : vector<16xi32> to vector<16xi32>
    tpu.vector_store %arg7[%swap3A_72], %swap3A_75 {strides = array<i32>} : memref<96xi32, #tpu.memory_space<vmem>>, vector<16xi32>,
    %dma_start3A_76 = arith.constant 0 : i32
    %dma_start3A_77 = arith.constant 0 : i32
    %dma_start3A_78 = tpu.memref_slice %arg3[%dma_start3A_76, %dma_start3A_77] : memref<90000x128xf32, #tpu.memory_space<hbm>> -> memref<90000x128xf32, #tpu.memory_space<hbm>>
    tpu.enqueue_indirect_dma source(%dma_start3A_78 : memref<90000x128xf32, #tpu.memory_space<hbm>>) target(%arg10 : memref<96x128xf32, #tpu.memory_space<vmem>>) offsets(%arg7 : memref<96xi32, #tpu.memory_space<vmem>>) semaphore(%arg11 : memref<!tpu.dma_semaphore, #tpu.memory_space<semaphore_mem>>)
    %dma_wait3A = arith.constant 0 : i32
    %dma_wait3A_79 = arith.constant 0 : i32
    %dma_wait3A_80 = arith.constant 0 : i32
    %dma_wait3A_81 = tpu.memref_slice %arg2[%dma_wait3A, %dma_wait3A_79, %dma_wait3A_80] : memref<2x10112x128xf32, #tpu.memory_space<hbm>> -> memref<1x10112x128xf32, #tpu.memory_space<hbm>>
    %dma_wait3A_82 = tpu.memref_squeeze %dma_wait3A_81 : memref<1x10112x128xf32, #tpu.memory_space<hbm>> -> memref<10112x128xf32, #tpu.memory_space<hbm>>
    %dma_wait3A_83 = arith.constant 0 : i32
    %dma_wait3A_84 = arith.constant 0 : i32
    %dma_wait3A_85 = tpu.memref_slice %dma_wait3A_82[%dma_wait3A_83, %dma_wait3A_84] : memref<10112x128xf32, #tpu.memory_space<hbm>> -> memref<10112x128xf32, #tpu.memory_space<hbm>>
    tpu.wait_indirect_dma semaphore(%arg11 : memref<!tpu.dma_semaphore, #tpu.memory_space<semaphore_mem>>) src(%dma_wait3A_85 : memref<10112x128xf32, #tpu.memory_space<hbm>>) dst(%arg8 : memref<96x128xf32, #tpu.memory_space<vmem>>)
    %dma_wait3A_86 = arith.constant 1 : i32
    %dma_wait3A_87 = arith.constant 0 : i32
    %dma_wait3A_88 = arith.constant 0 : i32
    %dma_wait3A_89 = tpu.memref_slice %arg2[%dma_wait3A_86, %dma_wait3A_87, %dma_wait3A_88] : memref<2x10112x128xf32, #tpu.memory_space<hbm>> -> memref<1x10112x128xf32, #tpu.memory_space<hbm>>
    %dma_wait3A_90 = tpu.memref_squeeze %dma_wait3A_89 : memref<1x10112x128xf32, #tpu.memory_space<hbm>> -> memref<10112x128xf32, #tpu.memory_space<hbm>>
    %dma_wait3A_91 = arith.constant 0 : i32
    %dma_wait3A_92 = arith.constant 0 : i32
    %dma_wait3A_93 = tpu.memref_slice %dma_wait3A_90[%dma_wait3A_91, %dma_wait3A_92] : memref<10112x128xf32, #tpu.memory_space<hbm>> -> memref<10112x128xf32, #tpu.memory_space<hbm>>
    tpu.wait_indirect_dma semaphore(%arg11 : memref<!tpu.dma_semaphore, #tpu.memory_space<semaphore_mem>>) src(%dma_wait3A_93 : memref<10112x128xf32, #tpu.memory_space<hbm>>) dst(%arg9 : memref<96x128xf32, #tpu.memory_space<vmem>>)
    %dma_wait3A_94 = arith.constant 0 : i32
    %dma_wait3A_95 = arith.constant 0 : i32
    %dma_wait3A_96 = tpu.memref_slice %arg3[%dma_wait3A_94, %dma_wait3A_95] : memref<90000x128xf32, #tpu.memory_space<hbm>> -> memref<90000x128xf32, #tpu.memory_space<hbm>>
    tpu.wait_indirect_dma semaphore(%arg11 : memref<!tpu.dma_semaphore, #tpu.memory_space<semaphore_mem>>) src(%dma_wait3A_96 : memref<90000x128xf32, #tpu.memory_space<hbm>>) dst(%arg10 : memref<96x128xf32, #tpu.memory_space<vmem>>)
    %scan3A = arith.constant 0 : i32
    %scan3A_97 = arith.constant 0 : i32
    %scan3A_98 = arith.constant 96 : i32
    %scan3A_99 = arith.addi %scan3A_97, %scan3A_98 : i32
    %scan3A_100 = arith.constant 1 : i32
    scf.for %scan3A_102 = %scan3A_97 to %scan3A_99 step %scan3A_100  : i32 {
      %get3A_103 = arith.index_cast %scan3A_102 : i32 to index
      %get3A_104 = arith.constant 0 : index
      %get3A_105 = tpu.vector_load %arg8[%get3A_103, %get3A_104] {strides = array<i32>} : memref<96x128xf32, #tpu.memory_space<vmem>>, vector<1x16xf32>,
      %get3A_106 = vector.shape_cast %get3A_105 : vector<1x16xf32> to vector<16xf32>
      %get3A_107 = arith.index_cast %scan3A_102 : i32 to index
      %get3A_108 = arith.constant 0 : index
      %get3A_109 = tpu.vector_load %arg9[%get3A_107, %get3A_108] {strides = array<i32>} : memref<96x128xf32, #tpu.memory_space<vmem>>, vector<1x16xf32>,
      %get3A_110 = vector.shape_cast %get3A_109 : vector<1x16xf32> to vector<16xf32>
      %add3A_111 = arith.addf %get3A_106, %get3A_110 : vector<16xf32>
      %get3A_112 = arith.index_cast %scan3A_102 : i32 to index
      %get3A_113 = arith.constant 0 : index
      %get3A_114 = tpu.vector_load %arg10[%get3A_112, %get3A_113] {strides = array<i32>} : memref<96x128xf32, #tpu.memory_space<vmem>>, vector<1x16xf32>,
      %get3A_115 = vector.shape_cast %get3A_114 : vector<1x16xf32> to vector<16xf32>
      %add3A_116 = arith.addf %add3A_111, %get3A_115 : vector<16xf32>
      %swap3A_117 = arith.index_cast %scan3A_102 : i32 to index
      %swap3A_118 = arith.constant 0 : index
      %swap3A_119 = tpu.vector_load %arg8[%swap3A_117, %swap3A_118] {strides = array<i32>} : memref<96x128xf32, #tpu.memory_space<vmem>>, vector<1x16xf32>,
      %swap3A_120 = vector.shape_cast %swap3A_119 : vector<1x16xf32> to vector<16xf32>
      %swap3A_121 = vector.shape_cast %add3A_116 : vector<16xf32> to vector<1x16xf32>
      tpu.vector_store %arg8[%swap3A_117, %swap3A_118], %swap3A_121 {strides = array<i32>} : memref<96x128xf32, #tpu.memory_space<vmem>>, vector<1x16xf32>,
      %get3A_122 = arith.index_cast %scan3A_102 : i32 to index
      %get3A_123 = arith.constant 16 : index
      %get3A_124 = tpu.vector_load %arg8[%get3A_122, %get3A_123] {strides = array<i32>} : memref<96x128xf32, #tpu.memory_space<vmem>>, vector<1x16xf32>,
      %get3A_125 = vector.shape_cast %get3A_124 : vector<1x16xf32> to vector<16xf32>
      %get3A_126 = arith.index_cast %scan3A_102 : i32 to index
      %get3A_127 = arith.constant 16 : index
      %get3A_128 = tpu.vector_load %arg9[%get3A_126, %get3A_127] {strides = array<i32>} : memref<96x128xf32, #tpu.memory_space<vmem>>, vector<1x16xf32>,
      %get3A_129 = vector.shape_cast %get3A_128 : vector<1x16xf32> to vector<16xf32>
      %add3A_130 = arith.addf %get3A_125, %get3A_129 : vector<16xf32>
      %get3A_131 = arith.index_cast %scan3A_102 : i32 to index
      %get3A_132 = arith.constant 16 : index
      %get3A_133 = tpu.vector_load %arg10[%get3A_131, %get3A_132] {strides = array<i32>} : memref<96x128xf32, #tpu.memory_space<vmem>>, vector<1x16xf32>,
      %get3A_134 = vector.shape_cast %get3A_133 : vector<1x16xf32> to vector<16xf32>
      %add3A_135 = arith.addf %add3A_130, %get3A_134 : vector<16xf32>
      %swap3A_136 = arith.index_cast %scan3A_102 : i32 to index
      %swap3A_137 = arith.constant 16 : index
      %swap3A_138 = tpu.vector_load %arg8[%swap3A_136, %swap3A_137] {strides = array<i32>} : memref<96x128xf32, #tpu.memory_space<vmem>>, vector<1x16xf32>,
      %swap3A_139 = vector.shape_cast %swap3A_138 : vector<1x16xf32> to vector<16xf32>
      %swap3A_140 = vector.shape_cast %add3A_135 : vector<16xf32> to vector<1x16xf32>
      tpu.vector_store %arg8[%swap3A_136, %swap3A_137], %swap3A_140 {strides = array<i32>} : memref<96x128xf32, #tpu.memory_space<vmem>>, vector<1x16xf32>,
      %get3A_141 = arith.index_cast %scan3A_102 : i32 to index
      %get3A_142 = arith.constant 32 : index
      %get3A_143 = tpu.vector_load %arg8[%get3A_141, %get3A_142] {strides = array<i32>} : memref<96x128xf32, #tpu.memory_space<vmem>>, vector<1x16xf32>,
      %get3A_144 = vector.shape_cast %get3A_143 : vector<1x16xf32> to vector<16xf32>
      %get3A_145 = arith.index_cast %scan3A_102 : i32 to index
      %get3A_146 = arith.constant 32 : index
      %get3A_147 = tpu.vector_load %arg9[%get3A_145, %get3A_146] {strides = array<i32>} : memref<96x128xf32, #tpu.memory_space<vmem>>, vector<1x16xf32>,
      %get3A_148 = vector.shape_cast %get3A_147 : vector<1x16xf32> to vector<16xf32>
      %add3A_149 = arith.addf %get3A_144, %get3A_148 : vector<16xf32>
      %get3A_150 = arith.index_cast %scan3A_102 : i32 to index
      %get3A_151 = arith.constant 32 : index
      %get3A_152 = tpu.vector_load %arg10[%get3A_150, %get3A_151] {strides = array<i32>} : memref<96x128xf32, #tpu.memory_space<vmem>>, vector<1x16xf32>,
      %get3A_153 = vector.shape_cast %get3A_152 : vector<1x16xf32> to vector<16xf32>
      %add3A_154 = arith.addf %add3A_149, %get3A_153 : vector<16xf32>
      %swap3A_155 = arith.index_cast %scan3A_102 : i32 to index
      %swap3A_156 = arith.constant 32 : index
      %swap3A_157 = tpu.vector_load %arg8[%swap3A_155, %swap3A_156] {strides = array<i32>} : memref<96x128xf32, #tpu.memory_space<vmem>>, vector<1x16xf32>,
      %swap3A_158 = vector.shape_cast %swap3A_157 : vector<1x16xf32> to vector<16xf32>
      %swap3A_159 = vector.shape_cast %add3A_154 : vector<16xf32> to vector<1x16xf32>
      tpu.vector_store %arg8[%swap3A_155, %swap3A_156], %swap3A_159 {strides = array<i32>} : memref<96x128xf32, #tpu.memory_space<vmem>>, vector<1x16xf32>,
      %get3A_160 = arith.index_cast %scan3A_102 : i32 to index
      %get3A_161 = arith.constant 48 : index
      %get3A_162 = tpu.vector_load %arg8[%get3A_160, %get3A_161] {strides = array<i32>} : memref<96x128xf32, #tpu.memory_space<vmem>>, vector<1x16xf32>,
      %get3A_163 = vector.shape_cast %get3A_162 : vector<1x16xf32> to vector<16xf32>
      %get3A_164 = arith.index_cast %scan3A_102 : i32 to index
      %get3A_165 = arith.constant 48 : index
      %get3A_166 = tpu.vector_load %arg9[%get3A_164, %get3A_165] {strides = array<i32>} : memref<96x128xf32, #tpu.memory_space<vmem>>, vector<1x16xf32>,
      %get3A_167 = vector.shape_cast %get3A_166 : vector<1x16xf32> to vector<16xf32>
      %add3A_168 = arith.addf %get3A_163, %get3A_167 : vector<16xf32>
      %get3A_169 = arith.index_cast %scan3A_102 : i32 to index
      %get3A_170 = arith.constant 48 : index
      %get3A_171 = tpu.vector_load %arg10[%get3A_169, %get3A_170] {strides = array<i32>} : memref<96x128xf32, #tpu.memory_space<vmem>>, vector<1x16xf32>,
      %get3A_172 = vector.shape_cast %get3A_171 : vector<1x16xf32> to vector<16xf32>
      %add3A_173 = arith.addf %add3A_168, %get3A_172 : vector<16xf32>
      %swap3A_174 = arith.index_cast %scan3A_102 : i32 to index
      %swap3A_175 = arith.constant 48 : index
      %swap3A_176 = tpu.vector_load %arg8[%swap3A_174, %swap3A_175] {strides = array<i32>} : memref<96x128xf32, #tpu.memory_space<vmem>>, vector<1x16xf32>,
      %swap3A_177 = vector.shape_cast %swap3A_176 : vector<1x16xf32> to vector<16xf32>
      %swap3A_178 = vector.shape_cast %add3A_173 : vector<16xf32> to vector<1x16xf32>
      tpu.vector_store %arg8[%swap3A_174, %swap3A_175], %swap3A_178 {strides = array<i32>} : memref<96x128xf32, #tpu.memory_space<vmem>>, vector<1x16xf32>,
      %get3A_179 = arith.index_cast %scan3A_102 : i32 to index
      %get3A_180 = arith.constant 64 : index
      %get3A_181 = tpu.vector_load %arg8[%get3A_179, %get3A_180] {strides = array<i32>} : memref<96x128xf32, #tpu.memory_space<vmem>>, vector<1x16xf32>,
      %get3A_182 = vector.shape_cast %get3A_181 : vector<1x16xf32> to vector<16xf32>
      %get3A_183 = arith.index_cast %scan3A_102 : i32 to index
      %get3A_184 = arith.constant 64 : index
      %get3A_185 = tpu.vector_load %arg9[%get3A_183, %get3A_184] {strides = array<i32>} : memref<96x128xf32, #tpu.memory_space<vmem>>, vector<1x16xf32>,
      %get3A_186 = vector.shape_cast %get3A_185 : vector<1x16xf32> to vector<16xf32>
      %add3A_187 = arith.addf %get3A_182, %get3A_186 : vector<16xf32>
      %get3A_188 = arith.index_cast %scan3A_102 : i32 to index
      %get3A_189 = arith.constant 64 : index
      %get3A_190 = tpu.vector_load %arg10[%get3A_188, %get3A_189] {strides = array<i32>} : memref<96x128xf32, #tpu.memory_space<vmem>>, vector<1x16xf32>,
      %get3A_191 = vector.shape_cast %get3A_190 : vector<1x16xf32> to vector<16xf32>
      %add3A_192 = arith.addf %add3A_187, %get3A_191 : vector<16xf32>
      %swap3A_193 = arith.index_cast %scan3A_102 : i32 to index
      %swap3A_194 = arith.constant 64 : index
      %swap3A_195 = tpu.vector_load %arg8[%swap3A_193, %swap3A_194] {strides = array<i32>} : memref<96x128xf32, #tpu.memory_space<vmem>>, vector<1x16xf32>,
      %swap3A_196 = vector.shape_cast %swap3A_195 : vector<1x16xf32> to vector<16xf32>
      %swap3A_197 = vector.shape_cast %add3A_192 : vector<16xf32> to vector<1x16xf32>
      tpu.vector_store %arg8[%swap3A_193, %swap3A_194], %swap3A_197 {strides = array<i32>} : memref<96x128xf32, #tpu.memory_space<vmem>>, vector<1x16xf32>,
      %get3A_198 = arith.index_cast %scan3A_102 : i32 to index
      %get3A_199 = arith.constant 80 : index
      %get3A_200 = tpu.vector_load %arg8[%get3A_198, %get3A_199] {strides = array<i32>} : memref<96x128xf32, #tpu.memory_space<vmem>>, vector<1x16xf32>,
      %get3A_201 = vector.shape_cast %get3A_200 : vector<1x16xf32> to vector<16xf32>
      %get3A_202 = arith.index_cast %scan3A_102 : i32 to index
      %get3A_203 = arith.constant 80 : index
      %get3A_204 = tpu.vector_load %arg9[%get3A_202, %get3A_203] {strides = array<i32>} : memref<96x128xf32, #tpu.memory_space<vmem>>, vector<1x16xf32>,
      %get3A_205 = vector.shape_cast %get3A_204 : vector<1x16xf32> to vector<16xf32>
      %add3A_206 = arith.addf %get3A_201, %get3A_205 : vector<16xf32>
      %get3A_207 = arith.index_cast %scan3A_102 : i32 to index
      %get3A_208 = arith.constant 80 : index
      %get3A_209 = tpu.vector_load %arg10[%get3A_207, %get3A_208] {strides = array<i32>} : memref<96x128xf32, #tpu.memory_space<vmem>>, vector<1x16xf32>,
      %get3A_210 = vector.shape_cast %get3A_209 : vector<1x16xf32> to vector<16xf32>
      %add3A_211 = arith.addf %add3A_206, %get3A_210 : vector<16xf32>
      %swap3A_212 = arith.index_cast %scan3A_102 : i32 to index
      %swap3A_213 = arith.constant 80 : index
      %swap3A_214 = tpu.vector_load %arg8[%swap3A_212, %swap3A_213] {strides = array<i32>} : memref<96x128xf32, #tpu.memory_space<vmem>>, vector<1x16xf32>,
      %swap3A_215 = vector.shape_cast %swap3A_214 : vector<1x16xf32> to vector<16xf32>
      %swap3A_216 = vector.shape_cast %add3A_211 : vector<16xf32> to vector<1x16xf32>
      tpu.vector_store %arg8[%swap3A_212, %swap3A_213], %swap3A_216 {strides = array<i32>} : memref<96x128xf32, #tpu.memory_space<vmem>>, vector<1x16xf32>,
      %get3A_217 = arith.index_cast %scan3A_102 : i32 to index
      %get3A_218 = arith.constant 96 : index
      %get3A_219 = tpu.vector_load %arg8[%get3A_217, %get3A_218] {strides = array<i32>} : memref<96x128xf32, #tpu.memory_space<vmem>>, vector<1x16xf32>,
      %get3A_220 = vector.shape_cast %get3A_219 : vector<1x16xf32> to vector<16xf32>
      %get3A_221 = arith.index_cast %scan3A_102 : i32 to index
      %get3A_222 = arith.constant 96 : index
      %get3A_223 = tpu.vector_load %arg9[%get3A_221, %get3A_222] {strides = array<i32>} : memref<96x128xf32, #tpu.memory_space<vmem>>, vector<1x16xf32>,
      %get3A_224 = vector.shape_cast %get3A_223 : vector<1x16xf32> to vector<16xf32>
      %add3A_225 = arith.addf %get3A_220, %get3A_224 : vector<16xf32>
      %get3A_226 = arith.index_cast %scan3A_102 : i32 to index
      %get3A_227 = arith.constant 96 : index
      %get3A_228 = tpu.vector_load %arg10[%get3A_226, %get3A_227] {strides = array<i32>} : memref<96x128xf32, #tpu.memory_space<vmem>>, vector<1x16xf32>,
      %get3A_229 = vector.shape_cast %get3A_228 : vector<1x16xf32> to vector<16xf32>
      %add3A_230 = arith.addf %add3A_225, %get3A_229 : vector<16xf32>
      %swap3A_231 = arith.index_cast %scan3A_102 : i32 to index
      %swap3A_232 = arith.constant 96 : index
      %swap3A_233 = tpu.vector_load %arg8[%swap3A_231, %swap3A_232] {strides = array<i32>} : memref<96x128xf32, #tpu.memory_space<vmem>>, vector<1x16xf32>,
      %swap3A_234 = vector.shape_cast %swap3A_233 : vector<1x16xf32> to vector<16xf32>
      %swap3A_235 = vector.shape_cast %add3A_230 : vector<16xf32> to vector<1x16xf32>
      tpu.vector_store %arg8[%swap3A_231, %swap3A_232], %swap3A_235 {strides = array<i32>} : memref<96x128xf32, #tpu.memory_space<vmem>>, vector<1x16xf32>,
      %get3A_236 = arith.index_cast %scan3A_102 : i32 to index
      %get3A_237 = arith.constant 112 : index
      %get3A_238 = tpu.vector_load %arg8[%get3A_236, %get3A_237] {strides = array<i32>} : memref<96x128xf32, #tpu.memory_space<vmem>>, vector<1x16xf32>,
      %get3A_239 = vector.shape_cast %get3A_238 : vector<1x16xf32> to vector<16xf32>
      %get3A_240 = arith.index_cast %scan3A_102 : i32 to index
      %get3A_241 = arith.constant 112 : index
      %get3A_242 = tpu.vector_load %arg9[%get3A_240, %get3A_241] {strides = array<i32>} : memref<96x128xf32, #tpu.memory_space<vmem>>, vector<1x16xf32>,
      %get3A_243 = vector.shape_cast %get3A_242 : vector<1x16xf32> to vector<16xf32>
      %add3A_244 = arith.addf %get3A_239, %get3A_243 : vector<16xf32>
      %get3A_245 = arith.index_cast %scan3A_102 : i32 to index
      %get3A_246 = arith.constant 112 : index
      %get3A_247 = tpu.vector_load %arg10[%get3A_245, %get3A_246] {strides = array<i32>} : memref<96x128xf32, #tpu.memory_space<vmem>>, vector<1x16xf32>,
      %get3A_248 = vector.shape_cast %get3A_247 : vector<1x16xf32> to vector<16xf32>
      %add3A_249 = arith.addf %add3A_244, %get3A_248 : vector<16xf32>
      %swap3A_250 = arith.index_cast %scan3A_102 : i32 to index
      %swap3A_251 = arith.constant 112 : index
      %swap3A_252 = tpu.vector_load %arg8[%swap3A_250, %swap3A_251] {strides = array<i32>} : memref<96x128xf32, #tpu.memory_space<vmem>>, vector<1x16xf32>,
      %swap3A_253 = vector.shape_cast %swap3A_252 : vector<1x16xf32> to vector<16xf32>
      %swap3A_254 = vector.shape_cast %add3A_249 : vector<16xf32> to vector<1x16xf32>
      tpu.vector_store %arg8[%swap3A_250, %swap3A_251], %swap3A_254 {strides = array<i32>} : memref<96x128xf32, #tpu.memory_space<vmem>>, vector<1x16xf32>,
    }
    %scan3A_101 = arith.constant 96 : i32
    "tpu.region"() ({
      %run_scoped3A = tpu.sem_alloc : memref<!tpu.dma_semaphore, #tpu.memory_space<semaphore_mem>>
      %dma_start3A_102 = arith.constant 0 : i32
      %dma_start3A_103 = tpu.memref_slice %arg5[%mul3A_2, %dma_start3A_102] : memref<3072x128xf32, #tpu.memory_space<hbm>> -> memref<96x128xf32, #tpu.memory_space<hbm>>
      %dma_start3A_104 = arith.constant 0 : i32
      %dma_start3A_105 = tpu.memref_slice %arg5[%mul3A_2, %dma_start3A_104] : memref<3072x128xf32, #tpu.memory_space<hbm>> -> memref<96x128xf32, #tpu.memory_space<hbm>>
      tpu.enqueue_dma source(%arg8 : memref<96x128xf32, #tpu.memory_space<vmem>>) target(%dma_start3A_105 : memref<96x128xf32, #tpu.memory_space<hbm>>) target_semaphore(%run_scoped3A : memref<!tpu.dma_semaphore, #tpu.memory_space<semaphore_mem>>)
      %dma_wait3A_106 = arith.constant 0 : i32
      %dma_wait3A_107 = tpu.memref_slice %arg5[%mul3A_2, %dma_wait3A_106] : memref<3072x128xf32, #tpu.memory_space<hbm>> -> memref<96x128xf32, #tpu.memory_space<hbm>>
      %dma_wait3A_108 = arith.constant 0 : i32
      %dma_wait3A_109 = tpu.memref_slice %arg5[%mul3A_2, %dma_wait3A_108] : memref<3072x128xf32, #tpu.memory_space<hbm>> -> memref<96x128xf32, #tpu.memory_space<hbm>>
      tpu.wait_dma2 semaphore(%run_scoped3A : memref<!tpu.dma_semaphore, #tpu.memory_space<semaphore_mem>>) src(%arg8 : memref<96x128xf32, #tpu.memory_space<vmem>>) dst(%dma_wait3A_109 : memref<96x128xf32, #tpu.memory_space<hbm>>)
      tpu.yield
    }) : () -> ()
    return
  }
}

module attributes {stable_mosaic.version = 14 : i64} {
  func.func @_pidx_body(%arg0: i32, %arg1: memref<2x16384xi32, #tpu.memory_space<vmem>>, %arg2: memref<1x16384xi32, #tpu.memory_space<vmem>>, %arg3: memref<1x16384xi32, #tpu.memory_space<vmem>>) attributes {dimension_semantics = [#tpu.dimension_semantics<arbitrary>], iteration_bounds = array<i64: 20>, scalar_prefetch = 0 : i64, scratch_operands = 0 : i64, tpu.core_type = #tpu.core_type<tc>, window_params = [{transform_indices = @transform_0, window_bounds = array<i64: 2, 16384>}, {transform_indices = @transform_1, window_bounds = array<i64: 1, 16384>}, {transform_indices = @transform_2, window_bounds = array<i64: 1, 16384>}]} {
    %mul3A = arith.constant 16384 : i32
    %mul3A_0 = arith.muli %arg0, %mul3A : i32
    %iota3A = tpu.iota {dimensions = array<i32: 1>} : vector<1x16384xi32>
    %add3A = vector.broadcast %mul3A_0 : i32 to vector<1x16384xi32>
    %add3A_1 = arith.addi %add3A, %iota3A : vector<1x16384xi32>
    %get3A = arith.constant 0 : index
    %get3A_2 = arith.constant 0 : index
    %get3A_3 = vector.load %arg2[%get3A, %get3A_2] : memref<1x16384xi32, #tpu.memory_space<vmem>>, vector<1x16384xi32>
    %mul3A_4 = arith.constant 10000 : i32
    %mul3A_5 = vector.broadcast %mul3A_4 : i32 to vector<1x16384xi32>
    %mul3A_6 = arith.muli %get3A_3, %mul3A_5 : vector<1x16384xi32>
    %get3A_7 = arith.constant 0 : index
    %get3A_8 = arith.constant 0 : index
    %get3A_9 = vector.load %arg1[%get3A_7, %get3A_8] : memref<2x16384xi32, #tpu.memory_space<vmem>>, vector<1x16384xi32>
    %add3A_10 = arith.addi %mul3A_6, %get3A_9 : vector<1x16384xi32>
    %mul3A_11 = arith.constant 16384 : i32
    %mul3A_12 = vector.broadcast %mul3A_11 : i32 to vector<1x16384xi32>
    %mul3A_13 = arith.muli %add3A_10, %mul3A_12 : vector<1x16384xi32>
    %get3A_14 = arith.constant 1 : index
    %get3A_15 = arith.constant 0 : index
    %get3A_16 = vector.load %arg1[%get3A_14, %get3A_15] : memref<2x16384xi32, #tpu.memory_space<vmem>>, vector<1x16384xi32>
    %add3A_17 = arith.addi %mul3A_13, %get3A_16 : vector<1x16384xi32>
    %sub3A = arith.constant 320000 : i32
    %sub3A_18 = vector.broadcast %sub3A : i32 to vector<1x16384xi32>
    %sub3A_19 = arith.subi %add3A_1, %sub3A_18 : vector<1x16384xi32>
    %mul3A_20 = arith.constant 10 : i32
    %mul3A_21 = vector.broadcast %mul3A_20 : i32 to vector<1x16384xi32>
    %mul3A_22 = arith.muli %sub3A_19, %mul3A_21 : vector<1x16384xi32>
    %mul3A_23 = arith.constant 16384 : i32
    %mul3A_24 = vector.broadcast %mul3A_23 : i32 to vector<1x16384xi32>
    %mul3A_25 = arith.muli %mul3A_22, %mul3A_24 : vector<1x16384xi32>
    %and3A = arith.constant 63 : i32
    %and3A_26 = vector.broadcast %and3A : i32 to vector<1x16384xi32>
    %and3A_27 = arith.andi %sub3A_19, %and3A_26 : vector<1x16384xi32>
    %add3A_28 = arith.constant 10000 : i32
    %add3A_29 = vector.broadcast %add3A_28 : i32 to vector<1x16384xi32>
    %add3A_30 = arith.addi %add3A_29, %and3A_27 : vector<1x16384xi32>
    %add3A_31 = arith.addi %mul3A_25, %add3A_30 : vector<1x16384xi32>
    %lt3A = arith.constant 320000 : i32
    %lt3A_32 = vector.broadcast %lt3A : i32 to vector<1x16384xi32>
    %lt3A_33 = arith.cmpi slt, %add3A_1, %lt3A_32 : vector<1x16384xi32>
    %select_n3A = arith.select %lt3A_33, %add3A_17, %add3A_31 : vector<1x16384xi1>, vector<1x16384xi32>
    %swap3A = arith.constant 0 : index
    %swap3A_34 = arith.constant 0 : index
    %swap3A_35 = vector.load %arg3[%swap3A, %swap3A_34] : memref<1x16384xi32, #tpu.memory_space<vmem>>, vector<1x16384xi32>
    tpu.vector_store %arg3[%swap3A, %swap3A_34], %select_n3A {strides = array<i32>} : memref<1x16384xi32, #tpu.memory_space<vmem>>, vector<1x16384xi32>,
    return
  }
  func.func @transform_0(%arg0: i32) -> (i32, i32) {
    %c0_i32 = arith.constant 0 : i32
    %c0_i32_0 = arith.constant 0 : i32
    return %c0_i32, %arg0 : i32, i32
  }
  func.func @transform_1(%arg0: i32) -> (i32, i32) {
    %c0_i32 = arith.constant 0 : i32
    %c0_i32_0 = arith.constant 0 : i32
    return %c0_i32, %arg0 : i32, i32
  }
  func.func @transform_2(%arg0: i32) -> (i32, i32) {
    %c0_i32 = arith.constant 0 : i32
    %c0_i32_0 = arith.constant 0 : i32
    return %c0_i32, %arg0 : i32, i32
  }
}

module attributes {stable_mosaic.version = 14 : i64} {
  func.func @_mm9_body(%arg0: i32, %arg1: i32, %arg2: memref<2000x128xf32, #tpu.memory_space<vmem>>, %arg3: memref<1x128x128xf32, #tpu.memory_space<vmem>>, %arg4: memref<1x2000x128xf32, #tpu.memory_space<vmem>>) attributes {dimension_semantics = [#tpu.dimension_semantics<arbitrary>, #tpu.dimension_semantics<arbitrary>], iteration_bounds = array<i64: 5, 9>, scalar_prefetch = 0 : i64, scratch_operands = 0 : i64, tpu.core_type = #tpu.core_type<tc>, window_params = [{transform_indices = @transform_0, window_bounds = array<i64: 2000, 128>}, {transform_indices = @transform_1, window_bounds = array<i64: 1, 128, 128>}, {transform_indices = @transform_2, window_bounds = array<i64: 1, 2000, 128>}]} {
    %get3A = arith.constant 0 : index
    %get3A_0 = arith.constant 0 : index
    %get3A_1 = vector.load %arg2[%get3A, %get3A_0] : memref<2000x128xf32, #tpu.memory_space<vmem>>, vector<2000x128xf32>
    %get3A_2 = arith.constant 0 : index
    %get3A_3 = arith.constant 0 : index
    %get3A_4 = arith.constant 0 : index
    %get3A_5 = vector.load %arg3[%get3A_2, %get3A_3, %get3A_4] : memref<1x128x128xf32, #tpu.memory_space<vmem>>, vector<1x128x128xf32>
    %get3A_6 = vector.shape_cast %get3A_5 : vector<1x128x128xf32> to vector<128x128xf32>
    %dot_general3A = arith.constant dense<0.000000e+00> : vector<2000x128xf32>
    %dot_general3A_7 = tpu.matmul %get3A_1, %get3A_6, %dot_general3A {dimension_numbers = #tpu.dot_dimension_numbers<[1], [0], [0], [1], [0, 0, 1, 1], [], []>, transpose_lhs_hint = false} : vector<2000x128xf32>, vector<128x128xf32>, vector<2000x128xf32> -> vector<2000x128xf32>
    %swap3A = arith.constant 0 : index
    %swap3A_8 = arith.constant 0 : index
    %swap3A_9 = arith.constant 0 : index
    %swap3A_10 = vector.load %arg4[%swap3A, %swap3A_8, %swap3A_9] : memref<1x2000x128xf32, #tpu.memory_space<vmem>>, vector<1x2000x128xf32>
    %swap3A_11 = vector.shape_cast %swap3A_10 : vector<1x2000x128xf32> to vector<2000x128xf32>
    %swap3A_12 = vector.shape_cast %dot_general3A_7 : vector<2000x128xf32> to vector<1x2000x128xf32>
    tpu.vector_store %arg4[%swap3A, %swap3A_8, %swap3A_9], %swap3A_12 {strides = array<i32>} : memref<1x2000x128xf32, #tpu.memory_space<vmem>>, vector<1x2000x128xf32>,
    return
  }
  func.func @transform_0(%arg0: i32, %arg1: i32) -> (i32, i32) {
    %c0_i32 = arith.constant 0 : i32
    %c0_i32_0 = arith.constant 0 : i32
    return %arg0, %c0_i32 : i32, i32
  }
  func.func @transform_1(%arg0: i32, %arg1: i32) -> (i32, i32, i32) {
    %c0_i32 = arith.constant 0 : i32
    %c0_i32_0 = arith.constant 0 : i32
    %c0_i32_1 = arith.constant 0 : i32
    return %arg1, %c0_i32, %c0_i32_0 : i32, i32, i32
  }
  func.func @transform_2(%arg0: i32, %arg1: i32) -> (i32, i32, i32) {
    %c0_i32 = arith.constant 0 : i32
    %c0_i32_0 = arith.constant 0 : i32
    return %arg1, %arg0, %c0_i32 : i32, i32, i32
  }
}

module attributes {stable_mosaic.version = 14 : i64} {
  func.func @_mm9f_body(%arg0: i32, %arg1: i32, %arg2: memref<2x2000x128xf32, #tpu.memory_space<vmem>>, %arg3: memref<1x2000x128xf32, #tpu.memory_space<vmem>>, %arg4: memref<1x128x128xf32, #tpu.memory_space<vmem>>, %arg5: memref<1x2000x128xf32, #tpu.memory_space<vmem>>, %arg6: memref<2000x128xf32, #tpu.memory_space<vmem>>) attributes {dimension_semantics = [#tpu.dimension_semantics<arbitrary>, #tpu.dimension_semantics<arbitrary>], iteration_bounds = array<i64: 5, 9>, scalar_prefetch = 0 : i64, scratch_operands = 1 : i64, tpu.core_type = #tpu.core_type<tc>, window_params = [{transform_indices = @transform_0, window_bounds = array<i64: 2, 2000, 128>}, {transform_indices = @transform_1, window_bounds = array<i64: 1, 2000, 128>}, {transform_indices = @transform_2, window_bounds = array<i64: 1, 128, 128>}, {transform_indices = @transform_3, window_bounds = array<i64: 1, 2000, 128>}]} {
    %eq3A = arith.constant 0 : i32
    %eq3A_0 = arith.cmpi eq, %arg1, %eq3A : i32
    %convert_element_type3A = arith.extui %eq3A_0 : i1 to i32
    %cond3A = arith.constant 0 : i32
    %cond3A_1 = arith.cmpi ne, %convert_element_type3A, %cond3A : i32
    scf.if %cond3A_1 {
      %get3A_15 = arith.constant 0 : index
      %get3A_16 = arith.constant 0 : index
      %get3A_17 = arith.constant 0 : index
      %get3A_18 = vector.load %arg2[%get3A_15, %get3A_16, %get3A_17] : memref<2x2000x128xf32, #tpu.memory_space<vmem>>, vector<1x2000x128xf32>
      %get3A_19 = vector.shape_cast %get3A_18 : vector<1x2000x128xf32> to vector<2000x128xf32>
      %get3A_20 = arith.constant 1 : index
      %get3A_21 = arith.constant 0 : index
      %get3A_22 = arith.constant 0 : index
      %get3A_23 = vector.load %arg2[%get3A_20, %get3A_21, %get3A_22] : memref<2x2000x128xf32, #tpu.memory_space<vmem>>, vector<1x2000x128xf32>
      %get3A_24 = vector.shape_cast %get3A_23 : vector<1x2000x128xf32> to vector<2000x128xf32>
      %add3A = arith.addf %get3A_19, %get3A_24 : vector<2000x128xf32>
      %get3A_25 = arith.constant 0 : index
      %get3A_26 = arith.constant 0 : index
      %get3A_27 = arith.constant 0 : index
      %get3A_28 = vector.load %arg3[%get3A_25, %get3A_26, %get3A_27] : memref<1x2000x128xf32, #tpu.memory_space<vmem>>, vector<1x2000x128xf32>
      %get3A_29 = vector.shape_cast %get3A_28 : vector<1x2000x128xf32> to vector<2000x128xf32>
      %add3A_30 = arith.addf %add3A, %get3A_29 : vector<2000x128xf32>
      %max3A = arith.constant 0.000000e+00 : f32
      %max3A_31 = vector.broadcast %max3A : f32 to vector<2000x128xf32>
      %max3A_32 = arith.maximumf %add3A_30, %max3A_31 : vector<2000x128xf32>
      %swap3A_33 = arith.constant 0 : index
      %swap3A_34 = arith.constant 0 : index
      %swap3A_35 = vector.load %arg6[%swap3A_33, %swap3A_34] : memref<2000x128xf32, #tpu.memory_space<vmem>>, vector<2000x128xf32>
      tpu.vector_store %arg6[%swap3A_33, %swap3A_34], %max3A_32 {strides = array<i32>} : memref<2000x128xf32, #tpu.memory_space<vmem>>, vector<2000x128xf32>,
    } else {
    }
    %get3A = arith.constant 0 : index
    %get3A_2 = arith.constant 0 : index
    %get3A_3 = vector.load %arg6[%get3A, %get3A_2] : memref<2000x128xf32, #tpu.memory_space<vmem>>, vector<2000x128xf32>
    %get3A_4 = arith.constant 0 : index
    %get3A_5 = arith.constant 0 : index
    %get3A_6 = arith.constant 0 : index
    %get3A_7 = vector.load %arg4[%get3A_4, %get3A_5, %get3A_6] : memref<1x128x128xf32, #tpu.memory_space<vmem>>, vector<1x128x128xf32>
    %get3A_8 = vector.shape_cast %get3A_7 : vector<1x128x128xf32> to vector<128x128xf32>
    %dot_general3A = arith.constant dense<0.000000e+00> : vector<2000x128xf32>
    %dot_general3A_9 = tpu.matmul %get3A_3, %get3A_8, %dot_general3A {dimension_numbers = #tpu.dot_dimension_numbers<[1], [0], [0], [1], [0, 0, 1, 1], [], []>, transpose_lhs_hint = false} : vector<2000x128xf32>, vector<128x128xf32>, vector<2000x128xf32> -> vector<2000x128xf32>
    %swap3A = arith.constant 0 : index
    %swap3A_10 = arith.constant 0 : index
    %swap3A_11 = arith.constant 0 : index
    %swap3A_12 = vector.load %arg5[%swap3A, %swap3A_10, %swap3A_11] : memref<1x2000x128xf32, #tpu.memory_space<vmem>>, vector<1x2000x128xf32>
    %swap3A_13 = vector.shape_cast %swap3A_12 : vector<1x2000x128xf32> to vector<2000x128xf32>
    %swap3A_14 = vector.shape_cast %dot_general3A_9 : vector<2000x128xf32> to vector<1x2000x128xf32>
    tpu.vector_store %arg5[%swap3A, %swap3A_10, %swap3A_11], %swap3A_14 {strides = array<i32>} : memref<1x2000x128xf32, #tpu.memory_space<vmem>>, vector<1x2000x128xf32>,
    return
  }
  func.func @transform_0(%arg0: i32, %arg1: i32) -> (i32, i32, i32) {
    %c0_i32 = arith.constant 0 : i32
    %c0_i32_0 = arith.constant 0 : i32
    %c0_i32_1 = arith.constant 0 : i32
    return %c0_i32, %arg0, %c0_i32_0 : i32, i32, i32
  }
  func.func @transform_1(%arg0: i32, %arg1: i32) -> (i32, i32, i32) {
    %c8_i32 = arith.constant 8 : i32
    %c0_i32 = arith.constant 0 : i32
    %c0_i32_0 = arith.constant 0 : i32
    return %c8_i32, %arg0, %c0_i32 : i32, i32, i32
  }
  func.func @transform_2(%arg0: i32, %arg1: i32) -> (i32, i32, i32) {
    %c0_i32 = arith.constant 0 : i32
    %c0_i32_0 = arith.constant 0 : i32
    %c0_i32_1 = arith.constant 0 : i32
    return %arg1, %c0_i32, %c0_i32_0 : i32, i32, i32
  }
  func.func @transform_3(%arg0: i32, %arg1: i32) -> (i32, i32, i32) {
    %c0_i32 = arith.constant 0 : i32
    %c0_i32_0 = arith.constant 0 : i32
    return %arg1, %arg0, %c0_i32 : i32, i32, i32
  }
}

module attributes {stable_mosaic.version = 14 : i64} {
  func.func @_mpqe_body(%arg0: memref<3072x128xf32, #tpu.memory_space<vmem>>, %arg1: memref<1024x1xi32, #tpu.memory_space<vmem>>, %arg2: memref<1x1024xi32, #tpu.memory_space<vmem>>, %arg3: memref<4x128xf32, #tpu.memory_space<vmem>>, %arg4: memref<3x128x128xf32, #tpu.memory_space<vmem>>, %arg5: memref<3x128x128xf32, #tpu.memory_space<vmem>>, %arg6: memref<256x128xf32, #tpu.memory_space<vmem>>) attributes {dimension_semantics = [], scalar_prefetch = 0 : i64, scratch_operands = 0 : i64, tpu.core_type = #tpu.core_type<tc>} {
    %iota3A = tpu.iota {dimensions = array<i32: 1>} : vector<1024x4xi32>
    %get3A = arith.constant 0 : index
    %get3A_0 = arith.constant 0 : index
    %get3A_1 = vector.load %arg1[%get3A, %get3A_0] : memref<1024x1xi32, #tpu.memory_space<vmem>>, vector<1024x1xi32>
    %eq3A = vector.broadcast %get3A_1 : vector<1024x1xi32> to vector<1024x4xi32>
    %eq3A_2 = arith.cmpi eq, %iota3A, %eq3A : vector<1024x4xi32>
    %convert_element_type3A = arith.extui %eq3A_2 : vector<1024x4xi1> to vector<1024x4xi32>
    %convert_element_type3A_3 = arith.sitofp %convert_element_type3A : vector<1024x4xi32> to vector<1024x4xf32>
    %get3A_4 = arith.constant 0 : index
    %get3A_5 = arith.constant 0 : index
    %get3A_6 = vector.load %arg3[%get3A_4, %get3A_5] : memref<4x128xf32, #tpu.memory_space<vmem>>, vector<4x128xf32>
    %dot_general3A = arith.constant dense<0.000000e+00> : vector<1024x128xf32>
    %dot_general3A_7 = tpu.matmul %convert_element_type3A_3, %get3A_6, %dot_general3A {dimension_numbers = #tpu.dot_dimension_numbers<[1], [0], [0], [1], [0, 0, 1, 1], [], []>, transpose_lhs_hint = false} : vector<1024x4xf32>, vector<4x128xf32>, vector<1024x128xf32> -> vector<1024x128xf32>
    %get3A_8 = arith.constant 0 : index
    %get3A_9 = arith.constant 0 : index
    %get3A_10 = vector.load %arg0[%get3A_8, %get3A_9] : memref<3072x128xf32, #tpu.memory_space<vmem>>, vector<1024x128xf32>
    %add3A = arith.addf %get3A_10, %dot_general3A_7 : vector<1024x128xf32>
    %get3A_11 = arith.constant 1024 : index
    %get3A_12 = arith.constant 0 : index
    %get3A_13 = vector.load %arg0[%get3A_11, %get3A_12] : memref<3072x128xf32, #tpu.memory_space<vmem>>, vector<1024x128xf32>
    %add3A_14 = arith.addf %get3A_13, %dot_general3A_7 : vector<1024x128xf32>
    %get3A_15 = arith.constant 2048 : index
    %get3A_16 = arith.constant 0 : index
    %get3A_17 = vector.load %arg0[%get3A_15, %get3A_16] : memref<3072x128xf32, #tpu.memory_space<vmem>>, vector<1024x128xf32>
    %add3A_18 = arith.addf %get3A_17, %dot_general3A_7 : vector<1024x128xf32>
    %get3A_19 = arith.constant 0 : index
    %get3A_20 = arith.constant 0 : index
    %get3A_21 = arith.constant 0 : index
    %get3A_22 = vector.load %arg4[%get3A_19, %get3A_20, %get3A_21] : memref<3x128x128xf32, #tpu.memory_space<vmem>>, vector<1x128x128xf32>
    %get3A_23 = vector.shape_cast %get3A_22 : vector<1x128x128xf32> to vector<128x128xf32>
    %get3A_24 = arith.constant 0 : index
    %get3A_25 = arith.constant 0 : index
    %get3A_26 = arith.constant 0 : index
    %get3A_27 = vector.load %arg5[%get3A_24, %get3A_25, %get3A_26] : memref<3x128x128xf32, #tpu.memory_space<vmem>>, vector<1x128x128xf32>
    %get3A_28 = vector.shape_cast %get3A_27 : vector<1x128x128xf32> to vector<128x128xf32>
    %add3A_29 = arith.addf %add3A, %add3A_14 : vector<1024x128xf32>
    %add3A_30 = arith.addf %add3A_29, %add3A_18 : vector<1024x128xf32>
    %mul3A = arith.constant 0.333333343 : f32
    %mul3A_31 = vector.broadcast %mul3A : f32 to vector<1024x128xf32>
    %mul3A_32 = arith.mulf %add3A_30, %mul3A_31 : vector<1024x128xf32>
    %dot_general3A_33 = arith.constant dense<0.000000e+00> : vector<1024x128xf32>
    %dot_general3A_34 = tpu.matmul %mul3A_32, %get3A_23, %dot_general3A_33 {dimension_numbers = #tpu.dot_dimension_numbers<[1], [0], [0], [1], [0, 0, 1, 1], [], []>, transpose_lhs_hint = false} : vector<1024x128xf32>, vector<128x128xf32>, vector<1024x128xf32> -> vector<1024x128xf32>
    %dot_general3A_35 = arith.constant dense<0.000000e+00> : vector<1024x128xf32>
    %dot_general3A_36 = tpu.matmul %add3A, %get3A_28, %dot_general3A_35 {dimension_numbers = #tpu.dot_dimension_numbers<[1], [0], [0], [1], [0, 0, 1, 1], [], []>, transpose_lhs_hint = false} : vector<1024x128xf32>, vector<128x128xf32>, vector<1024x128xf32> -> vector<1024x128xf32>
    %add3A_37 = arith.addf %dot_general3A_36, %dot_general3A_34 : vector<1024x128xf32>
    %max3A = arith.constant 0.000000e+00 : f32
    %max3A_38 = vector.broadcast %max3A : f32 to vector<1024x128xf32>
    %max3A_39 = arith.maximumf %add3A_37, %max3A_38 : vector<1024x128xf32>
    %dot_general3A_40 = arith.constant dense<0.000000e+00> : vector<1024x128xf32>
    %dot_general3A_41 = tpu.matmul %add3A_14, %get3A_28, %dot_general3A_40 {dimension_numbers = #tpu.dot_dimension_numbers<[1], [0], [0], [1], [0, 0, 1, 1], [], []>, transpose_lhs_hint = false} : vector<1024x128xf32>, vector<128x128xf32>, vector<1024x128xf32> -> vector<1024x128xf32>
    %add3A_42 = arith.addf %dot_general3A_41, %dot_general3A_34 : vector<1024x128xf32>
    %max3A_43 = arith.constant 0.000000e+00 : f32
    %max3A_44 = vector.broadcast %max3A_43 : f32 to vector<1024x128xf32>
    %max3A_45 = arith.maximumf %add3A_42, %max3A_44 : vector<1024x128xf32>
    %dot_general3A_46 = arith.constant dense<0.000000e+00> : vector<1024x128xf32>
    %dot_general3A_47 = tpu.matmul %add3A_18, %get3A_28, %dot_general3A_46 {dimension_numbers = #tpu.dot_dimension_numbers<[1], [0], [0], [1], [0, 0, 1, 1], [], []>, transpose_lhs_hint = false} : vector<1024x128xf32>, vector<128x128xf32>, vector<1024x128xf32> -> vector<1024x128xf32>
    %add3A_48 = arith.addf %dot_general3A_47, %dot_general3A_34 : vector<1024x128xf32>
    %max3A_49 = arith.constant 0.000000e+00 : f32
    %max3A_50 = vector.broadcast %max3A_49 : f32 to vector<1024x128xf32>
    %max3A_51 = arith.maximumf %add3A_48, %max3A_50 : vector<1024x128xf32>
    %get3A_52 = arith.constant 1 : index
    %get3A_53 = arith.constant 0 : index
    %get3A_54 = arith.constant 0 : index
    %get3A_55 = vector.load %arg4[%get3A_52, %get3A_53, %get3A_54] : memref<3x128x128xf32, #tpu.memory_space<vmem>>, vector<1x128x128xf32>
    %get3A_56 = vector.shape_cast %get3A_55 : vector<1x128x128xf32> to vector<128x128xf32>
    %get3A_57 = arith.constant 1 : index
    %get3A_58 = arith.constant 0 : index
    %get3A_59 = arith.constant 0 : index
    %get3A_60 = vector.load %arg5[%get3A_57, %get3A_58, %get3A_59] : memref<3x128x128xf32, #tpu.memory_space<vmem>>, vector<1x128x128xf32>
    %get3A_61 = vector.shape_cast %get3A_60 : vector<1x128x128xf32> to vector<128x128xf32>
    %add3A_62 = arith.addf %max3A_39, %max3A_45 : vector<1024x128xf32>
    %add3A_63 = arith.addf %add3A_62, %max3A_51 : vector<1024x128xf32>
    %mul3A_64 = arith.constant 0.333333343 : f32
    %mul3A_65 = vector.broadcast %mul3A_64 : f32 to vector<1024x128xf32>
    %mul3A_66 = arith.mulf %add3A_63, %mul3A_65 : vector<1024x128xf32>
    %dot_general3A_67 = arith.constant dense<0.000000e+00> : vector<1024x128xf32>
    %dot_general3A_68 = tpu.matmul %mul3A_66, %get3A_56, %dot_general3A_67 {dimension_numbers = #tpu.dot_dimension_numbers<[1], [0], [0], [1], [0, 0, 1, 1], [], []>, transpose_lhs_hint = false} : vector<1024x128xf32>, vector<128x128xf32>, vector<1024x128xf32> -> vector<1024x128xf32>
    %dot_general3A_69 = arith.constant dense<0.000000e+00> : vector<1024x128xf32>
    %dot_general3A_70 = tpu.matmul %max3A_39, %get3A_61, %dot_general3A_69 {dimension_numbers = #tpu.dot_dimension_numbers<[1], [0], [0], [1], [0, 0, 1, 1], [], []>, transpose_lhs_hint = false} : vector<1024x128xf32>, vector<128x128xf32>, vector<1024x128xf32> -> vector<1024x128xf32>
    %add3A_71 = arith.addf %dot_general3A_70, %dot_general3A_68 : vector<1024x128xf32>
    %max3A_72 = arith.constant 0.000000e+00 : f32
    %max3A_73 = vector.broadcast %max3A_72 : f32 to vector<1024x128xf32>
    %max3A_74 = arith.maximumf %add3A_71, %max3A_73 : vector<1024x128xf32>
    %dot_general3A_75 = arith.constant dense<0.000000e+00> : vector<1024x128xf32>
    %dot_general3A_76 = tpu.matmul %max3A_45, %get3A_61, %dot_general3A_75 {dimension_numbers = #tpu.dot_dimension_numbers<[1], [0], [0], [1], [0, 0, 1, 1], [], []>, transpose_lhs_hint = false} : vector<1024x128xf32>, vector<128x128xf32>, vector<1024x128xf32> -> vector<1024x128xf32>
    %add3A_77 = arith.addf %dot_general3A_76, %dot_general3A_68 : vector<1024x128xf32>
    %max3A_78 = arith.constant 0.000000e+00 : f32
    %max3A_79 = vector.broadcast %max3A_78 : f32 to vector<1024x128xf32>
    %max3A_80 = arith.maximumf %add3A_77, %max3A_79 : vector<1024x128xf32>
    %dot_general3A_81 = arith.constant dense<0.000000e+00> : vector<1024x128xf32>
    %dot_general3A_82 = tpu.matmul %max3A_51, %get3A_61, %dot_general3A_81 {dimension_numbers = #tpu.dot_dimension_numbers<[1], [0], [0], [1], [0, 0, 1, 1], [], []>, transpose_lhs_hint = false} : vector<1024x128xf32>, vector<128x128xf32>, vector<1024x128xf32> -> vector<1024x128xf32>
    %add3A_83 = arith.addf %dot_general3A_82, %dot_general3A_68 : vector<1024x128xf32>
    %max3A_84 = arith.constant 0.000000e+00 : f32
    %max3A_85 = vector.broadcast %max3A_84 : f32 to vector<1024x128xf32>
    %max3A_86 = arith.maximumf %add3A_83, %max3A_85 : vector<1024x128xf32>
    %get3A_87 = arith.constant 2 : index
    %get3A_88 = arith.constant 0 : index
    %get3A_89 = arith.constant 0 : index
    %get3A_90 = vector.load %arg4[%get3A_87, %get3A_88, %get3A_89] : memref<3x128x128xf32, #tpu.memory_space<vmem>>, vector<1x128x128xf32>
    %get3A_91 = vector.shape_cast %get3A_90 : vector<1x128x128xf32> to vector<128x128xf32>
    %get3A_92 = arith.constant 2 : index
    %get3A_93 = arith.constant 0 : index
    %get3A_94 = arith.constant 0 : index
    %get3A_95 = vector.load %arg5[%get3A_92, %get3A_93, %get3A_94] : memref<3x128x128xf32, #tpu.memory_space<vmem>>, vector<1x128x128xf32>
    %get3A_96 = vector.shape_cast %get3A_95 : vector<1x128x128xf32> to vector<128x128xf32>
    %add3A_97 = arith.addf %max3A_74, %max3A_80 : vector<1024x128xf32>
    %add3A_98 = arith.addf %add3A_97, %max3A_86 : vector<1024x128xf32>
    %mul3A_99 = arith.constant 0.333333343 : f32
    %mul3A_100 = vector.broadcast %mul3A_99 : f32 to vector<1024x128xf32>
    %mul3A_101 = arith.mulf %add3A_98, %mul3A_100 : vector<1024x128xf32>
    %dot_general3A_102 = arith.constant dense<0.000000e+00> : vector<1024x128xf32>
    %dot_general3A_103 = tpu.matmul %mul3A_101, %get3A_91, %dot_general3A_102 {dimension_numbers = #tpu.dot_dimension_numbers<[1], [0], [0], [1], [0, 0, 1, 1], [], []>, transpose_lhs_hint = false} : vector<1024x128xf32>, vector<128x128xf32>, vector<1024x128xf32> -> vector<1024x128xf32>
    %dot_general3A_104 = arith.constant dense<0.000000e+00> : vector<1024x128xf32>
    %dot_general3A_105 = tpu.matmul %max3A_74, %get3A_96, %dot_general3A_104 {dimension_numbers = #tpu.dot_dimension_numbers<[1], [0], [0], [1], [0, 0, 1, 1], [], []>, transpose_lhs_hint = false} : vector<1024x128xf32>, vector<128x128xf32>, vector<1024x128xf32> -> vector<1024x128xf32>
    %add3A_106 = arith.addf %dot_general3A_105, %dot_general3A_103 : vector<1024x128xf32>
    %max3A_107 = arith.constant 0.000000e+00 : f32
    %max3A_108 = vector.broadcast %max3A_107 : f32 to vector<1024x128xf32>
    %max3A_109 = arith.maximumf %add3A_106, %max3A_108 : vector<1024x128xf32>
    %dot_general3A_110 = arith.constant dense<0.000000e+00> : vector<1024x128xf32>
    %dot_general3A_111 = tpu.matmul %max3A_80, %get3A_96, %dot_general3A_110 {dimension_numbers = #tpu.dot_dimension_numbers<[1], [0], [0], [1], [0, 0, 1, 1], [], []>, transpose_lhs_hint = false} : vector<1024x128xf32>, vector<128x128xf32>, vector<1024x128xf32> -> vector<1024x128xf32>
    %add3A_112 = arith.addf %dot_general3A_111, %dot_general3A_103 : vector<1024x128xf32>
    %max3A_113 = arith.constant 0.000000e+00 : f32
    %max3A_114 = vector.broadcast %max3A_113 : f32 to vector<1024x128xf32>
    %max3A_115 = arith.maximumf %add3A_112, %max3A_114 : vector<1024x128xf32>
    %dot_general3A_116 = arith.constant dense<0.000000e+00> : vector<1024x128xf32>
    %dot_general3A_117 = tpu.matmul %max3A_86, %get3A_96, %dot_general3A_116 {dimension_numbers = #tpu.dot_dimension_numbers<[1], [0], [0], [1], [0, 0, 1, 1], [], []>, transpose_lhs_hint = false} : vector<1024x128xf32>, vector<128x128xf32>, vector<1024x128xf32> -> vector<1024x128xf32>
    %add3A_118 = arith.addf %dot_general3A_117, %dot_general3A_103 : vector<1024x128xf32>
    %max3A_119 = arith.constant 0.000000e+00 : f32
    %max3A_120 = vector.broadcast %max3A_119 : f32 to vector<1024x128xf32>
    %max3A_121 = arith.maximumf %add3A_118, %max3A_120 : vector<1024x128xf32>
    %add3A_122 = arith.addf %max3A_109, %max3A_115 : vector<1024x128xf32>
    %add3A_123 = arith.addf %add3A_122, %max3A_121 : vector<1024x128xf32>
    %iota3A_124 = tpu.iota {dimensions = array<i32: 0>} : vector<256x1024xi32>
    %get3A_125 = arith.constant 0 : index
    %get3A_126 = arith.constant 0 : index
    %get3A_127 = vector.load %arg2[%get3A_125, %get3A_126] : memref<1x1024xi32, #tpu.memory_space<vmem>>, vector<1x1024xi32>
    %eq3A_128 = vector.broadcast %get3A_127 : vector<1x1024xi32> to vector<256x1024xi32>
    %eq3A_129 = arith.cmpi eq, %iota3A_124, %eq3A_128 : vector<256x1024xi32>
    %convert_element_type3A_130 = arith.extui %eq3A_129 : vector<256x1024xi1> to vector<256x1024xi32>
    %convert_element_type3A_131 = arith.sitofp %convert_element_type3A_130 : vector<256x1024xi32> to vector<256x1024xf32>
    %dot_general3A_132 = arith.constant dense<0.000000e+00> : vector<256x128xf32>
    %dot_general3A_133 = tpu.matmul %convert_element_type3A_131, %add3A_123, %dot_general3A_132 {dimension_numbers = #tpu.dot_dimension_numbers<[1], [0], [0], [1], [0, 0, 1, 1], [], []>, transpose_lhs_hint = false} : vector<256x1024xf32>, vector<1024x128xf32>, vector<256x128xf32> -> vector<256x128xf32>
    %swap3A = arith.constant 0 : index
    %swap3A_134 = arith.constant 0 : index
    %swap3A_135 = vector.load %arg6[%swap3A, %swap3A_134] : memref<256x128xf32, #tpu.memory_space<vmem>>, vector<256x128xf32>
    tpu.vector_store %arg6[%swap3A, %swap3A_134], %dot_general3A_133 {strides = array<i32>} : memref<256x128xf32, #tpu.memory_space<vmem>>, vector<256x128xf32>,
    return
  }
}

</mosaic_0001>

<sc_bundles>
// kernel: kernel.11.cloned.1.call-start
scs
__scs_entry_jumppad:
0x0: {  	(pc) =	sbr.rel $0x88, $3  }
0x1: {  	(tag) =	ssettag $0x0;
	lr =	simm.s32 $0x1  }
0x2: {  	[smem:$0x3F96] =	sst lr;
	_ =	strace $0xD0000000  }
0x3: {  	_ = 	snop  }
0x4: {  	_ = 	snop  }
0x5: {  	_ = 	snop  }
0x6: {  	_ = 	snop  }
0x7: {  	_ = 	snop  }
__scs_overlays_trampoline_lowered:
0x8: {  	[smem:$0x3FA5] =	sst s0  }
0x9: {  	[smem:$0x3FA6] =	sst s1  }
0xa: {  	[smem:$0x3FA7] =	sst s2  }
0xb: {  	[smem:$0x3FA8] =	sst s3  }
0xc: {  	[smem:$0x3FA9] =	sst s4  }
0xd: {  	[smem:$0x3FAA] =	sst s5  }
0xe: {  	[smem:$0x3FAB] =	sst s6  }
0xf: {  	[smem:$0x3FAC] =	sst s7  }
0x10: {  	[smem:$0x3FAD] =	sst s8  }
0x11: {  	[smem:$0x3FAE] =	sst s9;
	s0 =	simm.s32 @!p0 $0x0  }
0x12: {  	s1 =	sld [smem:$0x3F94];
	s0 =	simm.s32 @p0 $0x1  }
0x13: {  	[smem:$0x3FAF] =	sst s0;
	s0 =	simm.s32 @!p1 $0x0  }
0x14: {  	s2 =	sld [smem:$0x3F93];
	s0 =	simm.s32 @p1 $0x1  }
0x15: {  	[smem:$0x3FB0] =	sst s0;
	s0 =	simm.s32 @!p2 $0x0  }
0x16: {  	s3 =	sld [smem:$0x3FDB];
	s0 =	simm.s32 @p2 $0x1  }
0x17: {  	s4 =	simm.s32 $0x1BF5;
	[smem:$0x3FB2] =	sst s0  }
0x18: {  	s0 =	sld [smem:$0x3F95];
	_ =	swait.ge [sflag:s4], $0x0  }
0x19: {  	s7 =	sld [smem:$0x3F96]  }
0x1a: {  	s8 =	sadd.s32 $0xFFFFE003, lr  }
0x1b: {  	s9 =	sadd.s32 $0xFFFFFEF7, lr;
	s5 =	simm.s32 $0xFFFFFFFF;
	p2 =	slt.u32 s8, $0xFFFFF086  }
0x1c: {  	p1 =	slt.u32 s9, $0xF7A;
	s5 =	simm.s32 @!p2 $0x0  }
0x1d: {  	s5 =	simm.s32 @p1 $0x1;
	p0 =	seq.s32 s7, s2  }
0x1e: {  	s7 =	smul.u32 @!p0 $0xF7A, s2;
	p2 =	seq.s32 @!p0 s5, $0x0  }
0x1f: {  	s9 =	smul.u32 $0xF7A, s1;
	s8 =	simm.s32 @!p0 $0x1BF5;
	p2 =	por !p2, p0  }
0x20: {  	[sflag:s8] =	ssyncset.s32 @!p0 $0xFFFFF086;
	s6 =	sadd.s32 @!p0 s3, s7;
	s7 =	simm.s32 @!p0 $0x108  }
0x21: {  	s3 =	sadd.s32 s3, s9;
	s6 =	sadd.s32 @!p0 $0x88, s6;
	s7 =	simm.s32 @p2 $0x1082  }
0x22: {  	[simem:s7], [sflag:s8] =	dma.local @!p0 [hbm:s6], $0xF7A  }
0x23: {  	s9 =	sor.u32 $0xD0000000, s2;
	s6 =	simm.s32 $0x108;
	_ =	swait.ge @!p0 [sflag:s8], $0x0  }
0x24: {  	s3 =	sadd.s32 $0x88, s3;
	s6 =	simm.s32 @!p1 $0x1082;
	[sflag:s4] =	ssyncset.s32 $0xFFFFF086  }
0x25: {  	[simem:s6], [sflag:s4] =	dma.local [hbm:s3], $0xF7A  }
0x26: {  	[smem:$0x3F96] =	sst s1;
	(tag) =	ssettag s2;
	_ =	strace s9  }
0x27: {  	s1 =	sld [smem:$0x3FA6]  }
0x28: {  	s2 =	sld [smem:$0x3FA7]  }
0x29: {  	s4 =	sld [smem:$0x3FA9]  }
0x2a: {  	p0 =	seq.s32 s5, $0x0;
	s5 =	sld [smem:$0x3FAA]  }
0x2b: {  	s6 =	sld [smem:$0x3FAB]  }
0x2c: {  	s7 =	sld [smem:$0x3FAC]  }
0x2d: {  	s3 =	simm.s32 $0x108;
	s8 =	sld [smem:$0x3FAD]  }
0x2e: {  	s3 =	simm.s32 @!p0 $0x1082;
	s9 =	sld [smem:$0x3FAE]  }
0x2f: {  	lr =	sadd.s32 s0, s3;
	s0 =	sld [smem:$0x3FA5]  }
0x30: {  	s3 =	sld [smem:$0x3FA8]  }
0x31: {  	[smem:$0x3FB1] =	sst s10  }
0x32: {  	s10 =	sld [smem:$0x3FAF];
	_ =	sdelay $0x3  }
0x33: {  	p0 =	seq.s32 s10, $0x1;
	s10 =	sld [smem:$0x3FB1];
	_ =	sdelay $0x3  }
0x34: {  	[smem:$0x3FB1] =	sst s10  }
0x35: {  	s10 =	sld [smem:$0x3FB0];
	_ =	sdelay $0x3  }
0x36: {  	p1 =	seq.s32 s10, $0x1;
	s10 =	sld [smem:$0x3FB1];
	_ =	sdelay $0x3  }
0x37: {  	[smem:$0x3FB1] =	sst s10  }
0x38: {  	s10 =	sld [smem:$0x3FB2]  }
0x39: {  	_ = 	snop;
	(pc) =	sbr.ind lr, $3  }
0x3a: {  	_ = 	snop  }
0x3b: {  	_ = 	snop  }
0x3c: {  	p2 =	seq.s32 s10, $0x1;
	s10 =	sld [smem:$0x3FB1]  }
0x3d: {  	_ =	shalt  }
0x3e: {  	_ =	shalt  }
0x3f: {  	_ =	shalt  }
0x40: {  	_ =	shalt  }
0x41: {  	_ =	shalt  }
0x42: {  	_ =	shalt  }
0x43: {  	_ =	shalt  }
0x44: {  	_ =	shalt  }
0x45: {  	_ =	shalt  }
0x46: {  	_ =	shalt  }
0x47: {  	_ =	shalt  }
0x48: {  	_ =	shalt  }
0x49: {  	_ =	shalt  }
0x4a: {  	_ =	shalt  }
0x4b: {  	_ =	shalt  }
0x4c: {  	_ =	shalt  }
0x4d: {  	_ =	shalt  }
0x4e: {  	_ =	shalt  }
0x4f: {  	_ =	shalt  }
0x50: {  	_ =	shalt  }
0x51: {  	_ =	shalt  }
0x52: {  	_ =	shalt  }
0x53: {  	_ =	shalt  }
0x54: {  	_ =	shalt  }
0x55: {  	_ =	shalt  }
0x56: {  	_ =	shalt  }
0x57: {  	_ =	shalt  }
0x58: {  	_ =	shalt  }
0x59: {  	_ =	shalt  }
0x5a: {  	_ =	shalt  }
0x5b: {  	_ =	shalt  }
0x5c: {  	_ =	shalt  }
0x5d: {  	_ =	shalt  }
0x5e: {  	_ =	shalt  }
0x5f: {  	_ =	shalt  }
0x60: {  	_ =	shalt  }
0x61: {  	_ =	shalt  }
0x62: {  	_ =	shalt  }
0x63: {  	_ =	shalt  }
0x64: {  	_ =	shalt  }
0x65: {  	_ =	shalt  }
0x66: {  	_ =	shalt  }
0x67: {  	_ =	shalt  }
0x68: {  	_ =	shalt  }
0x69: {  	_ =	shalt  }
0x6a: {  	_ =	shalt  }
0x6b: {  	_ =	shalt  }
0x6c: {  	_ =	shalt  }
0x6d: {  	_ =	shalt  }
0x6e: {  	_ =	shalt  }
0x6f: {  	_ =	shalt  }
0x70: {  	_ =	shalt  }
0x71: {  	_ =	shalt  }
0x72: {  	_ =	shalt  }
0x73: {  	_ =	shalt  }
0x74: {  	_ =	shalt  }
0x75: {  	_ =	shalt  }
0x76: {  	_ =	shalt  }
0x77: {  	_ =	shalt  }
0x78: {  	_ =	shalt  }
0x79: {  	_ =	shalt  }
0x7a: {  	_ =	shalt  }
0x7b: {  	_ =	shalt  }
0x7c: {  	_ =	shalt  }
0x7d: {  	_ =	shalt  }
0x7e: {  	_ =	shalt  }
0x7f: {  	_ =	shalt  }
0x80: {  	_ =	shalt  }
0x81: {  	_ =	shalt  }
0x82: {  	_ =	shalt  }
0x83: {  	_ =	shalt  }
0x84: {  	_ =	shalt  }
0x85: {  	_ =	shalt  }
0x86: {  	_ =	shalt  }
0x87: {  	_ =	shalt  }
.Lfunc_end0:
.L_simem_size_0:
called_computation_lowered:
.L_overlay_start_0:
0x88: {  	s2 =	sld [smem:$0x3FD9]  }
0x89: {  	s3 =	sld [smem:$0x3FFE];
	_ =	sdelay $0x1  }
0x8a: {  	s1 =	srdreg.scid  }
0x8b: {  	s0 =	sand.u32 $0x1, s1  }
0x8c: {  	s16 =	sshll.u32 s0, $0xA;
	s2 =	sadd.s32 s3, s2  }
0x8d: {  	s2 =	sadd.s32 s2, s16  }
0x8e: {  	[smem:$0x3FBD] =	sst s2  }
0x8f: {  	_ = 	snop  }
0x90: {  	(tm) =	ssettm $0x1  }
0x91: {  	s17 =	sld [smem:$0x3FFB];
	_ =	sdelay $0x3  }
0x92: {  	_ =	strace s17  }
0x93: {  	s2 =	sld [smem:$0x3FFC];
	_ =	sdelay $0x3  }
0x94: {  	_ =	strace s2  }
0x95: {  	s2 =	sld [smem:$0x3FFD];
	_ =	sdelay $0x3  }
0x96: {  	_ =	strace s2  }
0x97: {  	_ =	strace $0x8FFFFFFF  }
0x98: {  	s18 =	sld [smem:$0x3FDB];
	_ =	sdelay $0x1  }
0x99: {  	s19 =	simm.s32 $_scs_section_size  }
0x9a: {  	s4 =	simm.s32 $_size__tile_overlayer_lowered;
	s5 =	simm.s32 $_tile_overlayer_lowered  }
0x9b: {  	s22 =	simm.s32 $0x1BFF;
	s21 =	sshll.u32 s5, $0x1;
	s2 =	sadd.s32 s19, s18  }
0x9c: {  	s6 =	simm.s32 $0x0;
	s20 =	sshll.u32 s4, $0x1;
	s4 =	sadd.s32 s21, s2  }
0x9d: {  	[timem:s6], [sflag:s22] =	dma.local [hbm:s4], s20  }
0x9e: {  	_ =	swait.ge [sflag:s22], s20  }
0x9f: {  	s3 =	ssub.s32 $0x0, s20;
	[sflag:s22] =	ssyncset.done $0x0  }
0xa0: {  	[sflag:s22] =	ssyncadd.s32 s3;
	_ =	sdelay $0x1  }
0xa1: {  	s23 =	simm.s32 $0x1B8B  }
0xa2: {  	_ =	swait.ge [sflag:s23], $0x1  }
0xa3: {  	[sflag:s23] =	ssyncset.done $0x0  }
0xa4: {  	s25 =	simm.s32 $0x1B8E;
	s24 =	sld [smem:$0x3FFE];
	[sflag:s23] =	ssyncadd.s32 $0xFFFFFFFF  }
0xa5: {  	s26 =	simm.s32 $execute0_lowered;
	[smem:$0x3FD2] =	sst s25  }
0xa6: {  	s4 =	sshll.u32 s26, $0x1;
	_ =	strace $0x80000046;
	[dreg:$0x1] =	wrdreg $0xFFFFFFFF  }
0xa7: {  	s28 =	simm.s32 $_size_execute0_lowered;
	s2 =	sadd.s32 s2, s4;
	[dreg:$0x0] =	wrdreg $0x0  }
0xa8: {  	s4 =	sshll.u32 s28, $0x1;
	[dreg:$0x2] =	wrdreg s2  }
0xa9: {  	[dreg:$0x3] =	wrdreg s4  }
0xaa: {  	[dreg:$0x4] =	wrdreg $0xC0  }
0xab: {  	_ =	task [dreg:s6], $0x5FFFF  }
0xac: {  	[dreg:$0x1] =	wrdreg $0xFFFFFFFF  }
0xad: {  	[dreg:$0x0] =	wrdreg $0x60  }
0xae: {  	[dreg:$0x2] =	wrdreg s24  }
0xaf: {  	[dreg:$0x3] =	wrdreg $0xAA000  }
0xb0: {  	[dreg:$0x4] =	wrdreg $0x9  }
0xb1: {  	_ =	task.clear_ibuf [dreg:s6], $0x5FFFF;
	_ =	strace $0x90000046  }
0xb2: {  	s29 =	simm.s32 $0x9;
	_ =	strace $0x80000048  }
0xb3: {  	_ =	swait.ge [sflag:s29], $0x1  }
0xb4: {  	[sflag:s29] =	ssyncadd.s32 $0xFFFFFFFF  }
0xb5: {  	_ =	strace $0x90000048  }
0xb6: {  	_ =	sfence  }
0xb7: {  	s30 =	sld [smem:$0x0];
	_ =	sdelay $0x2  }
0xb8: {  	s31 =	sshll.u32 s1, $0xD;
	s1 =	sshrl.u32 s1, $0x2  }
0xb9: {  	s3 =	sand.u32 $0x4000, s31;
	s1 =	sadd.s32 s1, s30  }
0xba: {  	s0 =	sor.u32 s3, s0;
	s1 =	sshll.u32 s1, $0x11  }
0xbb: {  	s0 =	sor.u32 s1, s0  }
0xbc: {  	s0 =	sadd.s32 $0x8F2B, s0  }
0xbd: {  	[sflag:s0] =	ssyncadd.remote.s32 $0x1  }
0xbe: {  	_ =	sfence.sel $0xFFFF  }
0xbf: {  	[dreg:$0x0] =	wrdreg $0xFFFFFFFF;
	(pc) =	sbr.abs _section_cstart, $3  }
0xc0: {  	[dreg:$0x1] =	wrdreg $0xFFFFFFFF  }
0xc1: {  	_ =	task.clear_ibuf [dreg:s6], $0x2FFFF;
	_ =	strace $0x9FFFFFFF  }
0xc2: {  	(tm) =	ssettm $0x7FFFFFFF  }
0xc3: {  	_ =	shalt  }
tec
execute0_lowered:
.L_overlay_start_1:
0x0: {  	(tag) =	ssettag $0x1  }
0x1: {  	s1 =	srdreg.scid;
	s5 =	rddreg [dreg:$0x0]  }
0x2: {  	s0 =	stileid.u32;
	s2 =	rddreg [dreg:$0x1];
	s3 =	simm.s32 $0x0  }
0x3: {  	s13 =	simm.s32 $0x2800;
	s14 =	simm.s32 $0x2A00;
	s15 =	simm.s32 $0x2840  }
0x4: {  	s16 =	simm.s32 $0x4A00;
	s17 =	simm.s32 $0x2880;
	s18 =	simm.s32 $0x6A00  }
0x5: {  	s19 =	simm.s32 $0x28C0;
	s20 =	simm.s32 $0x8A00;
	s21 =	simm.s32 $0x1  }
0x6: {  	s22 =	simm.s32 $0x80;
	s23 =	simm.s32 $0x2900;
	s24 =	simm.s32 $0x2  }
0x7: {  	s25 =	simm.s32 $0x2980;
	s26 =	simm.s32 $0x0;
	s6 =	sand.u32 $0x1, s1  }
0x8: {  	s28 =	sshll.u32 s0, $0x1;
	s1 =	rddreg [dreg:$0x2];
	s8 =	smul.u32 $0x13C00, s0  }
0x9: {  	[smem:$0x7FF] =	sst s3;
	s29 =	smul.u32 $0x4F000, s0;
	s31 =	sshll.u32 s0, $0x6  }
0xa: {  	s4 =	sor.u32 s6, s28;
	_ =	strace $0x80000047;
	s9 =	smul.u32 $0x13C000, s6  }
0xb: {  	s6 =	ssub.s32 $0x2, s6;
	s7 =	smul.u32 $0x500, s4;
	s4 =	sadd.s32 $0x7600, s5  }
0xc: {  	s10 =	sshrl.u32 s8, $0x3;
	s11 =	sshrl.u32 s6, $0x1;
	s30 =	sshrl.u32 s29, $0x2  }
0xd: {  	s8 =	sadd.s32 s8, s9;
	s10 =	sadd.s32 s10, s5;
	s11 =	ssub.s32 s6, s11  }
0xe: {  	s12 =	sadd.s32 s30, s2;
	s9 =	simm.s32 $0x3;
	s8 =	sshrl.u32 s8, $0x3  }
0xf: {  	s7 =	sadd.s32 s7, s5;
	s6 =	sadd.s32 $0x171000, s10;
	s8 =	sadd.s32 s8, s5  }
0x10: {  	s10 =	sor.u32 $0x1C03, s31;
	s5 =	sadd.s32 $0x167000, s7;
	s7 =	sadd.s32 $0x198800, s8  }
0x11: {  	s8 =	smax.u32 s11, $0x1;
	s11 =	sshrl.u32 s12, $0x3;
	s12 =	simm.s32 $0x40  }
.LBB2_1:
0x12: {  	[tilespmem:s3], [sflag:$0x3] =	stream.linear.gather [hbm4b:s5+s3], $0x2800, $0x38;
	[tilespmem:$0x1E600] =	vst v63  }
0x13: {  	_ =	swait.ge [sflag:s9], $0x2800  }
0x14: {  	[sflag:s9] =	ssyncset.done $0x0  }
0x15: {  	[sflag:s9] =	ssyncadd.s32 $0xFFFFD800  }
0x16: {  	[spmem:s11], [sflag:s10] =	dma.local [hbm:s6], $0x2780  }
0x17: {  	_ =	swait.ge [sflag:s9], $0x2780  }
0x18: {  	[sflag:s9] =	ssyncset.done $0x0  }
0x19: {  	[sflag:s9] =	ssyncadd.s32 $0xFFFFD880  }
0x1a: {  	[bflag:$0x0] =	sbarrier.arrive $0xFFFF  }
0x1b: {  	v0 =	vld [tilespmem:$0x0];
	_ =	sdelay $0x1  }
0x1c: {  	v1 =	vld [tilespmem:$0x10];
	_ =	sdelay $0x1  }
0x1d: {  	v2 =	vld [tilespmem:$0x20]  }
0x1e: {  	v3 =	vshrl.u32 v0, $0xE  }
0x1f: {  	v0 =	vand.u32 $0x3FFF, v0;
	[tilespmem:$0x2800] =	vst v3;
	v3 =	vld [tilespmem:$0x30]  }
0x20: {  	[tilespmem:$0x2900] =	vst v0;
	v0 =	vshrl.u32 v1, $0xE  }
0x21: {  	[tilespmem:$0x2810] =	vst v0;
	v0 =	vand.u32 $0x3FFF, v1;
	v1 =	vld [tilespmem:$0x40]  }
0x22: {  	[tilespmem:$0x2910] =	vst v0;
	v0 =	vshrl.u32 v2, $0xE  }
0x23: {  	[tilespmem:$0x2820] =	vst v0;
	v0 =	vand.u32 $0x3FFF, v2;
	v2 =	vld [tilespmem:$0x50]  }
0x24: {  	[tilespmem:$0x2920] =	vst v0;
	v0 =	vshrl.u32 v3, $0xE  }
0x25: {  	[tilespmem:$0x2830] =	vst v0;
	v0 =	vand.u32 $0x3FFF, v3;
	v3 =	vld [tilespmem:$0x60]  }
0x26: {  	[tilespmem:$0x2930] =	vst v0;
	v0 =	vshrl.u32 v1, $0xE  }
0x27: {  	[tilespmem:$0x2840] =	vst v0;
	v0 =	vand.u32 $0x3FFF, v1;
	v1 =	vld [tilespmem:$0x70]  }
0x28: {  	[tilespmem:$0x2940] =	vst v0;
	v0 =	vshrl.u32 v2, $0xE  }
0x29: {  	[tilespmem:$0x2850] =	vst v0;
	v0 =	vand.u32 $0x3FFF, v2  }
0x2a: {  	[tilespmem:$0x2950] =	vst v0;
	v0 =	vshrl.u32 v3, $0xE  }
0x2b: {  	[tilespmem:$0x2860] =	vst v0;
	v0 =	vand.u32 $0x3FFF, v3  }
0x2c: {  	[tilespmem:$0x2960] =	vst v0;
	v0 =	vshrl.u32 v1, $0xE  }
0x2d: {  	[tilespmem:$0x2870] =	vst v0;
	v0 =	vand.u32 $0x3FFF, v1  }
0x2e: {  	[tilespmem:$0x2970] =	vst v0  }
0x2f: {  	[tilespmem:s14], [sflag:$0x1] =	stream.indirect.gather [hbm4b:s4+s12], $0x80, s13, s12, $0xb8;
	[tilespmem:$0x1E600] =	vst v63  }
0x30: {  	_ = 	snop  }
0x31: {  	[tilespmem:s16], [sflag:$0x1] =	stream.indirect.gather [hbm4b:s4+s12], $0x80, s15, s12, $0xb8;
	[tilespmem:$0x1E600] =	vst v63  }
0x32: {  	v0 =	vld [tilespmem:$0x80];
	_ =	sdelay $0x1  }
0x33: {  	v1 =	vld [tilespmem:$0x90];
	_ =	sdelay $0x1  }
0x34: {  	v2 =	vld [tilespmem:$0xA0]  }
0x35: {  	v3 =	vshrl.u32 v0, $0xE  }
0x36: {  	v0 =	vand.u32 $0x3FFF, v0;
	[tilespmem:$0x2880] =	vst v3;
	v3 =	vld [tilespmem:$0xB0]  }
0x37: {  	[tilespmem:$0x2980] =	vst v0;
	v0 =	vshrl.u32 v1, $0xE  }
0x38: {  	[tilespmem:$0x2890] =	vst v0;
	v0 =	vand.u32 $0x3FFF, v1;
	v1 =	vld [tilespmem:$0xC0]  }
0x39: {  	[tilespmem:$0x2990] =	vst v0;
	v0 =	vshrl.u32 v2, $0xE  }
0x3a: {  	[tilespmem:$0x28A0] =	vst v0;
	v0 =	vand.u32 $0x3FFF, v2;
	v2 =	vld [tilespmem:$0xD0]  }
0x3b: {  	[tilespmem:$0x29A0] =	vst v0;
	v0 =	vshrl.u32 v3, $0xE  }
0x3c: {  	[tilespmem:$0x28B0] =	vst v0;
	v0 =	vand.u32 $0x3FFF, v3;
	v3 =	vld [tilespmem:$0xE0]  }
0x3d: {  	[tilespmem:$0x29B0] =	vst v0;
	v0 =	vshrl.u32 v1, $0xE  }
0x3e: {  	[tilespmem:$0x28C0] =	vst v0;
	v0 =	vand.u32 $0x3FFF, v1;
	v1 =	vld [tilespmem:$0xF0]  }
0x3f: {  	[tilespmem:$0x29C0] =	vst v0;
	v0 =	vshrl.u32 v2, $0xE  }
0x40: {  	[tilespmem:$0x28D0] =	vst v0;
	v0 =	vand.u32 $0x3FFF, v2  }
0x41: {  	[tilespmem:$0x29D0] =	vst v0;
	v0 =	vshrl.u32 v3, $0xE  }
0x42: {  	[tilespmem:$0x28E0] =	vst v0;
	v0 =	vand.u32 $0x3FFF, v3  }
0x43: {  	[tilespmem:$0x29E0] =	vst v0;
	v0 =	vshrl.u32 v1, $0xE  }
0x44: {  	[tilespmem:$0x28F0] =	vst v0;
	v0 =	vand.u32 $0x3FFF, v1  }
0x45: {  	[tilespmem:$0x29F0] =	vst v0  }
0x46: {  	[tilespmem:s18], [sflag:$0x2] =	stream.indirect.gather [hbm4b:s4+s12], $0x80, s17, s12, $0xb8;
	[tilespmem:$0x1E600] =	vst v63  }
0x47: {  	_ = 	snop  }
0x48: {  	[tilespmem:s20], [sflag:$0x2] =	stream.indirect.gather [hbm4b:s4+s12], $0x80, s19, s12, $0xb8;
	[tilespmem:$0x1E600] =	vst v63  }
0x49: {  	_ =	swait.ge [sflag:s21], $0x2000  }
0x4a: {  	[sflag:s21] =	ssyncset.done $0x0  }
0x4b: {  	[sflag:s21] =	ssyncadd.s32 $0xFFFFE000  }
0x4c: {  	_ =	swait.ge [sflag:s21], $0x2000  }
0x4d: {  	[sflag:s21] =	ssyncset.done $0x0  }
0x4e: {  	[sflag:s21] =	ssyncadd.s32 $0xFFFFE000  }
0x4f: {  	[spmem:s2] =	stream.indirect.scatter.add.f32 [tilespmem:s14], [sflag:$0x3], $0x80, s23, s22, $0xb8;
	[tilespmem:$0x1E600] =	vst v63  }
0x50: {  	_ =	swait.ge [sflag:s9], $0x4000  }
0x51: {  	[sflag:s9] =	ssyncset.done $0x0  }
0x52: {  	s28 =	simm.s32 $0x1F0;
	[sflag:s9] =	ssyncadd.s32 $0xFFFFC000  }
0x53: {  	v0 =	vld [tilespmem:s28+$0xFFFFFF10];
	_ =	sdelay $0x4  }
0x54: {  	v1 =	vshrl.u32 v0, $0xE  }
0x55: {  	v0 =	vand.u32 $0x3FFF, v0;
	[tilespmem:$0x2800] =	vst v1  }
0x56: {  	[tilespmem:$0x2900] =	vst v0  }
0x57: {  	v0 =	vld [tilespmem:s28+$0xFFFFFF20];
	_ =	sdelay $0x4  }
0x58: {  	v1 =	vshrl.u32 v0, $0xE  }
0x59: {  	v0 =	vand.u32 $0x3FFF, v0;
	[tilespmem:$0x2810] =	vst v1  }
0x5a: {  	[tilespmem:$0x2910] =	vst v0  }
0x5b: {  	v0 =	vld [tilespmem:s28+$0xFFFFFF30];
	_ =	sdelay $0x4  }
0x5c: {  	v1 =	vshrl.u32 v0, $0xE  }
0x5d: {  	v0 =	vand.u32 $0x3FFF, v0;
	[tilespmem:$0x2820] =	vst v1  }
0x5e: {  	[tilespmem:$0x2920] =	vst v0  }
0x5f: {  	v0 =	vld [tilespmem:s28+$0xFFFFFF40];
	_ =	sdelay $0x4  }
0x60: {  	v1 =	vshrl.u32 v0, $0xE  }
0x61: {  	v0 =	vand.u32 $0x3FFF, v0;
	[tilespmem:$0x2830] =	vst v1  }
0x62: {  	[tilespmem:$0x2930] =	vst v0  }
0x63: {  	v0 =	vld [tilespmem:s28+$0xFFFFFF50];
	_ =	sdelay $0x4  }
0x64: {  	v1 =	vshrl.u32 v0, $0xE  }
0x65: {  	v0 =	vand.u32 $0x3FFF, v0;
	[tilespmem:$0x2840] =	vst v1  }
0x66: {  	[tilespmem:$0x2940] =	vst v0  }
0x67: {  	v0 =	vld [tilespmem:s28+$0xFFFFFF60];
	_ =	sdelay $0x4  }
0x68: {  	v1 =	vshrl.u32 v0, $0xE  }
0x69: {  	v0 =	vand.u32 $0x3FFF, v0;
	[tilespmem:$0x2850] =	vst v1  }
0x6a: {  	[tilespmem:$0x2950] =	vst v0  }
0x6b: {  	v0 =	vld [tilespmem:s28+$0xFFFFFF70];
	_ =	sdelay $0x4  }
0x6c: {  	v1 =	vshrl.u32 v0, $0xE  }
0x6d: {  	v0 =	vand.u32 $0x3FFF, v0;
	[tilespmem:$0x2860] =	vst v1  }
0x6e: {  	[tilespmem:$0x2960] =	vst v0  }
0x6f: {  	v0 =	vld [tilespmem:s28+$0xFFFFFF80];
	_ =	sdelay $0x4  }
0x70: {  	v1 =	vshrl.u32 v0, $0xE  }
0x71: {  	v0 =	vand.u32 $0x3FFF, v0;
	[tilespmem:$0x2870] =	vst v1  }
0x72: {  	[tilespmem:$0x2970] =	vst v0  }
0x73: {  	[tilespmem:s14], [sflag:$0x1] =	stream.indirect.gather [hbm4b:s4+s12], $0x80, s13, s12, $0xb8;
	[tilespmem:$0x1E600] =	vst v63  }
0x74: {  	_ = 	snop  }
0x75: {  	[tilespmem:s16], [sflag:$0x1] =	stream.indirect.gather [hbm4b:s4+s12], $0x80, s15, s12, $0xb8;
	[tilespmem:$0x1E600] =	vst v63  }
0x76: {  	_ =	swait.ge [sflag:s24], $0x2000  }
0x77: {  	[sflag:s24] =	ssyncset.done $0x0  }
0x78: {  	[sflag:s24] =	ssyncadd.s32 $0xFFFFE000  }
0x79: {  	_ =	swait.ge [sflag:s24], $0x2000  }
0x7a: {  	[sflag:s24] =	ssyncset.done $0x0  }
0x7b: {  	[sflag:s24] =	ssyncadd.s32 $0xFFFFE000  }
0x7c: {  	[spmem:s2] =	stream.indirect.scatter.add.f32 [tilespmem:s18], [sflag:$0x3], $0x80, s25, s22, $0xb8;
	[tilespmem:$0x1E600] =	vst v63  }
0x7d: {  	_ =	swait.ge [sflag:s9], $0x4000  }
0x7e: {  	[sflag:s9] =	ssyncset.done $0x0  }
0x7f: {  	[sflag:s9] =	ssyncadd.s32 $0xFFFFC000  }
0x80: {  	v0 =	vld [tilespmem:s28+$0xFFFFFF90];
	_ =	sdelay $0x4  }
0x81: {  	v1 =	vshrl.u32 v0, $0xE  }
0x82: {  	v0 =	vand.u32 $0x3FFF, v0;
	[tilespmem:$0x2880] =	vst v1  }
0x83: {  	[tilespmem:$0x2980] =	vst v0  }
0x84: {  	v0 =	vld [tilespmem:s28+$0xFFFFFFA0];
	_ =	sdelay $0x4  }
0x85: {  	v1 =	vshrl.u32 v0, $0xE  }
0x86: {  	v0 =	vand.u32 $0x3FFF, v0;
	[tilespmem:$0x2890] =	vst v1  }
0x87: {  	[tilespmem:$0x2990] =	vst v0  }
0x88: {  	v0 =	vld [tilespmem:s28+$0xFFFFFFB0];
	_ =	sdelay $0x4  }
0x89: {  	v1 =	vshrl.u32 v0, $0xE  }
0x8a: {  	v0 =	vand.u32 $0x3FFF, v0;
	[tilespmem:$0x28A0] =	vst v1  }
0x8b: {  	[tilespmem:$0x29A0] =	vst v0  }
0x8c: {  	v0 =	vld [tilespmem:s28+$0xFFFFFFC0];
	_ =	sdelay $0x4  }
0x8d: {  	v1 =	vshrl.u32 v0, $0xE  }
0x8e: {  	v0 =	vand.u32 $0x3FFF, v0;
	[tilespmem:$0x28B0] =	vst v1  }
0x8f: {  	[tilespmem:$0x29B0] =	vst v0  }
0x90: {  	v0 =	vld [tilespmem:s28+$0xFFFFFFD0];
	_ =	sdelay $0x4  }
0x91: {  	v1 =	vshrl.u32 v0, $0xE  }
0x92: {  	v0 =	vand.u32 $0x3FFF, v0;
	[tilespmem:$0x28C0] =	vst v1  }
0x93: {  	[tilespmem:$0x29C0] =	vst v0  }
0x94: {  	v0 =	vld [tilespmem:s28+$0xFFFFFFE0];
	_ =	sdelay $0x4  }
0x95: {  	v1 =	vshrl.u32 v0, $0xE  }
0x96: {  	v0 =	vand.u32 $0x3FFF, v0;
	[tilespmem:$0x28D0] =	vst v1  }
0x97: {  	[tilespmem:$0x29D0] =	vst v0  }
0x98: {  	s29 =	simm.s32 $0xBC0;
	v0 =	vld [tilespmem:s28+$0xFFFFFFF0]  }
.LBB2_2:
0x99: {  	_ = 	snop  }
0x9a: {  	p0 =	sne.s32 s29, $0x9FC0;
	s30 =	smov.u32 s29;
	s29 =	sadd.s32 $0x400, s29  }
0x9b: {  	_ =	sdelay $0x1  }
0x9c: {  	v1 =	vshrl.u32 v0, $0xE;
	v0 =	vand.u32 $0x3FFF, v0  }
0x9d: {  	[tilespmem:$0x28E0] =	vst v1  }
0x9e: {  	[tilespmem:$0x29E0] =	vst v0  }
0x9f: {  	v0 =	vld [tilespmem:s28+$0x0];
	_ =	sdelay $0x4  }
0xa0: {  	v1 =	vshrl.u32 v0, $0xE;
	v0 =	vand.u32 $0x3FFF, v0  }
0xa1: {  	[tilespmem:$0x28F0] =	vst v1  }
0xa2: {  	[tilespmem:$0x29F0] =	vst v0  }
0xa3: {  	[tilespmem:s18], [sflag:$0x2] =	stream.indirect.gather [hbm4b:s4+s12], $0x80, s17, s12, $0xb8;
	[tilespmem:$0x1E600] =	vst v63  }
0xa4: {  	_ = 	snop  }
0xa5: {  	[tilespmem:s20], [sflag:$0x2] =	stream.indirect.gather [hbm4b:s4+s12], $0x80, s19, s12, $0xb8;
	[tilespmem:$0x1E600] =	vst v63  }
0xa6: {  	_ =	swait.ge [sflag:s21], $0x2000  }
0xa7: {  	[sflag:s21] =	ssyncset.done $0x0  }
0xa8: {  	[sflag:s21] =	ssyncadd.s32 $0xFFFFE000  }
0xa9: {  	_ =	swait.ge [sflag:s21], $0x2000  }
0xaa: {  	[sflag:s21] =	ssyncset.done $0x0  }
0xab: {  	[sflag:s21] =	ssyncadd.s32 $0xFFFFE000  }
0xac: {  	[spmem:s2] =	stream.indirect.scatter.add.f32 [tilespmem:s14], [sflag:$0x3], $0x80, s23, s22, $0xb8;
	[tilespmem:$0x1E600] =	vst v63  }
0xad: {  	_ =	swait.ge [sflag:s9], $0x4000  }
0xae: {  	[sflag:s9] =	ssyncset.done $0x0  }
0xaf: {  	s28 =	sshra.s32 s30, $0x2;
	[sflag:s9] =	ssyncadd.s32 $0xFFFFC000  }
0xb0: {  	v0 =	vld [tilespmem:s28+$0xFFFFFF10];
	_ =	sdelay $0x4  }
0xb1: {  	v1 =	vshrl.u32 v0, $0xE;
	v0 =	vand.u32 $0x3FFF, v0  }
0xb2: {  	[tilespmem:$0x2800] =	vst v1  }
0xb3: {  	[tilespmem:$0x2900] =	vst v0  }
0xb4: {  	v0 =	vld [tilespmem:s28+$0xFFFFFF20];
	_ =	sdelay $0x4  }
0xb5: {  	v1 =	vshrl.u32 v0, $0xE;
	v0 =	vand.u32 $0x3FFF, v0  }
0xb6: {  	[tilespmem:$0x2810] =	vst v1  }
0xb7: {  	[tilespmem:$0x2910] =	vst v0  }
0xb8: {  	v0 =	vld [tilespmem:s28+$0xFFFFFF30];
	_ =	sdelay $0x4  }
0xb9: {  	v1 =	vshrl.u32 v0, $0xE;
	v0 =	vand.u32 $0x3FFF, v0  }
0xba: {  	[tilespmem:$0x2820] =	vst v1  }
0xbb: {  	[tilespmem:$0x2920] =	vst v0  }
0xbc: {  	v0 =	vld [tilespmem:s28+$0xFFFFFF40];
	_ =	sdelay $0x4  }
0xbd: {  	v1 =	vshrl.u32 v0, $0xE;
	v0 =	vand.u32 $0x3FFF, v0  }
0xbe: {  	[tilespmem:$0x2830] =	vst v1  }
0xbf: {  	[tilespmem:$0x2930] =	vst v0  }
0xc0: {  	v0 =	vld [tilespmem:s28+$0xFFFFFF50];
	_ =	sdelay $0x4  }
0xc1: {  	v1 =	vshrl.u32 v0, $0xE;
	v0 =	vand.u32 $0x3FFF, v0  }
0xc2: {  	[tilespmem:$0x2840] =	vst v1  }
0xc3: {  	[tilespmem:$0x2940] =	vst v0  }
0xc4: {  	v0 =	vld [tilespmem:s28+$0xFFFFFF60];
	_ =	sdelay $0x4  }
0xc5: {  	v1 =	vshrl.u32 v0, $0xE;
	v0 =	vand.u32 $0x3FFF, v0  }
0xc6: {  	[tilespmem:$0x2850] =	vst v1  }
0xc7: {  	[tilespmem:$0x2950] =	vst v0  }
0xc8: {  	v0 =	vld [tilespmem:s28+$0xFFFFFF70];
	_ =	sdelay $0x4  }
0xc9: {  	v1 =	vshrl.u32 v0, $0xE;
	v0 =	vand.u32 $0x3FFF, v0  }
0xca: {  	[tilespmem:$0x2860] =	vst v1  }
0xcb: {  	[tilespmem:$0x2960] =	vst v0  }
0xcc: {  	v0 =	vld [tilespmem:s28+$0xFFFFFF80];
	_ =	sdelay $0x4  }
0xcd: {  	v1 =	vshrl.u32 v0, $0xE;
	v0 =	vand.u32 $0x3FFF, v0  }
0xce: {  	[tilespmem:$0x2870] =	vst v1  }
0xcf: {  	[tilespmem:$0x2970] =	vst v0  }
0xd0: {  	[tilespmem:s14], [sflag:$0x1] =	stream.indirect.gather [hbm4b:s4+s12], $0x80, s13, s12, $0xb8;
	[tilespmem:$0x1E600] =	vst v63  }
0xd1: {  	_ = 	snop  }
0xd2: {  	[tilespmem:s16], [sflag:$0x1] =	stream.indirect.gather [hbm4b:s4+s12], $0x80, s15, s12, $0xb8;
	[tilespmem:$0x1E600] =	vst v63  }
0xd3: {  	_ =	swait.ge [sflag:s24], $0x2000  }
0xd4: {  	[sflag:s24] =	ssyncset.done $0x0  }
0xd5: {  	[sflag:s24] =	ssyncadd.s32 $0xFFFFE000  }
0xd6: {  	_ =	swait.ge [sflag:s24], $0x2000  }
0xd7: {  	[sflag:s24] =	ssyncset.done $0x0  }
0xd8: {  	[sflag:s24] =	ssyncadd.s32 $0xFFFFE000  }
0xd9: {  	[spmem:s2] =	stream.indirect.scatter.add.f32 [tilespmem:s18], [sflag:$0x3], $0x80, s25, s22, $0xb8;
	[tilespmem:$0x1E600] =	vst v63  }
0xda: {  	_ =	swait.ge [sflag:s9], $0x4000  }
0xdb: {  	[sflag:s9] =	ssyncset.done $0x0  }
0xdc: {  	[sflag:s9] =	ssyncadd.s32 $0xFFFFC000  }
0xdd: {  	v0 =	vld [tilespmem:s28+$0xFFFFFF90];
	_ =	sdelay $0x4  }
0xde: {  	v1 =	vshrl.u32 v0, $0xE;
	v0 =	vand.u32 $0x3FFF, v0  }
0xdf: {  	[tilespmem:$0x2880] =	vst v1  }
0xe0: {  	[tilespmem:$0x2980] =	vst v0  }
0xe1: {  	v0 =	vld [tilespmem:s28+$0xFFFFFFA0];
	_ =	sdelay $0x4  }
0xe2: {  	v1 =	vshrl.u32 v0, $0xE;
	v0 =	vand.u32 $0x3FFF, v0  }
0xe3: {  	[tilespmem:$0x2890] =	vst v1  }
0xe4: {  	[tilespmem:$0x2990] =	vst v0  }
0xe5: {  	v0 =	vld [tilespmem:s28+$0xFFFFFFB0];
	_ =	sdelay $0x4  }
0xe6: {  	v1 =	vshrl.u32 v0, $0xE;
	v0 =	vand.u32 $0x3FFF, v0  }
0xe7: {  	[tilespmem:$0x28A0] =	vst v1  }
0xe8: {  	[tilespmem:$0x29A0] =	vst v0  }
0xe9: {  	v0 =	vld [tilespmem:s28+$0xFFFFFFC0];
	_ =	sdelay $0x4  }
0xea: {  	v1 =	vshrl.u32 v0, $0xE;
	v0 =	vand.u32 $0x3FFF, v0  }
0xeb: {  	[tilespmem:$0x28B0] =	vst v1  }
0xec: {  	[tilespmem:$0x29B0] =	vst v0  }
0xed: {  	v0 =	vld [tilespmem:s28+$0xFFFFFFD0];
	_ =	sdelay $0x4  }
0xee: {  	v1 =	vshrl.u32 v0, $0xE;
	v0 =	vand.u32 $0x3FFF, v0  }
0xef: {  	[tilespmem:$0x28C0] =	vst v1  }
0xf0: {  	[tilespmem:$0x29C0] =	vst v0  }
0xf1: {  	v0 =	vld [tilespmem:s28+$0xFFFFFFE0];
	_ =	sdelay $0x3  }
.Ltmp0:
0xf2: {  	(pc) =	sbr.rel @p0 .LBB2_2-.Ltmp0, $4  }
0xf3: {  	v1 =	vshrl.u32 v0, $0xE;
	v0 =	vand.u32 $0x3FFF, v0  }
0xf4: {  	[tilespmem:$0x28D0] =	vst v1  }
0xf5: {  	[tilespmem:$0x29D0] =	vst v0  }
0xf6: {  	v0 =	vld [tilespmem:s28+$0xFFFFFFF0]  }
0xf7: {  	_ =	sdelay $0x3  }
0xf8: {  	v1 =	vshrl.u32 v0, $0xE  }
0xf9: {  	v62 =	vand.u32 $0x3FFF, v0;
	[tilespmem:$0x28E0] =	vst v1  }
0xfa: {  	[tilespmem:$0x29E0] =	vst v62  }
0xfb: {  	v0 =	vld [tilespmem:s28+$0x0];
	_ =	sdelay $0x4  }
0xfc: {  	v63 =	vshrl.u32 v0, $0xE  }
0xfd: {  	v0 =	vand.u32 $0x3FFF, v0;
	[tilespmem:$0x28F0] =	vst v63  }
0xfe: {  	[tilespmem:$0x29F0] =	vst v0  }
0xff: {  	[tilespmem:s18], [sflag:$0x2] =	stream.indirect.gather [hbm4b:s4+s12], $0x80, s17, s12, $0xb8;
	[tilespmem:$0x1E600] =	vst v63  }
0x100: {  	_ = 	snop  }
0x101: {  	[tilespmem:s20], [sflag:$0x2] =	stream.indirect.gather [hbm4b:s4+s12], $0x80, s19, s12, $0xb8;
	[tilespmem:$0x1E600] =	vst v63  }
0x102: {  	_ =	swait.ge [sflag:s21], $0x2000  }
0x103: {  	[sflag:s21] =	ssyncset.done $0x0  }
0x104: {  	[sflag:s21] =	ssyncadd.s32 $0xFFFFE000  }
0x105: {  	_ =	swait.ge [sflag:s21], $0x2000  }
0x106: {  	[sflag:s21] =	ssyncset.done $0x0  }
0x107: {  	[sflag:s21] =	ssyncadd.s32 $0xFFFFE000  }
0x108: {  	[spmem:s2] =	stream.indirect.scatter.add.f32 [tilespmem:s14], [sflag:$0x3], $0x80, s23, s22, $0xb8;
	[tilespmem:$0x1E600] =	vst v63  }
0x109: {  	_ =	swait.ge [sflag:s9], $0x4000  }
0x10a: {  	[sflag:s9] =	ssyncset.done $0x0  }
0x10b: {  	[sflag:s9] =	ssyncadd.s32 $0xFFFFC000  }
0x10c: {  	_ =	swait.ge [sflag:s24], $0x2000  }
0x10d: {  	[sflag:s24] =	ssyncset.done $0x0  }
0x10e: {  	[sflag:s24] =	ssyncadd.s32 $0xFFFFE000  }
0x10f: {  	_ =	swait.ge [sflag:s24], $0x2000  }
0x110: {  	[sflag:s24] =	ssyncset.done $0x0  }
0x111: {  	[sflag:s24] =	ssyncadd.s32 $0xFFFFE000  }
0x112: {  	[spmem:s2] =	stream.indirect.scatter.add.f32 [tilespmem:s18], [sflag:$0x3], $0x80, s25, s22, $0xb8;
	[tilespmem:$0x1E600] =	vst v63  }
0x113: {  	_ =	swait.ge [sflag:s9], $0x4000  }
0x114: {  	s26 =	sadd.s32 $0x1, s26;
	[sflag:s9] =	ssyncset.done $0x0  }
0x115: {  	p0 =	sne.s32 s26, s8;
	[sflag:s9] =	ssyncadd.s32 $0xFFFFC000  }
.Ltmp1:
0x116: {  	[bflag:$0x0] =	sbarrier.arrive $0xFFFF;
	(pc) =	sbr.rel @p0 .LBB2_1-.Ltmp1, $4  }
0x117: {  	[hbm:s7], [sflag:s10] =	dma.local [spmem:s11], $0x2780  }
0x118: {  	_ =	swait.ge [sflag:s9], $0x2780  }
0x119: {  	[sflag:s9] =	ssyncset.done $0x0  }
0x11a: {  	[sflag:s9] =	ssyncadd.s32 $0xFFFFD880  }
0x11b: {  	_ =	sfence.sel $0x180000  }
0x11c: {  	[bflag:$0x0] =	sbarrier.arrive $0xFFFF  }
0x11d: {  	p0 =	sne.s32 s0, $0x0;
	_ =	strace $0x90000047  }
0x11e: {  	s0 =	sadd.s32 @!p0 $0x100000, s1;
	[bflag:$0x2] =	sbarrier.arrive $0xFFFF  }
0x11f: {  	[sflag:s0] =	ssyncadd.tile.s32 @!p0 $0x1;
	_ =	shalt  }
.Lfunc_end2:
_tile_overlayer_lowered:
.L_overlay_start_2:
0x120: {  	(tag) =	ssettag $0x2  }
0x121: {  	s0 =	rddreg [dreg:$0x0];
	s2 =	stileid.u32  }
0x122: {  	s1 =	rddreg [dreg:$0x1];
	p0 =	sne.s32 s2, $0x0  }
0x123: {  	s3 =	rddreg [dreg:$0x2];
	[bflag:$0x3] =	sbarrier.arrive $0xFFFF;
	s2 =	simm.s32 @!p0 $0x1C03  }
0x124: {  	[timem:s3], [sflag:s2] =	dma.local @!p0 [hbm:s0], s1  }
0x125: {  	s0 =	simm.s32 @!p0 $0x3  }
0x126: {  	_ =	swait.ge @!p0 [sflag:s0], s1  }
0x127: {  	s1 =	ssub.s32 @!p0 $0x0, s1;
	[sflag:s0] =	ssyncset.done @!p0 $0x0  }
0x128: {  	[sflag:s0] =	ssyncadd.s32 @!p0 s1  }
0x129: {  	[bflag:$0x3] =	sbarrier.arrive $0xFFFF  }
0x12a: {  	_ =	shalt  }

// kernel: kernel.14.cloned.1.call-start
scs
__scs_entry_jumppad:
0x0: {  	(pc) =	sbr.rel $0x88, $3  }
0x1: {  	(tag) =	ssettag $0x0;
	lr =	simm.s32 $0x1  }
0x2: {  	[smem:$0x3F96] =	sst lr;
	_ =	strace $0xD0000000  }
0x3: {  	_ = 	snop  }
0x4: {  	_ = 	snop  }
0x5: {  	_ = 	snop  }
0x6: {  	_ = 	snop  }
0x7: {  	_ = 	snop  }
__scs_overlays_trampoline_lowered:
0x8: {  	[smem:$0x3FA5] =	sst s0  }
0x9: {  	[smem:$0x3FA6] =	sst s1  }
0xa: {  	[smem:$0x3FA7] =	sst s2  }
0xb: {  	[smem:$0x3FA8] =	sst s3  }
0xc: {  	[smem:$0x3FA9] =	sst s4  }
0xd: {  	[smem:$0x3FAA] =	sst s5  }
0xe: {  	[smem:$0x3FAB] =	sst s6  }
0xf: {  	[smem:$0x3FAC] =	sst s7  }
0x10: {  	[smem:$0x3FAD] =	sst s8  }
0x11: {  	[smem:$0x3FAE] =	sst s9;
	s0 =	simm.s32 @!p0 $0x0  }
0x12: {  	s1 =	sld [smem:$0x3F94];
	s0 =	simm.s32 @p0 $0x1  }
0x13: {  	[smem:$0x3FAF] =	sst s0;
	s0 =	simm.s32 @!p1 $0x0  }
0x14: {  	s2 =	sld [smem:$0x3F93];
	s0 =	simm.s32 @p1 $0x1  }
0x15: {  	[smem:$0x3FB0] =	sst s0;
	s0 =	simm.s32 @!p2 $0x0  }
0x16: {  	s3 =	sld [smem:$0x3FDB];
	s0 =	simm.s32 @p2 $0x1  }
0x17: {  	s4 =	simm.s32 $0x1BF5;
	[smem:$0x3FB2] =	sst s0  }
0x18: {  	s0 =	sld [smem:$0x3F95];
	_ =	swait.ge [sflag:s4], $0x0  }
0x19: {  	s7 =	sld [smem:$0x3F96]  }
0x1a: {  	s8 =	sadd.s32 $0xFFFFE003, lr  }
0x1b: {  	s9 =	sadd.s32 $0xFFFFFEF7, lr;
	s5 =	simm.s32 $0xFFFFFFFF;
	p2 =	slt.u32 s8, $0xFFFFF086  }
0x1c: {  	p1 =	slt.u32 s9, $0xF7A;
	s5 =	simm.s32 @!p2 $0x0  }
0x1d: {  	s5 =	simm.s32 @p1 $0x1;
	p0 =	seq.s32 s7, s2  }
0x1e: {  	s7 =	smul.u32 @!p0 $0xF7A, s2;
	p2 =	seq.s32 @!p0 s5, $0x0  }
0x1f: {  	s9 =	smul.u32 $0xF7A, s1;
	s8 =	simm.s32 @!p0 $0x1BF5;
	p2 =	por !p2, p0  }
0x20: {  	[sflag:s8] =	ssyncset.s32 @!p0 $0xFFFFF086;
	s6 =	sadd.s32 @!p0 s3, s7;
	s7 =	simm.s32 @!p0 $0x108  }
0x21: {  	s3 =	sadd.s32 s3, s9;
	s6 =	sadd.s32 @!p0 $0x88, s6;
	s7 =	simm.s32 @p2 $0x1082  }
0x22: {  	[simem:s7], [sflag:s8] =	dma.local @!p0 [hbm:s6], $0xF7A  }
0x23: {  	s9 =	sor.u32 $0xD0000000, s2;
	s6 =	simm.s32 $0x108;
	_ =	swait.ge @!p0 [sflag:s8], $0x0  }
0x24: {  	s3 =	sadd.s32 $0x88, s3;
	s6 =	simm.s32 @!p1 $0x1082;
	[sflag:s4] =	ssyncset.s32 $0xFFFFF086  }
0x25: {  	[simem:s6], [sflag:s4] =	dma.local [hbm:s3], $0xF7A  }
0x26: {  	[smem:$0x3F96] =	sst s1;
	(tag) =	ssettag s2;
	_ =	strace s9  }
0x27: {  	s1 =	sld [smem:$0x3FA6]  }
0x28: {  	s2 =	sld [smem:$0x3FA7]  }
0x29: {  	s4 =	sld [smem:$0x3FA9]  }
0x2a: {  	p0 =	seq.s32 s5, $0x0;
	s5 =	sld [smem:$0x3FAA]  }
0x2b: {  	s6 =	sld [smem:$0x3FAB]  }
0x2c: {  	s7 =	sld [smem:$0x3FAC]  }
0x2d: {  	s3 =	simm.s32 $0x108;
	s8 =	sld [smem:$0x3FAD]  }
0x2e: {  	s3 =	simm.s32 @!p0 $0x1082;
	s9 =	sld [smem:$0x3FAE]  }
0x2f: {  	lr =	sadd.s32 s0, s3;
	s0 =	sld [smem:$0x3FA5]  }
0x30: {  	s3 =	sld [smem:$0x3FA8]  }
0x31: {  	[smem:$0x3FB1] =	sst s10  }
0x32: {  	s10 =	sld [smem:$0x3FAF];
	_ =	sdelay $0x3  }
0x33: {  	p0 =	seq.s32 s10, $0x1;
	s10 =	sld [smem:$0x3FB1];
	_ =	sdelay $0x3  }
0x34: {  	[smem:$0x3FB1] =	sst s10  }
0x35: {  	s10 =	sld [smem:$0x3FB0];
	_ =	sdelay $0x3  }
0x36: {  	p1 =	seq.s32 s10, $0x1;
	s10 =	sld [smem:$0x3FB1];
	_ =	sdelay $0x3  }
0x37: {  	[smem:$0x3FB1] =	sst s10  }
0x38: {  	s10 =	sld [smem:$0x3FB2]  }
0x39: {  	_ = 	snop;
	(pc) =	sbr.ind lr, $3  }
0x3a: {  	_ = 	snop  }
0x3b: {  	_ = 	snop  }
0x3c: {  	p2 =	seq.s32 s10, $0x1;
	s10 =	sld [smem:$0x3FB1]  }
0x3d: {  	_ =	shalt  }
0x3e: {  	_ =	shalt  }
0x3f: {  	_ =	shalt  }
0x40: {  	_ =	shalt  }
0x41: {  	_ =	shalt  }
0x42: {  	_ =	shalt  }
0x43: {  	_ =	shalt  }
0x44: {  	_ =	shalt  }
0x45: {  	_ =	shalt  }
0x46: {  	_ =	shalt  }
0x47: {  	_ =	shalt  }
0x48: {  	_ =	shalt  }
0x49: {  	_ =	shalt  }
0x4a: {  	_ =	shalt  }
0x4b: {  	_ =	shalt  }
0x4c: {  	_ =	shalt  }
0x4d: {  	_ =	shalt  }
0x4e: {  	_ =	shalt  }
0x4f: {  	_ =	shalt  }
0x50: {  	_ =	shalt  }
0x51: {  	_ =	shalt  }
0x52: {  	_ =	shalt  }
0x53: {  	_ =	shalt  }
0x54: {  	_ =	shalt  }
0x55: {  	_ =	shalt  }
0x56: {  	_ =	shalt  }
0x57: {  	_ =	shalt  }
0x58: {  	_ =	shalt  }
0x59: {  	_ =	shalt  }
0x5a: {  	_ =	shalt  }
0x5b: {  	_ =	shalt  }
0x5c: {  	_ =	shalt  }
0x5d: {  	_ =	shalt  }
0x5e: {  	_ =	shalt  }
0x5f: {  	_ =	shalt  }
0x60: {  	_ =	shalt  }
0x61: {  	_ =	shalt  }
0x62: {  	_ =	shalt  }
0x63: {  	_ =	shalt  }
0x64: {  	_ =	shalt  }
0x65: {  	_ =	shalt  }
0x66: {  	_ =	shalt  }
0x67: {  	_ =	shalt  }
0x68: {  	_ =	shalt  }
0x69: {  	_ =	shalt  }
0x6a: {  	_ =	shalt  }
0x6b: {  	_ =	shalt  }
0x6c: {  	_ =	shalt  }
0x6d: {  	_ =	shalt  }
0x6e: {  	_ =	shalt  }
0x6f: {  	_ =	shalt  }
0x70: {  	_ =	shalt  }
0x71: {  	_ =	shalt  }
0x72: {  	_ =	shalt  }
0x73: {  	_ =	shalt  }
0x74: {  	_ =	shalt  }
0x75: {  	_ =	shalt  }
0x76: {  	_ =	shalt  }
0x77: {  	_ =	shalt  }
0x78: {  	_ =	shalt  }
0x79: {  	_ =	shalt  }
0x7a: {  	_ =	shalt  }
0x7b: {  	_ =	shalt  }
0x7c: {  	_ =	shalt  }
0x7d: {  	_ =	shalt  }
0x7e: {  	_ =	shalt  }
0x7f: {  	_ =	shalt  }
0x80: {  	_ =	shalt  }
0x81: {  	_ =	shalt  }
0x82: {  	_ =	shalt  }
0x83: {  	_ =	shalt  }
0x84: {  	_ =	shalt  }
0x85: {  	_ =	shalt  }
0x86: {  	_ =	shalt  }
0x87: {  	_ =	shalt  }
.Lfunc_end0:
.L_simem_size_0:
called_computation.1_lowered:
.L_overlay_start_0:
0x88: {  	s2 =	sld [smem:$0x3FD9]  }
0x89: {  	s3 =	sld [smem:$0x3FFE];
	_ =	sdelay $0x1  }
0x8a: {  	s1 =	srdreg.scid  }
0x8b: {  	s0 =	sand.u32 $0x1, s1  }
0x8c: {  	s16 =	sshll.u32 s0, $0xA;
	s2 =	sadd.s32 s3, s2  }
0x8d: {  	s2 =	sadd.s32 s2, s16  }
0x8e: {  	[smem:$0x3FBD] =	sst s2  }
0x8f: {  	_ = 	snop  }
0x90: {  	(tm) =	ssettm $0x1  }
0x91: {  	s17 =	sld [smem:$0x3FFB];
	_ =	sdelay $0x3  }
0x92: {  	_ =	strace s17  }
0x93: {  	s2 =	sld [smem:$0x3FFC];
	_ =	sdelay $0x3  }
0x94: {  	_ =	strace s2  }
0x95: {  	s2 =	sld [smem:$0x3FFD];
	_ =	sdelay $0x3  }
0x96: {  	_ =	strace s2  }
0x97: {  	_ =	strace $0x8FFFFFFF  }
0x98: {  	s18 =	sld [smem:$0x3FDB];
	_ =	sdelay $0x1  }
0x99: {  	s19 =	simm.s32 $_scs_section_size  }
0x9a: {  	s4 =	simm.s32 $_size__tile_overlayer_lowered;
	s5 =	simm.s32 $_tile_overlayer_lowered  }
0x9b: {  	s22 =	simm.s32 $0x1BFF;
	s21 =	sshll.u32 s5, $0x1;
	s2 =	sadd.s32 s19, s18  }
0x9c: {  	s6 =	simm.s32 $0x0;
	s20 =	sshll.u32 s4, $0x1;
	s4 =	sadd.s32 s21, s2  }
0x9d: {  	[timem:s6], [sflag:s22] =	dma.local [hbm:s4], s20  }
0x9e: {  	_ =	swait.ge [sflag:s22], s20  }
0x9f: {  	s3 =	ssub.s32 $0x0, s20;
	[sflag:s22] =	ssyncset.done $0x0  }
0xa0: {  	[sflag:s22] =	ssyncadd.s32 s3;
	_ =	sdelay $0x1  }
0xa1: {  	s23 =	simm.s32 $0x1B8B  }
0xa2: {  	_ =	swait.ge [sflag:s23], $0x1  }
0xa3: {  	[sflag:s23] =	ssyncset.done $0x0  }
0xa4: {  	s25 =	simm.s32 $0x1B8E;
	s24 =	sld [smem:$0x3FFE];
	[sflag:s23] =	ssyncadd.s32 $0xFFFFFFFF  }
0xa5: {  	s26 =	simm.s32 $execute0_lowered;
	[smem:$0x3FD2] =	sst s25  }
0xa6: {  	s4 =	sshll.u32 s26, $0x1;
	_ =	strace $0x80000049;
	[dreg:$0x1] =	wrdreg $0xFFFFFFFF  }
0xa7: {  	s28 =	simm.s32 $_size_execute0_lowered;
	s2 =	sadd.s32 s2, s4;
	[dreg:$0x0] =	wrdreg $0x0  }
0xa8: {  	s4 =	sshll.u32 s28, $0x1;
	[dreg:$0x2] =	wrdreg s2  }
0xa9: {  	[dreg:$0x3] =	wrdreg s4  }
0xaa: {  	[dreg:$0x4] =	wrdreg $0xC0  }
0xab: {  	_ =	task [dreg:s6], $0x5FFFF  }
0xac: {  	[dreg:$0x1] =	wrdreg $0xFFFFFFFF  }
0xad: {  	[dreg:$0x0] =	wrdreg $0x60  }
0xae: {  	[dreg:$0x2] =	wrdreg s24  }
0xaf: {  	[dreg:$0x3] =	wrdreg $0xAA000  }
0xb0: {  	[dreg:$0x4] =	wrdreg $0x9  }
0xb1: {  	_ =	task.clear_ibuf [dreg:s6], $0x5FFFF;
	_ =	strace $0x90000049  }
0xb2: {  	s29 =	simm.s32 $0x9;
	_ =	strace $0x8000004B  }
0xb3: {  	_ =	swait.ge [sflag:s29], $0x1  }
0xb4: {  	[sflag:s29] =	ssyncadd.s32 $0xFFFFFFFF  }
0xb5: {  	_ =	strace $0x9000004B  }
0xb6: {  	_ =	sfence  }
0xb7: {  	s30 =	sld [smem:$0x0];
	_ =	sdelay $0x2  }
0xb8: {  	s31 =	sshll.u32 s1, $0xD;
	s1 =	sshrl.u32 s1, $0x2  }
0xb9: {  	s3 =	sand.u32 $0x4000, s31;
	s1 =	sadd.s32 s1, s30  }
0xba: {  	s0 =	sor.u32 s3, s0;
	s1 =	sshll.u32 s1, $0x11  }
0xbb: {  	s0 =	sor.u32 s1, s0  }
0xbc: {  	s0 =	sadd.s32 $0x8F2B, s0  }
0xbd: {  	[sflag:s0] =	ssyncadd.remote.s32 $0x1  }
0xbe: {  	_ =	sfence.sel $0xFFFF  }
0xbf: {  	[dreg:$0x0] =	wrdreg $0xFFFFFFFF;
	(pc) =	sbr.abs _section_cstart, $3  }
0xc0: {  	[dreg:$0x1] =	wrdreg $0xFFFFFFFF  }
0xc1: {  	_ =	task.clear_ibuf [dreg:s6], $0x2FFFF;
	_ =	strace $0x9FFFFFFF  }
0xc2: {  	(tm) =	ssettm $0x7FFFFFFF  }
0xc3: {  	_ =	shalt  }
tec
execute0_lowered:
.L_overlay_start_1:
0x0: {  	(tag) =	ssettag $0x1  }
0x1: {  	s1 =	srdreg.scid;
	s5 =	rddreg [dreg:$0x0]  }
0x2: {  	s0 =	stileid.u32;
	s2 =	rddreg [dreg:$0x1];
	s3 =	simm.s32 $0x0  }
0x3: {  	s13 =	simm.s32 $0x2800;
	s14 =	simm.s32 $0x2A00;
	s15 =	simm.s32 $0x2840  }
0x4: {  	s16 =	simm.s32 $0x4A00;
	s17 =	simm.s32 $0x2880;
	s18 =	simm.s32 $0x6A00  }
0x5: {  	s19 =	simm.s32 $0x28C0;
	s20 =	simm.s32 $0x8A00;
	s21 =	simm.s32 $0x1  }
0x6: {  	s22 =	simm.s32 $0x80;
	s23 =	simm.s32 $0x2900;
	s24 =	simm.s32 $0x2  }
0x7: {  	s25 =	simm.s32 $0x2980;
	s26 =	simm.s32 $0x0;
	s6 =	sand.u32 $0x1, s1  }
0x8: {  	s28 =	sshll.u32 s0, $0x1;
	s1 =	rddreg [dreg:$0x2];
	s8 =	smul.u32 $0x13C00, s0  }
0x9: {  	[smem:$0x7FF] =	sst s3;
	s29 =	smul.u32 $0x4F000, s0;
	s31 =	sshll.u32 s0, $0x6  }
0xa: {  	s4 =	sor.u32 s6, s28;
	_ =	strace $0x8000004A;
	s9 =	smul.u32 $0x13C000, s6  }
0xb: {  	s6 =	ssub.s32 $0x2, s6;
	s7 =	smul.u32 $0x500, s4;
	s4 =	sadd.s32 $0x198800, s5  }
0xc: {  	s10 =	sshrl.u32 s8, $0x3;
	s11 =	sshrl.u32 s6, $0x1;
	s30 =	sshrl.u32 s29, $0x2  }
0xd: {  	s8 =	sadd.s32 s8, s9;
	s10 =	sadd.s32 s10, s5;
	s11 =	ssub.s32 s6, s11  }
0xe: {  	s12 =	sadd.s32 s30, s2;
	s9 =	simm.s32 $0x3;
	s8 =	sshrl.u32 s8, $0x3  }
0xf: {  	s7 =	sadd.s32 s7, s5;
	s6 =	sadd.s32 $0x171000, s10;
	s8 =	sadd.s32 s8, s5  }
0x10: {  	s10 =	sor.u32 $0x1C03, s31;
	s5 =	sadd.s32 $0x167000, s7;
	s7 =	sadd.s32 $0x7600, s8  }
0x11: {  	s8 =	smax.u32 s11, $0x1;
	s11 =	sshrl.u32 s12, $0x3;
	s12 =	simm.s32 $0x40  }
.LBB2_1:
0x12: {  	[tilespmem:s3], [sflag:$0x3] =	stream.linear.gather [hbm4b:s5+s3], $0x2800, $0x38;
	[tilespmem:$0x1E600] =	vst v63  }
0x13: {  	_ =	swait.ge [sflag:s9], $0x2800  }
0x14: {  	[sflag:s9] =	ssyncset.done $0x0  }
0x15: {  	[sflag:s9] =	ssyncadd.s32 $0xFFFFD800  }
0x16: {  	[spmem:s11], [sflag:s10] =	dma.local [hbm:s6], $0x2780  }
0x17: {  	_ =	swait.ge [sflag:s9], $0x2780  }
0x18: {  	[sflag:s9] =	ssyncset.done $0x0  }
0x19: {  	[sflag:s9] =	ssyncadd.s32 $0xFFFFD880  }
0x1a: {  	[bflag:$0x0] =	sbarrier.arrive $0xFFFF  }
0x1b: {  	v0 =	vld [tilespmem:$0x0];
	_ =	sdelay $0x1  }
0x1c: {  	v1 =	vld [tilespmem:$0x10];
	_ =	sdelay $0x1  }
0x1d: {  	v2 =	vld [tilespmem:$0x20]  }
0x1e: {  	v3 =	vshrl.u32 v0, $0xE  }
0x1f: {  	v0 =	vand.u32 $0x3FFF, v0;
	[tilespmem:$0x2800] =	vst v3;
	v3 =	vld [tilespmem:$0x30]  }
0x20: {  	[tilespmem:$0x2900] =	vst v0;
	v0 =	vshrl.u32 v1, $0xE  }
0x21: {  	[tilespmem:$0x2810] =	vst v0;
	v0 =	vand.u32 $0x3FFF, v1;
	v1 =	vld [tilespmem:$0x40]  }
0x22: {  	[tilespmem:$0x2910] =	vst v0;
	v0 =	vshrl.u32 v2, $0xE  }
0x23: {  	[tilespmem:$0x2820] =	vst v0;
	v0 =	vand.u32 $0x3FFF, v2;
	v2 =	vld [tilespmem:$0x50]  }
0x24: {  	[tilespmem:$0x2920] =	vst v0;
	v0 =	vshrl.u32 v3, $0xE  }
0x25: {  	[tilespmem:$0x2830] =	vst v0;
	v0 =	vand.u32 $0x3FFF, v3;
	v3 =	vld [tilespmem:$0x60]  }
0x26: {  	[tilespmem:$0x2930] =	vst v0;
	v0 =	vshrl.u32 v1, $0xE  }
0x27: {  	[tilespmem:$0x2840] =	vst v0;
	v0 =	vand.u32 $0x3FFF, v1;
	v1 =	vld [tilespmem:$0x70]  }
0x28: {  	[tilespmem:$0x2940] =	vst v0;
	v0 =	vshrl.u32 v2, $0xE  }
0x29: {  	[tilespmem:$0x2850] =	vst v0;
	v0 =	vand.u32 $0x3FFF, v2  }
0x2a: {  	[tilespmem:$0x2950] =	vst v0;
	v0 =	vshrl.u32 v3, $0xE  }
0x2b: {  	[tilespmem:$0x2860] =	vst v0;
	v0 =	vand.u32 $0x3FFF, v3  }
0x2c: {  	[tilespmem:$0x2960] =	vst v0;
	v0 =	vshrl.u32 v1, $0xE  }
0x2d: {  	[tilespmem:$0x2870] =	vst v0;
	v0 =	vand.u32 $0x3FFF, v1  }
0x2e: {  	[tilespmem:$0x2970] =	vst v0  }
0x2f: {  	[tilespmem:s14], [sflag:$0x1] =	stream.indirect.gather [hbm4b:s4+s12], $0x80, s13, s12, $0xb8;
	[tilespmem:$0x1E600] =	vst v63  }
0x30: {  	_ = 	snop  }
0x31: {  	[tilespmem:s16], [sflag:$0x1] =	stream.indirect.gather [hbm4b:s4+s12], $0x80, s15, s12, $0xb8;
	[tilespmem:$0x1E600] =	vst v63  }
0x32: {  	v0 =	vld [tilespmem:$0x80];
	_ =	sdelay $0x1  }
0x33: {  	v1 =	vld [tilespmem:$0x90];
	_ =	sdelay $0x1  }
0x34: {  	v2 =	vld [tilespmem:$0xA0]  }
0x35: {  	v3 =	vshrl.u32 v0, $0xE  }
0x36: {  	v0 =	vand.u32 $0x3FFF, v0;
	[tilespmem:$0x2880] =	vst v3;
	v3 =	vld [tilespmem:$0xB0]  }
0x37: {  	[tilespmem:$0x2980] =	vst v0;
	v0 =	vshrl.u32 v1, $0xE  }
0x38: {  	[tilespmem:$0x2890] =	vst v0;
	v0 =	vand.u32 $0x3FFF, v1;
	v1 =	vld [tilespmem:$0xC0]  }
0x39: {  	[tilespmem:$0x2990] =	vst v0;
	v0 =	vshrl.u32 v2, $0xE  }
0x3a: {  	[tilespmem:$0x28A0] =	vst v0;
	v0 =	vand.u32 $0x3FFF, v2;
	v2 =	vld [tilespmem:$0xD0]  }
0x3b: {  	[tilespmem:$0x29A0] =	vst v0;
	v0 =	vshrl.u32 v3, $0xE  }
0x3c: {  	[tilespmem:$0x28B0] =	vst v0;
	v0 =	vand.u32 $0x3FFF, v3;
	v3 =	vld [tilespmem:$0xE0]  }
0x3d: {  	[tilespmem:$0x29B0] =	vst v0;
	v0 =	vshrl.u32 v1, $0xE  }
0x3e: {  	[tilespmem:$0x28C0] =	vst v0;
	v0 =	vand.u32 $0x3FFF, v1;
	v1 =	vld [tilespmem:$0xF0]  }
0x3f: {  	[tilespmem:$0x29C0] =	vst v0;
	v0 =	vshrl.u32 v2, $0xE  }
0x40: {  	[tilespmem:$0x28D0] =	vst v0;
	v0 =	vand.u32 $0x3FFF, v2  }
0x41: {  	[tilespmem:$0x29D0] =	vst v0;
	v0 =	vshrl.u32 v3, $0xE  }
0x42: {  	[tilespmem:$0x28E0] =	vst v0;
	v0 =	vand.u32 $0x3FFF, v3  }
0x43: {  	[tilespmem:$0x29E0] =	vst v0;
	v0 =	vshrl.u32 v1, $0xE  }
0x44: {  	[tilespmem:$0x28F0] =	vst v0;
	v0 =	vand.u32 $0x3FFF, v1  }
0x45: {  	[tilespmem:$0x29F0] =	vst v0  }
0x46: {  	[tilespmem:s18], [sflag:$0x2] =	stream.indirect.gather [hbm4b:s4+s12], $0x80, s17, s12, $0xb8;
	[tilespmem:$0x1E600] =	vst v63  }
0x47: {  	_ = 	snop  }
0x48: {  	[tilespmem:s20], [sflag:$0x2] =	stream.indirect.gather [hbm4b:s4+s12], $0x80, s19, s12, $0xb8;
	[tilespmem:$0x1E600] =	vst v63  }
0x49: {  	_ =	swait.ge [sflag:s21], $0x2000  }
0x4a: {  	[sflag:s21] =	ssyncset.done $0x0  }
0x4b: {  	[sflag:s21] =	ssyncadd.s32 $0xFFFFE000  }
0x4c: {  	_ =	swait.ge [sflag:s21], $0x2000  }
0x4d: {  	[sflag:s21] =	ssyncset.done $0x0  }
0x4e: {  	[sflag:s21] =	ssyncadd.s32 $0xFFFFE000  }
0x4f: {  	[spmem:s2] =	stream.indirect.scatter.add.f32 [tilespmem:s14], [sflag:$0x3], $0x80, s23, s22, $0xb8;
	[tilespmem:$0x1E600] =	vst v63  }
0x50: {  	_ =	swait.ge [sflag:s9], $0x4000  }
0x51: {  	[sflag:s9] =	ssyncset.done $0x0  }
0x52: {  	s28 =	simm.s32 $0x1F0;
	[sflag:s9] =	ssyncadd.s32 $0xFFFFC000  }
0x53: {  	v0 =	vld [tilespmem:s28+$0xFFFFFF10];
	_ =	sdelay $0x4  }
0x54: {  	v1 =	vshrl.u32 v0, $0xE  }
0x55: {  	v0 =	vand.u32 $0x3FFF, v0;
	[tilespmem:$0x2800] =	vst v1  }
0x56: {  	[tilespmem:$0x2900] =	vst v0  }
0x57: {  	v0 =	vld [tilespmem:s28+$0xFFFFFF20];
	_ =	sdelay $0x4  }
0x58: {  	v1 =	vshrl.u32 v0, $0xE  }
0x59: {  	v0 =	vand.u32 $0x3FFF, v0;
	[tilespmem:$0x2810] =	vst v1  }
0x5a: {  	[tilespmem:$0x2910] =	vst v0  }
0x5b: {  	v0 =	vld [tilespmem:s28+$0xFFFFFF30];
	_ =	sdelay $0x4  }
0x5c: {  	v1 =	vshrl.u32 v0, $0xE  }
0x5d: {  	v0 =	vand.u32 $0x3FFF, v0;
	[tilespmem:$0x2820] =	vst v1  }
0x5e: {  	[tilespmem:$0x2920] =	vst v0  }
0x5f: {  	v0 =	vld [tilespmem:s28+$0xFFFFFF40];
	_ =	sdelay $0x4  }
0x60: {  	v1 =	vshrl.u32 v0, $0xE  }
0x61: {  	v0 =	vand.u32 $0x3FFF, v0;
	[tilespmem:$0x2830] =	vst v1  }
0x62: {  	[tilespmem:$0x2930] =	vst v0  }
0x63: {  	v0 =	vld [tilespmem:s28+$0xFFFFFF50];
	_ =	sdelay $0x4  }
0x64: {  	v1 =	vshrl.u32 v0, $0xE  }
0x65: {  	v0 =	vand.u32 $0x3FFF, v0;
	[tilespmem:$0x2840] =	vst v1  }
0x66: {  	[tilespmem:$0x2940] =	vst v0  }
0x67: {  	v0 =	vld [tilespmem:s28+$0xFFFFFF60];
	_ =	sdelay $0x4  }
0x68: {  	v1 =	vshrl.u32 v0, $0xE  }
0x69: {  	v0 =	vand.u32 $0x3FFF, v0;
	[tilespmem:$0x2850] =	vst v1  }
0x6a: {  	[tilespmem:$0x2950] =	vst v0  }
0x6b: {  	v0 =	vld [tilespmem:s28+$0xFFFFFF70];
	_ =	sdelay $0x4  }
0x6c: {  	v1 =	vshrl.u32 v0, $0xE  }
0x6d: {  	v0 =	vand.u32 $0x3FFF, v0;
	[tilespmem:$0x2860] =	vst v1  }
0x6e: {  	[tilespmem:$0x2960] =	vst v0  }
0x6f: {  	v0 =	vld [tilespmem:s28+$0xFFFFFF80];
	_ =	sdelay $0x4  }
0x70: {  	v1 =	vshrl.u32 v0, $0xE  }
0x71: {  	v0 =	vand.u32 $0x3FFF, v0;
	[tilespmem:$0x2870] =	vst v1  }
0x72: {  	[tilespmem:$0x2970] =	vst v0  }
0x73: {  	[tilespmem:s14], [sflag:$0x1] =	stream.indirect.gather [hbm4b:s4+s12], $0x80, s13, s12, $0xb8;
	[tilespmem:$0x1E600] =	vst v63  }
0x74: {  	_ = 	snop  }
0x75: {  	[tilespmem:s16], [sflag:$0x1] =	stream.indirect.gather [hbm4b:s4+s12], $0x80, s15, s12, $0xb8;
	[tilespmem:$0x1E600] =	vst v63  }
0x76: {  	_ =	swait.ge [sflag:s24], $0x2000  }
0x77: {  	[sflag:s24] =	ssyncset.done $0x0  }
0x78: {  	[sflag:s24] =	ssyncadd.s32 $0xFFFFE000  }
0x79: {  	_ =	swait.ge [sflag:s24], $0x2000  }
0x7a: {  	[sflag:s24] =	ssyncset.done $0x0  }
0x7b: {  	[sflag:s24] =	ssyncadd.s32 $0xFFFFE000  }
0x7c: {  	[spmem:s2] =	stream.indirect.scatter.add.f32 [tilespmem:s18], [sflag:$0x3], $0x80, s25, s22, $0xb8;
	[tilespmem:$0x1E600] =	vst v63  }
0x7d: {  	_ =	swait.ge [sflag:s9], $0x4000  }
0x7e: {  	[sflag:s9] =	ssyncset.done $0x0  }
0x7f: {  	[sflag:s9] =	ssyncadd.s32 $0xFFFFC000  }
0x80: {  	v0 =	vld [tilespmem:s28+$0xFFFFFF90];
	_ =	sdelay $0x4  }
0x81: {  	v1 =	vshrl.u32 v0, $0xE  }
0x82: {  	v0 =	vand.u32 $0x3FFF, v0;
	[tilespmem:$0x2880] =	vst v1  }
0x83: {  	[tilespmem:$0x2980] =	vst v0  }
0x84: {  	v0 =	vld [tilespmem:s28+$0xFFFFFFA0];
	_ =	sdelay $0x4  }
0x85: {  	v1 =	vshrl.u32 v0, $0xE  }
0x86: {  	v0 =	vand.u32 $0x3FFF, v0;
	[tilespmem:$0x2890] =	vst v1  }
0x87: {  	[tilespmem:$0x2990] =	vst v0  }
0x88: {  	v0 =	vld [tilespmem:s28+$0xFFFFFFB0];
	_ =	sdelay $0x4  }
0x89: {  	v1 =	vshrl.u32 v0, $0xE  }
0x8a: {  	v0 =	vand.u32 $0x3FFF, v0;
	[tilespmem:$0x28A0] =	vst v1  }
0x8b: {  	[tilespmem:$0x29A0] =	vst v0  }
0x8c: {  	v0 =	vld [tilespmem:s28+$0xFFFFFFC0];
	_ =	sdelay $0x4  }
0x8d: {  	v1 =	vshrl.u32 v0, $0xE  }
0x8e: {  	v0 =	vand.u32 $0x3FFF, v0;
	[tilespmem:$0x28B0] =	vst v1  }
0x8f: {  	[tilespmem:$0x29B0] =	vst v0  }
0x90: {  	v0 =	vld [tilespmem:s28+$0xFFFFFFD0];
	_ =	sdelay $0x4  }
0x91: {  	v1 =	vshrl.u32 v0, $0xE  }
0x92: {  	v0 =	vand.u32 $0x3FFF, v0;
	[tilespmem:$0x28C0] =	vst v1  }
0x93: {  	[tilespmem:$0x29C0] =	vst v0  }
0x94: {  	v0 =	vld [tilespmem:s28+$0xFFFFFFE0];
	_ =	sdelay $0x4  }
0x95: {  	v1 =	vshrl.u32 v0, $0xE  }
0x96: {  	v0 =	vand.u32 $0x3FFF, v0;
	[tilespmem:$0x28D0] =	vst v1  }
0x97: {  	[tilespmem:$0x29D0] =	vst v0  }
0x98: {  	s29 =	simm.s32 $0xBC0;
	v0 =	vld [tilespmem:s28+$0xFFFFFFF0]  }
.LBB2_2:
0x99: {  	_ = 	snop  }
0x9a: {  	p0 =	sne.s32 s29, $0x9FC0;
	s30 =	smov.u32 s29;
	s29 =	sadd.s32 $0x400, s29  }
0x9b: {  	_ =	sdelay $0x1  }
0x9c: {  	v1 =	vshrl.u32 v0, $0xE;
	v0 =	vand.u32 $0x3FFF, v0  }
0x9d: {  	[tilespmem:$0x28E0] =	vst v1  }
0x9e: {  	[tilespmem:$0x29E0] =	vst v0  }
0x9f: {  	v0 =	vld [tilespmem:s28+$0x0];
	_ =	sdelay $0x4  }
0xa0: {  	v1 =	vshrl.u32 v0, $0xE;
	v0 =	vand.u32 $0x3FFF, v0  }
0xa1: {  	[tilespmem:$0x28F0] =	vst v1  }
0xa2: {  	[tilespmem:$0x29F0] =	vst v0  }
0xa3: {  	[tilespmem:s18], [sflag:$0x2] =	stream.indirect.gather [hbm4b:s4+s12], $0x80, s17, s12, $0xb8;
	[tilespmem:$0x1E600] =	vst v63  }
0xa4: {  	_ = 	snop  }
0xa5: {  	[tilespmem:s20], [sflag:$0x2] =	stream.indirect.gather [hbm4b:s4+s12], $0x80, s19, s12, $0xb8;
	[tilespmem:$0x1E600] =	vst v63  }
0xa6: {  	_ =	swait.ge [sflag:s21], $0x2000  }
0xa7: {  	[sflag:s21] =	ssyncset.done $0x0  }
0xa8: {  	[sflag:s21] =	ssyncadd.s32 $0xFFFFE000  }
0xa9: {  	_ =	swait.ge [sflag:s21], $0x2000  }
0xaa: {  	[sflag:s21] =	ssyncset.done $0x0  }
0xab: {  	[sflag:s21] =	ssyncadd.s32 $0xFFFFE000  }
0xac: {  	[spmem:s2] =	stream.indirect.scatter.add.f32 [tilespmem:s14], [sflag:$0x3], $0x80, s23, s22, $0xb8;
	[tilespmem:$0x1E600] =	vst v63  }
0xad: {  	_ =	swait.ge [sflag:s9], $0x4000  }
0xae: {  	[sflag:s9] =	ssyncset.done $0x0  }
0xaf: {  	s28 =	sshra.s32 s30, $0x2;
	[sflag:s9] =	ssyncadd.s32 $0xFFFFC000  }
0xb0: {  	v0 =	vld [tilespmem:s28+$0xFFFFFF10];
	_ =	sdelay $0x4  }
0xb1: {  	v1 =	vshrl.u32 v0, $0xE;
	v0 =	vand.u32 $0x3FFF, v0  }
0xb2: {  	[tilespmem:$0x2800] =	vst v1  }
0xb3: {  	[tilespmem:$0x2900] =	vst v0  }
0xb4: {  	v0 =	vld [tilespmem:s28+$0xFFFFFF20];
	_ =	sdelay $0x4  }
0xb5: {  	v1 =	vshrl.u32 v0, $0xE;
	v0 =	vand.u32 $0x3FFF, v0  }
0xb6: {  	[tilespmem:$0x2810] =	vst v1  }
0xb7: {  	[tilespmem:$0x2910] =	vst v0  }
0xb8: {  	v0 =	vld [tilespmem:s28+$0xFFFFFF30];
	_ =	sdelay $0x4  }
0xb9: {  	v1 =	vshrl.u32 v0, $0xE;
	v0 =	vand.u32 $0x3FFF, v0  }
0xba: {  	[tilespmem:$0x2820] =	vst v1  }
0xbb: {  	[tilespmem:$0x2920] =	vst v0  }
0xbc: {  	v0 =	vld [tilespmem:s28+$0xFFFFFF40];
	_ =	sdelay $0x4  }
0xbd: {  	v1 =	vshrl.u32 v0, $0xE;
	v0 =	vand.u32 $0x3FFF, v0  }
0xbe: {  	[tilespmem:$0x2830] =	vst v1  }
0xbf: {  	[tilespmem:$0x2930] =	vst v0  }
0xc0: {  	v0 =	vld [tilespmem:s28+$0xFFFFFF50];
	_ =	sdelay $0x4  }
0xc1: {  	v1 =	vshrl.u32 v0, $0xE;
	v0 =	vand.u32 $0x3FFF, v0  }
0xc2: {  	[tilespmem:$0x2840] =	vst v1  }
0xc3: {  	[tilespmem:$0x2940] =	vst v0  }
0xc4: {  	v0 =	vld [tilespmem:s28+$0xFFFFFF60];
	_ =	sdelay $0x4  }
0xc5: {  	v1 =	vshrl.u32 v0, $0xE;
	v0 =	vand.u32 $0x3FFF, v0  }
0xc6: {  	[tilespmem:$0x2850] =	vst v1  }
0xc7: {  	[tilespmem:$0x2950] =	vst v0  }
0xc8: {  	v0 =	vld [tilespmem:s28+$0xFFFFFF70];
	_ =	sdelay $0x4  }
0xc9: {  	v1 =	vshrl.u32 v0, $0xE;
	v0 =	vand.u32 $0x3FFF, v0  }
0xca: {  	[tilespmem:$0x2860] =	vst v1  }
0xcb: {  	[tilespmem:$0x2960] =	vst v0  }
0xcc: {  	v0 =	vld [tilespmem:s28+$0xFFFFFF80];
	_ =	sdelay $0x4  }
0xcd: {  	v1 =	vshrl.u32 v0, $0xE;
	v0 =	vand.u32 $0x3FFF, v0  }
0xce: {  	[tilespmem:$0x2870] =	vst v1  }
0xcf: {  	[tilespmem:$0x2970] =	vst v0  }
0xd0: {  	[tilespmem:s14], [sflag:$0x1] =	stream.indirect.gather [hbm4b:s4+s12], $0x80, s13, s12, $0xb8;
	[tilespmem:$0x1E600] =	vst v63  }
0xd1: {  	_ = 	snop  }
0xd2: {  	[tilespmem:s16], [sflag:$0x1] =	stream.indirect.gather [hbm4b:s4+s12], $0x80, s15, s12, $0xb8;
	[tilespmem:$0x1E600] =	vst v63  }
0xd3: {  	_ =	swait.ge [sflag:s24], $0x2000  }
0xd4: {  	[sflag:s24] =	ssyncset.done $0x0  }
0xd5: {  	[sflag:s24] =	ssyncadd.s32 $0xFFFFE000  }
0xd6: {  	_ =	swait.ge [sflag:s24], $0x2000  }
0xd7: {  	[sflag:s24] =	ssyncset.done $0x0  }
0xd8: {  	[sflag:s24] =	ssyncadd.s32 $0xFFFFE000  }
0xd9: {  	[spmem:s2] =	stream.indirect.scatter.add.f32 [tilespmem:s18], [sflag:$0x3], $0x80, s25, s22, $0xb8;
	[tilespmem:$0x1E600] =	vst v63  }
0xda: {  	_ =	swait.ge [sflag:s9], $0x4000  }
0xdb: {  	[sflag:s9] =	ssyncset.done $0x0  }
0xdc: {  	[sflag:s9] =	ssyncadd.s32 $0xFFFFC000  }
0xdd: {  	v0 =	vld [tilespmem:s28+$0xFFFFFF90];
	_ =	sdelay $0x4  }
0xde: {  	v1 =	vshrl.u32 v0, $0xE;
	v0 =	vand.u32 $0x3FFF, v0  }
0xdf: {  	[tilespmem:$0x2880] =	vst v1  }
0xe0: {  	[tilespmem:$0x2980] =	vst v0  }
0xe1: {  	v0 =	vld [tilespmem:s28+$0xFFFFFFA0];
	_ =	sdelay $0x4  }
0xe2: {  	v1 =	vshrl.u32 v0, $0xE;
	v0 =	vand.u32 $0x3FFF, v0  }
0xe3: {  	[tilespmem:$0x2890] =	vst v1  }
0xe4: {  	[tilespmem:$0x2990] =	vst v0  }
0xe5: {  	v0 =	vld [tilespmem:s28+$0xFFFFFFB0];
	_ =	sdelay $0x4  }
0xe6: {  	v1 =	vshrl.u32 v0, $0xE;
	v0 =	vand.u32 $0x3FFF, v0  }
0xe7: {  	[tilespmem:$0x28A0] =	vst v1  }
0xe8: {  	[tilespmem:$0x29A0] =	vst v0  }
0xe9: {  	v0 =	vld [tilespmem:s28+$0xFFFFFFC0];
	_ =	sdelay $0x4  }
0xea: {  	v1 =	vshrl.u32 v0, $0xE;
	v0 =	vand.u32 $0x3FFF, v0  }
0xeb: {  	[tilespmem:$0x28B0] =	vst v1  }
0xec: {  	[tilespmem:$0x29B0] =	vst v0  }
0xed: {  	v0 =	vld [tilespmem:s28+$0xFFFFFFD0];
	_ =	sdelay $0x4  }
0xee: {  	v1 =	vshrl.u32 v0, $0xE;
	v0 =	vand.u32 $0x3FFF, v0  }
0xef: {  	[tilespmem:$0x28C0] =	vst v1  }
0xf0: {  	[tilespmem:$0x29C0] =	vst v0  }
0xf1: {  	v0 =	vld [tilespmem:s28+$0xFFFFFFE0];
	_ =	sdelay $0x3  }
.Ltmp0:
0xf2: {  	(pc) =	sbr.rel @p0 .LBB2_2-.Ltmp0, $4  }
0xf3: {  	v1 =	vshrl.u32 v0, $0xE;
	v0 =	vand.u32 $0x3FFF, v0  }
0xf4: {  	[tilespmem:$0x28D0] =	vst v1  }
0xf5: {  	[tilespmem:$0x29D0] =	vst v0  }
0xf6: {  	v0 =	vld [tilespmem:s28+$0xFFFFFFF0]  }
0xf7: {  	_ =	sdelay $0x3  }
0xf8: {  	v1 =	vshrl.u32 v0, $0xE  }
0xf9: {  	v62 =	vand.u32 $0x3FFF, v0;
	[tilespmem:$0x28E0] =	vst v1  }
0xfa: {  	[tilespmem:$0x29E0] =	vst v62  }
0xfb: {  	v0 =	vld [tilespmem:s28+$0x0];
	_ =	sdelay $0x4  }
0xfc: {  	v63 =	vshrl.u32 v0, $0xE  }
0xfd: {  	v0 =	vand.u32 $0x3FFF, v0;
	[tilespmem:$0x28F0] =	vst v63  }
0xfe: {  	[tilespmem:$0x29F0] =	vst v0  }
0xff: {  	[tilespmem:s18], [sflag:$0x2] =	stream.indirect.gather [hbm4b:s4+s12], $0x80, s17, s12, $0xb8;
	[tilespmem:$0x1E600] =	vst v63  }
0x100: {  	_ = 	snop  }
0x101: {  	[tilespmem:s20], [sflag:$0x2] =	stream.indirect.gather [hbm4b:s4+s12], $0x80, s19, s12, $0xb8;
	[tilespmem:$0x1E600] =	vst v63  }
0x102: {  	_ =	swait.ge [sflag:s21], $0x2000  }
0x103: {  	[sflag:s21] =	ssyncset.done $0x0  }
0x104: {  	[sflag:s21] =	ssyncadd.s32 $0xFFFFE000  }
0x105: {  	_ =	swait.ge [sflag:s21], $0x2000  }
0x106: {  	[sflag:s21] =	ssyncset.done $0x0  }
0x107: {  	[sflag:s21] =	ssyncadd.s32 $0xFFFFE000  }
0x108: {  	[spmem:s2] =	stream.indirect.scatter.add.f32 [tilespmem:s14], [sflag:$0x3], $0x80, s23, s22, $0xb8;
	[tilespmem:$0x1E600] =	vst v63  }
0x109: {  	_ =	swait.ge [sflag:s9], $0x4000  }
0x10a: {  	[sflag:s9] =	ssyncset.done $0x0  }
0x10b: {  	[sflag:s9] =	ssyncadd.s32 $0xFFFFC000  }
0x10c: {  	_ =	swait.ge [sflag:s24], $0x2000  }
0x10d: {  	[sflag:s24] =	ssyncset.done $0x0  }
0x10e: {  	[sflag:s24] =	ssyncadd.s32 $0xFFFFE000  }
0x10f: {  	_ =	swait.ge [sflag:s24], $0x2000  }
0x110: {  	[sflag:s24] =	ssyncset.done $0x0  }
0x111: {  	[sflag:s24] =	ssyncadd.s32 $0xFFFFE000  }
0x112: {  	[spmem:s2] =	stream.indirect.scatter.add.f32 [tilespmem:s18], [sflag:$0x3], $0x80, s25, s22, $0xb8;
	[tilespmem:$0x1E600] =	vst v63  }
0x113: {  	_ =	swait.ge [sflag:s9], $0x4000  }
0x114: {  	s26 =	sadd.s32 $0x1, s26;
	[sflag:s9] =	ssyncset.done $0x0  }
0x115: {  	p0 =	sne.s32 s26, s8;
	[sflag:s9] =	ssyncadd.s32 $0xFFFFC000  }
.Ltmp1:
0x116: {  	[bflag:$0x0] =	sbarrier.arrive $0xFFFF;
	(pc) =	sbr.rel @p0 .LBB2_1-.Ltmp1, $4  }
0x117: {  	[hbm:s7], [sflag:s10] =	dma.local [spmem:s11], $0x2780  }
0x118: {  	_ =	swait.ge [sflag:s9], $0x2780  }
0x119: {  	[sflag:s9] =	ssyncset.done $0x0  }
0x11a: {  	[sflag:s9] =	ssyncadd.s32 $0xFFFFD880  }
0x11b: {  	_ =	sfence.sel $0x180000  }
0x11c: {  	[bflag:$0x0] =	sbarrier.arrive $0xFFFF  }
0x11d: {  	p0 =	sne.s32 s0, $0x0;
	_ =	strace $0x9000004A  }
0x11e: {  	s0 =	sadd.s32 @!p0 $0x100000, s1;
	[bflag:$0x2] =	sbarrier.arrive $0xFFFF  }
0x11f: {  	[sflag:s0] =	ssyncadd.tile.s32 @!p0 $0x1;
	_ =	shalt  }
.Lfunc_end2:
_tile_overlayer_lowered:
.L_overlay_start_2:
0x120: {  	(tag) =	ssettag $0x2  }
0x121: {  	s0 =	rddreg [dreg:$0x0];
	s2 =	stileid.u32  }
0x122: {  	s1 =	rddreg [dreg:$0x1];
	p0 =	sne.s32 s2, $0x0  }
0x123: {  	s3 =	rddreg [dreg:$0x2];
	[bflag:$0x3] =	sbarrier.arrive $0xFFFF;
	s2 =	simm.s32 @!p0 $0x1C03  }
0x124: {  	[timem:s3], [sflag:s2] =	dma.local @!p0 [hbm:s0], s1  }
0x125: {  	s0 =	simm.s32 @!p0 $0x3  }
0x126: {  	_ =	swait.ge @!p0 [sflag:s0], s1  }
0x127: {  	s1 =	ssub.s32 @!p0 $0x0, s1;
	[sflag:s0] =	ssyncset.done @!p0 $0x0  }
0x128: {  	[sflag:s0] =	ssyncadd.s32 @!p0 s1  }
0x129: {  	[bflag:$0x3] =	sbarrier.arrive $0xFFFF  }
0x12a: {  	_ =	shalt  }

// kernel: kernel.17.cloned.1.call-start
scs
__scs_entry_jumppad:
0x0: {  	(pc) =	sbr.rel $0x88, $3  }
0x1: {  	(tag) =	ssettag $0x0;
	lr =	simm.s32 $0x1  }
0x2: {  	[smem:$0x3F96] =	sst lr;
	_ =	strace $0xD0000000  }
0x3: {  	_ = 	snop  }
0x4: {  	_ = 	snop  }
0x5: {  	_ = 	snop  }
0x6: {  	_ = 	snop  }
0x7: {  	_ = 	snop  }
__scs_overlays_trampoline_lowered:
0x8: {  	[smem:$0x3FA5] =	sst s0  }
0x9: {  	[smem:$0x3FA6] =	sst s1  }
0xa: {  	[smem:$0x3FA7] =	sst s2  }
0xb: {  	[smem:$0x3FA8] =	sst s3  }
0xc: {  	[smem:$0x3FA9] =	sst s4  }
0xd: {  	[smem:$0x3FAA] =	sst s5  }
0xe: {  	[smem:$0x3FAB] =	sst s6  }
0xf: {  	[smem:$0x3FAC] =	sst s7  }
0x10: {  	[smem:$0x3FAD] =	sst s8  }
0x11: {  	[smem:$0x3FAE] =	sst s9;
	s0 =	simm.s32 @!p0 $0x0  }
0x12: {  	s1 =	sld [smem:$0x3F94];
	s0 =	simm.s32 @p0 $0x1  }
0x13: {  	[smem:$0x3FAF] =	sst s0;
	s0 =	simm.s32 @!p1 $0x0  }
0x14: {  	s2 =	sld [smem:$0x3F93];
	s0 =	simm.s32 @p1 $0x1  }
0x15: {  	[smem:$0x3FB0] =	sst s0;
	s0 =	simm.s32 @!p2 $0x0  }
0x16: {  	s3 =	sld [smem:$0x3FDB];
	s0 =	simm.s32 @p2 $0x1  }
0x17: {  	s4 =	simm.s32 $0x1BF5;
	[smem:$0x3FB2] =	sst s0  }
0x18: {  	s0 =	sld [smem:$0x3F95];
	_ =	swait.ge [sflag:s4], $0x0  }
0x19: {  	s7 =	sld [smem:$0x3F96]  }
0x1a: {  	s8 =	sadd.s32 $0xFFFFE003, lr  }
0x1b: {  	s9 =	sadd.s32 $0xFFFFFEF7, lr;
	s5 =	simm.s32 $0xFFFFFFFF;
	p2 =	slt.u32 s8, $0xFFFFF086  }
0x1c: {  	p1 =	slt.u32 s9, $0xF7A;
	s5 =	simm.s32 @!p2 $0x0  }
0x1d: {  	s5 =	simm.s32 @p1 $0x1;
	p0 =	seq.s32 s7, s2  }
0x1e: {  	s7 =	smul.u32 @!p0 $0xF7A, s2;
	p2 =	seq.s32 @!p0 s5, $0x0  }
0x1f: {  	s9 =	smul.u32 $0xF7A, s1;
	s8 =	simm.s32 @!p0 $0x1BF5;
	p2 =	por !p2, p0  }
0x20: {  	[sflag:s8] =	ssyncset.s32 @!p0 $0xFFFFF086;
	s6 =	sadd.s32 @!p0 s3, s7;
	s7 =	simm.s32 @!p0 $0x108  }
0x21: {  	s3 =	sadd.s32 s3, s9;
	s6 =	sadd.s32 @!p0 $0x88, s6;
	s7 =	simm.s32 @p2 $0x1082  }
0x22: {  	[simem:s7], [sflag:s8] =	dma.local @!p0 [hbm:s6], $0xF7A  }
0x23: {  	s9 =	sor.u32 $0xD0000000, s2;
	s6 =	simm.s32 $0x108;
	_ =	swait.ge @!p0 [sflag:s8], $0x0  }
0x24: {  	s3 =	sadd.s32 $0x88, s3;
	s6 =	simm.s32 @!p1 $0x1082;
	[sflag:s4] =	ssyncset.s32 $0xFFFFF086  }
0x25: {  	[simem:s6], [sflag:s4] =	dma.local [hbm:s3], $0xF7A  }
0x26: {  	[smem:$0x3F96] =	sst s1;
	(tag) =	ssettag s2;
	_ =	strace s9  }
0x27: {  	s1 =	sld [smem:$0x3FA6]  }
0x28: {  	s2 =	sld [smem:$0x3FA7]  }
0x29: {  	s4 =	sld [smem:$0x3FA9]  }
0x2a: {  	p0 =	seq.s32 s5, $0x0;
	s5 =	sld [smem:$0x3FAA]  }
0x2b: {  	s6 =	sld [smem:$0x3FAB]  }
0x2c: {  	s7 =	sld [smem:$0x3FAC]  }
0x2d: {  	s3 =	simm.s32 $0x108;
	s8 =	sld [smem:$0x3FAD]  }
0x2e: {  	s3 =	simm.s32 @!p0 $0x1082;
	s9 =	sld [smem:$0x3FAE]  }
0x2f: {  	lr =	sadd.s32 s0, s3;
	s0 =	sld [smem:$0x3FA5]  }
0x30: {  	s3 =	sld [smem:$0x3FA8]  }
0x31: {  	[smem:$0x3FB1] =	sst s10  }
0x32: {  	s10 =	sld [smem:$0x3FAF];
	_ =	sdelay $0x3  }
0x33: {  	p0 =	seq.s32 s10, $0x1;
	s10 =	sld [smem:$0x3FB1];
	_ =	sdelay $0x3  }
0x34: {  	[smem:$0x3FB1] =	sst s10  }
0x35: {  	s10 =	sld [smem:$0x3FB0];
	_ =	sdelay $0x3  }
0x36: {  	p1 =	seq.s32 s10, $0x1;
	s10 =	sld [smem:$0x3FB1];
	_ =	sdelay $0x3  }
0x37: {  	[smem:$0x3FB1] =	sst s10  }
0x38: {  	s10 =	sld [smem:$0x3FB2]  }
0x39: {  	_ = 	snop;
	(pc) =	sbr.ind lr, $3  }
0x3a: {  	_ = 	snop  }
0x3b: {  	_ = 	snop  }
0x3c: {  	p2 =	seq.s32 s10, $0x1;
	s10 =	sld [smem:$0x3FB1]  }
0x3d: {  	_ =	shalt  }
0x3e: {  	_ =	shalt  }
0x3f: {  	_ =	shalt  }
0x40: {  	_ =	shalt  }
0x41: {  	_ =	shalt  }
0x42: {  	_ =	shalt  }
0x43: {  	_ =	shalt  }
0x44: {  	_ =	shalt  }
0x45: {  	_ =	shalt  }
0x46: {  	_ =	shalt  }
0x47: {  	_ =	shalt  }
0x48: {  	_ =	shalt  }
0x49: {  	_ =	shalt  }
0x4a: {  	_ =	shalt  }
0x4b: {  	_ =	shalt  }
0x4c: {  	_ =	shalt  }
0x4d: {  	_ =	shalt  }
0x4e: {  	_ =	shalt  }
0x4f: {  	_ =	shalt  }
0x50: {  	_ =	shalt  }
0x51: {  	_ =	shalt  }
0x52: {  	_ =	shalt  }
0x53: {  	_ =	shalt  }
0x54: {  	_ =	shalt  }
0x55: {  	_ =	shalt  }
0x56: {  	_ =	shalt  }
0x57: {  	_ =	shalt  }
0x58: {  	_ =	shalt  }
0x59: {  	_ =	shalt  }
0x5a: {  	_ =	shalt  }
0x5b: {  	_ =	shalt  }
0x5c: {  	_ =	shalt  }
0x5d: {  	_ =	shalt  }
0x5e: {  	_ =	shalt  }
0x5f: {  	_ =	shalt  }
0x60: {  	_ =	shalt  }
0x61: {  	_ =	shalt  }
0x62: {  	_ =	shalt  }
0x63: {  	_ =	shalt  }
0x64: {  	_ =	shalt  }
0x65: {  	_ =	shalt  }
0x66: {  	_ =	shalt  }
0x67: {  	_ =	shalt  }
0x68: {  	_ =	shalt  }
0x69: {  	_ =	shalt  }
0x6a: {  	_ =	shalt  }
0x6b: {  	_ =	shalt  }
0x6c: {  	_ =	shalt  }
0x6d: {  	_ =	shalt  }
0x6e: {  	_ =	shalt  }
0x6f: {  	_ =	shalt  }
0x70: {  	_ =	shalt  }
0x71: {  	_ =	shalt  }
0x72: {  	_ =	shalt  }
0x73: {  	_ =	shalt  }
0x74: {  	_ =	shalt  }
0x75: {  	_ =	shalt  }
0x76: {  	_ =	shalt  }
0x77: {  	_ =	shalt  }
0x78: {  	_ =	shalt  }
0x79: {  	_ =	shalt  }
0x7a: {  	_ =	shalt  }
0x7b: {  	_ =	shalt  }
0x7c: {  	_ =	shalt  }
0x7d: {  	_ =	shalt  }
0x7e: {  	_ =	shalt  }
0x7f: {  	_ =	shalt  }
0x80: {  	_ =	shalt  }
0x81: {  	_ =	shalt  }
0x82: {  	_ =	shalt  }
0x83: {  	_ =	shalt  }
0x84: {  	_ =	shalt  }
0x85: {  	_ =	shalt  }
0x86: {  	_ =	shalt  }
0x87: {  	_ =	shalt  }
.Lfunc_end0:
.L_simem_size_0:
called_computation.2_lowered:
.L_overlay_start_0:
0x88: {  	s2 =	sld [smem:$0x3FD9]  }
0x89: {  	s3 =	sld [smem:$0x3FFE];
	_ =	sdelay $0x1  }
0x8a: {  	s1 =	srdreg.scid  }
0x8b: {  	s0 =	sand.u32 $0x1, s1  }
0x8c: {  	s16 =	sshll.u32 s0, $0xA;
	s2 =	sadd.s32 s3, s2  }
0x8d: {  	s2 =	sadd.s32 s2, s16  }
0x8e: {  	[smem:$0x3FBD] =	sst s2  }
0x8f: {  	_ = 	snop  }
0x90: {  	(tm) =	ssettm $0x1  }
0x91: {  	s17 =	sld [smem:$0x3FFB];
	_ =	sdelay $0x3  }
0x92: {  	_ =	strace s17  }
0x93: {  	s2 =	sld [smem:$0x3FFC];
	_ =	sdelay $0x3  }
0x94: {  	_ =	strace s2  }
0x95: {  	s2 =	sld [smem:$0x3FFD];
	_ =	sdelay $0x3  }
0x96: {  	_ =	strace s2  }
0x97: {  	_ =	strace $0x8FFFFFFF  }
0x98: {  	s18 =	sld [smem:$0x3FDB];
	_ =	sdelay $0x1  }
0x99: {  	s19 =	simm.s32 $_scs_section_size  }
0x9a: {  	s4 =	simm.s32 $_size__tile_overlayer_lowered;
	s5 =	simm.s32 $_tile_overlayer_lowered  }
0x9b: {  	s22 =	simm.s32 $0x1BFF;
	s21 =	sshll.u32 s5, $0x1;
	s2 =	sadd.s32 s19, s18  }
0x9c: {  	s6 =	simm.s32 $0x0;
	s20 =	sshll.u32 s4, $0x1;
	s4 =	sadd.s32 s21, s2  }
0x9d: {  	[timem:s6], [sflag:s22] =	dma.local [hbm:s4], s20  }
0x9e: {  	_ =	swait.ge [sflag:s22], s20  }
0x9f: {  	s3 =	ssub.s32 $0x0, s20;
	[sflag:s22] =	ssyncset.done $0x0  }
0xa0: {  	[sflag:s22] =	ssyncadd.s32 s3;
	_ =	sdelay $0x1  }
0xa1: {  	s23 =	simm.s32 $0x1B8B  }
0xa2: {  	_ =	swait.ge [sflag:s23], $0x1  }
0xa3: {  	[sflag:s23] =	ssyncset.done $0x0  }
0xa4: {  	s25 =	simm.s32 $0x1B8E;
	s24 =	sld [smem:$0x3FFE];
	[sflag:s23] =	ssyncadd.s32 $0xFFFFFFFF  }
0xa5: {  	s26 =	simm.s32 $execute0_lowered;
	[smem:$0x3FD2] =	sst s25  }
0xa6: {  	s4 =	sshll.u32 s26, $0x1;
	_ =	strace $0x8000004C;
	[dreg:$0x1] =	wrdreg $0xFFFFFFFF  }
0xa7: {  	s28 =	simm.s32 $_size_execute0_lowered;
	s2 =	sadd.s32 s2, s4;
	[dreg:$0x0] =	wrdreg $0x0  }
0xa8: {  	s4 =	sshll.u32 s28, $0x1;
	[dreg:$0x2] =	wrdreg s2  }
0xa9: {  	[dreg:$0x3] =	wrdreg s4  }
0xaa: {  	[dreg:$0x4] =	wrdreg $0xC0  }
0xab: {  	_ =	task [dreg:s6], $0x5FFFF  }
0xac: {  	[dreg:$0x1] =	wrdreg $0xFFFFFFFF  }
0xad: {  	[dreg:$0x0] =	wrdreg $0x60  }
0xae: {  	[dreg:$0x2] =	wrdreg s24  }
0xaf: {  	[dreg:$0x3] =	wrdreg $0xAA000  }
0xb0: {  	[dreg:$0x4] =	wrdreg $0x9  }
0xb1: {  	_ =	task.clear_ibuf [dreg:s6], $0x5FFFF;
	_ =	strace $0x9000004C  }
0xb2: {  	s29 =	simm.s32 $0x9;
	_ =	strace $0x8000004E  }
0xb3: {  	_ =	swait.ge [sflag:s29], $0x1  }
0xb4: {  	[sflag:s29] =	ssyncadd.s32 $0xFFFFFFFF  }
0xb5: {  	_ =	strace $0x9000004E  }
0xb6: {  	_ =	sfence  }
0xb7: {  	s30 =	sld [smem:$0x0];
	_ =	sdelay $0x2  }
0xb8: {  	s31 =	sshll.u32 s1, $0xD;
	s1 =	sshrl.u32 s1, $0x2  }
0xb9: {  	s3 =	sand.u32 $0x4000, s31;
	s1 =	sadd.s32 s1, s30  }
0xba: {  	s0 =	sor.u32 s3, s0;
	s1 =	sshll.u32 s1, $0x11  }
0xbb: {  	s0 =	sor.u32 s1, s0  }
0xbc: {  	s0 =	sadd.s32 $0x8F2B, s0  }
0xbd: {  	[sflag:s0] =	ssyncadd.remote.s32 $0x1  }
0xbe: {  	_ =	sfence.sel $0xFFFF  }
0xbf: {  	[dreg:$0x0] =	wrdreg $0xFFFFFFFF;
	(pc) =	sbr.abs _section_cstart, $3  }
0xc0: {  	[dreg:$0x1] =	wrdreg $0xFFFFFFFF  }
0xc1: {  	_ =	task.clear_ibuf [dreg:s6], $0x2FFFF;
	_ =	strace $0x9FFFFFFF  }
0xc2: {  	(tm) =	ssettm $0x7FFFFFFF  }
0xc3: {  	_ =	shalt  }
tec
execute0_lowered:
.L_overlay_start_1:
0x0: {  	(tag) =	ssettag $0x1  }
0x1: {  	s1 =	srdreg.scid;
	s5 =	rddreg [dreg:$0x0]  }
0x2: {  	s0 =	stileid.u32;
	s2 =	rddreg [dreg:$0x1];
	s3 =	simm.s32 $0x0  }
0x3: {  	s13 =	simm.s32 $0x2800;
	s14 =	simm.s32 $0x2A00;
	s15 =	simm.s32 $0x2840  }
0x4: {  	s16 =	simm.s32 $0x4A00;
	s17 =	simm.s32 $0x2880;
	s18 =	simm.s32 $0x6A00  }
0x5: {  	s19 =	simm.s32 $0x28C0;
	s20 =	simm.s32 $0x8A00;
	s21 =	simm.s32 $0x1  }
0x6: {  	s22 =	simm.s32 $0x80;
	s23 =	simm.s32 $0x2900;
	s24 =	simm.s32 $0x2  }
0x7: {  	s25 =	simm.s32 $0x2980;
	s26 =	simm.s32 $0x0;
	s6 =	sand.u32 $0x1, s1  }
0x8: {  	s28 =	sshll.u32 s0, $0x1;
	s1 =	rddreg [dreg:$0x2];
	s8 =	smul.u32 $0x13C00, s0  }
0x9: {  	[smem:$0x7FF] =	sst s3;
	s29 =	smul.u32 $0x4F000, s0;
	s31 =	sshll.u32 s0, $0x6  }
0xa: {  	s4 =	sor.u32 s6, s28;
	_ =	strace $0x8000004D;
	s9 =	smul.u32 $0x13C000, s6  }
0xb: {  	s6 =	ssub.s32 $0x2, s6;
	s7 =	smul.u32 $0x500, s4;
	s4 =	sadd.s32 $0x2E00, s5  }
0xc: {  	s10 =	sshrl.u32 s8, $0x3;
	s11 =	sshrl.u32 s6, $0x1;
	s30 =	sshrl.u32 s29, $0x2  }
0xd: {  	s8 =	sadd.s32 s8, s9;
	s10 =	sadd.s32 s10, s5;
	s11 =	ssub.s32 s6, s11  }
0xe: {  	s12 =	sadd.s32 s30, s2;
	s9 =	simm.s32 $0x3;
	s8 =	sshrl.u32 s8, $0x3  }
0xf: {  	s7 =	sadd.s32 s7, s5;
	s6 =	sadd.s32 $0x171000, s10;
	s8 =	sadd.s32 s8, s5  }
0x10: {  	s10 =	sor.u32 $0x1C03, s31;
	s5 =	sadd.s32 $0x167000, s7;
	s7 =	sadd.s32 $0x198800, s8  }
0x11: {  	s8 =	smax.u32 s11, $0x1;
	s11 =	sshrl.u32 s12, $0x3;
	s12 =	simm.s32 $0x40  }
.LBB2_1:
0x12: {  	[tilespmem:s3], [sflag:$0x3] =	stream.linear.gather [hbm4b:s5+s3], $0x2800, $0x38;
	[tilespmem:$0x1E600] =	vst v63  }
0x13: {  	_ =	swait.ge [sflag:s9], $0x2800  }
0x14: {  	[sflag:s9] =	ssyncset.done $0x0  }
0x15: {  	[sflag:s9] =	ssyncadd.s32 $0xFFFFD800  }
0x16: {  	[spmem:s11], [sflag:s10] =	dma.local [hbm:s6], $0x2780  }
0x17: {  	_ =	swait.ge [sflag:s9], $0x2780  }
0x18: {  	[sflag:s9] =	ssyncset.done $0x0  }
0x19: {  	[sflag:s9] =	ssyncadd.s32 $0xFFFFD880  }
0x1a: {  	[bflag:$0x0] =	sbarrier.arrive $0xFFFF  }
0x1b: {  	v0 =	vld [tilespmem:$0x0];
	_ =	sdelay $0x1  }
0x1c: {  	v1 =	vld [tilespmem:$0x10];
	_ =	sdelay $0x1  }
0x1d: {  	v2 =	vld [tilespmem:$0x20]  }
0x1e: {  	v3 =	vshrl.u32 v0, $0xE  }
0x1f: {  	v0 =	vand.u32 $0x3FFF, v0;
	[tilespmem:$0x2800] =	vst v3;
	v3 =	vld [tilespmem:$0x30]  }
0x20: {  	[tilespmem:$0x2900] =	vst v0;
	v0 =	vshrl.u32 v1, $0xE  }
0x21: {  	[tilespmem:$0x2810] =	vst v0;
	v0 =	vand.u32 $0x3FFF, v1;
	v1 =	vld [tilespmem:$0x40]  }
0x22: {  	[tilespmem:$0x2910] =	vst v0;
	v0 =	vshrl.u32 v2, $0xE  }
0x23: {  	[tilespmem:$0x2820] =	vst v0;
	v0 =	vand.u32 $0x3FFF, v2;
	v2 =	vld [tilespmem:$0x50]  }
0x24: {  	[tilespmem:$0x2920] =	vst v0;
	v0 =	vshrl.u32 v3, $0xE  }
0x25: {  	[tilespmem:$0x2830] =	vst v0;
	v0 =	vand.u32 $0x3FFF, v3;
	v3 =	vld [tilespmem:$0x60]  }
0x26: {  	[tilespmem:$0x2930] =	vst v0;
	v0 =	vshrl.u32 v1, $0xE  }
0x27: {  	[tilespmem:$0x2840] =	vst v0;
	v0 =	vand.u32 $0x3FFF, v1;
	v1 =	vld [tilespmem:$0x70]  }
0x28: {  	[tilespmem:$0x2940] =	vst v0;
	v0 =	vshrl.u32 v2, $0xE  }
0x29: {  	[tilespmem:$0x2850] =	vst v0;
	v0 =	vand.u32 $0x3FFF, v2  }
0x2a: {  	[tilespmem:$0x2950] =	vst v0;
	v0 =	vshrl.u32 v3, $0xE  }
0x2b: {  	[tilespmem:$0x2860] =	vst v0;
	v0 =	vand.u32 $0x3FFF, v3  }
0x2c: {  	[tilespmem:$0x2960] =	vst v0;
	v0 =	vshrl.u32 v1, $0xE  }
0x2d: {  	[tilespmem:$0x2870] =	vst v0;
	v0 =	vand.u32 $0x3FFF, v1  }
0x2e: {  	[tilespmem:$0x2970] =	vst v0  }
0x2f: {  	[tilespmem:s14], [sflag:$0x1] =	stream.indirect.gather [hbm4b:s4+s12], $0x80, s13, s12, $0xb8;
	[tilespmem:$0x1E600] =	vst v63  }
0x30: {  	_ = 	snop  }
0x31: {  	[tilespmem:s16], [sflag:$0x1] =	stream.indirect.gather [hbm4b:s4+s12], $0x80, s15, s12, $0xb8;
	[tilespmem:$0x1E600] =	vst v63  }
0x32: {  	v0 =	vld [tilespmem:$0x80];
	_ =	sdelay $0x1  }
0x33: {  	v1 =	vld [tilespmem:$0x90];
	_ =	sdelay $0x1  }
0x34: {  	v2 =	vld [tilespmem:$0xA0]  }
0x35: {  	v3 =	vshrl.u32 v0, $0xE  }
0x36: {  	v0 =	vand.u32 $0x3FFF, v0;
	[tilespmem:$0x2880] =	vst v3;
	v3 =	vld [tilespmem:$0xB0]  }
0x37: {  	[tilespmem:$0x2980] =	vst v0;
	v0 =	vshrl.u32 v1, $0xE  }
0x38: {  	[tilespmem:$0x2890] =	vst v0;
	v0 =	vand.u32 $0x3FFF, v1;
	v1 =	vld [tilespmem:$0xC0]  }
0x39: {  	[tilespmem:$0x2990] =	vst v0;
	v0 =	vshrl.u32 v2, $0xE  }
0x3a: {  	[tilespmem:$0x28A0] =	vst v0;
	v0 =	vand.u32 $0x3FFF, v2;
	v2 =	vld [tilespmem:$0xD0]  }
0x3b: {  	[tilespmem:$0x29A0] =	vst v0;
	v0 =	vshrl.u32 v3, $0xE  }
0x3c: {  	[tilespmem:$0x28B0] =	vst v0;
	v0 =	vand.u32 $0x3FFF, v3;
	v3 =	vld [tilespmem:$0xE0]  }
0x3d: {  	[tilespmem:$0x29B0] =	vst v0;
	v0 =	vshrl.u32 v1, $0xE  }
0x3e: {  	[tilespmem:$0x28C0] =	vst v0;
	v0 =	vand.u32 $0x3FFF, v1;
	v1 =	vld [tilespmem:$0xF0]  }
0x3f: {  	[tilespmem:$0x29C0] =	vst v0;
	v0 =	vshrl.u32 v2, $0xE  }
0x40: {  	[tilespmem:$0x28D0] =	vst v0;
	v0 =	vand.u32 $0x3FFF, v2  }
0x41: {  	[tilespmem:$0x29D0] =	vst v0;
	v0 =	vshrl.u32 v3, $0xE  }
0x42: {  	[tilespmem:$0x28E0] =	vst v0;
	v0 =	vand.u32 $0x3FFF, v3  }
0x43: {  	[tilespmem:$0x29E0] =	vst v0;
	v0 =	vshrl.u32 v1, $0xE  }
0x44: {  	[tilespmem:$0x28F0] =	vst v0;
	v0 =	vand.u32 $0x3FFF, v1  }
0x45: {  	[tilespmem:$0x29F0] =	vst v0  }
0x46: {  	[tilespmem:s18], [sflag:$0x2] =	stream.indirect.gather [hbm4b:s4+s12], $0x80, s17, s12, $0xb8;
	[tilespmem:$0x1E600] =	vst v63  }
0x47: {  	_ = 	snop  }
0x48: {  	[tilespmem:s20], [sflag:$0x2] =	stream.indirect.gather [hbm4b:s4+s12], $0x80, s19, s12, $0xb8;
	[tilespmem:$0x1E600] =	vst v63  }
0x49: {  	_ =	swait.ge [sflag:s21], $0x2000  }
0x4a: {  	[sflag:s21] =	ssyncset.done $0x0  }
0x4b: {  	[sflag:s21] =	ssyncadd.s32 $0xFFFFE000  }
0x4c: {  	_ =	swait.ge [sflag:s21], $0x2000  }
0x4d: {  	[sflag:s21] =	ssyncset.done $0x0  }
0x4e: {  	[sflag:s21] =	ssyncadd.s32 $0xFFFFE000  }
0x4f: {  	[spmem:s2] =	stream.indirect.scatter.add.f32 [tilespmem:s14], [sflag:$0x3], $0x80, s23, s22, $0xb8;
	[tilespmem:$0x1E600] =	vst v63  }
0x50: {  	_ =	swait.ge [sflag:s9], $0x4000  }
0x51: {  	[sflag:s9] =	ssyncset.done $0x0  }
0x52: {  	s28 =	simm.s32 $0x1F0;
	[sflag:s9] =	ssyncadd.s32 $0xFFFFC000  }
0x53: {  	v0 =	vld [tilespmem:s28+$0xFFFFFF10];
	_ =	sdelay $0x4  }
0x54: {  	v1 =	vshrl.u32 v0, $0xE  }
0x55: {  	v0 =	vand.u32 $0x3FFF, v0;
	[tilespmem:$0x2800] =	vst v1  }
0x56: {  	[tilespmem:$0x2900] =	vst v0  }
0x57: {  	v0 =	vld [tilespmem:s28+$0xFFFFFF20];
	_ =	sdelay $0x4  }
0x58: {  	v1 =	vshrl.u32 v0, $0xE  }
0x59: {  	v0 =	vand.u32 $0x3FFF, v0;
	[tilespmem:$0x2810] =	vst v1  }
0x5a: {  	[tilespmem:$0x2910] =	vst v0  }
0x5b: {  	v0 =	vld [tilespmem:s28+$0xFFFFFF30];
	_ =	sdelay $0x4  }
0x5c: {  	v1 =	vshrl.u32 v0, $0xE  }
0x5d: {  	v0 =	vand.u32 $0x3FFF, v0;
	[tilespmem:$0x2820] =	vst v1  }
0x5e: {  	[tilespmem:$0x2920] =	vst v0  }
0x5f: {  	v0 =	vld [tilespmem:s28+$0xFFFFFF40];
	_ =	sdelay $0x4  }
0x60: {  	v1 =	vshrl.u32 v0, $0xE  }
0x61: {  	v0 =	vand.u32 $0x3FFF, v0;
	[tilespmem:$0x2830] =	vst v1  }
0x62: {  	[tilespmem:$0x2930] =	vst v0  }
0x63: {  	v0 =	vld [tilespmem:s28+$0xFFFFFF50];
	_ =	sdelay $0x4  }
0x64: {  	v1 =	vshrl.u32 v0, $0xE  }
0x65: {  	v0 =	vand.u32 $0x3FFF, v0;
	[tilespmem:$0x2840] =	vst v1  }
0x66: {  	[tilespmem:$0x2940] =	vst v0  }
0x67: {  	v0 =	vld [tilespmem:s28+$0xFFFFFF60];
	_ =	sdelay $0x4  }
0x68: {  	v1 =	vshrl.u32 v0, $0xE  }
0x69: {  	v0 =	vand.u32 $0x3FFF, v0;
	[tilespmem:$0x2850] =	vst v1  }
0x6a: {  	[tilespmem:$0x2950] =	vst v0  }
0x6b: {  	v0 =	vld [tilespmem:s28+$0xFFFFFF70];
	_ =	sdelay $0x4  }
0x6c: {  	v1 =	vshrl.u32 v0, $0xE  }
0x6d: {  	v0 =	vand.u32 $0x3FFF, v0;
	[tilespmem:$0x2860] =	vst v1  }
0x6e: {  	[tilespmem:$0x2960] =	vst v0  }
0x6f: {  	v0 =	vld [tilespmem:s28+$0xFFFFFF80];
	_ =	sdelay $0x4  }
0x70: {  	v1 =	vshrl.u32 v0, $0xE  }
0x71: {  	v0 =	vand.u32 $0x3FFF, v0;
	[tilespmem:$0x2870] =	vst v1  }
0x72: {  	[tilespmem:$0x2970] =	vst v0  }
0x73: {  	[tilespmem:s14], [sflag:$0x1] =	stream.indirect.gather [hbm4b:s4+s12], $0x80, s13, s12, $0xb8;
	[tilespmem:$0x1E600] =	vst v63  }
0x74: {  	_ = 	snop  }
0x75: {  	[tilespmem:s16], [sflag:$0x1] =	stream.indirect.gather [hbm4b:s4+s12], $0x80, s15, s12, $0xb8;
	[tilespmem:$0x1E600] =	vst v63  }
0x76: {  	_ =	swait.ge [sflag:s24], $0x2000  }
0x77: {  	[sflag:s24] =	ssyncset.done $0x0  }
0x78: {  	[sflag:s24] =	ssyncadd.s32 $0xFFFFE000  }
0x79: {  	_ =	swait.ge [sflag:s24], $0x2000  }
0x7a: {  	[sflag:s24] =	ssyncset.done $0x0  }
0x7b: {  	[sflag:s24] =	ssyncadd.s32 $0xFFFFE000  }
0x7c: {  	[spmem:s2] =	stream.indirect.scatter.add.f32 [tilespmem:s18], [sflag:$0x3], $0x80, s25, s22, $0xb8;
	[tilespmem:$0x1E600] =	vst v63  }
0x7d: {  	_ =	swait.ge [sflag:s9], $0x4000  }
0x7e: {  	[sflag:s9] =	ssyncset.done $0x0  }
0x7f: {  	[sflag:s9] =	ssyncadd.s32 $0xFFFFC000  }
0x80: {  	v0 =	vld [tilespmem:s28+$0xFFFFFF90];
	_ =	sdelay $0x4  }
0x81: {  	v1 =	vshrl.u32 v0, $0xE  }
0x82: {  	v0 =	vand.u32 $0x3FFF, v0;
	[tilespmem:$0x2880] =	vst v1  }
0x83: {  	[tilespmem:$0x2980] =	vst v0  }
0x84: {  	v0 =	vld [tilespmem:s28+$0xFFFFFFA0];
	_ =	sdelay $0x4  }
0x85: {  	v1 =	vshrl.u32 v0, $0xE  }
0x86: {  	v0 =	vand.u32 $0x3FFF, v0;
	[tilespmem:$0x2890] =	vst v1  }
0x87: {  	[tilespmem:$0x2990] =	vst v0  }
0x88: {  	v0 =	vld [tilespmem:s28+$0xFFFFFFB0];
	_ =	sdelay $0x4  }
0x89: {  	v1 =	vshrl.u32 v0, $0xE  }
0x8a: {  	v0 =	vand.u32 $0x3FFF, v0;
	[tilespmem:$0x28A0] =	vst v1  }
0x8b: {  	[tilespmem:$0x29A0] =	vst v0  }
0x8c: {  	v0 =	vld [tilespmem:s28+$0xFFFFFFC0];
	_ =	sdelay $0x4  }
0x8d: {  	v1 =	vshrl.u32 v0, $0xE  }
0x8e: {  	v0 =	vand.u32 $0x3FFF, v0;
	[tilespmem:$0x28B0] =	vst v1  }
0x8f: {  	[tilespmem:$0x29B0] =	vst v0  }
0x90: {  	v0 =	vld [tilespmem:s28+$0xFFFFFFD0];
	_ =	sdelay $0x4  }
0x91: {  	v1 =	vshrl.u32 v0, $0xE  }
0x92: {  	v0 =	vand.u32 $0x3FFF, v0;
	[tilespmem:$0x28C0] =	vst v1  }
0x93: {  	[tilespmem:$0x29C0] =	vst v0  }
0x94: {  	v0 =	vld [tilespmem:s28+$0xFFFFFFE0];
	_ =	sdelay $0x4  }
0x95: {  	v1 =	vshrl.u32 v0, $0xE  }
0x96: {  	v0 =	vand.u32 $0x3FFF, v0;
	[tilespmem:$0x28D0] =	vst v1  }
0x97: {  	[tilespmem:$0x29D0] =	vst v0  }
0x98: {  	s29 =	simm.s32 $0xBC0;
	v0 =	vld [tilespmem:s28+$0xFFFFFFF0]  }
.LBB2_2:
0x99: {  	_ = 	snop  }
0x9a: {  	p0 =	sne.s32 s29, $0x9FC0;
	s30 =	smov.u32 s29;
	s29 =	sadd.s32 $0x400, s29  }
0x9b: {  	_ =	sdelay $0x1  }
0x9c: {  	v1 =	vshrl.u32 v0, $0xE;
	v0 =	vand.u32 $0x3FFF, v0  }
0x9d: {  	[tilespmem:$0x28E0] =	vst v1  }
0x9e: {  	[tilespmem:$0x29E0] =	vst v0  }
0x9f: {  	v0 =	vld [tilespmem:s28+$0x0];
	_ =	sdelay $0x4  }
0xa0: {  	v1 =	vshrl.u32 v0, $0xE;
	v0 =	vand.u32 $0x3FFF, v0  }
0xa1: {  	[tilespmem:$0x28F0] =	vst v1  }
0xa2: {  	[tilespmem:$0x29F0] =	vst v0  }
0xa3: {  	[tilespmem:s18], [sflag:$0x2] =	stream.indirect.gather [hbm4b:s4+s12], $0x80, s17, s12, $0xb8;
	[tilespmem:$0x1E600] =	vst v63  }
0xa4: {  	_ = 	snop  }
0xa5: {  	[tilespmem:s20], [sflag:$0x2] =	stream.indirect.gather [hbm4b:s4+s12], $0x80, s19, s12, $0xb8;
	[tilespmem:$0x1E600] =	vst v63  }
0xa6: {  	_ =	swait.ge [sflag:s21], $0x2000  }
0xa7: {  	[sflag:s21] =	ssyncset.done $0x0  }
0xa8: {  	[sflag:s21] =	ssyncadd.s32 $0xFFFFE000  }
0xa9: {  	_ =	swait.ge [sflag:s21], $0x2000  }
0xaa: {  	[sflag:s21] =	ssyncset.done $0x0  }
0xab: {  	[sflag:s21] =	ssyncadd.s32 $0xFFFFE000  }
0xac: {  	[spmem:s2] =	stream.indirect.scatter.add.f32 [tilespmem:s14], [sflag:$0x3], $0x80, s23, s22, $0xb8;
	[tilespmem:$0x1E600] =	vst v63  }
0xad: {  	_ =	swait.ge [sflag:s9], $0x4000  }
0xae: {  	[sflag:s9] =	ssyncset.done $0x0  }
0xaf: {  	s28 =	sshra.s32 s30, $0x2;
	[sflag:s9] =	ssyncadd.s32 $0xFFFFC000  }
0xb0: {  	v0 =	vld [tilespmem:s28+$0xFFFFFF10];
	_ =	sdelay $0x4  }
0xb1: {  	v1 =	vshrl.u32 v0, $0xE;
	v0 =	vand.u32 $0x3FFF, v0  }
0xb2: {  	[tilespmem:$0x2800] =	vst v1  }
0xb3: {  	[tilespmem:$0x2900] =	vst v0  }
0xb4: {  	v0 =	vld [tilespmem:s28+$0xFFFFFF20];
	_ =	sdelay $0x4  }
0xb5: {  	v1 =	vshrl.u32 v0, $0xE;
	v0 =	vand.u32 $0x3FFF, v0  }
0xb6: {  	[tilespmem:$0x2810] =	vst v1  }
0xb7: {  	[tilespmem:$0x2910] =	vst v0  }
0xb8: {  	v0 =	vld [tilespmem:s28+$0xFFFFFF30];
	_ =	sdelay $0x4  }
0xb9: {  	v1 =	vshrl.u32 v0, $0xE;
	v0 =	vand.u32 $0x3FFF, v0  }
0xba: {  	[tilespmem:$0x2820] =	vst v1  }
0xbb: {  	[tilespmem:$0x2920] =	vst v0  }
0xbc: {  	v0 =	vld [tilespmem:s28+$0xFFFFFF40];
	_ =	sdelay $0x4  }
0xbd: {  	v1 =	vshrl.u32 v0, $0xE;
	v0 =	vand.u32 $0x3FFF, v0  }
0xbe: {  	[tilespmem:$0x2830] =	vst v1  }
0xbf: {  	[tilespmem:$0x2930] =	vst v0  }
0xc0: {  	v0 =	vld [tilespmem:s28+$0xFFFFFF50];
	_ =	sdelay $0x4  }
0xc1: {  	v1 =	vshrl.u32 v0, $0xE;
	v0 =	vand.u32 $0x3FFF, v0  }
0xc2: {  	[tilespmem:$0x2840] =	vst v1  }
0xc3: {  	[tilespmem:$0x2940] =	vst v0  }
0xc4: {  	v0 =	vld [tilespmem:s28+$0xFFFFFF60];
	_ =	sdelay $0x4  }
0xc5: {  	v1 =	vshrl.u32 v0, $0xE;
	v0 =	vand.u32 $0x3FFF, v0  }
0xc6: {  	[tilespmem:$0x2850] =	vst v1  }
0xc7: {  	[tilespmem:$0x2950] =	vst v0  }
0xc8: {  	v0 =	vld [tilespmem:s28+$0xFFFFFF70];
	_ =	sdelay $0x4  }
0xc9: {  	v1 =	vshrl.u32 v0, $0xE;
	v0 =	vand.u32 $0x3FFF, v0  }
0xca: {  	[tilespmem:$0x2860] =	vst v1  }
0xcb: {  	[tilespmem:$0x2960] =	vst v0  }
0xcc: {  	v0 =	vld [tilespmem:s28+$0xFFFFFF80];
	_ =	sdelay $0x4  }
0xcd: {  	v1 =	vshrl.u32 v0, $0xE;
	v0 =	vand.u32 $0x3FFF, v0  }
0xce: {  	[tilespmem:$0x2870] =	vst v1  }
0xcf: {  	[tilespmem:$0x2970] =	vst v0  }
0xd0: {  	[tilespmem:s14], [sflag:$0x1] =	stream.indirect.gather [hbm4b:s4+s12], $0x80, s13, s12, $0xb8;
	[tilespmem:$0x1E600] =	vst v63  }
0xd1: {  	_ = 	snop  }
0xd2: {  	[tilespmem:s16], [sflag:$0x1] =	stream.indirect.gather [hbm4b:s4+s12], $0x80, s15, s12, $0xb8;
	[tilespmem:$0x1E600] =	vst v63  }
0xd3: {  	_ =	swait.ge [sflag:s24], $0x2000  }
0xd4: {  	[sflag:s24] =	ssyncset.done $0x0  }
0xd5: {  	[sflag:s24] =	ssyncadd.s32 $0xFFFFE000  }
0xd6: {  	_ =	swait.ge [sflag:s24], $0x2000  }
0xd7: {  	[sflag:s24] =	ssyncset.done $0x0  }
0xd8: {  	[sflag:s24] =	ssyncadd.s32 $0xFFFFE000  }
0xd9: {  	[spmem:s2] =	stream.indirect.scatter.add.f32 [tilespmem:s18], [sflag:$0x3], $0x80, s25, s22, $0xb8;
	[tilespmem:$0x1E600] =	vst v63  }
0xda: {  	_ =	swait.ge [sflag:s9], $0x4000  }
0xdb: {  	[sflag:s9] =	ssyncset.done $0x0  }
0xdc: {  	[sflag:s9] =	ssyncadd.s32 $0xFFFFC000  }
0xdd: {  	v0 =	vld [tilespmem:s28+$0xFFFFFF90];
	_ =	sdelay $0x4  }
0xde: {  	v1 =	vshrl.u32 v0, $0xE;
	v0 =	vand.u32 $0x3FFF, v0  }
0xdf: {  	[tilespmem:$0x2880] =	vst v1  }
0xe0: {  	[tilespmem:$0x2980] =	vst v0  }
0xe1: {  	v0 =	vld [tilespmem:s28+$0xFFFFFFA0];
	_ =	sdelay $0x4  }
0xe2: {  	v1 =	vshrl.u32 v0, $0xE;
	v0 =	vand.u32 $0x3FFF, v0  }
0xe3: {  	[tilespmem:$0x2890] =	vst v1  }
0xe4: {  	[tilespmem:$0x2990] =	vst v0  }
0xe5: {  	v0 =	vld [tilespmem:s28+$0xFFFFFFB0];
	_ =	sdelay $0x4  }
0xe6: {  	v1 =	vshrl.u32 v0, $0xE;
	v0 =	vand.u32 $0x3FFF, v0  }
0xe7: {  	[tilespmem:$0x28A0] =	vst v1  }
0xe8: {  	[tilespmem:$0x29A0] =	vst v0  }
0xe9: {  	v0 =	vld [tilespmem:s28+$0xFFFFFFC0];
	_ =	sdelay $0x4  }
0xea: {  	v1 =	vshrl.u32 v0, $0xE;
	v0 =	vand.u32 $0x3FFF, v0  }
0xeb: {  	[tilespmem:$0x28B0] =	vst v1  }
0xec: {  	[tilespmem:$0x29B0] =	vst v0  }
0xed: {  	v0 =	vld [tilespmem:s28+$0xFFFFFFD0];
	_ =	sdelay $0x4  }
0xee: {  	v1 =	vshrl.u32 v0, $0xE;
	v0 =	vand.u32 $0x3FFF, v0  }
0xef: {  	[tilespmem:$0x28C0] =	vst v1  }
0xf0: {  	[tilespmem:$0x29C0] =	vst v0  }
0xf1: {  	v0 =	vld [tilespmem:s28+$0xFFFFFFE0];
	_ =	sdelay $0x3  }
.Ltmp0:
0xf2: {  	(pc) =	sbr.rel @p0 .LBB2_2-.Ltmp0, $4  }
0xf3: {  	v1 =	vshrl.u32 v0, $0xE;
	v0 =	vand.u32 $0x3FFF, v0  }
0xf4: {  	[tilespmem:$0x28D0] =	vst v1  }
0xf5: {  	[tilespmem:$0x29D0] =	vst v0  }
0xf6: {  	v0 =	vld [tilespmem:s28+$0xFFFFFFF0]  }
0xf7: {  	_ =	sdelay $0x3  }
0xf8: {  	v1 =	vshrl.u32 v0, $0xE  }
0xf9: {  	v62 =	vand.u32 $0x3FFF, v0;
	[tilespmem:$0x28E0] =	vst v1  }
0xfa: {  	[tilespmem:$0x29E0] =	vst v62  }
0xfb: {  	v0 =	vld [tilespmem:s28+$0x0];
	_ =	sdelay $0x4  }
0xfc: {  	v63 =	vshrl.u32 v0, $0xE  }
0xfd: {  	v0 =	vand.u32 $0x3FFF, v0;
	[tilespmem:$0x28F0] =	vst v63  }
0xfe: {  	[tilespmem:$0x29F0] =	vst v0  }
0xff: {  	[tilespmem:s18], [sflag:$0x2] =	stream.indirect.gather [hbm4b:s4+s12], $0x80, s17, s12, $0xb8;
	[tilespmem:$0x1E600] =	vst v63  }
0x100: {  	_ = 	snop  }
0x101: {  	[tilespmem:s20], [sflag:$0x2] =	stream.indirect.gather [hbm4b:s4+s12], $0x80, s19, s12, $0xb8;
	[tilespmem:$0x1E600] =	vst v63  }
0x102: {  	_ =	swait.ge [sflag:s21], $0x2000  }
0x103: {  	[sflag:s21] =	ssyncset.done $0x0  }
0x104: {  	[sflag:s21] =	ssyncadd.s32 $0xFFFFE000  }
0x105: {  	_ =	swait.ge [sflag:s21], $0x2000  }
0x106: {  	[sflag:s21] =	ssyncset.done $0x0  }
0x107: {  	[sflag:s21] =	ssyncadd.s32 $0xFFFFE000  }
0x108: {  	[spmem:s2] =	stream.indirect.scatter.add.f32 [tilespmem:s14], [sflag:$0x3], $0x80, s23, s22, $0xb8;
	[tilespmem:$0x1E600] =	vst v63  }
0x109: {  	_ =	swait.ge [sflag:s9], $0x4000  }
0x10a: {  	[sflag:s9] =	ssyncset.done $0x0  }
0x10b: {  	[sflag:s9] =	ssyncadd.s32 $0xFFFFC000  }
0x10c: {  	_ =	swait.ge [sflag:s24], $0x2000  }
0x10d: {  	[sflag:s24] =	ssyncset.done $0x0  }
0x10e: {  	[sflag:s24] =	ssyncadd.s32 $0xFFFFE000  }
0x10f: {  	_ =	swait.ge [sflag:s24], $0x2000  }
0x110: {  	[sflag:s24] =	ssyncset.done $0x0  }
0x111: {  	[sflag:s24] =	ssyncadd.s32 $0xFFFFE000  }
0x112: {  	[spmem:s2] =	stream.indirect.scatter.add.f32 [tilespmem:s18], [sflag:$0x3], $0x80, s25, s22, $0xb8;
	[tilespmem:$0x1E600] =	vst v63  }
0x113: {  	_ =	swait.ge [sflag:s9], $0x4000  }
0x114: {  	s26 =	sadd.s32 $0x1, s26;
	[sflag:s9] =	ssyncset.done $0x0  }
0x115: {  	p0 =	sne.s32 s26, s8;
	[sflag:s9] =	ssyncadd.s32 $0xFFFFC000  }
.Ltmp1:
0x116: {  	[bflag:$0x0] =	sbarrier.arrive $0xFFFF;
	(pc) =	sbr.rel @p0 .LBB2_1-.Ltmp1, $4  }
0x117: {  	[hbm:s7], [sflag:s10] =	dma.local [spmem:s11], $0x2780  }
0x118: {  	_ =	swait.ge [sflag:s9], $0x2780  }
0x119: {  	[sflag:s9] =	ssyncset.done $0x0  }
0x11a: {  	[sflag:s9] =	ssyncadd.s32 $0xFFFFD880  }
0x11b: {  	_ =	sfence.sel $0x180000  }
0x11c: {  	[bflag:$0x0] =	sbarrier.arrive $0xFFFF  }
0x11d: {  	p0 =	sne.s32 s0, $0x0;
	_ =	strace $0x9000004D  }
0x11e: {  	s0 =	sadd.s32 @!p0 $0x100000, s1;
	[bflag:$0x2] =	sbarrier.arrive $0xFFFF  }
0x11f: {  	[sflag:s0] =	ssyncadd.tile.s32 @!p0 $0x1;
	_ =	shalt  }
.Lfunc_end2:
_tile_overlayer_lowered:
.L_overlay_start_2:
0x120: {  	(tag) =	ssettag $0x2  }
0x121: {  	s0 =	rddreg [dreg:$0x0];
	s2 =	stileid.u32  }
0x122: {  	s1 =	rddreg [dreg:$0x1];
	p0 =	sne.s32 s2, $0x0  }
0x123: {  	s3 =	rddreg [dreg:$0x2];
	[bflag:$0x3] =	sbarrier.arrive $0xFFFF;
	s2 =	simm.s32 @!p0 $0x1C03  }
0x124: {  	[timem:s3], [sflag:s2] =	dma.local @!p0 [hbm:s0], s1  }
0x125: {  	s0 =	simm.s32 @!p0 $0x3  }
0x126: {  	_ =	swait.ge @!p0 [sflag:s0], s1  }
0x127: {  	s1 =	ssub.s32 @!p0 $0x0, s1;
	[sflag:s0] =	ssyncset.done @!p0 $0x0  }
0x128: {  	[sflag:s0] =	ssyncadd.s32 @!p0 s1  }
0x129: {  	[bflag:$0x3] =	sbarrier.arrive $0xFFFF  }
0x12a: {  	_ =	shalt  }

// kernel: kernel.20.cloned.1.call-start
scs
__scs_entry_jumppad:
0x0: {  	(pc) =	sbr.rel $0x88, $3  }
0x1: {  	(tag) =	ssettag $0x0;
	lr =	simm.s32 $0x1  }
0x2: {  	[smem:$0x3F96] =	sst lr;
	_ =	strace $0xD0000000  }
0x3: {  	_ = 	snop  }
0x4: {  	_ = 	snop  }
0x5: {  	_ = 	snop  }
0x6: {  	_ = 	snop  }
0x7: {  	_ = 	snop  }
__scs_overlays_trampoline_lowered:
0x8: {  	[smem:$0x3FA5] =	sst s0  }
0x9: {  	[smem:$0x3FA6] =	sst s1  }
0xa: {  	[smem:$0x3FA7] =	sst s2  }
0xb: {  	[smem:$0x3FA8] =	sst s3  }
0xc: {  	[smem:$0x3FA9] =	sst s4  }
0xd: {  	[smem:$0x3FAA] =	sst s5  }
0xe: {  	[smem:$0x3FAB] =	sst s6  }
0xf: {  	[smem:$0x3FAC] =	sst s7  }
0x10: {  	[smem:$0x3FAD] =	sst s8  }
0x11: {  	[smem:$0x3FAE] =	sst s9;
	s0 =	simm.s32 @!p0 $0x0  }
0x12: {  	s1 =	sld [smem:$0x3F94];
	s0 =	simm.s32 @p0 $0x1  }
0x13: {  	[smem:$0x3FAF] =	sst s0;
	s0 =	simm.s32 @!p1 $0x0  }
0x14: {  	s2 =	sld [smem:$0x3F93];
	s0 =	simm.s32 @p1 $0x1  }
0x15: {  	[smem:$0x3FB0] =	sst s0;
	s0 =	simm.s32 @!p2 $0x0  }
0x16: {  	s3 =	sld [smem:$0x3FDB];
	s0 =	simm.s32 @p2 $0x1  }
0x17: {  	s4 =	simm.s32 $0x1BF5;
	[smem:$0x3FB2] =	sst s0  }
0x18: {  	s0 =	sld [smem:$0x3F95];
	_ =	swait.ge [sflag:s4], $0x0  }
0x19: {  	s7 =	sld [smem:$0x3F96]  }
0x1a: {  	s8 =	sadd.s32 $0xFFFFE003, lr  }
0x1b: {  	s9 =	sadd.s32 $0xFFFFFEF7, lr;
	s5 =	simm.s32 $0xFFFFFFFF;
	p2 =	slt.u32 s8, $0xFFFFF086  }
0x1c: {  	p1 =	slt.u32 s9, $0xF7A;
	s5 =	simm.s32 @!p2 $0x0  }
0x1d: {  	s5 =	simm.s32 @p1 $0x1;
	p0 =	seq.s32 s7, s2  }
0x1e: {  	s7 =	smul.u32 @!p0 $0xF7A, s2;
	p2 =	seq.s32 @!p0 s5, $0x0  }
0x1f: {  	s9 =	smul.u32 $0xF7A, s1;
	s8 =	simm.s32 @!p0 $0x1BF5;
	p2 =	por !p2, p0  }
0x20: {  	[sflag:s8] =	ssyncset.s32 @!p0 $0xFFFFF086;
	s6 =	sadd.s32 @!p0 s3, s7;
	s7 =	simm.s32 @!p0 $0x108  }
0x21: {  	s3 =	sadd.s32 s3, s9;
	s6 =	sadd.s32 @!p0 $0x88, s6;
	s7 =	simm.s32 @p2 $0x1082  }
0x22: {  	[simem:s7], [sflag:s8] =	dma.local @!p0 [hbm:s6], $0xF7A  }
0x23: {  	s9 =	sor.u32 $0xD0000000, s2;
	s6 =	simm.s32 $0x108;
	_ =	swait.ge @!p0 [sflag:s8], $0x0  }
0x24: {  	s3 =	sadd.s32 $0x88, s3;
	s6 =	simm.s32 @!p1 $0x1082;
	[sflag:s4] =	ssyncset.s32 $0xFFFFF086  }
0x25: {  	[simem:s6], [sflag:s4] =	dma.local [hbm:s3], $0xF7A  }
0x26: {  	[smem:$0x3F96] =	sst s1;
	(tag) =	ssettag s2;
	_ =	strace s9  }
0x27: {  	s1 =	sld [smem:$0x3FA6]  }
0x28: {  	s2 =	sld [smem:$0x3FA7]  }
0x29: {  	s4 =	sld [smem:$0x3FA9]  }
0x2a: {  	p0 =	seq.s32 s5, $0x0;
	s5 =	sld [smem:$0x3FAA]  }
0x2b: {  	s6 =	sld [smem:$0x3FAB]  }
0x2c: {  	s7 =	sld [smem:$0x3FAC]  }
0x2d: {  	s3 =	simm.s32 $0x108;
	s8 =	sld [smem:$0x3FAD]  }
0x2e: {  	s3 =	simm.s32 @!p0 $0x1082;
	s9 =	sld [smem:$0x3FAE]  }
0x2f: {  	lr =	sadd.s32 s0, s3;
	s0 =	sld [smem:$0x3FA5]  }
0x30: {  	s3 =	sld [smem:$0x3FA8]  }
0x31: {  	[smem:$0x3FB1] =	sst s10  }
0x32: {  	s10 =	sld [smem:$0x3FAF];
	_ =	sdelay $0x3  }
0x33: {  	p0 =	seq.s32 s10, $0x1;
	s10 =	sld [smem:$0x3FB1];
	_ =	sdelay $0x3  }
0x34: {  	[smem:$0x3FB1] =	sst s10  }
0x35: {  	s10 =	sld [smem:$0x3FB0];
	_ =	sdelay $0x3  }
0x36: {  	p1 =	seq.s32 s10, $0x1;
	s10 =	sld [smem:$0x3FB1];
	_ =	sdelay $0x3  }
0x37: {  	[smem:$0x3FB1] =	sst s10  }
0x38: {  	s10 =	sld [smem:$0x3FB2]  }
0x39: {  	_ = 	snop;
	(pc) =	sbr.ind lr, $3  }
0x3a: {  	_ = 	snop  }
0x3b: {  	_ = 	snop  }
0x3c: {  	p2 =	seq.s32 s10, $0x1;
	s10 =	sld [smem:$0x3FB1]  }
0x3d: {  	_ =	shalt  }
0x3e: {  	_ =	shalt  }
0x3f: {  	_ =	shalt  }
0x40: {  	_ =	shalt  }
0x41: {  	_ =	shalt  }
0x42: {  	_ =	shalt  }
0x43: {  	_ =	shalt  }
0x44: {  	_ =	shalt  }
0x45: {  	_ =	shalt  }
0x46: {  	_ =	shalt  }
0x47: {  	_ =	shalt  }
0x48: {  	_ =	shalt  }
0x49: {  	_ =	shalt  }
0x4a: {  	_ =	shalt  }
0x4b: {  	_ =	shalt  }
0x4c: {  	_ =	shalt  }
0x4d: {  	_ =	shalt  }
0x4e: {  	_ =	shalt  }
0x4f: {  	_ =	shalt  }
0x50: {  	_ =	shalt  }
0x51: {  	_ =	shalt  }
0x52: {  	_ =	shalt  }
0x53: {  	_ =	shalt  }
0x54: {  	_ =	shalt  }
0x55: {  	_ =	shalt  }
0x56: {  	_ =	shalt  }
0x57: {  	_ =	shalt  }
0x58: {  	_ =	shalt  }
0x59: {  	_ =	shalt  }
0x5a: {  	_ =	shalt  }
0x5b: {  	_ =	shalt  }
0x5c: {  	_ =	shalt  }
0x5d: {  	_ =	shalt  }
0x5e: {  	_ =	shalt  }
0x5f: {  	_ =	shalt  }
0x60: {  	_ =	shalt  }
0x61: {  	_ =	shalt  }
0x62: {  	_ =	shalt  }
0x63: {  	_ =	shalt  }
0x64: {  	_ =	shalt  }
0x65: {  	_ =	shalt  }
0x66: {  	_ =	shalt  }
0x67: {  	_ =	shalt  }
0x68: {  	_ =	shalt  }
0x69: {  	_ =	shalt  }
0x6a: {  	_ =	shalt  }
0x6b: {  	_ =	shalt  }
0x6c: {  	_ =	shalt  }
0x6d: {  	_ =	shalt  }
0x6e: {  	_ =	shalt  }
0x6f: {  	_ =	shalt  }
0x70: {  	_ =	shalt  }
0x71: {  	_ =	shalt  }
0x72: {  	_ =	shalt  }
0x73: {  	_ =	shalt  }
0x74: {  	_ =	shalt  }
0x75: {  	_ =	shalt  }
0x76: {  	_ =	shalt  }
0x77: {  	_ =	shalt  }
0x78: {  	_ =	shalt  }
0x79: {  	_ =	shalt  }
0x7a: {  	_ =	shalt  }
0x7b: {  	_ =	shalt  }
0x7c: {  	_ =	shalt  }
0x7d: {  	_ =	shalt  }
0x7e: {  	_ =	shalt  }
0x7f: {  	_ =	shalt  }
0x80: {  	_ =	shalt  }
0x81: {  	_ =	shalt  }
0x82: {  	_ =	shalt  }
0x83: {  	_ =	shalt  }
0x84: {  	_ =	shalt  }
0x85: {  	_ =	shalt  }
0x86: {  	_ =	shalt  }
0x87: {  	_ =	shalt  }
.Lfunc_end0:
.L_simem_size_0:
called_computation.3_lowered:
.L_overlay_start_0:
0x88: {  	s2 =	sld [smem:$0x3FD9]  }
0x89: {  	s3 =	sld [smem:$0x3FFE];
	_ =	sdelay $0x1  }
0x8a: {  	s1 =	srdreg.scid  }
0x8b: {  	s0 =	sand.u32 $0x1, s1  }
0x8c: {  	s17 =	sshll.u32 s0, $0xA;
	s2 =	sadd.s32 s3, s2  }
0x8d: {  	s2 =	sadd.s32 s2, s17  }
0x8e: {  	[smem:$0x3FBD] =	sst s2  }
0x8f: {  	_ = 	snop  }
0x90: {  	s2 =	sld [smem:$0x3FD0];
	(tm) =	ssettm $0x1  }
0x91: {  	s18 =	sld [smem:$0x3FFB];
	_ =	sdelay $0x3  }
0x92: {  	_ =	strace s18  }
0x93: {  	s3 =	sld [smem:$0x3FFC];
	_ =	sdelay $0x3  }
0x94: {  	_ =	strace s3  }
0x95: {  	s3 =	sld [smem:$0x3FFD];
	_ =	sdelay $0x3  }
0x96: {  	_ =	strace s3  }
0x97: {  	_ =	strace $0x8FFFFFFF  }
0x98: {  	s19 =	sld [smem:$0x3FDB];
	_ =	sdelay $0x1  }
0x99: {  	s4 =	simm.s32 $_scs_section_size  }
0x9a: {  	s5 =	simm.s32 $_size__tile_overlayer_lowered;
	s6 =	simm.s32 $_tile_overlayer_lowered  }
0x9b: {  	s22 =	simm.s32 $0x1BFF;
	s21 =	sshll.u32 s6, $0x1;
	s3 =	sadd.s32 s4, s19  }
0x9c: {  	s7 =	simm.s32 $0x0;
	s20 =	sshll.u32 s5, $0x1;
	s5 =	sadd.s32 s21, s3  }
0x9d: {  	[timem:s7], [sflag:s22] =	dma.local [hbm:s5], s20  }
0x9e: {  	_ =	swait.ge [sflag:s22], s20  }
0x9f: {  	s4 =	ssub.s32 $0x0, s20;
	[sflag:s22] =	ssyncset.done $0x0  }
0xa0: {  	[sflag:s22] =	ssyncadd.s32 s4;
	_ =	sdelay $0x1  }
0xa1: {  	s23 =	simm.s32 $0x1B8B  }
0xa2: {  	_ =	swait.ge [sflag:s23], $0x1  }
0xa3: {  	[sflag:s23] =	ssyncset.done $0x0  }
0xa4: {  	s25 =	simm.s32 $0x1B8E;
	s24 =	sld [smem:$0x3FFE];
	[sflag:s23] =	ssyncadd.s32 $0xFFFFFFFF  }
0xa5: {  	s26 =	simm.s32 $execute0_lowered;
	[smem:$0x3FD2] =	sst s25  }
0xa6: {  	s5 =	sshll.u32 s26, $0x1;
	_ =	strace $0x8000004F;
	[dreg:$0x1] =	wrdreg $0xFFFFFFFF  }
0xa7: {  	s28 =	simm.s32 $_size_execute0_lowered;
	s3 =	sadd.s32 s3, s5;
	[dreg:$0x0] =	wrdreg $0x0  }
0xa8: {  	s5 =	sshll.u32 s28, $0x1;
	[dreg:$0x2] =	wrdreg s3  }
0xa9: {  	[dreg:$0x3] =	wrdreg s5  }
0xaa: {  	[dreg:$0x4] =	wrdreg $0xC0  }
0xab: {  	_ =	task [dreg:s7], $0x5FFFF  }
0xac: {  	[dreg:$0x1] =	wrdreg $0xFFFFFFFF  }
0xad: {  	[dreg:$0x0] =	wrdreg $0x60  }
0xae: {  	[dreg:$0x2] =	wrdreg s24  }
0xaf: {  	[dreg:$0x3] =	wrdreg s2  }
0xb0: {  	[dreg:$0x4] =	wrdreg $0x9  }
0xb1: {  	_ =	task.clear_ibuf [dreg:s7], $0x5FFFF;
	_ =	strace $0x9000004F  }
0xb2: {  	s29 =	simm.s32 $0x9;
	_ =	strace $0x80000051  }
0xb3: {  	_ =	swait.ge [sflag:s29], $0x1  }
0xb4: {  	[sflag:s29] =	ssyncadd.s32 $0xFFFFFFFF  }
0xb5: {  	_ =	strace $0x90000051  }
0xb6: {  	_ =	sfence  }
0xb7: {  	s30 =	sld [smem:$0x0];
	_ =	sdelay $0x2  }
0xb8: {  	s31 =	sshll.u32 s1, $0xD;
	s1 =	sshrl.u32 s1, $0x2  }
0xb9: {  	s3 =	sand.u32 $0x4000, s31;
	s1 =	sadd.s32 s1, s30  }
0xba: {  	s0 =	sor.u32 s3, s0;
	s1 =	sshll.u32 s1, $0x11  }
0xbb: {  	s0 =	sor.u32 s1, s0  }
0xbc: {  	s0 =	sadd.s32 $0x8F2B, s0  }
0xbd: {  	[sflag:s0] =	ssyncadd.remote.s32 $0x1  }
0xbe: {  	_ =	sfence.sel $0xFFFF  }
0xbf: {  	[dreg:$0x0] =	wrdreg $0xFFFFFFFF;
	(pc) =	sbr.abs _section_cstart, $3  }
0xc0: {  	[dreg:$0x1] =	wrdreg $0xFFFFFFFF  }
0xc1: {  	_ =	task.clear_ibuf [dreg:s7], $0x2FFFF;
	_ =	strace $0x9FFFFFFF  }
0xc2: {  	(tm) =	ssettm $0x7FFFFFFF  }
0xc3: {  	_ =	shalt  }
tec
execute0_lowered:
.L_overlay_start_1:
0x0: {  	(tag) =	ssettag $0x1  }
0x1: {  	s6 =	rddreg [dreg:$0x0]  }
0x2: {  	s5 =	rddreg [dreg:$0x1]  }
0x3: {  	s0 =	rddreg [dreg:$0x2];
	s3 =	srdreg.scid  }
0x4: {  	s1 =	stileid.u32;
	s2 =	simm.s32 $0x0;
	s11 =	simm.s32 $0x100  }
0x5: {  	s12 =	simm.s32 $0x3100;
	s13 =	simm.s32 $0x80;
	s14 =	simm.s32 $0x6100  }
0x6: {  	s15 =	simm.s32 $0x1;
	s3 =	sand.u32 $0x1, s3;
	s4 =	sshll.u32 s1, $0x1  }
0x7: {  	s16 =	simm.s32 $0x0;
	[smem:$0x7FF] =	sst s2;
	s4 =	sor.u32 s3, s4  }
0x8: {  	_ =	strace $0x80000050;
	s8 =	ssub.s32 $0x2, s3;
	s7 =	smul.u32 $0x600, s4  }
0x9: {  	s3 =	sadd.s32 $0x198800, s6;
	s9 =	sshrl.u32 s8, $0x1;
	s10 =	smul.u32 $0xC, s4  }
0xa: {  	s4 =	sadd.s32 $0x2E00, s6;
	s8 =	ssub.s32 s8, s9;
	s9 =	simm.s32 $0x2  }
0xb: {  	s7 =	sadd.s32 s7, s6;
	s5 =	sadd.s32 s5, s10;
	s6 =	sadd.s32 $0x1C0000, s6  }
0xc: {  	s8 =	smax.u32 s8, $0x1;
	s10 =	simm.s32 $0x60;
	s7 =	sadd.s32 $0x162800, s7  }
.LBB2_1:
0xd: {  	[tilespmem:s2], [sflag:$0x2] =	stream.linear.gather [hbm4b:s5+s2], $0x60, $0x38;
	[tilespmem:$0x9100] =	vst v63  }
0xe: {  	_ =	swait.ge [sflag:s9], $0x60  }
0xf: {  	[sflag:s9] =	ssyncset.done $0x0  }
0x10: {  	[sflag:s9] =	ssyncadd.s32 $0xFFFFFFA0  }
0x11: {  	[tilespmem:s11], [sflag:$0x1] =	stream.indirect.gather [hbm4b:s3+s10], $0x80, s2, s10, $0xb8;
	[tilespmem:$0x9100] =	vst v63  }
0x12: {  	_ = 	snop  }
0x13: {  	[tilespmem:s12], [sflag:$0x1] =	stream.indirect.gather [hbm4b:s6+s10], $0x80, s2, s10, $0xb8;
	[tilespmem:$0x9100] =	vst v63  }
0x14: {  	v0 =	vld [tilespmem:$0x0]  }
0x15: {  	v1 =	vld [tilespmem:$0x10]  }
0x16: {  	v2 =	vld [tilespmem:$0x20]  }
0x17: {  	v3 =	vld [tilespmem:$0x30]  }
0x18: {  	v4 =	vld [tilespmem:$0x40]  }
0x19: {  	v5 =	vld [tilespmem:$0x50];
	v0 =	vadd.s32 $0x13880, v0  }
0x1a: {  	[tilespmem:$0x80] =	vst v0;
	v0 =	vadd.s32 $0x13880, v1  }
0x1b: {  	[tilespmem:$0x90] =	vst v0;
	v0 =	vadd.s32 $0x13880, v2  }
0x1c: {  	[tilespmem:$0xA0] =	vst v0;
	v0 =	vadd.s32 $0x13880, v3  }
0x1d: {  	[tilespmem:$0xB0] =	vst v0;
	v0 =	vadd.s32 $0x13880, v4  }
0x1e: {  	[tilespmem:$0xC0] =	vst v0;
	v0 =	vadd.s32 $0x13880, v5  }
0x1f: {  	[tilespmem:$0xD0] =	vst v0  }
0x20: {  	[tilespmem:s14], [sflag:$0x1] =	stream.indirect.gather [hbm4b:s4+s10], $0x80, s13, s10, $0xb8;
	[tilespmem:$0x9100] =	vst v63  }
0x21: {  	_ =	swait.ge [sflag:s15], $0x3000  }
0x22: {  	[sflag:s15] =	ssyncset.done $0x0  }
0x23: {  	[sflag:s15] =	ssyncadd.s32 $0xFFFFD000  }
0x24: {  	_ =	swait.ge [sflag:s15], $0x3000  }
0x25: {  	[sflag:s15] =	ssyncset.done $0x0  }
0x26: {  	[sflag:s15] =	ssyncadd.s32 $0xFFFFD000  }
0x27: {  	_ =	swait.ge [sflag:s15], $0x3000  }
0x28: {  	[sflag:s15] =	ssyncset.done $0x0  }
0x29: {  	s17 =	simm.s32 $0x0;
	[sflag:s15] =	ssyncadd.s32 $0xFFFFD000  }
0x2a: {  	v5 =	vld [tilespmem:s17+$0x6100]  }
0x2b: {  	v4 =	vld [tilespmem:s17+$0x6110]  }
0x2c: {  	v3 =	vld [tilespmem:s17+$0x6120]  }
0x2d: {  	v2 =	vld [tilespmem:s17+$0x6130]  }
0x2e: {  	v1 =	vld [tilespmem:s17+$0x6140]  }
0x2f: {  	v0 =	vld [tilespmem:s17+$0x6150]  }
0x30: {  	v12 =	vld [tilespmem:s17+$0x3100]  }
0x31: {  	v17 =	vld [tilespmem:s17+$0x3110]  }
0x32: {  	v11 =	vld [tilespmem:s17+$0x3120]  }
0x33: {  	v10 =	vld [tilespmem:s17+$0x3130]  }
0x34: {  	v9 =	vld [tilespmem:s17+$0x3140]  }
0x35: {  	v8 =	vld [tilespmem:s17+$0x3150]  }
0x36: {  	v7 =	vld [tilespmem:s17+$0x3160]  }
0x37: {  	v6 =	vld [tilespmem:s17+$0x3170]  }
0x38: {  	v18 =	vld [tilespmem:s17+$0x100]  }
0x39: {  	v19 =	vld [tilespmem:s17+$0x110]  }
0x3a: {  	v16 =	vld [tilespmem:s17+$0x120]  }
0x3b: {  	v15 =	vld [tilespmem:s17+$0x130]  }
0x3c: {  	v14 =	vld [tilespmem:s17+$0x140]  }
0x3d: {  	v13 =	vld [tilespmem:s17+$0x150];
	v18 =	vadd.f32 v12, v18  }
0x3e: {  	s18 =	simm.s32 $0x200;
	v17 =	vadd.f32 v17, v19;
	v12 =	vld [tilespmem:s17+$0x160]  }
.LBB2_2:
0x3f: {  	p0 =	sne.s32 s18, $0xBE00;
	v5 =	vadd.f32 v5, v18;
	v11 =	vadd.f32 v11, v16;
	v16 =	vld [tilespmem:s17+$0x170]  }
0x40: {  	v4 =	vadd.f32 v4, v17;
	v10 =	vadd.f32 v10, v15;
	v15 =	vld [tilespmem:s17+$0x6160]  }
0x41: {  	s19 =	sshra.s32 s18, $0x2;
	[tilespmem:s17+$0x100] =	vst v5;
	v3 =	vadd.f32 v3, v11;
	v9 =	vadd.f32 v9, v14;
	v11 =	vld [tilespmem:s17+$0x6170]  }
0x42: {  	v5 =	vld [tilespmem:s19+$0x6100];
	[tilespmem:s17+$0x110] =	vst v4;
	v2 =	vadd.f32 v2, v10;
	v8 =	vadd.f32 v8, v13  }
0x43: {  	v4 =	vld [tilespmem:s19+$0x6110];
	[tilespmem:s17+$0x120] =	vst v3;
	v1 =	vadd.f32 v1, v9;
	v7 =	vadd.f32 v7, v12  }
0x44: {  	v3 =	vld [tilespmem:s19+$0x6120];
	[tilespmem:s17+$0x130] =	vst v2;
	v0 =	vadd.f32 v0, v8;
	v6 =	vadd.f32 v6, v16  }
0x45: {  	v2 =	vld [tilespmem:s19+$0x6130];
	[tilespmem:s17+$0x140] =	vst v1;
	v7 =	vadd.f32 v15, v7  }
0x46: {  	v1 =	vld [tilespmem:s19+$0x6140];
	[tilespmem:s17+$0x150] =	vst v0;
	v6 =	vadd.f32 v11, v6  }
0x47: {  	v0 =	vld [tilespmem:s19+$0x6150];
	[tilespmem:s17+$0x160] =	vst v7  }
0x48: {  	v12 =	vld [tilespmem:s19+$0x3100];
	[tilespmem:s17+$0x170] =	vst v6;
	s17 =	smov.u32 s19  }
0x49: {  	v17 =	vld [tilespmem:s17+$0x3110]  }
0x4a: {  	v11 =	vld [tilespmem:s17+$0x3120]  }
0x4b: {  	v10 =	vld [tilespmem:s17+$0x3130]  }
0x4c: {  	v9 =	vld [tilespmem:s17+$0x3140]  }
0x4d: {  	v8 =	vld [tilespmem:s17+$0x3150]  }
0x4e: {  	v7 =	vld [tilespmem:s17+$0x3160]  }
0x4f: {  	v6 =	vld [tilespmem:s17+$0x3170]  }
0x50: {  	v13 =	vld [tilespmem:s17+$0x100]  }
0x51: {  	v19 =	vld [tilespmem:s17+$0x110]  }
.Ltmp0:
0x52: {  	v16 =	vld [tilespmem:s17+$0x120];
	(pc) =	sbr.rel @p0 .LBB2_2-.Ltmp0, $4  }
0x53: {  	v15 =	vld [tilespmem:s17+$0x130]  }
0x54: {  	v14 =	vld [tilespmem:s17+$0x140]  }
0x55: {  	v18 =	vadd.f32 v12, v13;
	v13 =	vld [tilespmem:s17+$0x150]  }
0x56: {  	s18 =	sadd.s32 $0x200, s18;
	v17 =	vadd.f32 v17, v19;
	v12 =	vld [tilespmem:s17+$0x160]  }
0x57: {  	v5 =	vadd.f32 v5, v18;
	v55 =	vld [tilespmem:s17+$0x170];
	v11 =	vadd.f32 v11, v16  }
0x58: {  	v56 =	vld [tilespmem:s17+$0x6160];
	v4 =	vadd.f32 v4, v17;
	v10 =	vadd.f32 v10, v15  }
0x59: {  	v58 =	vld [tilespmem:s17+$0x6170];
	[tilespmem:s17+$0x100] =	vst v5;
	v3 =	vadd.f32 v3, v11;
	v57 =	vadd.f32 v9, v14  }
0x5a: {  	[tilespmem:s17+$0x110] =	vst v4;
	v2 =	vadd.f32 v2, v10;
	v59 =	vadd.f32 v8, v13  }
0x5b: {  	[tilespmem:s17+$0x120] =	vst v3;
	v1 =	vadd.f32 v1, v57;
	v60 =	vadd.f32 v7, v12  }
0x5c: {  	[tilespmem:s17+$0x130] =	vst v2;
	v0 =	vadd.f32 v0, v59;
	v61 =	vadd.f32 v6, v55  }
0x5d: {  	[tilespmem:s17+$0x140] =	vst v1;
	v62 =	vadd.f32 v56, v60  }
0x5e: {  	s16 =	sadd.s32 $0x1, s16;
	[tilespmem:s17+$0x150] =	vst v0;
	v63 =	vadd.f32 v58, v61  }
0x5f: {  	p0 =	sne.s32 s16, s8;
	[tilespmem:s17+$0x160] =	vst v62  }
.Ltmp1:
0x60: {  	[tilespmem:s17+$0x170] =	vst v63;
	(pc) =	sbr.rel @p0 .LBB2_1-.Ltmp1, $4  }
0x61: {  	[hbm4b:s7+s2] =	stream.linear.scatter [tilespmem:s11], [sflag:$0x2], $0x3000, $0x38;
	[tilespmem:$0x9100] =	vst v63  }
0x62: {  	_ =	swait.ge [sflag:s9], $0x3000  }
0x63: {  	[sflag:s9] =	ssyncset.done $0x0  }
0x64: {  	[sflag:s9] =	ssyncadd.s32 $0xFFFFD000  }
0x65: {  	_ =	sfence.sel $0x180000  }
0x66: {  	[bflag:$0x0] =	sbarrier.arrive $0xFFFF  }
0x67: {  	p0 =	sne.s32 s1, $0x0;
	_ =	strace $0x90000050  }
0x68: {  	s0 =	sadd.s32 @!p0 $0x100000, s0;
	[bflag:$0x2] =	sbarrier.arrive $0xFFFF  }
0x69: {  	[sflag:s0] =	ssyncadd.tile.s32 @!p0 $0x1;
	_ =	shalt  }
.Lfunc_end2:
_tile_overlayer_lowered:
.L_overlay_start_2:
0x6a: {  	(tag) =	ssettag $0x2  }
0x6b: {  	s0 =	rddreg [dreg:$0x0];
	s2 =	stileid.u32  }
0x6c: {  	s1 =	rddreg [dreg:$0x1];
	p0 =	sne.s32 s2, $0x0  }
0x6d: {  	s3 =	rddreg [dreg:$0x2];
	[bflag:$0x3] =	sbarrier.arrive $0xFFFF;
	s2 =	simm.s32 @!p0 $0x1C02  }
0x6e: {  	[timem:s3], [sflag:s2] =	dma.local @!p0 [hbm:s0], s1  }
0x6f: {  	s0 =	simm.s32 @!p0 $0x2  }
0x70: {  	_ =	swait.ge @!p0 [sflag:s0], s1  }
0x71: {  	s1 =	ssub.s32 @!p0 $0x0, s1;
	[sflag:s0] =	ssyncset.done @!p0 $0x0  }
0x72: {  	[sflag:s0] =	ssyncadd.s32 @!p0 s1  }
0x73: {  	[bflag:$0x3] =	sbarrier.arrive $0xFFFF  }
0x74: {  	_ =	shalt  }

</sc_bundles>
